<compile_context>
chip_gen: v7x
topology: tpu7x:2x2x1
jax: 0.10.2.dev20260603
libtpu: 0.0.44.dev20260713+nightly
codegen_flags: <defaults>
</compile_context>

<pallas_src>
import functools

import jax
import jax.numpy as jnp
from jax import lax
from jax.experimental import pallas as pl
from jax.experimental.pallas import tpu as pltpu
from jax.experimental.pallas import tpu_sc as plsc

_BATCH = 4096
_DIM = 64
_TJ = 512
_TI = 4096
_CH = 32

_SC_TILES = 2
_SC_COLS = _SC_TILES * _TJ

_K1 = 42
_KS2 = 0x1BD11BF0

_ROT_A = (13, 15, 26, 6)
_ROT_B = (17, 29, 16, 24)
_INJ = ((_K1, _KS2 + 1), (_KS2, 2), (0, _K1 + 3), (_K1, _KS2 + 4), (_KS2, 5))


def _uniform_fb(x1init):
    u32 = jnp.uint32

    def rnd(x0, x1, r):
        x0 = x0 + x1
        x1 = (x1 << u32(r)) | (x1 >> u32(32 - r))
        return x0, x1 ^ x0

    x0 = x1init
    x1 = ((x1init << u32(13)) | (x1init >> u32(19))) ^ x1init

    for g in range(5):
        for r in (_ROT_A if g % 2 == 0 else _ROT_B)[(1 if g == 0 else 0):]:
            x0, x1 = rnd(x0, x1, r)
        a, b = _INJ[g]
        if a:
            x0 = x0 + u32(a)
        x1 = x1 + u32(b)
    return ((x0 ^ x1) >> u32(9)) | u32(0x3F800000)


def _neg_gumbel_from_fb(fb):
    f = lax.bitcast_convert_type(fb, jnp.float32) - jnp.float32(1.0)
    return jnp.log(-jnp.log(f))


def _finish_tile(vmin, vidx, idx_ref):
    best = jnp.min(vmin, axis=0, keepdims=True)
    sel = jnp.min(jnp.where(vmin == best, vidx, jnp.int32(1 << 30)), axis=0)
    idx_ref[0, 0, :] = sel


def _sampler_body(x0_ref, x1t_ref, idx_ref, cross_ref):
    jt = pl.program_id(0)
    x1t = x1t_ref[...]
    sq1 = jnp.sum(x1t * x1t, axis=0, keepdims=True)
    col0 = (jt + _SC_TILES) * _TJ
    iot_r = lax.broadcasted_iota(jnp.int32, (_CH, _TJ), 0)
    p_base = ((iot_r << 12)
              + lax.broadcasted_iota(jnp.int32, (_CH, _TJ), 1)
              + (col0 + _K1)).astype(jnp.uint32)

    def row_tile(it, carry):
        r0 = it * _TI
        lhs = x0_ref[pl.ds(r0, _TI), :]
        cross_ref[...] = jnp.dot(lhs, x1t, preferred_element_type=jnp.float32)

        def chunk(c, carry):
            vmin, vidx = carry
            rb = r0 + c * _CH
            x0c = x0_ref[pl.ds(rb, _CH), :]
            sq0 = jnp.sum(x0c * x0c, axis=1, keepdims=True)
            crossc = cross_ref[pl.ds(c * _CH, _CH), :]
            t = sq0 - 2.0 * crossc + sq1
            m = _neg_gumbel_from_fb(_uniform_fb(p_base + jnp.uint32(rb << 12)))
            w = t + m
            upd = w < vmin
            vmin = jnp.where(upd, w, vmin)
            vidx = jnp.where(upd, rb + iot_r, vidx)
            return vmin, vidx

        return lax.fori_loop(0, _TI // _CH, chunk, carry)

    vmin0 = jnp.full((_CH, _TJ), jnp.inf, jnp.float32)
    vidx0 = jnp.zeros((_CH, _TJ), jnp.int32)
    vmin, vidx = lax.fori_loop(0, _BATCH // _TI, row_tile, (vmin0, vidx0))
    _finish_tile(vmin, vidx, idx_ref)


def _sample_idx(x0, x1t, interpret=False):
    n_tiles = _BATCH // _TJ - _SC_TILES
    idx3 = pl.pallas_call(
        _sampler_body,
        grid=(n_tiles,),
        in_specs=[
            pl.BlockSpec((_BATCH, _DIM), lambda j: (0, 0)),
            pl.BlockSpec((_DIM, _TJ), lambda j: (0, j + _SC_TILES)),
        ],
        out_specs=pl.BlockSpec((1, 1, _TJ), lambda j: (j, 0, 0)),
        out_shape=jax.ShapeDtypeStruct((n_tiles, 1, _TJ), jnp.int32),
        scratch_shapes=[pltpu.VMEM((_TI, _TJ), jnp.float32)],
        interpret=interpret,
    )(x0, x1t)
    return idx3.reshape(n_tiles * _TJ)


_CH2 = 128


def _stripe_body(x0_ref, x1t_ref, fb_ref, idx_ref, cross_ref):
    x1t = x1t_ref[...]
    sq1 = jnp.sum(x1t * x1t, axis=0, keepdims=True)
    iot_r = lax.broadcasted_iota(jnp.int32, (_CH2, _TJ), 0)

    def row_tile(it, carry):
        r0 = it * _TI
        lhs = x0_ref[pl.ds(r0, _TI), :]
        cross_ref[...] = jnp.dot(lhs, x1t, preferred_element_type=jnp.float32)

        def chunk(c, carry):
            vmin, vidx = carry
            rb = r0 + c * _CH2
            x0c = x0_ref[pl.ds(rb, _CH2), :]
            sq0 = jnp.sum(x0c * x0c, axis=1, keepdims=True)
            crossc = cross_ref[pl.ds(c * _CH2, _CH2), :]
            t = sq0 - 2.0 * crossc + sq1
            fbc = fb_ref[pl.ds(rb, _CH2), :]
            w = t + _neg_gumbel_from_fb(fbc)
            upd = w < vmin
            vmin = jnp.where(upd, w, vmin)
            vidx = jnp.where(upd, rb + iot_r, vidx)
            return vmin, vidx

        return lax.fori_loop(0, _TI // _CH2, chunk, carry)

    vmin0 = jnp.full((_CH2, _TJ), jnp.inf, jnp.float32)
    vidx0 = jnp.zeros((_CH2, _TJ), jnp.int32)
    vmin, vidx = lax.fori_loop(0, _BATCH // _TI, row_tile, (vmin0, vidx0))
    _finish_tile(vmin, vidx, idx_ref)


def _stripe_idx(x0, x1t, fb, interpret=False):
    idx3 = pl.pallas_call(
        _stripe_body,
        grid=(_SC_TILES,),
        in_specs=[
            pl.BlockSpec((_BATCH, _DIM), lambda j: (0, 0)),
            pl.BlockSpec((_DIM, _TJ), lambda j: (0, j)),
            pl.BlockSpec((_BATCH, _TJ), lambda j: (0, j)),
        ],
        out_specs=pl.BlockSpec((1, 1, _TJ), lambda j: (j, 0, 0)),
        out_shape=jax.ShapeDtypeStruct((_SC_TILES, 1, _TJ), jnp.int32),
        scratch_shapes=[pltpu.VMEM((_TI, _TJ), jnp.float32)],
        interpret=interpret,
    )(x0, x1t, fb)
    return idx3.reshape(_SC_COLS)


def _sc_bits():
    info = plsc.get_sparse_core_info()
    nc, ns = info.num_cores, info.num_subcores
    rows_per_w = _BATCH // (nc * ns)
    mesh = plsc.VectorSubcoreMesh(core_axis_name="c", subcore_axis_name="s")

    @functools.partial(
        pl.kernel, mesh=mesh,
        out_type=jax.ShapeDtypeStruct((_BATCH, _SC_COLS), jnp.int32),
        scratch_types=[
            pltpu.VMEM((8, _SC_COLS), jnp.int32),
        ],
    )
    def k(out_hbm, buf):
        wid = lax.axis_index("s") * nc + lax.axis_index("c")
        row_base = wid * rows_per_w
        iot = lax.iota(jnp.uint32, 16)

        def slab(s, _):
            row0 = row_base + s * 8

            def row_loop(r8, _):
                pbase = ((row0 + r8) * 4096 + _K1).astype(jnp.uint32)

                def cb_loop(cb, _):
                    off = cb * 128
                    for uu in range(8):
                        x1i = iot + (pbase + jnp.uint32(off + uu * 16))
                        fb = _uniform_fb(x1i)
                        buf[r8, pl.ds(off + uu * 16, 16)] = (
                            fb.astype(jnp.int32))
                    return 0

                return lax.fori_loop(0, _SC_COLS // 128, cb_loop, 0)

            lax.fori_loop(0, 8, row_loop, 0)
            pltpu.sync_copy(buf, out_hbm.at[pl.ds(row0, 8), :])
            return 0

        lax.fori_loop(0, rows_per_w // 8, slab, 0)

    return k()


def _sc_gather(table, idx_stripe, idx_main):
    info = plsc.get_sparse_core_info()
    nw = info.num_cores * info.num_subcores
    bpw = _BATCH // nw
    n_stripe_w = _SC_COLS // bpw
    mesh = plsc.VectorSubcoreMesh(core_axis_name="c", subcore_axis_name="s")

    @functools.partial(
        pl.kernel, mesh=mesh,
        out_type=jax.ShapeDtypeStruct((_BATCH, _DIM), jnp.float32),
        compiler_params=pltpu.CompilerParams(use_tc_tiling_on_sc=False),
        scratch_types=[
            pltpu.VMEM((bpw,), jnp.int32),
            pltpu.VMEM((bpw, _DIM), jnp.float32),
            pltpu.SemaphoreType.DMA,
        ],
    )
    def k(table_hbm, idxs_hbm, idxm_hbm, out_hbm, idx_v, rows_v, sem):
        wid = lax.axis_index("s") * info.num_cores + lax.axis_index("c")
        base = wid * bpw

        @pl.when(wid < n_stripe_w)
        def _():
            pltpu.sync_copy(idxs_hbm.at[pl.ds(base, bpw)], idx_v)

        @pl.when(wid >= n_stripe_w)
        def _():
            pltpu.sync_copy(
                idxm_hbm.at[pl.ds(base - _SC_COLS, bpw)], idx_v)

        pltpu.async_copy(table_hbm.at[idx_v], rows_v, sem).wait()
        pltpu.sync_copy(rows_v, out_hbm.at[pl.ds(base, bpw)])

    return k(table, idx_stripe, idx_main)


def kernel(x0, x1):
    x1t = x1.T
    fb = _sc_bits()
    idx_main = _sample_idx(x0, x1t)
    idx_stripe = _stripe_idx(x0, x1t, fb)
    return _sc_gather(x0, idx_stripe, idx_main)

# --- scband reference (transcript-rebuilt; emitter-appended) ---
"""Pipeline reference for scband-coupling-15023795601675 (READ-ONLY COPY).

The authoritative reference and input builder live on the scoring server;
editing this copy changes nothing except your own understanding.
"""

import jax, jax.numpy as jnp
import numpy as np

BATCH = 4096
DIM = 64


def compute_logits(x0, x1):
    # Concrete Coupling.compute_logits: OT-style coupling with
    # logits_{i,j} = -||x0_i - x1_j||^2, shape (batch, batch).
    sq0 = jnp.sum(x0 * x0, axis=1)[:, None]
    sq1 = jnp.sum(x1 * x1, axis=1)[None, :]
    cross = x0 @ x1.T
    return -(sq0 - 2.0 * cross + sq1)


def setup_inputs(seed: int = 0) -> dict:
    key = jax.random.key(seed)
    k0, k1 = jax.random.split(key)
    x0 = jax.random.normal(k0, (BATCH, DIM), dtype=jnp.float32)
    x1 = jax.random.normal(k1, (BATCH, DIM), dtype=jnp.float32)
    return {"x0": x0, "x1": x1}


def reference(x0, x1):
    # Coupling.__init__: compute logits over the batch-pairing, assert square shape.
    logits = compute_logits(x0, x1)
    assert logits.shape == (x0.shape[0], x0.shape[0])
    # Coupling.sample_x0_given_x1: categorical resampling along axis=0,
    # then gather the corresponding x0 rows.
    rng_key = jax.random.key(42)
    idx = jax.random.categorical(rng_key, logits, axis=0)
    return x0[idx]

if __name__ == "__main__":
    import jax
    _d = setup_inputs()
    print(jax.jit(kernel)(*tuple(_d.values())))

</pallas_src>

<mosaic_0001>
#map = affine_map<(d0, d1) -> (0, 0)>
#map1 = affine_map<(d0, d1) -> (0)>
module attributes {stable_mosaic.version = 14 : i64} {
  func.func @k(%arg0: i32, %arg1: i32, %arg2: memref<4096x64xf32, #tpu.memory_space<hbm>>, %arg3: memref<1024xi32, #tpu.memory_space<hbm>>, %arg4: memref<3072xi32, #tpu.memory_space<hbm>>, %arg5: memref<4096x64xf32, #tpu.memory_space<hbm>>, %arg6: memref<128xi32, #tpu.memory_space<vmem>>, %arg7: memref<128x64xf32, #tpu.memory_space<vmem>>, %arg8: memref<!tpu.dma_semaphore, #tpu.memory_space<semaphore_mem>>) attributes {dimension_semantics = [#tpu.dimension_semantics<core_parallel>, #tpu.dimension_semantics<subcore_parallel>], iteration_bounds = array<i64: 2, 16>, scalar_prefetch = 0 : i64, scratch_operands = 3 : i64, tpu.core_type = #tpu.core_type<sc_vector_subcore>, window_params = [{transform_indices = #map}, {transform_indices = #map1}, {transform_indices = #map1}, {transform_indices = #map}]} {
    %mul3A = arith.constant 2 : i32
    %mul3A_0 = arith.muli %arg1, %mul3A : i32
    %add3A = arith.addi %mul3A_0, %arg0 : i32
    %mul3A_1 = arith.constant 128 : i32
    %mul3A_2 = arith.muli %add3A, %mul3A_1 : i32
    %lt3A = arith.constant 8 : i32
    %lt3A_3 = arith.cmpi slt, %add3A, %lt3A : i32
    %convert_element_type3A = arith.extui %lt3A_3 : i1 to i32
    %cond3A = arith.constant 0 : i32
    %cond3A_4 = arith.cmpi ne, %convert_element_type3A, %cond3A : i32
    scf.if %cond3A_4 {
      "tpu.region"() ({
        %run_scoped3A = tpu.sem_alloc : memref<!tpu.dma_semaphore, #tpu.memory_space<semaphore_mem>>
        %dma_start3A_13 = tpu.memref_slice %arg3[%mul3A_2] : memref<1024xi32, #tpu.memory_space<hbm>> -> memref<128xi32, #tpu.memory_space<hbm>>
        %dma_start3A_14 = tpu.memref_slice %arg3[%mul3A_2] : memref<1024xi32, #tpu.memory_space<hbm>> -> memref<128xi32, #tpu.memory_space<hbm>>
        tpu.enqueue_dma source(%dma_start3A_14 : memref<128xi32, #tpu.memory_space<hbm>>) target(%arg6 : memref<128xi32, #tpu.memory_space<vmem>>) target_semaphore(%run_scoped3A : memref<!tpu.dma_semaphore, #tpu.memory_space<semaphore_mem>>)
        %dma_wait3A_15 = tpu.memref_slice %arg3[%mul3A_2] : memref<1024xi32, #tpu.memory_space<hbm>> -> memref<128xi32, #tpu.memory_space<hbm>>
        %dma_wait3A_16 = tpu.memref_slice %arg3[%mul3A_2] : memref<1024xi32, #tpu.memory_space<hbm>> -> memref<128xi32, #tpu.memory_space<hbm>>
        tpu.wait_dma2 semaphore(%run_scoped3A : memref<!tpu.dma_semaphore, #tpu.memory_space<semaphore_mem>>) src(%dma_wait3A_16 : memref<128xi32, #tpu.memory_space<hbm>>) dst(%arg6 : memref<128xi32, #tpu.memory_space<vmem>>)
        tpu.yield
      }) : () -> ()
    } else {
    }
    %ge3A = arith.constant 8 : i32
    %ge3A_5 = arith.cmpi sge, %add3A, %ge3A : i32
    %convert_element_type3A_6 = arith.extui %ge3A_5 : i1 to i32
    %cond3A_7 = arith.constant 0 : i32
    %cond3A_8 = arith.cmpi ne, %convert_element_type3A_6, %cond3A_7 : i32
    scf.if %cond3A_8 {
      %sub3A = arith.constant 1024 : i32
      %sub3A_13 = arith.subi %mul3A_2, %sub3A : i32
      "tpu.region"() ({
        %run_scoped3A = tpu.sem_alloc : memref<!tpu.dma_semaphore, #tpu.memory_space<semaphore_mem>>
        %dma_start3A_14 = tpu.memref_slice %arg4[%sub3A_13] : memref<3072xi32, #tpu.memory_space<hbm>> -> memref<128xi32, #tpu.memory_space<hbm>>
        %dma_start3A_15 = tpu.memref_slice %arg4[%sub3A_13] : memref<3072xi32, #tpu.memory_space<hbm>> -> memref<128xi32, #tpu.memory_space<hbm>>
        tpu.enqueue_dma source(%dma_start3A_15 : memref<128xi32, #tpu.memory_space<hbm>>) target(%arg6 : memref<128xi32, #tpu.memory_space<vmem>>) target_semaphore(%run_scoped3A : memref<!tpu.dma_semaphore, #tpu.memory_space<semaphore_mem>>)
        %dma_wait3A_16 = tpu.memref_slice %arg4[%sub3A_13] : memref<3072xi32, #tpu.memory_space<hbm>> -> memref<128xi32, #tpu.memory_space<hbm>>
        %dma_wait3A_17 = tpu.memref_slice %arg4[%sub3A_13] : memref<3072xi32, #tpu.memory_space<hbm>> -> memref<128xi32, #tpu.memory_space<hbm>>
        tpu.wait_dma2 semaphore(%run_scoped3A : memref<!tpu.dma_semaphore, #tpu.memory_space<semaphore_mem>>) src(%dma_wait3A_17 : memref<128xi32, #tpu.memory_space<hbm>>) dst(%arg6 : memref<128xi32, #tpu.memory_space<vmem>>)
        tpu.yield
      }) : () -> ()
    } else {
    }
    %dma_start3A = arith.constant 0 : i32
    %dma_start3A_9 = arith.constant 0 : i32
    %dma_start3A_10 = tpu.memref_slice %arg2[%dma_start3A, %dma_start3A_9] : memref<4096x64xf32, #tpu.memory_space<hbm>> -> memref<4096x64xf32, #tpu.memory_space<hbm>>
    tpu.enqueue_indirect_dma source(%dma_start3A_10 : memref<4096x64xf32, #tpu.memory_space<hbm>>) target(%arg7 : memref<128x64xf32, #tpu.memory_space<vmem>>) offsets(%arg6 : memref<128xi32, #tpu.memory_space<vmem>>) semaphore(%arg8 : memref<!tpu.dma_semaphore, #tpu.memory_space<semaphore_mem>>)
    %dma_wait3A = arith.constant 0 : i32
    %dma_wait3A_11 = arith.constant 0 : i32
    %dma_wait3A_12 = tpu.memref_slice %arg2[%dma_wait3A, %dma_wait3A_11] : memref<4096x64xf32, #tpu.memory_space<hbm>> -> memref<4096x64xf32, #tpu.memory_space<hbm>>
    tpu.wait_indirect_dma semaphore(%arg8 : memref<!tpu.dma_semaphore, #tpu.memory_space<semaphore_mem>>) src(%dma_wait3A_12 : memref<4096x64xf32, #tpu.memory_space<hbm>>) dst(%arg7 : memref<128x64xf32, #tpu.memory_space<vmem>>)
    "tpu.region"() ({
      %run_scoped3A = tpu.sem_alloc : memref<!tpu.dma_semaphore, #tpu.memory_space<semaphore_mem>>
      %dma_start3A_13 = arith.constant 0 : i32
      %dma_start3A_14 = tpu.memref_slice %arg5[%mul3A_2, %dma_start3A_13] : memref<4096x64xf32, #tpu.memory_space<hbm>> -> memref<128x64xf32, #tpu.memory_space<hbm>>
      %dma_start3A_15 = arith.constant 0 : i32
      %dma_start3A_16 = tpu.memref_slice %arg5[%mul3A_2, %dma_start3A_15] : memref<4096x64xf32, #tpu.memory_space<hbm>> -> memref<128x64xf32, #tpu.memory_space<hbm>>
      tpu.enqueue_dma source(%arg7 : memref<128x64xf32, #tpu.memory_space<vmem>>) target(%dma_start3A_16 : memref<128x64xf32, #tpu.memory_space<hbm>>) target_semaphore(%run_scoped3A : memref<!tpu.dma_semaphore, #tpu.memory_space<semaphore_mem>>)
      %dma_wait3A_17 = arith.constant 0 : i32
      %dma_wait3A_18 = tpu.memref_slice %arg5[%mul3A_2, %dma_wait3A_17] : memref<4096x64xf32, #tpu.memory_space<hbm>> -> memref<128x64xf32, #tpu.memory_space<hbm>>
      %dma_wait3A_19 = arith.constant 0 : i32
      %dma_wait3A_20 = tpu.memref_slice %arg5[%mul3A_2, %dma_wait3A_19] : memref<4096x64xf32, #tpu.memory_space<hbm>> -> memref<128x64xf32, #tpu.memory_space<hbm>>
      tpu.wait_dma2 semaphore(%run_scoped3A : memref<!tpu.dma_semaphore, #tpu.memory_space<semaphore_mem>>) src(%arg7 : memref<128x64xf32, #tpu.memory_space<vmem>>) dst(%dma_wait3A_20 : memref<128x64xf32, #tpu.memory_space<hbm>>)
      tpu.yield
    }) : () -> ()
    return
  }
}

#map = affine_map<(d0, d1) -> (0, 0)>
module attributes {stable_mosaic.version = 14 : i64} {
  func.func @k(%arg0: i32, %arg1: i32, %arg2: memref<4096x1024xi32, #tpu.memory_space<hbm>>, %arg3: memref<8x1024xi32, #tpu.memory_space<vmem>>) attributes {dimension_semantics = [#tpu.dimension_semantics<core_parallel>, #tpu.dimension_semantics<subcore_parallel>], iteration_bounds = array<i64: 2, 16>, scalar_prefetch = 0 : i64, scratch_operands = 1 : i64, tpu.core_type = #tpu.core_type<sc_vector_subcore>, window_params = [{transform_indices = #map}]} {
    %mul3A = arith.constant 2 : i32
    %mul3A_0 = arith.muli %arg1, %mul3A : i32
    %add3A = arith.addi %mul3A_0, %arg0 : i32
    %mul3A_1 = arith.constant 128 : i32
    %mul3A_2 = arith.muli %add3A, %mul3A_1 : i32
    %iota3A = tpu.iota {dimensions = array<i32: 0>} : vector<16xi32>
    %scan3A = arith.constant 0 : i32
    %scan3A_3 = arith.constant 0 : i32
    %scan3A_4 = arith.constant 16 : i32
    %scan3A_5 = arith.addi %scan3A_3, %scan3A_4 : i32
    %scan3A_6 = arith.constant 1 : i32
    %scan3A_7 = scf.for %scan3A_9 = %scan3A_3 to %scan3A_5 step %scan3A_6 iter_args(%scan3A_10 = %scan3A) -> (i32)  : i32 {
      %mul3A_11 = arith.constant 8 : i32
      %mul3A_12 = arith.muli %scan3A_9, %mul3A_11 : i32
      %add3A_13 = arith.addi %mul3A_2, %mul3A_12 : i32
      %scan3A_14 = arith.constant 0 : i32
      %scan3A_15 = arith.constant 0 : i32
      %scan3A_16 = arith.constant 8 : i32
      %scan3A_17 = arith.addi %scan3A_15, %scan3A_16 : i32
      %scan3A_18 = arith.constant 1 : i32
      %scan3A_19 = scf.for %scan3A_22 = %scan3A_15 to %scan3A_17 step %scan3A_18 iter_args(%scan3A_23 = %scan3A_14) -> (i32)  : i32 {
        %add3A_24 = arith.addi %add3A_13, %scan3A_22 : i32
        %mul3A_25 = arith.constant 4096 : i32
        %mul3A_26 = arith.muli %add3A_24, %mul3A_25 : i32
        %add3A_27 = arith.constant 42 : i32
        %add3A_28 = arith.addi %mul3A_26, %add3A_27 : i32
        %scan3A_29 = arith.constant 0 : i32
        %scan3A_30 = arith.constant 0 : i32
        %scan3A_31 = arith.constant 8 : i32
        %scan3A_32 = arith.addi %scan3A_30, %scan3A_31 : i32
        %scan3A_33 = arith.constant 1 : i32
        %scan3A_34 = scf.for %scan3A_36 = %scan3A_30 to %scan3A_32 step %scan3A_33 iter_args(%scan3A_37 = %scan3A_29) -> (i32)  : i32 {
          %mul3A_38 = arith.constant 128 : i32
          %mul3A_39 = arith.muli %scan3A_36, %mul3A_38 : i32
          %add3A_40 = arith.constant 0 : i32
          %add3A_41 = arith.addi %mul3A_39, %add3A_40 : i32
          %add3A_42 = arith.addi %add3A_28, %add3A_41 : i32
          %add3A_43 = vector.broadcast %add3A_42 : i32 to vector<16xi32>
          %add3A_44 = arith.addi %iota3A, %add3A_43 : vector<16xi32>
          %shift_left3A = arith.constant 13 : i32
          %shift_left3A_45 = vector.broadcast %shift_left3A : i32 to vector<16xi32>
          %shift_left3A_46 = arith.shli %add3A_44, %shift_left3A_45 : vector<16xi32>
          %shift_right_logical3A = arith.constant 19 : i32
          %shift_right_logical3A_47 = vector.broadcast %shift_right_logical3A : i32 to vector<16xi32>
          %shift_right_logical3A_48 = arith.shrui %add3A_44, %shift_right_logical3A_47 : vector<16xi32>
          %or3A = arith.ori %shift_left3A_46, %shift_right_logical3A_48 : vector<16xi32>
          %xor3A = arith.xori %or3A, %add3A_44 : vector<16xi32>
          %add3A_49 = arith.addi %add3A_44, %xor3A : vector<16xi32>
          %shift_left3A_50 = arith.constant 15 : i32
          %shift_left3A_51 = vector.broadcast %shift_left3A_50 : i32 to vector<16xi32>
          %shift_left3A_52 = arith.shli %xor3A, %shift_left3A_51 : vector<16xi32>
          %shift_right_logical3A_53 = arith.constant 17 : i32
          %shift_right_logical3A_54 = vector.broadcast %shift_right_logical3A_53 : i32 to vector<16xi32>
          %shift_right_logical3A_55 = arith.shrui %xor3A, %shift_right_logical3A_54 : vector<16xi32>
          %or3A_56 = arith.ori %shift_left3A_52, %shift_right_logical3A_55 : vector<16xi32>
          %xor3A_57 = arith.xori %or3A_56, %add3A_49 : vector<16xi32>
          %add3A_58 = arith.addi %add3A_49, %xor3A_57 : vector<16xi32>
          %shift_left3A_59 = arith.constant 26 : i32
          %shift_left3A_60 = vector.broadcast %shift_left3A_59 : i32 to vector<16xi32>
          %shift_left3A_61 = arith.shli %xor3A_57, %shift_left3A_60 : vector<16xi32>
          %shift_right_logical3A_62 = arith.constant 6 : i32
          %shift_right_logical3A_63 = vector.broadcast %shift_right_logical3A_62 : i32 to vector<16xi32>
          %shift_right_logical3A_64 = arith.shrui %xor3A_57, %shift_right_logical3A_63 : vector<16xi32>
          %or3A_65 = arith.ori %shift_left3A_61, %shift_right_logical3A_64 : vector<16xi32>
          %xor3A_66 = arith.xori %or3A_65, %add3A_58 : vector<16xi32>
          %add3A_67 = arith.addi %add3A_58, %xor3A_66 : vector<16xi32>
          %shift_left3A_68 = arith.constant 6 : i32
          %shift_left3A_69 = vector.broadcast %shift_left3A_68 : i32 to vector<16xi32>
          %shift_left3A_70 = arith.shli %xor3A_66, %shift_left3A_69 : vector<16xi32>
          %shift_right_logical3A_71 = arith.constant 26 : i32
          %shift_right_logical3A_72 = vector.broadcast %shift_right_logical3A_71 : i32 to vector<16xi32>
          %shift_right_logical3A_73 = arith.shrui %xor3A_66, %shift_right_logical3A_72 : vector<16xi32>
          %or3A_74 = arith.ori %shift_left3A_70, %shift_right_logical3A_73 : vector<16xi32>
          %xor3A_75 = arith.xori %or3A_74, %add3A_67 : vector<16xi32>
          %add3A_76 = arith.constant 42 : i32
          %add3A_77 = vector.broadcast %add3A_76 : i32 to vector<16xi32>
          %add3A_78 = arith.addi %add3A_67, %add3A_77 : vector<16xi32>
          %add3A_79 = arith.constant 466689009 : i32
          %add3A_80 = vector.broadcast %add3A_79 : i32 to vector<16xi32>
          %add3A_81 = arith.addi %xor3A_75, %add3A_80 : vector<16xi32>
          %add3A_82 = arith.addi %add3A_78, %add3A_81 : vector<16xi32>
          %shift_left3A_83 = arith.constant 17 : i32
          %shift_left3A_84 = vector.broadcast %shift_left3A_83 : i32 to vector<16xi32>
          %shift_left3A_85 = arith.shli %add3A_81, %shift_left3A_84 : vector<16xi32>
          %shift_right_logical3A_86 = arith.constant 15 : i32
          %shift_right_logical3A_87 = vector.broadcast %shift_right_logical3A_86 : i32 to vector<16xi32>
          %shift_right_logical3A_88 = arith.shrui %add3A_81, %shift_right_logical3A_87 : vector<16xi32>
          %or3A_89 = arith.ori %shift_left3A_85, %shift_right_logical3A_88 : vector<16xi32>
          %xor3A_90 = arith.xori %or3A_89, %add3A_82 : vector<16xi32>
          %add3A_91 = arith.addi %add3A_82, %xor3A_90 : vector<16xi32>
          %shift_left3A_92 = arith.constant 29 : i32
          %shift_left3A_93 = vector.broadcast %shift_left3A_92 : i32 to vector<16xi32>
          %shift_left3A_94 = arith.shli %xor3A_90, %shift_left3A_93 : vector<16xi32>
          %shift_right_logical3A_95 = arith.constant 3 : i32
          %shift_right_logical3A_96 = vector.broadcast %shift_right_logical3A_95 : i32 to vector<16xi32>
          %shift_right_logical3A_97 = arith.shrui %xor3A_90, %shift_right_logical3A_96 : vector<16xi32>
          %or3A_98 = arith.ori %shift_left3A_94, %shift_right_logical3A_97 : vector<16xi32>
          %xor3A_99 = arith.xori %or3A_98, %add3A_91 : vector<16xi32>
          %add3A_100 = arith.addi %add3A_91, %xor3A_99 : vector<16xi32>
          %shift_left3A_101 = arith.constant 16 : i32
          %shift_left3A_102 = vector.broadcast %shift_left3A_101 : i32 to vector<16xi32>
          %shift_left3A_103 = arith.shli %xor3A_99, %shift_left3A_102 : vector<16xi32>
          %shift_right_logical3A_104 = arith.constant 16 : i32
          %shift_right_logical3A_105 = vector.broadcast %shift_right_logical3A_104 : i32 to vector<16xi32>
          %shift_right_logical3A_106 = arith.shrui %xor3A_99, %shift_right_logical3A_105 : vector<16xi32>
          %or3A_107 = arith.ori %shift_left3A_103, %shift_right_logical3A_106 : vector<16xi32>
          %xor3A_108 = arith.xori %or3A_107, %add3A_100 : vector<16xi32>
          %add3A_109 = arith.addi %add3A_100, %xor3A_108 : vector<16xi32>
          %shift_left3A_110 = arith.constant 24 : i32
          %shift_left3A_111 = vector.broadcast %shift_left3A_110 : i32 to vector<16xi32>
          %shift_left3A_112 = arith.shli %xor3A_108, %shift_left3A_111 : vector<16xi32>
          %shift_right_logical3A_113 = arith.constant 8 : i32
          %shift_right_logical3A_114 = vector.broadcast %shift_right_logical3A_113 : i32 to vector<16xi32>
          %shift_right_logical3A_115 = arith.shrui %xor3A_108, %shift_right_logical3A_114 : vector<16xi32>
          %or3A_116 = arith.ori %shift_left3A_112, %shift_right_logical3A_115 : vector<16xi32>
          %xor3A_117 = arith.xori %or3A_116, %add3A_109 : vector<16xi32>
          %add3A_118 = arith.constant 466689008 : i32
          %add3A_119 = vector.broadcast %add3A_118 : i32 to vector<16xi32>
          %add3A_120 = arith.addi %add3A_109, %add3A_119 : vector<16xi32>
          %add3A_121 = arith.constant 2 : i32
          %add3A_122 = vector.broadcast %add3A_121 : i32 to vector<16xi32>
          %add3A_123 = arith.addi %xor3A_117, %add3A_122 : vector<16xi32>
          %add3A_124 = arith.addi %add3A_120, %add3A_123 : vector<16xi32>
          %shift_left3A_125 = arith.constant 13 : i32
          %shift_left3A_126 = vector.broadcast %shift_left3A_125 : i32 to vector<16xi32>
          %shift_left3A_127 = arith.shli %add3A_123, %shift_left3A_126 : vector<16xi32>
          %shift_right_logical3A_128 = arith.constant 19 : i32
          %shift_right_logical3A_129 = vector.broadcast %shift_right_logical3A_128 : i32 to vector<16xi32>
          %shift_right_logical3A_130 = arith.shrui %add3A_123, %shift_right_logical3A_129 : vector<16xi32>
          %or3A_131 = arith.ori %shift_left3A_127, %shift_right_logical3A_130 : vector<16xi32>
          %xor3A_132 = arith.xori %or3A_131, %add3A_124 : vector<16xi32>
          %add3A_133 = arith.addi %add3A_124, %xor3A_132 : vector<16xi32>
          %shift_left3A_134 = arith.constant 15 : i32
          %shift_left3A_135 = vector.broadcast %shift_left3A_134 : i32 to vector<16xi32>
          %shift_left3A_136 = arith.shli %xor3A_132, %shift_left3A_135 : vector<16xi32>
          %shift_right_logical3A_137 = arith.constant 17 : i32
          %shift_right_logical3A_138 = vector.broadcast %shift_right_logical3A_137 : i32 to vector<16xi32>
          %shift_right_logical3A_139 = arith.shrui %xor3A_132, %shift_right_logical3A_138 : vector<16xi32>
          %or3A_140 = arith.ori %shift_left3A_136, %shift_right_logical3A_139 : vector<16xi32>
          %xor3A_141 = arith.xori %or3A_140, %add3A_133 : vector<16xi32>
          %add3A_142 = arith.addi %add3A_133, %xor3A_141 : vector<16xi32>
          %shift_left3A_143 = arith.constant 26 : i32
          %shift_left3A_144 = vector.broadcast %shift_left3A_143 : i32 to vector<16xi32>
          %shift_left3A_145 = arith.shli %xor3A_141, %shift_left3A_144 : vector<16xi32>
          %shift_right_logical3A_146 = arith.constant 6 : i32
          %shift_right_logical3A_147 = vector.broadcast %shift_right_logical3A_146 : i32 to vector<16xi32>
          %shift_right_logical3A_148 = arith.shrui %xor3A_141, %shift_right_logical3A_147 : vector<16xi32>
          %or3A_149 = arith.ori %shift_left3A_145, %shift_right_logical3A_148 : vector<16xi32>
          %xor3A_150 = arith.xori %or3A_149, %add3A_142 : vector<16xi32>
          %add3A_151 = arith.addi %add3A_142, %xor3A_150 : vector<16xi32>
          %shift_left3A_152 = arith.constant 6 : i32
          %shift_left3A_153 = vector.broadcast %shift_left3A_152 : i32 to vector<16xi32>
          %shift_left3A_154 = arith.shli %xor3A_150, %shift_left3A_153 : vector<16xi32>
          %shift_right_logical3A_155 = arith.constant 26 : i32
          %shift_right_logical3A_156 = vector.broadcast %shift_right_logical3A_155 : i32 to vector<16xi32>
          %shift_right_logical3A_157 = arith.shrui %xor3A_150, %shift_right_logical3A_156 : vector<16xi32>
          %or3A_158 = arith.ori %shift_left3A_154, %shift_right_logical3A_157 : vector<16xi32>
          %xor3A_159 = arith.xori %or3A_158, %add3A_151 : vector<16xi32>
          %add3A_160 = arith.constant 45 : i32
          %add3A_161 = vector.broadcast %add3A_160 : i32 to vector<16xi32>
          %add3A_162 = arith.addi %xor3A_159, %add3A_161 : vector<16xi32>
          %add3A_163 = arith.addi %add3A_151, %add3A_162 : vector<16xi32>
          %shift_left3A_164 = arith.constant 17 : i32
          %shift_left3A_165 = vector.broadcast %shift_left3A_164 : i32 to vector<16xi32>
          %shift_left3A_166 = arith.shli %add3A_162, %shift_left3A_165 : vector<16xi32>
          %shift_right_logical3A_167 = arith.constant 15 : i32
          %shift_right_logical3A_168 = vector.broadcast %shift_right_logical3A_167 : i32 to vector<16xi32>
          %shift_right_logical3A_169 = arith.shrui %add3A_162, %shift_right_logical3A_168 : vector<16xi32>
          %or3A_170 = arith.ori %shift_left3A_166, %shift_right_logical3A_169 : vector<16xi32>
          %xor3A_171 = arith.xori %or3A_170, %add3A_163 : vector<16xi32>
          %add3A_172 = arith.addi %add3A_163, %xor3A_171 : vector<16xi32>
          %shift_left3A_173 = arith.constant 29 : i32
          %shift_left3A_174 = vector.broadcast %shift_left3A_173 : i32 to vector<16xi32>
          %shift_left3A_175 = arith.shli %xor3A_171, %shift_left3A_174 : vector<16xi32>
          %shift_right_logical3A_176 = arith.constant 3 : i32
          %shift_right_logical3A_177 = vector.broadcast %shift_right_logical3A_176 : i32 to vector<16xi32>
          %shift_right_logical3A_178 = arith.shrui %xor3A_171, %shift_right_logical3A_177 : vector<16xi32>
          %or3A_179 = arith.ori %shift_left3A_175, %shift_right_logical3A_178 : vector<16xi32>
          %xor3A_180 = arith.xori %or3A_179, %add3A_172 : vector<16xi32>
          %add3A_181 = arith.addi %add3A_172, %xor3A_180 : vector<16xi32>
          %shift_left3A_182 = arith.constant 16 : i32
          %shift_left3A_183 = vector.broadcast %shift_left3A_182 : i32 to vector<16xi32>
          %shift_left3A_184 = arith.shli %xor3A_180, %shift_left3A_183 : vector<16xi32>
          %shift_right_logical3A_185 = arith.constant 16 : i32
          %shift_right_logical3A_186 = vector.broadcast %shift_right_logical3A_185 : i32 to vector<16xi32>
          %shift_right_logical3A_187 = arith.shrui %xor3A_180, %shift_right_logical3A_186 : vector<16xi32>
          %or3A_188 = arith.ori %shift_left3A_184, %shift_right_logical3A_187 : vector<16xi32>
          %xor3A_189 = arith.xori %or3A_188, %add3A_181 : vector<16xi32>
          %add3A_190 = arith.addi %add3A_181, %xor3A_189 : vector<16xi32>
          %shift_left3A_191 = arith.constant 24 : i32
          %shift_left3A_192 = vector.broadcast %shift_left3A_191 : i32 to vector<16xi32>
          %shift_left3A_193 = arith.shli %xor3A_189, %shift_left3A_192 : vector<16xi32>
          %shift_right_logical3A_194 = arith.constant 8 : i32
          %shift_right_logical3A_195 = vector.broadcast %shift_right_logical3A_194 : i32 to vector<16xi32>
          %shift_right_logical3A_196 = arith.shrui %xor3A_189, %shift_right_logical3A_195 : vector<16xi32>
          %or3A_197 = arith.ori %shift_left3A_193, %shift_right_logical3A_196 : vector<16xi32>
          %xor3A_198 = arith.xori %or3A_197, %add3A_190 : vector<16xi32>
          %add3A_199 = arith.constant 42 : i32
          %add3A_200 = vector.broadcast %add3A_199 : i32 to vector<16xi32>
          %add3A_201 = arith.addi %add3A_190, %add3A_200 : vector<16xi32>
          %add3A_202 = arith.constant 466689012 : i32
          %add3A_203 = vector.broadcast %add3A_202 : i32 to vector<16xi32>
          %add3A_204 = arith.addi %xor3A_198, %add3A_203 : vector<16xi32>
          %add3A_205 = arith.addi %add3A_201, %add3A_204 : vector<16xi32>
          %shift_left3A_206 = arith.constant 13 : i32
          %shift_left3A_207 = vector.broadcast %shift_left3A_206 : i32 to vector<16xi32>
          %shift_left3A_208 = arith.shli %add3A_204, %shift_left3A_207 : vector<16xi32>
          %shift_right_logical3A_209 = arith.constant 19 : i32
          %shift_right_logical3A_210 = vector.broadcast %shift_right_logical3A_209 : i32 to vector<16xi32>
          %shift_right_logical3A_211 = arith.shrui %add3A_204, %shift_right_logical3A_210 : vector<16xi32>
          %or3A_212 = arith.ori %shift_left3A_208, %shift_right_logical3A_211 : vector<16xi32>
          %xor3A_213 = arith.xori %or3A_212, %add3A_205 : vector<16xi32>
          %add3A_214 = arith.addi %add3A_205, %xor3A_213 : vector<16xi32>
          %shift_left3A_215 = arith.constant 15 : i32
          %shift_left3A_216 = vector.broadcast %shift_left3A_215 : i32 to vector<16xi32>
          %shift_left3A_217 = arith.shli %xor3A_213, %shift_left3A_216 : vector<16xi32>
          %shift_right_logical3A_218 = arith.constant 17 : i32
          %shift_right_logical3A_219 = vector.broadcast %shift_right_logical3A_218 : i32 to vector<16xi32>
          %shift_right_logical3A_220 = arith.shrui %xor3A_213, %shift_right_logical3A_219 : vector<16xi32>
          %or3A_221 = arith.ori %shift_left3A_217, %shift_right_logical3A_220 : vector<16xi32>
          %xor3A_222 = arith.xori %or3A_221, %add3A_214 : vector<16xi32>
          %add3A_223 = arith.addi %add3A_214, %xor3A_222 : vector<16xi32>
          %shift_left3A_224 = arith.constant 26 : i32
          %shift_left3A_225 = vector.broadcast %shift_left3A_224 : i32 to vector<16xi32>
          %shift_left3A_226 = arith.shli %xor3A_222, %shift_left3A_225 : vector<16xi32>
          %shift_right_logical3A_227 = arith.constant 6 : i32
          %shift_right_logical3A_228 = vector.broadcast %shift_right_logical3A_227 : i32 to vector<16xi32>
          %shift_right_logical3A_229 = arith.shrui %xor3A_222, %shift_right_logical3A_228 : vector<16xi32>
          %or3A_230 = arith.ori %shift_left3A_226, %shift_right_logical3A_229 : vector<16xi32>
          %xor3A_231 = arith.xori %or3A_230, %add3A_223 : vector<16xi32>
          %add3A_232 = arith.addi %add3A_223, %xor3A_231 : vector<16xi32>
          %shift_left3A_233 = arith.constant 6 : i32
          %shift_left3A_234 = vector.broadcast %shift_left3A_233 : i32 to vector<16xi32>
          %shift_left3A_235 = arith.shli %xor3A_231, %shift_left3A_234 : vector<16xi32>
          %shift_right_logical3A_236 = arith.constant 26 : i32
          %shift_right_logical3A_237 = vector.broadcast %shift_right_logical3A_236 : i32 to vector<16xi32>
          %shift_right_logical3A_238 = arith.shrui %xor3A_231, %shift_right_logical3A_237 : vector<16xi32>
          %or3A_239 = arith.ori %shift_left3A_235, %shift_right_logical3A_238 : vector<16xi32>
          %xor3A_240 = arith.xori %or3A_239, %add3A_232 : vector<16xi32>
          %add3A_241 = arith.constant 466689008 : i32
          %add3A_242 = vector.broadcast %add3A_241 : i32 to vector<16xi32>
          %add3A_243 = arith.addi %add3A_232, %add3A_242 : vector<16xi32>
          %add3A_244 = arith.constant 5 : i32
          %add3A_245 = vector.broadcast %add3A_244 : i32 to vector<16xi32>
          %add3A_246 = arith.addi %xor3A_240, %add3A_245 : vector<16xi32>
          %xor3A_247 = arith.xori %add3A_243, %add3A_246 : vector<16xi32>
          %shift_right_logical3A_248 = arith.constant 9 : i32
          %shift_right_logical3A_249 = vector.broadcast %shift_right_logical3A_248 : i32 to vector<16xi32>
          %shift_right_logical3A_250 = arith.shrui %xor3A_247, %shift_right_logical3A_249 : vector<16xi32>
          %or3A_251 = arith.constant 1065353216 : i32
          %or3A_252 = vector.broadcast %or3A_251 : i32 to vector<16xi32>
          %or3A_253 = arith.ori %shift_right_logical3A_250, %or3A_252 : vector<16xi32>
          %add3A_254 = arith.constant 0 : i32
          %add3A_255 = arith.addi %mul3A_39, %add3A_254 : i32
          %swap3A = arith.index_cast %scan3A_22 : i32 to index
          %swap3A_256 = arith.index_cast %add3A_255 : i32 to index
          %swap3A_257 = tpu.vector_load %arg3[%swap3A, %swap3A_256] {strides = array<i32>} : memref<8x1024xi32, #tpu.memory_space<vmem>>, vector<1x16xi32>,
          %swap3A_258 = vector.shape_cast %swap3A_257 : vector<1x16xi32> to vector<16xi32>
          %swap3A_259 = vector.shape_cast %or3A_253 : vector<16xi32> to vector<1x16xi32>
          tpu.vector_store %arg3[%swap3A, %swap3A_256], %swap3A_259 {strides = array<i32>} : memref<8x1024xi32, #tpu.memory_space<vmem>>, vector<1x16xi32>,
          %add3A_260 = arith.constant 16 : i32
          %add3A_261 = arith.addi %mul3A_39, %add3A_260 : i32
          %add3A_262 = arith.addi %add3A_28, %add3A_261 : i32
          %add3A_263 = vector.broadcast %add3A_262 : i32 to vector<16xi32>
          %add3A_264 = arith.addi %iota3A, %add3A_263 : vector<16xi32>
          %shift_left3A_265 = arith.constant 13 : i32
          %shift_left3A_266 = vector.broadcast %shift_left3A_265 : i32 to vector<16xi32>
          %shift_left3A_267 = arith.shli %add3A_264, %shift_left3A_266 : vector<16xi32>
          %shift_right_logical3A_268 = arith.constant 19 : i32
          %shift_right_logical3A_269 = vector.broadcast %shift_right_logical3A_268 : i32 to vector<16xi32>
          %shift_right_logical3A_270 = arith.shrui %add3A_264, %shift_right_logical3A_269 : vector<16xi32>
          %or3A_271 = arith.ori %shift_left3A_267, %shift_right_logical3A_270 : vector<16xi32>
          %xor3A_272 = arith.xori %or3A_271, %add3A_264 : vector<16xi32>
          %add3A_273 = arith.addi %add3A_264, %xor3A_272 : vector<16xi32>
          %shift_left3A_274 = arith.constant 15 : i32
          %shift_left3A_275 = vector.broadcast %shift_left3A_274 : i32 to vector<16xi32>
          %shift_left3A_276 = arith.shli %xor3A_272, %shift_left3A_275 : vector<16xi32>
          %shift_right_logical3A_277 = arith.constant 17 : i32
          %shift_right_logical3A_278 = vector.broadcast %shift_right_logical3A_277 : i32 to vector<16xi32>
          %shift_right_logical3A_279 = arith.shrui %xor3A_272, %shift_right_logical3A_278 : vector<16xi32>
          %or3A_280 = arith.ori %shift_left3A_276, %shift_right_logical3A_279 : vector<16xi32>
          %xor3A_281 = arith.xori %or3A_280, %add3A_273 : vector<16xi32>
          %add3A_282 = arith.addi %add3A_273, %xor3A_281 : vector<16xi32>
          %shift_left3A_283 = arith.constant 26 : i32
          %shift_left3A_284 = vector.broadcast %shift_left3A_283 : i32 to vector<16xi32>
          %shift_left3A_285 = arith.shli %xor3A_281, %shift_left3A_284 : vector<16xi32>
          %shift_right_logical3A_286 = arith.constant 6 : i32
          %shift_right_logical3A_287 = vector.broadcast %shift_right_logical3A_286 : i32 to vector<16xi32>
          %shift_right_logical3A_288 = arith.shrui %xor3A_281, %shift_right_logical3A_287 : vector<16xi32>
          %or3A_289 = arith.ori %shift_left3A_285, %shift_right_logical3A_288 : vector<16xi32>
          %xor3A_290 = arith.xori %or3A_289, %add3A_282 : vector<16xi32>
          %add3A_291 = arith.addi %add3A_282, %xor3A_290 : vector<16xi32>
          %shift_left3A_292 = arith.constant 6 : i32
          %shift_left3A_293 = vector.broadcast %shift_left3A_292 : i32 to vector<16xi32>
          %shift_left3A_294 = arith.shli %xor3A_290, %shift_left3A_293 : vector<16xi32>
          %shift_right_logical3A_295 = arith.constant 26 : i32
          %shift_right_logical3A_296 = vector.broadcast %shift_right_logical3A_295 : i32 to vector<16xi32>
          %shift_right_logical3A_297 = arith.shrui %xor3A_290, %shift_right_logical3A_296 : vector<16xi32>
          %or3A_298 = arith.ori %shift_left3A_294, %shift_right_logical3A_297 : vector<16xi32>
          %xor3A_299 = arith.xori %or3A_298, %add3A_291 : vector<16xi32>
          %add3A_300 = arith.constant 42 : i32
          %add3A_301 = vector.broadcast %add3A_300 : i32 to vector<16xi32>
          %add3A_302 = arith.addi %add3A_291, %add3A_301 : vector<16xi32>
          %add3A_303 = arith.constant 466689009 : i32
          %add3A_304 = vector.broadcast %add3A_303 : i32 to vector<16xi32>
          %add3A_305 = arith.addi %xor3A_299, %add3A_304 : vector<16xi32>
          %add3A_306 = arith.addi %add3A_302, %add3A_305 : vector<16xi32>
          %shift_left3A_307 = arith.constant 17 : i32
          %shift_left3A_308 = vector.broadcast %shift_left3A_307 : i32 to vector<16xi32>
          %shift_left3A_309 = arith.shli %add3A_305, %shift_left3A_308 : vector<16xi32>
          %shift_right_logical3A_310 = arith.constant 15 : i32
          %shift_right_logical3A_311 = vector.broadcast %shift_right_logical3A_310 : i32 to vector<16xi32>
          %shift_right_logical3A_312 = arith.shrui %add3A_305, %shift_right_logical3A_311 : vector<16xi32>
          %or3A_313 = arith.ori %shift_left3A_309, %shift_right_logical3A_312 : vector<16xi32>
          %xor3A_314 = arith.xori %or3A_313, %add3A_306 : vector<16xi32>
          %add3A_315 = arith.addi %add3A_306, %xor3A_314 : vector<16xi32>
          %shift_left3A_316 = arith.constant 29 : i32
          %shift_left3A_317 = vector.broadcast %shift_left3A_316 : i32 to vector<16xi32>
          %shift_left3A_318 = arith.shli %xor3A_314, %shift_left3A_317 : vector<16xi32>
          %shift_right_logical3A_319 = arith.constant 3 : i32
          %shift_right_logical3A_320 = vector.broadcast %shift_right_logical3A_319 : i32 to vector<16xi32>
          %shift_right_logical3A_321 = arith.shrui %xor3A_314, %shift_right_logical3A_320 : vector<16xi32>
          %or3A_322 = arith.ori %shift_left3A_318, %shift_right_logical3A_321 : vector<16xi32>
          %xor3A_323 = arith.xori %or3A_322, %add3A_315 : vector<16xi32>
          %add3A_324 = arith.addi %add3A_315, %xor3A_323 : vector<16xi32>
          %shift_left3A_325 = arith.constant 16 : i32
          %shift_left3A_326 = vector.broadcast %shift_left3A_325 : i32 to vector<16xi32>
          %shift_left3A_327 = arith.shli %xor3A_323, %shift_left3A_326 : vector<16xi32>
          %shift_right_logical3A_328 = arith.constant 16 : i32
          %shift_right_logical3A_329 = vector.broadcast %shift_right_logical3A_328 : i32 to vector<16xi32>
          %shift_right_logical3A_330 = arith.shrui %xor3A_323, %shift_right_logical3A_329 : vector<16xi32>
          %or3A_331 = arith.ori %shift_left3A_327, %shift_right_logical3A_330 : vector<16xi32>
          %xor3A_332 = arith.xori %or3A_331, %add3A_324 : vector<16xi32>
          %add3A_333 = arith.addi %add3A_324, %xor3A_332 : vector<16xi32>
          %shift_left3A_334 = arith.constant 24 : i32
          %shift_left3A_335 = vector.broadcast %shift_left3A_334 : i32 to vector<16xi32>
          %shift_left3A_336 = arith.shli %xor3A_332, %shift_left3A_335 : vector<16xi32>
          %shift_right_logical3A_337 = arith.constant 8 : i32
          %shift_right_logical3A_338 = vector.broadcast %shift_right_logical3A_337 : i32 to vector<16xi32>
          %shift_right_logical3A_339 = arith.shrui %xor3A_332, %shift_right_logical3A_338 : vector<16xi32>
          %or3A_340 = arith.ori %shift_left3A_336, %shift_right_logical3A_339 : vector<16xi32>
          %xor3A_341 = arith.xori %or3A_340, %add3A_333 : vector<16xi32>
          %add3A_342 = arith.constant 466689008 : i32
          %add3A_343 = vector.broadcast %add3A_342 : i32 to vector<16xi32>
          %add3A_344 = arith.addi %add3A_333, %add3A_343 : vector<16xi32>
          %add3A_345 = arith.constant 2 : i32
          %add3A_346 = vector.broadcast %add3A_345 : i32 to vector<16xi32>
          %add3A_347 = arith.addi %xor3A_341, %add3A_346 : vector<16xi32>
          %add3A_348 = arith.addi %add3A_344, %add3A_347 : vector<16xi32>
          %shift_left3A_349 = arith.constant 13 : i32
          %shift_left3A_350 = vector.broadcast %shift_left3A_349 : i32 to vector<16xi32>
          %shift_left3A_351 = arith.shli %add3A_347, %shift_left3A_350 : vector<16xi32>
          %shift_right_logical3A_352 = arith.constant 19 : i32
          %shift_right_logical3A_353 = vector.broadcast %shift_right_logical3A_352 : i32 to vector<16xi32>
          %shift_right_logical3A_354 = arith.shrui %add3A_347, %shift_right_logical3A_353 : vector<16xi32>
          %or3A_355 = arith.ori %shift_left3A_351, %shift_right_logical3A_354 : vector<16xi32>
          %xor3A_356 = arith.xori %or3A_355, %add3A_348 : vector<16xi32>
          %add3A_357 = arith.addi %add3A_348, %xor3A_356 : vector<16xi32>
          %shift_left3A_358 = arith.constant 15 : i32
          %shift_left3A_359 = vector.broadcast %shift_left3A_358 : i32 to vector<16xi32>
          %shift_left3A_360 = arith.shli %xor3A_356, %shift_left3A_359 : vector<16xi32>
          %shift_right_logical3A_361 = arith.constant 17 : i32
          %shift_right_logical3A_362 = vector.broadcast %shift_right_logical3A_361 : i32 to vector<16xi32>
          %shift_right_logical3A_363 = arith.shrui %xor3A_356, %shift_right_logical3A_362 : vector<16xi32>
          %or3A_364 = arith.ori %shift_left3A_360, %shift_right_logical3A_363 : vector<16xi32>
          %xor3A_365 = arith.xori %or3A_364, %add3A_357 : vector<16xi32>
          %add3A_366 = arith.addi %add3A_357, %xor3A_365 : vector<16xi32>
          %shift_left3A_367 = arith.constant 26 : i32
          %shift_left3A_368 = vector.broadcast %shift_left3A_367 : i32 to vector<16xi32>
          %shift_left3A_369 = arith.shli %xor3A_365, %shift_left3A_368 : vector<16xi32>
          %shift_right_logical3A_370 = arith.constant 6 : i32
          %shift_right_logical3A_371 = vector.broadcast %shift_right_logical3A_370 : i32 to vector<16xi32>
          %shift_right_logical3A_372 = arith.shrui %xor3A_365, %shift_right_logical3A_371 : vector<16xi32>
          %or3A_373 = arith.ori %shift_left3A_369, %shift_right_logical3A_372 : vector<16xi32>
          %xor3A_374 = arith.xori %or3A_373, %add3A_366 : vector<16xi32>
          %add3A_375 = arith.addi %add3A_366, %xor3A_374 : vector<16xi32>
          %shift_left3A_376 = arith.constant 6 : i32
          %shift_left3A_377 = vector.broadcast %shift_left3A_376 : i32 to vector<16xi32>
          %shift_left3A_378 = arith.shli %xor3A_374, %shift_left3A_377 : vector<16xi32>
          %shift_right_logical3A_379 = arith.constant 26 : i32
          %shift_right_logical3A_380 = vector.broadcast %shift_right_logical3A_379 : i32 to vector<16xi32>
          %shift_right_logical3A_381 = arith.shrui %xor3A_374, %shift_right_logical3A_380 : vector<16xi32>
          %or3A_382 = arith.ori %shift_left3A_378, %shift_right_logical3A_381 : vector<16xi32>
          %xor3A_383 = arith.xori %or3A_382, %add3A_375 : vector<16xi32>
          %add3A_384 = arith.constant 45 : i32
          %add3A_385 = vector.broadcast %add3A_384 : i32 to vector<16xi32>
          %add3A_386 = arith.addi %xor3A_383, %add3A_385 : vector<16xi32>
          %add3A_387 = arith.addi %add3A_375, %add3A_386 : vector<16xi32>
          %shift_left3A_388 = arith.constant 17 : i32
          %shift_left3A_389 = vector.broadcast %shift_left3A_388 : i32 to vector<16xi32>
          %shift_left3A_390 = arith.shli %add3A_386, %shift_left3A_389 : vector<16xi32>
          %shift_right_logical3A_391 = arith.constant 15 : i32
          %shift_right_logical3A_392 = vector.broadcast %shift_right_logical3A_391 : i32 to vector<16xi32>
          %shift_right_logical3A_393 = arith.shrui %add3A_386, %shift_right_logical3A_392 : vector<16xi32>
          %or3A_394 = arith.ori %shift_left3A_390, %shift_right_logical3A_393 : vector<16xi32>
          %xor3A_395 = arith.xori %or3A_394, %add3A_387 : vector<16xi32>
          %add3A_396 = arith.addi %add3A_387, %xor3A_395 : vector<16xi32>
          %shift_left3A_397 = arith.constant 29 : i32
          %shift_left3A_398 = vector.broadcast %shift_left3A_397 : i32 to vector<16xi32>
          %shift_left3A_399 = arith.shli %xor3A_395, %shift_left3A_398 : vector<16xi32>
          %shift_right_logical3A_400 = arith.constant 3 : i32
          %shift_right_logical3A_401 = vector.broadcast %shift_right_logical3A_400 : i32 to vector<16xi32>
          %shift_right_logical3A_402 = arith.shrui %xor3A_395, %shift_right_logical3A_401 : vector<16xi32>
          %or3A_403 = arith.ori %shift_left3A_399, %shift_right_logical3A_402 : vector<16xi32>
          %xor3A_404 = arith.xori %or3A_403, %add3A_396 : vector<16xi32>
          %add3A_405 = arith.addi %add3A_396, %xor3A_404 : vector<16xi32>
          %shift_left3A_406 = arith.constant 16 : i32
          %shift_left3A_407 = vector.broadcast %shift_left3A_406 : i32 to vector<16xi32>
          %shift_left3A_408 = arith.shli %xor3A_404, %shift_left3A_407 : vector<16xi32>
          %shift_right_logical3A_409 = arith.constant 16 : i32
          %shift_right_logical3A_410 = vector.broadcast %shift_right_logical3A_409 : i32 to vector<16xi32>
          %shift_right_logical3A_411 = arith.shrui %xor3A_404, %shift_right_logical3A_410 : vector<16xi32>
          %or3A_412 = arith.ori %shift_left3A_408, %shift_right_logical3A_411 : vector<16xi32>
          %xor3A_413 = arith.xori %or3A_412, %add3A_405 : vector<16xi32>
          %add3A_414 = arith.addi %add3A_405, %xor3A_413 : vector<16xi32>
          %shift_left3A_415 = arith.constant 24 : i32
          %shift_left3A_416 = vector.broadcast %shift_left3A_415 : i32 to vector<16xi32>
          %shift_left3A_417 = arith.shli %xor3A_413, %shift_left3A_416 : vector<16xi32>
          %shift_right_logical3A_418 = arith.constant 8 : i32
          %shift_right_logical3A_419 = vector.broadcast %shift_right_logical3A_418 : i32 to vector<16xi32>
          %shift_right_logical3A_420 = arith.shrui %xor3A_413, %shift_right_logical3A_419 : vector<16xi32>
          %or3A_421 = arith.ori %shift_left3A_417, %shift_right_logical3A_420 : vector<16xi32>
          %xor3A_422 = arith.xori %or3A_421, %add3A_414 : vector<16xi32>
          %add3A_423 = arith.constant 42 : i32
          %add3A_424 = vector.broadcast %add3A_423 : i32 to vector<16xi32>
          %add3A_425 = arith.addi %add3A_414, %add3A_424 : vector<16xi32>
          %add3A_426 = arith.constant 466689012 : i32
          %add3A_427 = vector.broadcast %add3A_426 : i32 to vector<16xi32>
          %add3A_428 = arith.addi %xor3A_422, %add3A_427 : vector<16xi32>
          %add3A_429 = arith.addi %add3A_425, %add3A_428 : vector<16xi32>
          %shift_left3A_430 = arith.constant 13 : i32
          %shift_left3A_431 = vector.broadcast %shift_left3A_430 : i32 to vector<16xi32>
          %shift_left3A_432 = arith.shli %add3A_428, %shift_left3A_431 : vector<16xi32>
          %shift_right_logical3A_433 = arith.constant 19 : i32
          %shift_right_logical3A_434 = vector.broadcast %shift_right_logical3A_433 : i32 to vector<16xi32>
          %shift_right_logical3A_435 = arith.shrui %add3A_428, %shift_right_logical3A_434 : vector<16xi32>
          %or3A_436 = arith.ori %shift_left3A_432, %shift_right_logical3A_435 : vector<16xi32>
          %xor3A_437 = arith.xori %or3A_436, %add3A_429 : vector<16xi32>
          %add3A_438 = arith.addi %add3A_429, %xor3A_437 : vector<16xi32>
          %shift_left3A_439 = arith.constant 15 : i32
          %shift_left3A_440 = vector.broadcast %shift_left3A_439 : i32 to vector<16xi32>
          %shift_left3A_441 = arith.shli %xor3A_437, %shift_left3A_440 : vector<16xi32>
          %shift_right_logical3A_442 = arith.constant 17 : i32
          %shift_right_logical3A_443 = vector.broadcast %shift_right_logical3A_442 : i32 to vector<16xi32>
          %shift_right_logical3A_444 = arith.shrui %xor3A_437, %shift_right_logical3A_443 : vector<16xi32>
          %or3A_445 = arith.ori %shift_left3A_441, %shift_right_logical3A_444 : vector<16xi32>
          %xor3A_446 = arith.xori %or3A_445, %add3A_438 : vector<16xi32>
          %add3A_447 = arith.addi %add3A_438, %xor3A_446 : vector<16xi32>
          %shift_left3A_448 = arith.constant 26 : i32
          %shift_left3A_449 = vector.broadcast %shift_left3A_448 : i32 to vector<16xi32>
          %shift_left3A_450 = arith.shli %xor3A_446, %shift_left3A_449 : vector<16xi32>
          %shift_right_logical3A_451 = arith.constant 6 : i32
          %shift_right_logical3A_452 = vector.broadcast %shift_right_logical3A_451 : i32 to vector<16xi32>
          %shift_right_logical3A_453 = arith.shrui %xor3A_446, %shift_right_logical3A_452 : vector<16xi32>
          %or3A_454 = arith.ori %shift_left3A_450, %shift_right_logical3A_453 : vector<16xi32>
          %xor3A_455 = arith.xori %or3A_454, %add3A_447 : vector<16xi32>
          %add3A_456 = arith.addi %add3A_447, %xor3A_455 : vector<16xi32>
          %shift_left3A_457 = arith.constant 6 : i32
          %shift_left3A_458 = vector.broadcast %shift_left3A_457 : i32 to vector<16xi32>
          %shift_left3A_459 = arith.shli %xor3A_455, %shift_left3A_458 : vector<16xi32>
          %shift_right_logical3A_460 = arith.constant 26 : i32
          %shift_right_logical3A_461 = vector.broadcast %shift_right_logical3A_460 : i32 to vector<16xi32>
          %shift_right_logical3A_462 = arith.shrui %xor3A_455, %shift_right_logical3A_461 : vector<16xi32>
          %or3A_463 = arith.ori %shift_left3A_459, %shift_right_logical3A_462 : vector<16xi32>
          %xor3A_464 = arith.xori %or3A_463, %add3A_456 : vector<16xi32>
          %add3A_465 = arith.constant 466689008 : i32
          %add3A_466 = vector.broadcast %add3A_465 : i32 to vector<16xi32>
          %add3A_467 = arith.addi %add3A_456, %add3A_466 : vector<16xi32>
          %add3A_468 = arith.constant 5 : i32
          %add3A_469 = vector.broadcast %add3A_468 : i32 to vector<16xi32>
          %add3A_470 = arith.addi %xor3A_464, %add3A_469 : vector<16xi32>
          %xor3A_471 = arith.xori %add3A_467, %add3A_470 : vector<16xi32>
          %shift_right_logical3A_472 = arith.constant 9 : i32
          %shift_right_logical3A_473 = vector.broadcast %shift_right_logical3A_472 : i32 to vector<16xi32>
          %shift_right_logical3A_474 = arith.shrui %xor3A_471, %shift_right_logical3A_473 : vector<16xi32>
          %or3A_475 = arith.constant 1065353216 : i32
          %or3A_476 = vector.broadcast %or3A_475 : i32 to vector<16xi32>
          %or3A_477 = arith.ori %shift_right_logical3A_474, %or3A_476 : vector<16xi32>
          %add3A_478 = arith.constant 16 : i32
          %add3A_479 = arith.addi %mul3A_39, %add3A_478 : i32
          %swap3A_480 = arith.index_cast %scan3A_22 : i32 to index
          %swap3A_481 = arith.index_cast %add3A_479 : i32 to index
          %swap3A_482 = tpu.vector_load %arg3[%swap3A_480, %swap3A_481] {strides = array<i32>} : memref<8x1024xi32, #tpu.memory_space<vmem>>, vector<1x16xi32>,
          %swap3A_483 = vector.shape_cast %swap3A_482 : vector<1x16xi32> to vector<16xi32>
          %swap3A_484 = vector.shape_cast %or3A_477 : vector<16xi32> to vector<1x16xi32>
          tpu.vector_store %arg3[%swap3A_480, %swap3A_481], %swap3A_484 {strides = array<i32>} : memref<8x1024xi32, #tpu.memory_space<vmem>>, vector<1x16xi32>,
          %add3A_485 = arith.constant 32 : i32
          %add3A_486 = arith.addi %mul3A_39, %add3A_485 : i32
          %add3A_487 = arith.addi %add3A_28, %add3A_486 : i32
          %add3A_488 = vector.broadcast %add3A_487 : i32 to vector<16xi32>
          %add3A_489 = arith.addi %iota3A, %add3A_488 : vector<16xi32>
          %shift_left3A_490 = arith.constant 13 : i32
          %shift_left3A_491 = vector.broadcast %shift_left3A_490 : i32 to vector<16xi32>
          %shift_left3A_492 = arith.shli %add3A_489, %shift_left3A_491 : vector<16xi32>
          %shift_right_logical3A_493 = arith.constant 19 : i32
          %shift_right_logical3A_494 = vector.broadcast %shift_right_logical3A_493 : i32 to vector<16xi32>
          %shift_right_logical3A_495 = arith.shrui %add3A_489, %shift_right_logical3A_494 : vector<16xi32>
          %or3A_496 = arith.ori %shift_left3A_492, %shift_right_logical3A_495 : vector<16xi32>
          %xor3A_497 = arith.xori %or3A_496, %add3A_489 : vector<16xi32>
          %add3A_498 = arith.addi %add3A_489, %xor3A_497 : vector<16xi32>
          %shift_left3A_499 = arith.constant 15 : i32
          %shift_left3A_500 = vector.broadcast %shift_left3A_499 : i32 to vector<16xi32>
          %shift_left3A_501 = arith.shli %xor3A_497, %shift_left3A_500 : vector<16xi32>
          %shift_right_logical3A_502 = arith.constant 17 : i32
          %shift_right_logical3A_503 = vector.broadcast %shift_right_logical3A_502 : i32 to vector<16xi32>
          %shift_right_logical3A_504 = arith.shrui %xor3A_497, %shift_right_logical3A_503 : vector<16xi32>
          %or3A_505 = arith.ori %shift_left3A_501, %shift_right_logical3A_504 : vector<16xi32>
          %xor3A_506 = arith.xori %or3A_505, %add3A_498 : vector<16xi32>
          %add3A_507 = arith.addi %add3A_498, %xor3A_506 : vector<16xi32>
          %shift_left3A_508 = arith.constant 26 : i32
          %shift_left3A_509 = vector.broadcast %shift_left3A_508 : i32 to vector<16xi32>
          %shift_left3A_510 = arith.shli %xor3A_506, %shift_left3A_509 : vector<16xi32>
          %shift_right_logical3A_511 = arith.constant 6 : i32
          %shift_right_logical3A_512 = vector.broadcast %shift_right_logical3A_511 : i32 to vector<16xi32>
          %shift_right_logical3A_513 = arith.shrui %xor3A_506, %shift_right_logical3A_512 : vector<16xi32>
          %or3A_514 = arith.ori %shift_left3A_510, %shift_right_logical3A_513 : vector<16xi32>
          %xor3A_515 = arith.xori %or3A_514, %add3A_507 : vector<16xi32>
          %add3A_516 = arith.addi %add3A_507, %xor3A_515 : vector<16xi32>
          %shift_left3A_517 = arith.constant 6 : i32
          %shift_left3A_518 = vector.broadcast %shift_left3A_517 : i32 to vector<16xi32>
          %shift_left3A_519 = arith.shli %xor3A_515, %shift_left3A_518 : vector<16xi32>
          %shift_right_logical3A_520 = arith.constant 26 : i32
          %shift_right_logical3A_521 = vector.broadcast %shift_right_logical3A_520 : i32 to vector<16xi32>
          %shift_right_logical3A_522 = arith.shrui %xor3A_515, %shift_right_logical3A_521 : vector<16xi32>
          %or3A_523 = arith.ori %shift_left3A_519, %shift_right_logical3A_522 : vector<16xi32>
          %xor3A_524 = arith.xori %or3A_523, %add3A_516 : vector<16xi32>
          %add3A_525 = arith.constant 42 : i32
          %add3A_526 = vector.broadcast %add3A_525 : i32 to vector<16xi32>
          %add3A_527 = arith.addi %add3A_516, %add3A_526 : vector<16xi32>
          %add3A_528 = arith.constant 466689009 : i32
          %add3A_529 = vector.broadcast %add3A_528 : i32 to vector<16xi32>
          %add3A_530 = arith.addi %xor3A_524, %add3A_529 : vector<16xi32>
          %add3A_531 = arith.addi %add3A_527, %add3A_530 : vector<16xi32>
          %shift_left3A_532 = arith.constant 17 : i32
          %shift_left3A_533 = vector.broadcast %shift_left3A_532 : i32 to vector<16xi32>
          %shift_left3A_534 = arith.shli %add3A_530, %shift_left3A_533 : vector<16xi32>
          %shift_right_logical3A_535 = arith.constant 15 : i32
          %shift_right_logical3A_536 = vector.broadcast %shift_right_logical3A_535 : i32 to vector<16xi32>
          %shift_right_logical3A_537 = arith.shrui %add3A_530, %shift_right_logical3A_536 : vector<16xi32>
          %or3A_538 = arith.ori %shift_left3A_534, %shift_right_logical3A_537 : vector<16xi32>
          %xor3A_539 = arith.xori %or3A_538, %add3A_531 : vector<16xi32>
          %add3A_540 = arith.addi %add3A_531, %xor3A_539 : vector<16xi32>
          %shift_left3A_541 = arith.constant 29 : i32
          %shift_left3A_542 = vector.broadcast %shift_left3A_541 : i32 to vector<16xi32>
          %shift_left3A_543 = arith.shli %xor3A_539, %shift_left3A_542 : vector<16xi32>
          %shift_right_logical3A_544 = arith.constant 3 : i32
          %shift_right_logical3A_545 = vector.broadcast %shift_right_logical3A_544 : i32 to vector<16xi32>
          %shift_right_logical3A_546 = arith.shrui %xor3A_539, %shift_right_logical3A_545 : vector<16xi32>
          %or3A_547 = arith.ori %shift_left3A_543, %shift_right_logical3A_546 : vector<16xi32>
          %xor3A_548 = arith.xori %or3A_547, %add3A_540 : vector<16xi32>
          %add3A_549 = arith.addi %add3A_540, %xor3A_548 : vector<16xi32>
          %shift_left3A_550 = arith.constant 16 : i32
          %shift_left3A_551 = vector.broadcast %shift_left3A_550 : i32 to vector<16xi32>
          %shift_left3A_552 = arith.shli %xor3A_548, %shift_left3A_551 : vector<16xi32>
          %shift_right_logical3A_553 = arith.constant 16 : i32
          %shift_right_logical3A_554 = vector.broadcast %shift_right_logical3A_553 : i32 to vector<16xi32>
          %shift_right_logical3A_555 = arith.shrui %xor3A_548, %shift_right_logical3A_554 : vector<16xi32>
          %or3A_556 = arith.ori %shift_left3A_552, %shift_right_logical3A_555 : vector<16xi32>
          %xor3A_557 = arith.xori %or3A_556, %add3A_549 : vector<16xi32>
          %add3A_558 = arith.addi %add3A_549, %xor3A_557 : vector<16xi32>
          %shift_left3A_559 = arith.constant 24 : i32
          %shift_left3A_560 = vector.broadcast %shift_left3A_559 : i32 to vector<16xi32>
          %shift_left3A_561 = arith.shli %xor3A_557, %shift_left3A_560 : vector<16xi32>
          %shift_right_logical3A_562 = arith.constant 8 : i32
          %shift_right_logical3A_563 = vector.broadcast %shift_right_logical3A_562 : i32 to vector<16xi32>
          %shift_right_logical3A_564 = arith.shrui %xor3A_557, %shift_right_logical3A_563 : vector<16xi32>
          %or3A_565 = arith.ori %shift_left3A_561, %shift_right_logical3A_564 : vector<16xi32>
          %xor3A_566 = arith.xori %or3A_565, %add3A_558 : vector<16xi32>
          %add3A_567 = arith.constant 466689008 : i32
          %add3A_568 = vector.broadcast %add3A_567 : i32 to vector<16xi32>
          %add3A_569 = arith.addi %add3A_558, %add3A_568 : vector<16xi32>
          %add3A_570 = arith.constant 2 : i32
          %add3A_571 = vector.broadcast %add3A_570 : i32 to vector<16xi32>
          %add3A_572 = arith.addi %xor3A_566, %add3A_571 : vector<16xi32>
          %add3A_573 = arith.addi %add3A_569, %add3A_572 : vector<16xi32>
          %shift_left3A_574 = arith.constant 13 : i32
          %shift_left3A_575 = vector.broadcast %shift_left3A_574 : i32 to vector<16xi32>
          %shift_left3A_576 = arith.shli %add3A_572, %shift_left3A_575 : vector<16xi32>
          %shift_right_logical3A_577 = arith.constant 19 : i32
          %shift_right_logical3A_578 = vector.broadcast %shift_right_logical3A_577 : i32 to vector<16xi32>
          %shift_right_logical3A_579 = arith.shrui %add3A_572, %shift_right_logical3A_578 : vector<16xi32>
          %or3A_580 = arith.ori %shift_left3A_576, %shift_right_logical3A_579 : vector<16xi32>
          %xor3A_581 = arith.xori %or3A_580, %add3A_573 : vector<16xi32>
          %add3A_582 = arith.addi %add3A_573, %xor3A_581 : vector<16xi32>
          %shift_left3A_583 = arith.constant 15 : i32
          %shift_left3A_584 = vector.broadcast %shift_left3A_583 : i32 to vector<16xi32>
          %shift_left3A_585 = arith.shli %xor3A_581, %shift_left3A_584 : vector<16xi32>
          %shift_right_logical3A_586 = arith.constant 17 : i32
          %shift_right_logical3A_587 = vector.broadcast %shift_right_logical3A_586 : i32 to vector<16xi32>
          %shift_right_logical3A_588 = arith.shrui %xor3A_581, %shift_right_logical3A_587 : vector<16xi32>
          %or3A_589 = arith.ori %shift_left3A_585, %shift_right_logical3A_588 : vector<16xi32>
          %xor3A_590 = arith.xori %or3A_589, %add3A_582 : vector<16xi32>
          %add3A_591 = arith.addi %add3A_582, %xor3A_590 : vector<16xi32>
          %shift_left3A_592 = arith.constant 26 : i32
          %shift_left3A_593 = vector.broadcast %shift_left3A_592 : i32 to vector<16xi32>
          %shift_left3A_594 = arith.shli %xor3A_590, %shift_left3A_593 : vector<16xi32>
          %shift_right_logical3A_595 = arith.constant 6 : i32
          %shift_right_logical3A_596 = vector.broadcast %shift_right_logical3A_595 : i32 to vector<16xi32>
          %shift_right_logical3A_597 = arith.shrui %xor3A_590, %shift_right_logical3A_596 : vector<16xi32>
          %or3A_598 = arith.ori %shift_left3A_594, %shift_right_logical3A_597 : vector<16xi32>
          %xor3A_599 = arith.xori %or3A_598, %add3A_591 : vector<16xi32>
          %add3A_600 = arith.addi %add3A_591, %xor3A_599 : vector<16xi32>
          %shift_left3A_601 = arith.constant 6 : i32
          %shift_left3A_602 = vector.broadcast %shift_left3A_601 : i32 to vector<16xi32>
          %shift_left3A_603 = arith.shli %xor3A_599, %shift_left3A_602 : vector<16xi32>
          %shift_right_logical3A_604 = arith.constant 26 : i32
          %shift_right_logical3A_605 = vector.broadcast %shift_right_logical3A_604 : i32 to vector<16xi32>
          %shift_right_logical3A_606 = arith.shrui %xor3A_599, %shift_right_logical3A_605 : vector<16xi32>
          %or3A_607 = arith.ori %shift_left3A_603, %shift_right_logical3A_606 : vector<16xi32>
          %xor3A_608 = arith.xori %or3A_607, %add3A_600 : vector<16xi32>
          %add3A_609 = arith.constant 45 : i32
          %add3A_610 = vector.broadcast %add3A_609 : i32 to vector<16xi32>
          %add3A_611 = arith.addi %xor3A_608, %add3A_610 : vector<16xi32>
          %add3A_612 = arith.addi %add3A_600, %add3A_611 : vector<16xi32>
          %shift_left3A_613 = arith.constant 17 : i32
          %shift_left3A_614 = vector.broadcast %shift_left3A_613 : i32 to vector<16xi32>
          %shift_left3A_615 = arith.shli %add3A_611, %shift_left3A_614 : vector<16xi32>
          %shift_right_logical3A_616 = arith.constant 15 : i32
          %shift_right_logical3A_617 = vector.broadcast %shift_right_logical3A_616 : i32 to vector<16xi32>
          %shift_right_logical3A_618 = arith.shrui %add3A_611, %shift_right_logical3A_617 : vector<16xi32>
          %or3A_619 = arith.ori %shift_left3A_615, %shift_right_logical3A_618 : vector<16xi32>
          %xor3A_620 = arith.xori %or3A_619, %add3A_612 : vector<16xi32>
          %add3A_621 = arith.addi %add3A_612, %xor3A_620 : vector<16xi32>
          %shift_left3A_622 = arith.constant 29 : i32
          %shift_left3A_623 = vector.broadcast %shift_left3A_622 : i32 to vector<16xi32>
          %shift_left3A_624 = arith.shli %xor3A_620, %shift_left3A_623 : vector<16xi32>
          %shift_right_logical3A_625 = arith.constant 3 : i32
          %shift_right_logical3A_626 = vector.broadcast %shift_right_logical3A_625 : i32 to vector<16xi32>
          %shift_right_logical3A_627 = arith.shrui %xor3A_620, %shift_right_logical3A_626 : vector<16xi32>
          %or3A_628 = arith.ori %shift_left3A_624, %shift_right_logical3A_627 : vector<16xi32>
          %xor3A_629 = arith.xori %or3A_628, %add3A_621 : vector<16xi32>
          %add3A_630 = arith.addi %add3A_621, %xor3A_629 : vector<16xi32>
          %shift_left3A_631 = arith.constant 16 : i32
          %shift_left3A_632 = vector.broadcast %shift_left3A_631 : i32 to vector<16xi32>
          %shift_left3A_633 = arith.shli %xor3A_629, %shift_left3A_632 : vector<16xi32>
          %shift_right_logical3A_634 = arith.constant 16 : i32
          %shift_right_logical3A_635 = vector.broadcast %shift_right_logical3A_634 : i32 to vector<16xi32>
          %shift_right_logical3A_636 = arith.shrui %xor3A_629, %shift_right_logical3A_635 : vector<16xi32>
          %or3A_637 = arith.ori %shift_left3A_633, %shift_right_logical3A_636 : vector<16xi32>
          %xor3A_638 = arith.xori %or3A_637, %add3A_630 : vector<16xi32>
          %add3A_639 = arith.addi %add3A_630, %xor3A_638 : vector<16xi32>
          %shift_left3A_640 = arith.constant 24 : i32
          %shift_left3A_641 = vector.broadcast %shift_left3A_640 : i32 to vector<16xi32>
          %shift_left3A_642 = arith.shli %xor3A_638, %shift_left3A_641 : vector<16xi32>
          %shift_right_logical3A_643 = arith.constant 8 : i32
          %shift_right_logical3A_644 = vector.broadcast %shift_right_logical3A_643 : i32 to vector<16xi32>
          %shift_right_logical3A_645 = arith.shrui %xor3A_638, %shift_right_logical3A_644 : vector<16xi32>
          %or3A_646 = arith.ori %shift_left3A_642, %shift_right_logical3A_645 : vector<16xi32>
          %xor3A_647 = arith.xori %or3A_646, %add3A_639 : vector<16xi32>
          %add3A_648 = arith.constant 42 : i32
          %add3A_649 = vector.broadcast %add3A_648 : i32 to vector<16xi32>
          %add3A_650 = arith.addi %add3A_639, %add3A_649 : vector<16xi32>
          %add3A_651 = arith.constant 466689012 : i32
          %add3A_652 = vector.broadcast %add3A_651 : i32 to vector<16xi32>
          %add3A_653 = arith.addi %xor3A_647, %add3A_652 : vector<16xi32>
          %add3A_654 = arith.addi %add3A_650, %add3A_653 : vector<16xi32>
          %shift_left3A_655 = arith.constant 13 : i32
          %shift_left3A_656 = vector.broadcast %shift_left3A_655 : i32 to vector<16xi32>
          %shift_left3A_657 = arith.shli %add3A_653, %shift_left3A_656 : vector<16xi32>
          %shift_right_logical3A_658 = arith.constant 19 : i32
          %shift_right_logical3A_659 = vector.broadcast %shift_right_logical3A_658 : i32 to vector<16xi32>
          %shift_right_logical3A_660 = arith.shrui %add3A_653, %shift_right_logical3A_659 : vector<16xi32>
          %or3A_661 = arith.ori %shift_left3A_657, %shift_right_logical3A_660 : vector<16xi32>
          %xor3A_662 = arith.xori %or3A_661, %add3A_654 : vector<16xi32>
          %add3A_663 = arith.addi %add3A_654, %xor3A_662 : vector<16xi32>
          %shift_left3A_664 = arith.constant 15 : i32
          %shift_left3A_665 = vector.broadcast %shift_left3A_664 : i32 to vector<16xi32>
          %shift_left3A_666 = arith.shli %xor3A_662, %shift_left3A_665 : vector<16xi32>
          %shift_right_logical3A_667 = arith.constant 17 : i32
          %shift_right_logical3A_668 = vector.broadcast %shift_right_logical3A_667 : i32 to vector<16xi32>
          %shift_right_logical3A_669 = arith.shrui %xor3A_662, %shift_right_logical3A_668 : vector<16xi32>
          %or3A_670 = arith.ori %shift_left3A_666, %shift_right_logical3A_669 : vector<16xi32>
          %xor3A_671 = arith.xori %or3A_670, %add3A_663 : vector<16xi32>
          %add3A_672 = arith.addi %add3A_663, %xor3A_671 : vector<16xi32>
          %shift_left3A_673 = arith.constant 26 : i32
          %shift_left3A_674 = vector.broadcast %shift_left3A_673 : i32 to vector<16xi32>
          %shift_left3A_675 = arith.shli %xor3A_671, %shift_left3A_674 : vector<16xi32>
          %shift_right_logical3A_676 = arith.constant 6 : i32
          %shift_right_logical3A_677 = vector.broadcast %shift_right_logical3A_676 : i32 to vector<16xi32>
          %shift_right_logical3A_678 = arith.shrui %xor3A_671, %shift_right_logical3A_677 : vector<16xi32>
          %or3A_679 = arith.ori %shift_left3A_675, %shift_right_logical3A_678 : vector<16xi32>
          %xor3A_680 = arith.xori %or3A_679, %add3A_672 : vector<16xi32>
          %add3A_681 = arith.addi %add3A_672, %xor3A_680 : vector<16xi32>
          %shift_left3A_682 = arith.constant 6 : i32
          %shift_left3A_683 = vector.broadcast %shift_left3A_682 : i32 to vector<16xi32>
          %shift_left3A_684 = arith.shli %xor3A_680, %shift_left3A_683 : vector<16xi32>
          %shift_right_logical3A_685 = arith.constant 26 : i32
          %shift_right_logical3A_686 = vector.broadcast %shift_right_logical3A_685 : i32 to vector<16xi32>
          %shift_right_logical3A_687 = arith.shrui %xor3A_680, %shift_right_logical3A_686 : vector<16xi32>
          %or3A_688 = arith.ori %shift_left3A_684, %shift_right_logical3A_687 : vector<16xi32>
          %xor3A_689 = arith.xori %or3A_688, %add3A_681 : vector<16xi32>
          %add3A_690 = arith.constant 466689008 : i32
          %add3A_691 = vector.broadcast %add3A_690 : i32 to vector<16xi32>
          %add3A_692 = arith.addi %add3A_681, %add3A_691 : vector<16xi32>
          %add3A_693 = arith.constant 5 : i32
          %add3A_694 = vector.broadcast %add3A_693 : i32 to vector<16xi32>
          %add3A_695 = arith.addi %xor3A_689, %add3A_694 : vector<16xi32>
          %xor3A_696 = arith.xori %add3A_692, %add3A_695 : vector<16xi32>
          %shift_right_logical3A_697 = arith.constant 9 : i32
          %shift_right_logical3A_698 = vector.broadcast %shift_right_logical3A_697 : i32 to vector<16xi32>
          %shift_right_logical3A_699 = arith.shrui %xor3A_696, %shift_right_logical3A_698 : vector<16xi32>
          %or3A_700 = arith.constant 1065353216 : i32
          %or3A_701 = vector.broadcast %or3A_700 : i32 to vector<16xi32>
          %or3A_702 = arith.ori %shift_right_logical3A_699, %or3A_701 : vector<16xi32>
          %add3A_703 = arith.constant 32 : i32
          %add3A_704 = arith.addi %mul3A_39, %add3A_703 : i32
          %swap3A_705 = arith.index_cast %scan3A_22 : i32 to index
          %swap3A_706 = arith.index_cast %add3A_704 : i32 to index
          %swap3A_707 = tpu.vector_load %arg3[%swap3A_705, %swap3A_706] {strides = array<i32>} : memref<8x1024xi32, #tpu.memory_space<vmem>>, vector<1x16xi32>,
          %swap3A_708 = vector.shape_cast %swap3A_707 : vector<1x16xi32> to vector<16xi32>
          %swap3A_709 = vector.shape_cast %or3A_702 : vector<16xi32> to vector<1x16xi32>
          tpu.vector_store %arg3[%swap3A_705, %swap3A_706], %swap3A_709 {strides = array<i32>} : memref<8x1024xi32, #tpu.memory_space<vmem>>, vector<1x16xi32>,
          %add3A_710 = arith.constant 48 : i32
          %add3A_711 = arith.addi %mul3A_39, %add3A_710 : i32
          %add3A_712 = arith.addi %add3A_28, %add3A_711 : i32
          %add3A_713 = vector.broadcast %add3A_712 : i32 to vector<16xi32>
          %add3A_714 = arith.addi %iota3A, %add3A_713 : vector<16xi32>
          %shift_left3A_715 = arith.constant 13 : i32
          %shift_left3A_716 = vector.broadcast %shift_left3A_715 : i32 to vector<16xi32>
          %shift_left3A_717 = arith.shli %add3A_714, %shift_left3A_716 : vector<16xi32>
          %shift_right_logical3A_718 = arith.constant 19 : i32
          %shift_right_logical3A_719 = vector.broadcast %shift_right_logical3A_718 : i32 to vector<16xi32>
          %shift_right_logical3A_720 = arith.shrui %add3A_714, %shift_right_logical3A_719 : vector<16xi32>
          %or3A_721 = arith.ori %shift_left3A_717, %shift_right_logical3A_720 : vector<16xi32>
          %xor3A_722 = arith.xori %or3A_721, %add3A_714 : vector<16xi32>
          %add3A_723 = arith.addi %add3A_714, %xor3A_722 : vector<16xi32>
          %shift_left3A_724 = arith.constant 15 : i32
          %shift_left3A_725 = vector.broadcast %shift_left3A_724 : i32 to vector<16xi32>
          %shift_left3A_726 = arith.shli %xor3A_722, %shift_left3A_725 : vector<16xi32>
          %shift_right_logical3A_727 = arith.constant 17 : i32
          %shift_right_logical3A_728 = vector.broadcast %shift_right_logical3A_727 : i32 to vector<16xi32>
          %shift_right_logical3A_729 = arith.shrui %xor3A_722, %shift_right_logical3A_728 : vector<16xi32>
          %or3A_730 = arith.ori %shift_left3A_726, %shift_right_logical3A_729 : vector<16xi32>
          %xor3A_731 = arith.xori %or3A_730, %add3A_723 : vector<16xi32>
          %add3A_732 = arith.addi %add3A_723, %xor3A_731 : vector<16xi32>
          %shift_left3A_733 = arith.constant 26 : i32
          %shift_left3A_734 = vector.broadcast %shift_left3A_733 : i32 to vector<16xi32>
          %shift_left3A_735 = arith.shli %xor3A_731, %shift_left3A_734 : vector<16xi32>
          %shift_right_logical3A_736 = arith.constant 6 : i32
          %shift_right_logical3A_737 = vector.broadcast %shift_right_logical3A_736 : i32 to vector<16xi32>
          %shift_right_logical3A_738 = arith.shrui %xor3A_731, %shift_right_logical3A_737 : vector<16xi32>
          %or3A_739 = arith.ori %shift_left3A_735, %shift_right_logical3A_738 : vector<16xi32>
          %xor3A_740 = arith.xori %or3A_739, %add3A_732 : vector<16xi32>
          %add3A_741 = arith.addi %add3A_732, %xor3A_740 : vector<16xi32>
          %shift_left3A_742 = arith.constant 6 : i32
          %shift_left3A_743 = vector.broadcast %shift_left3A_742 : i32 to vector<16xi32>
          %shift_left3A_744 = arith.shli %xor3A_740, %shift_left3A_743 : vector<16xi32>
          %shift_right_logical3A_745 = arith.constant 26 : i32
          %shift_right_logical3A_746 = vector.broadcast %shift_right_logical3A_745 : i32 to vector<16xi32>
          %shift_right_logical3A_747 = arith.shrui %xor3A_740, %shift_right_logical3A_746 : vector<16xi32>
          %or3A_748 = arith.ori %shift_left3A_744, %shift_right_logical3A_747 : vector<16xi32>
          %xor3A_749 = arith.xori %or3A_748, %add3A_741 : vector<16xi32>
          %add3A_750 = arith.constant 42 : i32
          %add3A_751 = vector.broadcast %add3A_750 : i32 to vector<16xi32>
          %add3A_752 = arith.addi %add3A_741, %add3A_751 : vector<16xi32>
          %add3A_753 = arith.constant 466689009 : i32
          %add3A_754 = vector.broadcast %add3A_753 : i32 to vector<16xi32>
          %add3A_755 = arith.addi %xor3A_749, %add3A_754 : vector<16xi32>
          %add3A_756 = arith.addi %add3A_752, %add3A_755 : vector<16xi32>
          %shift_left3A_757 = arith.constant 17 : i32
          %shift_left3A_758 = vector.broadcast %shift_left3A_757 : i32 to vector<16xi32>
          %shift_left3A_759 = arith.shli %add3A_755, %shift_left3A_758 : vector<16xi32>
          %shift_right_logical3A_760 = arith.constant 15 : i32
          %shift_right_logical3A_761 = vector.broadcast %shift_right_logical3A_760 : i32 to vector<16xi32>
          %shift_right_logical3A_762 = arith.shrui %add3A_755, %shift_right_logical3A_761 : vector<16xi32>
          %or3A_763 = arith.ori %shift_left3A_759, %shift_right_logical3A_762 : vector<16xi32>
          %xor3A_764 = arith.xori %or3A_763, %add3A_756 : vector<16xi32>
          %add3A_765 = arith.addi %add3A_756, %xor3A_764 : vector<16xi32>
          %shift_left3A_766 = arith.constant 29 : i32
          %shift_left3A_767 = vector.broadcast %shift_left3A_766 : i32 to vector<16xi32>
          %shift_left3A_768 = arith.shli %xor3A_764, %shift_left3A_767 : vector<16xi32>
          %shift_right_logical3A_769 = arith.constant 3 : i32
          %shift_right_logical3A_770 = vector.broadcast %shift_right_logical3A_769 : i32 to vector<16xi32>
          %shift_right_logical3A_771 = arith.shrui %xor3A_764, %shift_right_logical3A_770 : vector<16xi32>
          %or3A_772 = arith.ori %shift_left3A_768, %shift_right_logical3A_771 : vector<16xi32>
          %xor3A_773 = arith.xori %or3A_772, %add3A_765 : vector<16xi32>
          %add3A_774 = arith.addi %add3A_765, %xor3A_773 : vector<16xi32>
          %shift_left3A_775 = arith.constant 16 : i32
          %shift_left3A_776 = vector.broadcast %shift_left3A_775 : i32 to vector<16xi32>
          %shift_left3A_777 = arith.shli %xor3A_773, %shift_left3A_776 : vector<16xi32>
          %shift_right_logical3A_778 = arith.constant 16 : i32
          %shift_right_logical3A_779 = vector.broadcast %shift_right_logical3A_778 : i32 to vector<16xi32>
          %shift_right_logical3A_780 = arith.shrui %xor3A_773, %shift_right_logical3A_779 : vector<16xi32>
          %or3A_781 = arith.ori %shift_left3A_777, %shift_right_logical3A_780 : vector<16xi32>
          %xor3A_782 = arith.xori %or3A_781, %add3A_774 : vector<16xi32>
          %add3A_783 = arith.addi %add3A_774, %xor3A_782 : vector<16xi32>
          %shift_left3A_784 = arith.constant 24 : i32
          %shift_left3A_785 = vector.broadcast %shift_left3A_784 : i32 to vector<16xi32>
          %shift_left3A_786 = arith.shli %xor3A_782, %shift_left3A_785 : vector<16xi32>
          %shift_right_logical3A_787 = arith.constant 8 : i32
          %shift_right_logical3A_788 = vector.broadcast %shift_right_logical3A_787 : i32 to vector<16xi32>
          %shift_right_logical3A_789 = arith.shrui %xor3A_782, %shift_right_logical3A_788 : vector<16xi32>
          %or3A_790 = arith.ori %shift_left3A_786, %shift_right_logical3A_789 : vector<16xi32>
          %xor3A_791 = arith.xori %or3A_790, %add3A_783 : vector<16xi32>
          %add3A_792 = arith.constant 466689008 : i32
          %add3A_793 = vector.broadcast %add3A_792 : i32 to vector<16xi32>
          %add3A_794 = arith.addi %add3A_783, %add3A_793 : vector<16xi32>
          %add3A_795 = arith.constant 2 : i32
          %add3A_796 = vector.broadcast %add3A_795 : i32 to vector<16xi32>
          %add3A_797 = arith.addi %xor3A_791, %add3A_796 : vector<16xi32>
          %add3A_798 = arith.addi %add3A_794, %add3A_797 : vector<16xi32>
          %shift_left3A_799 = arith.constant 13 : i32
          %shift_left3A_800 = vector.broadcast %shift_left3A_799 : i32 to vector<16xi32>
          %shift_left3A_801 = arith.shli %add3A_797, %shift_left3A_800 : vector<16xi32>
          %shift_right_logical3A_802 = arith.constant 19 : i32
          %shift_right_logical3A_803 = vector.broadcast %shift_right_logical3A_802 : i32 to vector<16xi32>
          %shift_right_logical3A_804 = arith.shrui %add3A_797, %shift_right_logical3A_803 : vector<16xi32>
          %or3A_805 = arith.ori %shift_left3A_801, %shift_right_logical3A_804 : vector<16xi32>
          %xor3A_806 = arith.xori %or3A_805, %add3A_798 : vector<16xi32>
          %add3A_807 = arith.addi %add3A_798, %xor3A_806 : vector<16xi32>
          %shift_left3A_808 = arith.constant 15 : i32
          %shift_left3A_809 = vector.broadcast %shift_left3A_808 : i32 to vector<16xi32>
          %shift_left3A_810 = arith.shli %xor3A_806, %shift_left3A_809 : vector<16xi32>
          %shift_right_logical3A_811 = arith.constant 17 : i32
          %shift_right_logical3A_812 = vector.broadcast %shift_right_logical3A_811 : i32 to vector<16xi32>
          %shift_right_logical3A_813 = arith.shrui %xor3A_806, %shift_right_logical3A_812 : vector<16xi32>
          %or3A_814 = arith.ori %shift_left3A_810, %shift_right_logical3A_813 : vector<16xi32>
          %xor3A_815 = arith.xori %or3A_814, %add3A_807 : vector<16xi32>
          %add3A_816 = arith.addi %add3A_807, %xor3A_815 : vector<16xi32>
          %shift_left3A_817 = arith.constant 26 : i32
          %shift_left3A_818 = vector.broadcast %shift_left3A_817 : i32 to vector<16xi32>
          %shift_left3A_819 = arith.shli %xor3A_815, %shift_left3A_818 : vector<16xi32>
          %shift_right_logical3A_820 = arith.constant 6 : i32
          %shift_right_logical3A_821 = vector.broadcast %shift_right_logical3A_820 : i32 to vector<16xi32>
          %shift_right_logical3A_822 = arith.shrui %xor3A_815, %shift_right_logical3A_821 : vector<16xi32>
          %or3A_823 = arith.ori %shift_left3A_819, %shift_right_logical3A_822 : vector<16xi32>
          %xor3A_824 = arith.xori %or3A_823, %add3A_816 : vector<16xi32>
          %add3A_825 = arith.addi %add3A_816, %xor3A_824 : vector<16xi32>
          %shift_left3A_826 = arith.constant 6 : i32
          %shift_left3A_827 = vector.broadcast %shift_left3A_826 : i32 to vector<16xi32>
          %shift_left3A_828 = arith.shli %xor3A_824, %shift_left3A_827 : vector<16xi32>
          %shift_right_logical3A_829 = arith.constant 26 : i32
          %shift_right_logical3A_830 = vector.broadcast %shift_right_logical3A_829 : i32 to vector<16xi32>
          %shift_right_logical3A_831 = arith.shrui %xor3A_824, %shift_right_logical3A_830 : vector<16xi32>
          %or3A_832 = arith.ori %shift_left3A_828, %shift_right_logical3A_831 : vector<16xi32>
          %xor3A_833 = arith.xori %or3A_832, %add3A_825 : vector<16xi32>
          %add3A_834 = arith.constant 45 : i32
          %add3A_835 = vector.broadcast %add3A_834 : i32 to vector<16xi32>
          %add3A_836 = arith.addi %xor3A_833, %add3A_835 : vector<16xi32>
          %add3A_837 = arith.addi %add3A_825, %add3A_836 : vector<16xi32>
          %shift_left3A_838 = arith.constant 17 : i32
          %shift_left3A_839 = vector.broadcast %shift_left3A_838 : i32 to vector<16xi32>
          %shift_left3A_840 = arith.shli %add3A_836, %shift_left3A_839 : vector<16xi32>
          %shift_right_logical3A_841 = arith.constant 15 : i32
          %shift_right_logical3A_842 = vector.broadcast %shift_right_logical3A_841 : i32 to vector<16xi32>
          %shift_right_logical3A_843 = arith.shrui %add3A_836, %shift_right_logical3A_842 : vector<16xi32>
          %or3A_844 = arith.ori %shift_left3A_840, %shift_right_logical3A_843 : vector<16xi32>
          %xor3A_845 = arith.xori %or3A_844, %add3A_837 : vector<16xi32>
          %add3A_846 = arith.addi %add3A_837, %xor3A_845 : vector<16xi32>
          %shift_left3A_847 = arith.constant 29 : i32
          %shift_left3A_848 = vector.broadcast %shift_left3A_847 : i32 to vector<16xi32>
          %shift_left3A_849 = arith.shli %xor3A_845, %shift_left3A_848 : vector<16xi32>
          %shift_right_logical3A_850 = arith.constant 3 : i32
          %shift_right_logical3A_851 = vector.broadcast %shift_right_logical3A_850 : i32 to vector<16xi32>
          %shift_right_logical3A_852 = arith.shrui %xor3A_845, %shift_right_logical3A_851 : vector<16xi32>
          %or3A_853 = arith.ori %shift_left3A_849, %shift_right_logical3A_852 : vector<16xi32>
          %xor3A_854 = arith.xori %or3A_853, %add3A_846 : vector<16xi32>
          %add3A_855 = arith.addi %add3A_846, %xor3A_854 : vector<16xi32>
          %shift_left3A_856 = arith.constant 16 : i32
          %shift_left3A_857 = vector.broadcast %shift_left3A_856 : i32 to vector<16xi32>
          %shift_left3A_858 = arith.shli %xor3A_854, %shift_left3A_857 : vector<16xi32>
          %shift_right_logical3A_859 = arith.constant 16 : i32
          %shift_right_logical3A_860 = vector.broadcast %shift_right_logical3A_859 : i32 to vector<16xi32>
          %shift_right_logical3A_861 = arith.shrui %xor3A_854, %shift_right_logical3A_860 : vector<16xi32>
          %or3A_862 = arith.ori %shift_left3A_858, %shift_right_logical3A_861 : vector<16xi32>
          %xor3A_863 = arith.xori %or3A_862, %add3A_855 : vector<16xi32>
          %add3A_864 = arith.addi %add3A_855, %xor3A_863 : vector<16xi32>
          %shift_left3A_865 = arith.constant 24 : i32
          %shift_left3A_866 = vector.broadcast %shift_left3A_865 : i32 to vector<16xi32>
          %shift_left3A_867 = arith.shli %xor3A_863, %shift_left3A_866 : vector<16xi32>
          %shift_right_logical3A_868 = arith.constant 8 : i32
          %shift_right_logical3A_869 = vector.broadcast %shift_right_logical3A_868 : i32 to vector<16xi32>
          %shift_right_logical3A_870 = arith.shrui %xor3A_863, %shift_right_logical3A_869 : vector<16xi32>
          %or3A_871 = arith.ori %shift_left3A_867, %shift_right_logical3A_870 : vector<16xi32>
          %xor3A_872 = arith.xori %or3A_871, %add3A_864 : vector<16xi32>
          %add3A_873 = arith.constant 42 : i32
          %add3A_874 = vector.broadcast %add3A_873 : i32 to vector<16xi32>
          %add3A_875 = arith.addi %add3A_864, %add3A_874 : vector<16xi32>
          %add3A_876 = arith.constant 466689012 : i32
          %add3A_877 = vector.broadcast %add3A_876 : i32 to vector<16xi32>
          %add3A_878 = arith.addi %xor3A_872, %add3A_877 : vector<16xi32>
          %add3A_879 = arith.addi %add3A_875, %add3A_878 : vector<16xi32>
          %shift_left3A_880 = arith.constant 13 : i32
          %shift_left3A_881 = vector.broadcast %shift_left3A_880 : i32 to vector<16xi32>
          %shift_left3A_882 = arith.shli %add3A_878, %shift_left3A_881 : vector<16xi32>
          %shift_right_logical3A_883 = arith.constant 19 : i32
          %shift_right_logical3A_884 = vector.broadcast %shift_right_logical3A_883 : i32 to vector<16xi32>
          %shift_right_logical3A_885 = arith.shrui %add3A_878, %shift_right_logical3A_884 : vector<16xi32>
          %or3A_886 = arith.ori %shift_left3A_882, %shift_right_logical3A_885 : vector<16xi32>
          %xor3A_887 = arith.xori %or3A_886, %add3A_879 : vector<16xi32>
          %add3A_888 = arith.addi %add3A_879, %xor3A_887 : vector<16xi32>
          %shift_left3A_889 = arith.constant 15 : i32
          %shift_left3A_890 = vector.broadcast %shift_left3A_889 : i32 to vector<16xi32>
          %shift_left3A_891 = arith.shli %xor3A_887, %shift_left3A_890 : vector<16xi32>
          %shift_right_logical3A_892 = arith.constant 17 : i32
          %shift_right_logical3A_893 = vector.broadcast %shift_right_logical3A_892 : i32 to vector<16xi32>
          %shift_right_logical3A_894 = arith.shrui %xor3A_887, %shift_right_logical3A_893 : vector<16xi32>
          %or3A_895 = arith.ori %shift_left3A_891, %shift_right_logical3A_894 : vector<16xi32>
          %xor3A_896 = arith.xori %or3A_895, %add3A_888 : vector<16xi32>
          %add3A_897 = arith.addi %add3A_888, %xor3A_896 : vector<16xi32>
          %shift_left3A_898 = arith.constant 26 : i32
          %shift_left3A_899 = vector.broadcast %shift_left3A_898 : i32 to vector<16xi32>
          %shift_left3A_900 = arith.shli %xor3A_896, %shift_left3A_899 : vector<16xi32>
          %shift_right_logical3A_901 = arith.constant 6 : i32
          %shift_right_logical3A_902 = vector.broadcast %shift_right_logical3A_901 : i32 to vector<16xi32>
          %shift_right_logical3A_903 = arith.shrui %xor3A_896, %shift_right_logical3A_902 : vector<16xi32>
          %or3A_904 = arith.ori %shift_left3A_900, %shift_right_logical3A_903 : vector<16xi32>
          %xor3A_905 = arith.xori %or3A_904, %add3A_897 : vector<16xi32>
          %add3A_906 = arith.addi %add3A_897, %xor3A_905 : vector<16xi32>
          %shift_left3A_907 = arith.constant 6 : i32
          %shift_left3A_908 = vector.broadcast %shift_left3A_907 : i32 to vector<16xi32>
          %shift_left3A_909 = arith.shli %xor3A_905, %shift_left3A_908 : vector<16xi32>
          %shift_right_logical3A_910 = arith.constant 26 : i32
          %shift_right_logical3A_911 = vector.broadcast %shift_right_logical3A_910 : i32 to vector<16xi32>
          %shift_right_logical3A_912 = arith.shrui %xor3A_905, %shift_right_logical3A_911 : vector<16xi32>
          %or3A_913 = arith.ori %shift_left3A_909, %shift_right_logical3A_912 : vector<16xi32>
          %xor3A_914 = arith.xori %or3A_913, %add3A_906 : vector<16xi32>
          %add3A_915 = arith.constant 466689008 : i32
          %add3A_916 = vector.broadcast %add3A_915 : i32 to vector<16xi32>
          %add3A_917 = arith.addi %add3A_906, %add3A_916 : vector<16xi32>
          %add3A_918 = arith.constant 5 : i32
          %add3A_919 = vector.broadcast %add3A_918 : i32 to vector<16xi32>
          %add3A_920 = arith.addi %xor3A_914, %add3A_919 : vector<16xi32>
          %xor3A_921 = arith.xori %add3A_917, %add3A_920 : vector<16xi32>
          %shift_right_logical3A_922 = arith.constant 9 : i32
          %shift_right_logical3A_923 = vector.broadcast %shift_right_logical3A_922 : i32 to vector<16xi32>
          %shift_right_logical3A_924 = arith.shrui %xor3A_921, %shift_right_logical3A_923 : vector<16xi32>
          %or3A_925 = arith.constant 1065353216 : i32
          %or3A_926 = vector.broadcast %or3A_925 : i32 to vector<16xi32>
          %or3A_927 = arith.ori %shift_right_logical3A_924, %or3A_926 : vector<16xi32>
          %add3A_928 = arith.constant 48 : i32
          %add3A_929 = arith.addi %mul3A_39, %add3A_928 : i32
          %swap3A_930 = arith.index_cast %scan3A_22 : i32 to index
          %swap3A_931 = arith.index_cast %add3A_929 : i32 to index
          %swap3A_932 = tpu.vector_load %arg3[%swap3A_930, %swap3A_931] {strides = array<i32>} : memref<8x1024xi32, #tpu.memory_space<vmem>>, vector<1x16xi32>,
          %swap3A_933 = vector.shape_cast %swap3A_932 : vector<1x16xi32> to vector<16xi32>
          %swap3A_934 = vector.shape_cast %or3A_927 : vector<16xi32> to vector<1x16xi32>
          tpu.vector_store %arg3[%swap3A_930, %swap3A_931], %swap3A_934 {strides = array<i32>} : memref<8x1024xi32, #tpu.memory_space<vmem>>, vector<1x16xi32>,
          %add3A_935 = arith.constant 64 : i32
          %add3A_936 = arith.addi %mul3A_39, %add3A_935 : i32
          %add3A_937 = arith.addi %add3A_28, %add3A_936 : i32
          %add3A_938 = vector.broadcast %add3A_937 : i32 to vector<16xi32>
          %add3A_939 = arith.addi %iota3A, %add3A_938 : vector<16xi32>
          %shift_left3A_940 = arith.constant 13 : i32
          %shift_left3A_941 = vector.broadcast %shift_left3A_940 : i32 to vector<16xi32>
          %shift_left3A_942 = arith.shli %add3A_939, %shift_left3A_941 : vector<16xi32>
          %shift_right_logical3A_943 = arith.constant 19 : i32
          %shift_right_logical3A_944 = vector.broadcast %shift_right_logical3A_943 : i32 to vector<16xi32>
          %shift_right_logical3A_945 = arith.shrui %add3A_939, %shift_right_logical3A_944 : vector<16xi32>
          %or3A_946 = arith.ori %shift_left3A_942, %shift_right_logical3A_945 : vector<16xi32>
          %xor3A_947 = arith.xori %or3A_946, %add3A_939 : vector<16xi32>
          %add3A_948 = arith.addi %add3A_939, %xor3A_947 : vector<16xi32>
          %shift_left3A_949 = arith.constant 15 : i32
          %shift_left3A_950 = vector.broadcast %shift_left3A_949 : i32 to vector<16xi32>
          %shift_left3A_951 = arith.shli %xor3A_947, %shift_left3A_950 : vector<16xi32>
          %shift_right_logical3A_952 = arith.constant 17 : i32
          %shift_right_logical3A_953 = vector.broadcast %shift_right_logical3A_952 : i32 to vector<16xi32>
          %shift_right_logical3A_954 = arith.shrui %xor3A_947, %shift_right_logical3A_953 : vector<16xi32>
          %or3A_955 = arith.ori %shift_left3A_951, %shift_right_logical3A_954 : vector<16xi32>
          %xor3A_956 = arith.xori %or3A_955, %add3A_948 : vector<16xi32>
          %add3A_957 = arith.addi %add3A_948, %xor3A_956 : vector<16xi32>
          %shift_left3A_958 = arith.constant 26 : i32
          %shift_left3A_959 = vector.broadcast %shift_left3A_958 : i32 to vector<16xi32>
          %shift_left3A_960 = arith.shli %xor3A_956, %shift_left3A_959 : vector<16xi32>
          %shift_right_logical3A_961 = arith.constant 6 : i32
          %shift_right_logical3A_962 = vector.broadcast %shift_right_logical3A_961 : i32 to vector<16xi32>
          %shift_right_logical3A_963 = arith.shrui %xor3A_956, %shift_right_logical3A_962 : vector<16xi32>
          %or3A_964 = arith.ori %shift_left3A_960, %shift_right_logical3A_963 : vector<16xi32>
          %xor3A_965 = arith.xori %or3A_964, %add3A_957 : vector<16xi32>
          %add3A_966 = arith.addi %add3A_957, %xor3A_965 : vector<16xi32>
          %shift_left3A_967 = arith.constant 6 : i32
          %shift_left3A_968 = vector.broadcast %shift_left3A_967 : i32 to vector<16xi32>
          %shift_left3A_969 = arith.shli %xor3A_965, %shift_left3A_968 : vector<16xi32>
          %shift_right_logical3A_970 = arith.constant 26 : i32
          %shift_right_logical3A_971 = vector.broadcast %shift_right_logical3A_970 : i32 to vector<16xi32>
          %shift_right_logical3A_972 = arith.shrui %xor3A_965, %shift_right_logical3A_971 : vector<16xi32>
          %or3A_973 = arith.ori %shift_left3A_969, %shift_right_logical3A_972 : vector<16xi32>
          %xor3A_974 = arith.xori %or3A_973, %add3A_966 : vector<16xi32>
          %add3A_975 = arith.constant 42 : i32
          %add3A_976 = vector.broadcast %add3A_975 : i32 to vector<16xi32>
          %add3A_977 = arith.addi %add3A_966, %add3A_976 : vector<16xi32>
          %add3A_978 = arith.constant 466689009 : i32
          %add3A_979 = vector.broadcast %add3A_978 : i32 to vector<16xi32>
          %add3A_980 = arith.addi %xor3A_974, %add3A_979 : vector<16xi32>
          %add3A_981 = arith.addi %add3A_977, %add3A_980 : vector<16xi32>
          %shift_left3A_982 = arith.constant 17 : i32
          %shift_left3A_983 = vector.broadcast %shift_left3A_982 : i32 to vector<16xi32>
          %shift_left3A_984 = arith.shli %add3A_980, %shift_left3A_983 : vector<16xi32>
          %shift_right_logical3A_985 = arith.constant 15 : i32
          %shift_right_logical3A_986 = vector.broadcast %shift_right_logical3A_985 : i32 to vector<16xi32>
          %shift_right_logical3A_987 = arith.shrui %add3A_980, %shift_right_logical3A_986 : vector<16xi32>
          %or3A_988 = arith.ori %shift_left3A_984, %shift_right_logical3A_987 : vector<16xi32>
          %xor3A_989 = arith.xori %or3A_988, %add3A_981 : vector<16xi32>
          %add3A_990 = arith.addi %add3A_981, %xor3A_989 : vector<16xi32>
          %shift_left3A_991 = arith.constant 29 : i32
          %shift_left3A_992 = vector.broadcast %shift_left3A_991 : i32 to vector<16xi32>
          %shift_left3A_993 = arith.shli %xor3A_989, %shift_left3A_992 : vector<16xi32>
          %shift_right_logical3A_994 = arith.constant 3 : i32
          %shift_right_logical3A_995 = vector.broadcast %shift_right_logical3A_994 : i32 to vector<16xi32>
          %shift_right_logical3A_996 = arith.shrui %xor3A_989, %shift_right_logical3A_995 : vector<16xi32>
          %or3A_997 = arith.ori %shift_left3A_993, %shift_right_logical3A_996 : vector<16xi32>
          %xor3A_998 = arith.xori %or3A_997, %add3A_990 : vector<16xi32>
          %add3A_999 = arith.addi %add3A_990, %xor3A_998 : vector<16xi32>
          %shift_left3A_1000 = arith.constant 16 : i32
          %shift_left3A_1001 = vector.broadcast %shift_left3A_1000 : i32 to vector<16xi32>
          %shift_left3A_1002 = arith.shli %xor3A_998, %shift_left3A_1001 : vector<16xi32>
          %shift_right_logical3A_1003 = arith.constant 16 : i32
          %shift_right_logical3A_1004 = vector.broadcast %shift_right_logical3A_1003 : i32 to vector<16xi32>
          %shift_right_logical3A_1005 = arith.shrui %xor3A_998, %shift_right_logical3A_1004 : vector<16xi32>
          %or3A_1006 = arith.ori %shift_left3A_1002, %shift_right_logical3A_1005 : vector<16xi32>
          %xor3A_1007 = arith.xori %or3A_1006, %add3A_999 : vector<16xi32>
          %add3A_1008 = arith.addi %add3A_999, %xor3A_1007 : vector<16xi32>
          %shift_left3A_1009 = arith.constant 24 : i32
          %shift_left3A_1010 = vector.broadcast %shift_left3A_1009 : i32 to vector<16xi32>
          %shift_left3A_1011 = arith.shli %xor3A_1007, %shift_left3A_1010 : vector<16xi32>
          %shift_right_logical3A_1012 = arith.constant 8 : i32
          %shift_right_logical3A_1013 = vector.broadcast %shift_right_logical3A_1012 : i32 to vector<16xi32>
          %shift_right_logical3A_1014 = arith.shrui %xor3A_1007, %shift_right_logical3A_1013 : vector<16xi32>
          %or3A_1015 = arith.ori %shift_left3A_1011, %shift_right_logical3A_1014 : vector<16xi32>
          %xor3A_1016 = arith.xori %or3A_1015, %add3A_1008 : vector<16xi32>
          %add3A_1017 = arith.constant 466689008 : i32
          %add3A_1018 = vector.broadcast %add3A_1017 : i32 to vector<16xi32>
          %add3A_1019 = arith.addi %add3A_1008, %add3A_1018 : vector<16xi32>
          %add3A_1020 = arith.constant 2 : i32
          %add3A_1021 = vector.broadcast %add3A_1020 : i32 to vector<16xi32>
          %add3A_1022 = arith.addi %xor3A_1016, %add3A_1021 : vector<16xi32>
          %add3A_1023 = arith.addi %add3A_1019, %add3A_1022 : vector<16xi32>
          %shift_left3A_1024 = arith.constant 13 : i32
          %shift_left3A_1025 = vector.broadcast %shift_left3A_1024 : i32 to vector<16xi32>
          %shift_left3A_1026 = arith.shli %add3A_1022, %shift_left3A_1025 : vector<16xi32>
          %shift_right_logical3A_1027 = arith.constant 19 : i32
          %shift_right_logical3A_1028 = vector.broadcast %shift_right_logical3A_1027 : i32 to vector<16xi32>
          %shift_right_logical3A_1029 = arith.shrui %add3A_1022, %shift_right_logical3A_1028 : vector<16xi32>
          %or3A_1030 = arith.ori %shift_left3A_1026, %shift_right_logical3A_1029 : vector<16xi32>
          %xor3A_1031 = arith.xori %or3A_1030, %add3A_1023 : vector<16xi32>
          %add3A_1032 = arith.addi %add3A_1023, %xor3A_1031 : vector<16xi32>
          %shift_left3A_1033 = arith.constant 15 : i32
          %shift_left3A_1034 = vector.broadcast %shift_left3A_1033 : i32 to vector<16xi32>
          %shift_left3A_1035 = arith.shli %xor3A_1031, %shift_left3A_1034 : vector<16xi32>
          %shift_right_logical3A_1036 = arith.constant 17 : i32
          %shift_right_logical3A_1037 = vector.broadcast %shift_right_logical3A_1036 : i32 to vector<16xi32>
          %shift_right_logical3A_1038 = arith.shrui %xor3A_1031, %shift_right_logical3A_1037 : vector<16xi32>
          %or3A_1039 = arith.ori %shift_left3A_1035, %shift_right_logical3A_1038 : vector<16xi32>
          %xor3A_1040 = arith.xori %or3A_1039, %add3A_1032 : vector<16xi32>
          %add3A_1041 = arith.addi %add3A_1032, %xor3A_1040 : vector<16xi32>
          %shift_left3A_1042 = arith.constant 26 : i32
          %shift_left3A_1043 = vector.broadcast %shift_left3A_1042 : i32 to vector<16xi32>
          %shift_left3A_1044 = arith.shli %xor3A_1040, %shift_left3A_1043 : vector<16xi32>
          %shift_right_logical3A_1045 = arith.constant 6 : i32
          %shift_right_logical3A_1046 = vector.broadcast %shift_right_logical3A_1045 : i32 to vector<16xi32>
          %shift_right_logical3A_1047 = arith.shrui %xor3A_1040, %shift_right_logical3A_1046 : vector<16xi32>
          %or3A_1048 = arith.ori %shift_left3A_1044, %shift_right_logical3A_1047 : vector<16xi32>
          %xor3A_1049 = arith.xori %or3A_1048, %add3A_1041 : vector<16xi32>
          %add3A_1050 = arith.addi %add3A_1041, %xor3A_1049 : vector<16xi32>
          %shift_left3A_1051 = arith.constant 6 : i32
          %shift_left3A_1052 = vector.broadcast %shift_left3A_1051 : i32 to vector<16xi32>
          %shift_left3A_1053 = arith.shli %xor3A_1049, %shift_left3A_1052 : vector<16xi32>
          %shift_right_logical3A_1054 = arith.constant 26 : i32
          %shift_right_logical3A_1055 = vector.broadcast %shift_right_logical3A_1054 : i32 to vector<16xi32>
          %shift_right_logical3A_1056 = arith.shrui %xor3A_1049, %shift_right_logical3A_1055 : vector<16xi32>
          %or3A_1057 = arith.ori %shift_left3A_1053, %shift_right_logical3A_1056 : vector<16xi32>
          %xor3A_1058 = arith.xori %or3A_1057, %add3A_1050 : vector<16xi32>
          %add3A_1059 = arith.constant 45 : i32
          %add3A_1060 = vector.broadcast %add3A_1059 : i32 to vector<16xi32>
          %add3A_1061 = arith.addi %xor3A_1058, %add3A_1060 : vector<16xi32>
          %add3A_1062 = arith.addi %add3A_1050, %add3A_1061 : vector<16xi32>
          %shift_left3A_1063 = arith.constant 17 : i32
          %shift_left3A_1064 = vector.broadcast %shift_left3A_1063 : i32 to vector<16xi32>
          %shift_left3A_1065 = arith.shli %add3A_1061, %shift_left3A_1064 : vector<16xi32>
          %shift_right_logical3A_1066 = arith.constant 15 : i32
          %shift_right_logical3A_1067 = vector.broadcast %shift_right_logical3A_1066 : i32 to vector<16xi32>
          %shift_right_logical3A_1068 = arith.shrui %add3A_1061, %shift_right_logical3A_1067 : vector<16xi32>
          %or3A_1069 = arith.ori %shift_left3A_1065, %shift_right_logical3A_1068 : vector<16xi32>
          %xor3A_1070 = arith.xori %or3A_1069, %add3A_1062 : vector<16xi32>
          %add3A_1071 = arith.addi %add3A_1062, %xor3A_1070 : vector<16xi32>
          %shift_left3A_1072 = arith.constant 29 : i32
          %shift_left3A_1073 = vector.broadcast %shift_left3A_1072 : i32 to vector<16xi32>
          %shift_left3A_1074 = arith.shli %xor3A_1070, %shift_left3A_1073 : vector<16xi32>
          %shift_right_logical3A_1075 = arith.constant 3 : i32
          %shift_right_logical3A_1076 = vector.broadcast %shift_right_logical3A_1075 : i32 to vector<16xi32>
          %shift_right_logical3A_1077 = arith.shrui %xor3A_1070, %shift_right_logical3A_1076 : vector<16xi32>
          %or3A_1078 = arith.ori %shift_left3A_1074, %shift_right_logical3A_1077 : vector<16xi32>
          %xor3A_1079 = arith.xori %or3A_1078, %add3A_1071 : vector<16xi32>
          %add3A_1080 = arith.addi %add3A_1071, %xor3A_1079 : vector<16xi32>
          %shift_left3A_1081 = arith.constant 16 : i32
          %shift_left3A_1082 = vector.broadcast %shift_left3A_1081 : i32 to vector<16xi32>
          %shift_left3A_1083 = arith.shli %xor3A_1079, %shift_left3A_1082 : vector<16xi32>
          %shift_right_logical3A_1084 = arith.constant 16 : i32
          %shift_right_logical3A_1085 = vector.broadcast %shift_right_logical3A_1084 : i32 to vector<16xi32>
          %shift_right_logical3A_1086 = arith.shrui %xor3A_1079, %shift_right_logical3A_1085 : vector<16xi32>
          %or3A_1087 = arith.ori %shift_left3A_1083, %shift_right_logical3A_1086 : vector<16xi32>
          %xor3A_1088 = arith.xori %or3A_1087, %add3A_1080 : vector<16xi32>
          %add3A_1089 = arith.addi %add3A_1080, %xor3A_1088 : vector<16xi32>
          %shift_left3A_1090 = arith.constant 24 : i32
          %shift_left3A_1091 = vector.broadcast %shift_left3A_1090 : i32 to vector<16xi32>
          %shift_left3A_1092 = arith.shli %xor3A_1088, %shift_left3A_1091 : vector<16xi32>
          %shift_right_logical3A_1093 = arith.constant 8 : i32
          %shift_right_logical3A_1094 = vector.broadcast %shift_right_logical3A_1093 : i32 to vector<16xi32>
          %shift_right_logical3A_1095 = arith.shrui %xor3A_1088, %shift_right_logical3A_1094 : vector<16xi32>
          %or3A_1096 = arith.ori %shift_left3A_1092, %shift_right_logical3A_1095 : vector<16xi32>
          %xor3A_1097 = arith.xori %or3A_1096, %add3A_1089 : vector<16xi32>
          %add3A_1098 = arith.constant 42 : i32
          %add3A_1099 = vector.broadcast %add3A_1098 : i32 to vector<16xi32>
          %add3A_1100 = arith.addi %add3A_1089, %add3A_1099 : vector<16xi32>
          %add3A_1101 = arith.constant 466689012 : i32
          %add3A_1102 = vector.broadcast %add3A_1101 : i32 to vector<16xi32>
          %add3A_1103 = arith.addi %xor3A_1097, %add3A_1102 : vector<16xi32>
          %add3A_1104 = arith.addi %add3A_1100, %add3A_1103 : vector<16xi32>
          %shift_left3A_1105 = arith.constant 13 : i32
          %shift_left3A_1106 = vector.broadcast %shift_left3A_1105 : i32 to vector<16xi32>
          %shift_left3A_1107 = arith.shli %add3A_1103, %shift_left3A_1106 : vector<16xi32>
          %shift_right_logical3A_1108 = arith.constant 19 : i32
          %shift_right_logical3A_1109 = vector.broadcast %shift_right_logical3A_1108 : i32 to vector<16xi32>
          %shift_right_logical3A_1110 = arith.shrui %add3A_1103, %shift_right_logical3A_1109 : vector<16xi32>
          %or3A_1111 = arith.ori %shift_left3A_1107, %shift_right_logical3A_1110 : vector<16xi32>
          %xor3A_1112 = arith.xori %or3A_1111, %add3A_1104 : vector<16xi32>
          %add3A_1113 = arith.addi %add3A_1104, %xor3A_1112 : vector<16xi32>
          %shift_left3A_1114 = arith.constant 15 : i32
          %shift_left3A_1115 = vector.broadcast %shift_left3A_1114 : i32 to vector<16xi32>
          %shift_left3A_1116 = arith.shli %xor3A_1112, %shift_left3A_1115 : vector<16xi32>
          %shift_right_logical3A_1117 = arith.constant 17 : i32
          %shift_right_logical3A_1118 = vector.broadcast %shift_right_logical3A_1117 : i32 to vector<16xi32>
          %shift_right_logical3A_1119 = arith.shrui %xor3A_1112, %shift_right_logical3A_1118 : vector<16xi32>
          %or3A_1120 = arith.ori %shift_left3A_1116, %shift_right_logical3A_1119 : vector<16xi32>
          %xor3A_1121 = arith.xori %or3A_1120, %add3A_1113 : vector<16xi32>
          %add3A_1122 = arith.addi %add3A_1113, %xor3A_1121 : vector<16xi32>
          %shift_left3A_1123 = arith.constant 26 : i32
          %shift_left3A_1124 = vector.broadcast %shift_left3A_1123 : i32 to vector<16xi32>
          %shift_left3A_1125 = arith.shli %xor3A_1121, %shift_left3A_1124 : vector<16xi32>
          %shift_right_logical3A_1126 = arith.constant 6 : i32
          %shift_right_logical3A_1127 = vector.broadcast %shift_right_logical3A_1126 : i32 to vector<16xi32>
          %shift_right_logical3A_1128 = arith.shrui %xor3A_1121, %shift_right_logical3A_1127 : vector<16xi32>
          %or3A_1129 = arith.ori %shift_left3A_1125, %shift_right_logical3A_1128 : vector<16xi32>
          %xor3A_1130 = arith.xori %or3A_1129, %add3A_1122 : vector<16xi32>
          %add3A_1131 = arith.addi %add3A_1122, %xor3A_1130 : vector<16xi32>
          %shift_left3A_1132 = arith.constant 6 : i32
          %shift_left3A_1133 = vector.broadcast %shift_left3A_1132 : i32 to vector<16xi32>
          %shift_left3A_1134 = arith.shli %xor3A_1130, %shift_left3A_1133 : vector<16xi32>
          %shift_right_logical3A_1135 = arith.constant 26 : i32
          %shift_right_logical3A_1136 = vector.broadcast %shift_right_logical3A_1135 : i32 to vector<16xi32>
          %shift_right_logical3A_1137 = arith.shrui %xor3A_1130, %shift_right_logical3A_1136 : vector<16xi32>
          %or3A_1138 = arith.ori %shift_left3A_1134, %shift_right_logical3A_1137 : vector<16xi32>
          %xor3A_1139 = arith.xori %or3A_1138, %add3A_1131 : vector<16xi32>
          %add3A_1140 = arith.constant 466689008 : i32
          %add3A_1141 = vector.broadcast %add3A_1140 : i32 to vector<16xi32>
          %add3A_1142 = arith.addi %add3A_1131, %add3A_1141 : vector<16xi32>
          %add3A_1143 = arith.constant 5 : i32
          %add3A_1144 = vector.broadcast %add3A_1143 : i32 to vector<16xi32>
          %add3A_1145 = arith.addi %xor3A_1139, %add3A_1144 : vector<16xi32>
          %xor3A_1146 = arith.xori %add3A_1142, %add3A_1145 : vector<16xi32>
          %shift_right_logical3A_1147 = arith.constant 9 : i32
          %shift_right_logical3A_1148 = vector.broadcast %shift_right_logical3A_1147 : i32 to vector<16xi32>
          %shift_right_logical3A_1149 = arith.shrui %xor3A_1146, %shift_right_logical3A_1148 : vector<16xi32>
          %or3A_1150 = arith.constant 1065353216 : i32
          %or3A_1151 = vector.broadcast %or3A_1150 : i32 to vector<16xi32>
          %or3A_1152 = arith.ori %shift_right_logical3A_1149, %or3A_1151 : vector<16xi32>
          %add3A_1153 = arith.constant 64 : i32
          %add3A_1154 = arith.addi %mul3A_39, %add3A_1153 : i32
          %swap3A_1155 = arith.index_cast %scan3A_22 : i32 to index
          %swap3A_1156 = arith.index_cast %add3A_1154 : i32 to index
          %swap3A_1157 = tpu.vector_load %arg3[%swap3A_1155, %swap3A_1156] {strides = array<i32>} : memref<8x1024xi32, #tpu.memory_space<vmem>>, vector<1x16xi32>,
          %swap3A_1158 = vector.shape_cast %swap3A_1157 : vector<1x16xi32> to vector<16xi32>
          %swap3A_1159 = vector.shape_cast %or3A_1152 : vector<16xi32> to vector<1x16xi32>
          tpu.vector_store %arg3[%swap3A_1155, %swap3A_1156], %swap3A_1159 {strides = array<i32>} : memref<8x1024xi32, #tpu.memory_space<vmem>>, vector<1x16xi32>,
          %add3A_1160 = arith.constant 80 : i32
          %add3A_1161 = arith.addi %mul3A_39, %add3A_1160 : i32
          %add3A_1162 = arith.addi %add3A_28, %add3A_1161 : i32
          %add3A_1163 = vector.broadcast %add3A_1162 : i32 to vector<16xi32>
          %add3A_1164 = arith.addi %iota3A, %add3A_1163 : vector<16xi32>
          %shift_left3A_1165 = arith.constant 13 : i32
          %shift_left3A_1166 = vector.broadcast %shift_left3A_1165 : i32 to vector<16xi32>
          %shift_left3A_1167 = arith.shli %add3A_1164, %shift_left3A_1166 : vector<16xi32>
          %shift_right_logical3A_1168 = arith.constant 19 : i32
          %shift_right_logical3A_1169 = vector.broadcast %shift_right_logical3A_1168 : i32 to vector<16xi32>
          %shift_right_logical3A_1170 = arith.shrui %add3A_1164, %shift_right_logical3A_1169 : vector<16xi32>
          %or3A_1171 = arith.ori %shift_left3A_1167, %shift_right_logical3A_1170 : vector<16xi32>
          %xor3A_1172 = arith.xori %or3A_1171, %add3A_1164 : vector<16xi32>
          %add3A_1173 = arith.addi %add3A_1164, %xor3A_1172 : vector<16xi32>
          %shift_left3A_1174 = arith.constant 15 : i32
          %shift_left3A_1175 = vector.broadcast %shift_left3A_1174 : i32 to vector<16xi32>
          %shift_left3A_1176 = arith.shli %xor3A_1172, %shift_left3A_1175 : vector<16xi32>
          %shift_right_logical3A_1177 = arith.constant 17 : i32
          %shift_right_logical3A_1178 = vector.broadcast %shift_right_logical3A_1177 : i32 to vector<16xi32>
          %shift_right_logical3A_1179 = arith.shrui %xor3A_1172, %shift_right_logical3A_1178 : vector<16xi32>
          %or3A_1180 = arith.ori %shift_left3A_1176, %shift_right_logical3A_1179 : vector<16xi32>
          %xor3A_1181 = arith.xori %or3A_1180, %add3A_1173 : vector<16xi32>
          %add3A_1182 = arith.addi %add3A_1173, %xor3A_1181 : vector<16xi32>
          %shift_left3A_1183 = arith.constant 26 : i32
          %shift_left3A_1184 = vector.broadcast %shift_left3A_1183 : i32 to vector<16xi32>
          %shift_left3A_1185 = arith.shli %xor3A_1181, %shift_left3A_1184 : vector<16xi32>
          %shift_right_logical3A_1186 = arith.constant 6 : i32
          %shift_right_logical3A_1187 = vector.broadcast %shift_right_logical3A_1186 : i32 to vector<16xi32>
          %shift_right_logical3A_1188 = arith.shrui %xor3A_1181, %shift_right_logical3A_1187 : vector<16xi32>
          %or3A_1189 = arith.ori %shift_left3A_1185, %shift_right_logical3A_1188 : vector<16xi32>
          %xor3A_1190 = arith.xori %or3A_1189, %add3A_1182 : vector<16xi32>
          %add3A_1191 = arith.addi %add3A_1182, %xor3A_1190 : vector<16xi32>
          %shift_left3A_1192 = arith.constant 6 : i32
          %shift_left3A_1193 = vector.broadcast %shift_left3A_1192 : i32 to vector<16xi32>
          %shift_left3A_1194 = arith.shli %xor3A_1190, %shift_left3A_1193 : vector<16xi32>
          %shift_right_logical3A_1195 = arith.constant 26 : i32
          %shift_right_logical3A_1196 = vector.broadcast %shift_right_logical3A_1195 : i32 to vector<16xi32>
          %shift_right_logical3A_1197 = arith.shrui %xor3A_1190, %shift_right_logical3A_1196 : vector<16xi32>
          %or3A_1198 = arith.ori %shift_left3A_1194, %shift_right_logical3A_1197 : vector<16xi32>
          %xor3A_1199 = arith.xori %or3A_1198, %add3A_1191 : vector<16xi32>
          %add3A_1200 = arith.constant 42 : i32
          %add3A_1201 = vector.broadcast %add3A_1200 : i32 to vector<16xi32>
          %add3A_1202 = arith.addi %add3A_1191, %add3A_1201 : vector<16xi32>
          %add3A_1203 = arith.constant 466689009 : i32
          %add3A_1204 = vector.broadcast %add3A_1203 : i32 to vector<16xi32>
          %add3A_1205 = arith.addi %xor3A_1199, %add3A_1204 : vector<16xi32>
          %add3A_1206 = arith.addi %add3A_1202, %add3A_1205 : vector<16xi32>
          %shift_left3A_1207 = arith.constant 17 : i32
          %shift_left3A_1208 = vector.broadcast %shift_left3A_1207 : i32 to vector<16xi32>
          %shift_left3A_1209 = arith.shli %add3A_1205, %shift_left3A_1208 : vector<16xi32>
          %shift_right_logical3A_1210 = arith.constant 15 : i32
          %shift_right_logical3A_1211 = vector.broadcast %shift_right_logical3A_1210 : i32 to vector<16xi32>
          %shift_right_logical3A_1212 = arith.shrui %add3A_1205, %shift_right_logical3A_1211 : vector<16xi32>
          %or3A_1213 = arith.ori %shift_left3A_1209, %shift_right_logical3A_1212 : vector<16xi32>
          %xor3A_1214 = arith.xori %or3A_1213, %add3A_1206 : vector<16xi32>
          %add3A_1215 = arith.addi %add3A_1206, %xor3A_1214 : vector<16xi32>
          %shift_left3A_1216 = arith.constant 29 : i32
          %shift_left3A_1217 = vector.broadcast %shift_left3A_1216 : i32 to vector<16xi32>
          %shift_left3A_1218 = arith.shli %xor3A_1214, %shift_left3A_1217 : vector<16xi32>
          %shift_right_logical3A_1219 = arith.constant 3 : i32
          %shift_right_logical3A_1220 = vector.broadcast %shift_right_logical3A_1219 : i32 to vector<16xi32>
          %shift_right_logical3A_1221 = arith.shrui %xor3A_1214, %shift_right_logical3A_1220 : vector<16xi32>
          %or3A_1222 = arith.ori %shift_left3A_1218, %shift_right_logical3A_1221 : vector<16xi32>
          %xor3A_1223 = arith.xori %or3A_1222, %add3A_1215 : vector<16xi32>
          %add3A_1224 = arith.addi %add3A_1215, %xor3A_1223 : vector<16xi32>
          %shift_left3A_1225 = arith.constant 16 : i32
          %shift_left3A_1226 = vector.broadcast %shift_left3A_1225 : i32 to vector<16xi32>
          %shift_left3A_1227 = arith.shli %xor3A_1223, %shift_left3A_1226 : vector<16xi32>
          %shift_right_logical3A_1228 = arith.constant 16 : i32
          %shift_right_logical3A_1229 = vector.broadcast %shift_right_logical3A_1228 : i32 to vector<16xi32>
          %shift_right_logical3A_1230 = arith.shrui %xor3A_1223, %shift_right_logical3A_1229 : vector<16xi32>
          %or3A_1231 = arith.ori %shift_left3A_1227, %shift_right_logical3A_1230 : vector<16xi32>
          %xor3A_1232 = arith.xori %or3A_1231, %add3A_1224 : vector<16xi32>
          %add3A_1233 = arith.addi %add3A_1224, %xor3A_1232 : vector<16xi32>
          %shift_left3A_1234 = arith.constant 24 : i32
          %shift_left3A_1235 = vector.broadcast %shift_left3A_1234 : i32 to vector<16xi32>
          %shift_left3A_1236 = arith.shli %xor3A_1232, %shift_left3A_1235 : vector<16xi32>
          %shift_right_logical3A_1237 = arith.constant 8 : i32
          %shift_right_logical3A_1238 = vector.broadcast %shift_right_logical3A_1237 : i32 to vector<16xi32>
          %shift_right_logical3A_1239 = arith.shrui %xor3A_1232, %shift_right_logical3A_1238 : vector<16xi32>
          %or3A_1240 = arith.ori %shift_left3A_1236, %shift_right_logical3A_1239 : vector<16xi32>
          %xor3A_1241 = arith.xori %or3A_1240, %add3A_1233 : vector<16xi32>
          %add3A_1242 = arith.constant 466689008 : i32
          %add3A_1243 = vector.broadcast %add3A_1242 : i32 to vector<16xi32>
          %add3A_1244 = arith.addi %add3A_1233, %add3A_1243 : vector<16xi32>
          %add3A_1245 = arith.constant 2 : i32
          %add3A_1246 = vector.broadcast %add3A_1245 : i32 to vector<16xi32>
          %add3A_1247 = arith.addi %xor3A_1241, %add3A_1246 : vector<16xi32>
          %add3A_1248 = arith.addi %add3A_1244, %add3A_1247 : vector<16xi32>
          %shift_left3A_1249 = arith.constant 13 : i32
          %shift_left3A_1250 = vector.broadcast %shift_left3A_1249 : i32 to vector<16xi32>
          %shift_left3A_1251 = arith.shli %add3A_1247, %shift_left3A_1250 : vector<16xi32>
          %shift_right_logical3A_1252 = arith.constant 19 : i32
          %shift_right_logical3A_1253 = vector.broadcast %shift_right_logical3A_1252 : i32 to vector<16xi32>
          %shift_right_logical3A_1254 = arith.shrui %add3A_1247, %shift_right_logical3A_1253 : vector<16xi32>
          %or3A_1255 = arith.ori %shift_left3A_1251, %shift_right_logical3A_1254 : vector<16xi32>
          %xor3A_1256 = arith.xori %or3A_1255, %add3A_1248 : vector<16xi32>
          %add3A_1257 = arith.addi %add3A_1248, %xor3A_1256 : vector<16xi32>
          %shift_left3A_1258 = arith.constant 15 : i32
          %shift_left3A_1259 = vector.broadcast %shift_left3A_1258 : i32 to vector<16xi32>
          %shift_left3A_1260 = arith.shli %xor3A_1256, %shift_left3A_1259 : vector<16xi32>
          %shift_right_logical3A_1261 = arith.constant 17 : i32
          %shift_right_logical3A_1262 = vector.broadcast %shift_right_logical3A_1261 : i32 to vector<16xi32>
          %shift_right_logical3A_1263 = arith.shrui %xor3A_1256, %shift_right_logical3A_1262 : vector<16xi32>
          %or3A_1264 = arith.ori %shift_left3A_1260, %shift_right_logical3A_1263 : vector<16xi32>
          %xor3A_1265 = arith.xori %or3A_1264, %add3A_1257 : vector<16xi32>
          %add3A_1266 = arith.addi %add3A_1257, %xor3A_1265 : vector<16xi32>
          %shift_left3A_1267 = arith.constant 26 : i32
          %shift_left3A_1268 = vector.broadcast %shift_left3A_1267 : i32 to vector<16xi32>
          %shift_left3A_1269 = arith.shli %xor3A_1265, %shift_left3A_1268 : vector<16xi32>
          %shift_right_logical3A_1270 = arith.constant 6 : i32
          %shift_right_logical3A_1271 = vector.broadcast %shift_right_logical3A_1270 : i32 to vector<16xi32>
          %shift_right_logical3A_1272 = arith.shrui %xor3A_1265, %shift_right_logical3A_1271 : vector<16xi32>
          %or3A_1273 = arith.ori %shift_left3A_1269, %shift_right_logical3A_1272 : vector<16xi32>
          %xor3A_1274 = arith.xori %or3A_1273, %add3A_1266 : vector<16xi32>
          %add3A_1275 = arith.addi %add3A_1266, %xor3A_1274 : vector<16xi32>
          %shift_left3A_1276 = arith.constant 6 : i32
          %shift_left3A_1277 = vector.broadcast %shift_left3A_1276 : i32 to vector<16xi32>
          %shift_left3A_1278 = arith.shli %xor3A_1274, %shift_left3A_1277 : vector<16xi32>
          %shift_right_logical3A_1279 = arith.constant 26 : i32
          %shift_right_logical3A_1280 = vector.broadcast %shift_right_logical3A_1279 : i32 to vector<16xi32>
          %shift_right_logical3A_1281 = arith.shrui %xor3A_1274, %shift_right_logical3A_1280 : vector<16xi32>
          %or3A_1282 = arith.ori %shift_left3A_1278, %shift_right_logical3A_1281 : vector<16xi32>
          %xor3A_1283 = arith.xori %or3A_1282, %add3A_1275 : vector<16xi32>
          %add3A_1284 = arith.constant 45 : i32
          %add3A_1285 = vector.broadcast %add3A_1284 : i32 to vector<16xi32>
          %add3A_1286 = arith.addi %xor3A_1283, %add3A_1285 : vector<16xi32>
          %add3A_1287 = arith.addi %add3A_1275, %add3A_1286 : vector<16xi32>
          %shift_left3A_1288 = arith.constant 17 : i32
          %shift_left3A_1289 = vector.broadcast %shift_left3A_1288 : i32 to vector<16xi32>
          %shift_left3A_1290 = arith.shli %add3A_1286, %shift_left3A_1289 : vector<16xi32>
          %shift_right_logical3A_1291 = arith.constant 15 : i32
          %shift_right_logical3A_1292 = vector.broadcast %shift_right_logical3A_1291 : i32 to vector<16xi32>
          %shift_right_logical3A_1293 = arith.shrui %add3A_1286, %shift_right_logical3A_1292 : vector<16xi32>
          %or3A_1294 = arith.ori %shift_left3A_1290, %shift_right_logical3A_1293 : vector<16xi32>
          %xor3A_1295 = arith.xori %or3A_1294, %add3A_1287 : vector<16xi32>
          %add3A_1296 = arith.addi %add3A_1287, %xor3A_1295 : vector<16xi32>
          %shift_left3A_1297 = arith.constant 29 : i32
          %shift_left3A_1298 = vector.broadcast %shift_left3A_1297 : i32 to vector<16xi32>
          %shift_left3A_1299 = arith.shli %xor3A_1295, %shift_left3A_1298 : vector<16xi32>
          %shift_right_logical3A_1300 = arith.constant 3 : i32
          %shift_right_logical3A_1301 = vector.broadcast %shift_right_logical3A_1300 : i32 to vector<16xi32>
          %shift_right_logical3A_1302 = arith.shrui %xor3A_1295, %shift_right_logical3A_1301 : vector<16xi32>
          %or3A_1303 = arith.ori %shift_left3A_1299, %shift_right_logical3A_1302 : vector<16xi32>
          %xor3A_1304 = arith.xori %or3A_1303, %add3A_1296 : vector<16xi32>
          %add3A_1305 = arith.addi %add3A_1296, %xor3A_1304 : vector<16xi32>
          %shift_left3A_1306 = arith.constant 16 : i32
          %shift_left3A_1307 = vector.broadcast %shift_left3A_1306 : i32 to vector<16xi32>
          %shift_left3A_1308 = arith.shli %xor3A_1304, %shift_left3A_1307 : vector<16xi32>
          %shift_right_logical3A_1309 = arith.constant 16 : i32
          %shift_right_logical3A_1310 = vector.broadcast %shift_right_logical3A_1309 : i32 to vector<16xi32>
          %shift_right_logical3A_1311 = arith.shrui %xor3A_1304, %shift_right_logical3A_1310 : vector<16xi32>
          %or3A_1312 = arith.ori %shift_left3A_1308, %shift_right_logical3A_1311 : vector<16xi32>
          %xor3A_1313 = arith.xori %or3A_1312, %add3A_1305 : vector<16xi32>
          %add3A_1314 = arith.addi %add3A_1305, %xor3A_1313 : vector<16xi32>
          %shift_left3A_1315 = arith.constant 24 : i32
          %shift_left3A_1316 = vector.broadcast %shift_left3A_1315 : i32 to vector<16xi32>
          %shift_left3A_1317 = arith.shli %xor3A_1313, %shift_left3A_1316 : vector<16xi32>
          %shift_right_logical3A_1318 = arith.constant 8 : i32
          %shift_right_logical3A_1319 = vector.broadcast %shift_right_logical3A_1318 : i32 to vector<16xi32>
          %shift_right_logical3A_1320 = arith.shrui %xor3A_1313, %shift_right_logical3A_1319 : vector<16xi32>
          %or3A_1321 = arith.ori %shift_left3A_1317, %shift_right_logical3A_1320 : vector<16xi32>
          %xor3A_1322 = arith.xori %or3A_1321, %add3A_1314 : vector<16xi32>
          %add3A_1323 = arith.constant 42 : i32
          %add3A_1324 = vector.broadcast %add3A_1323 : i32 to vector<16xi32>
          %add3A_1325 = arith.addi %add3A_1314, %add3A_1324 : vector<16xi32>
          %add3A_1326 = arith.constant 466689012 : i32
          %add3A_1327 = vector.broadcast %add3A_1326 : i32 to vector<16xi32>
          %add3A_1328 = arith.addi %xor3A_1322, %add3A_1327 : vector<16xi32>
          %add3A_1329 = arith.addi %add3A_1325, %add3A_1328 : vector<16xi32>
          %shift_left3A_1330 = arith.constant 13 : i32
          %shift_left3A_1331 = vector.broadcast %shift_left3A_1330 : i32 to vector<16xi32>
          %shift_left3A_1332 = arith.shli %add3A_1328, %shift_left3A_1331 : vector<16xi32>
          %shift_right_logical3A_1333 = arith.constant 19 : i32
          %shift_right_logical3A_1334 = vector.broadcast %shift_right_logical3A_1333 : i32 to vector<16xi32>
          %shift_right_logical3A_1335 = arith.shrui %add3A_1328, %shift_right_logical3A_1334 : vector<16xi32>
          %or3A_1336 = arith.ori %shift_left3A_1332, %shift_right_logical3A_1335 : vector<16xi32>
          %xor3A_1337 = arith.xori %or3A_1336, %add3A_1329 : vector<16xi32>
          %add3A_1338 = arith.addi %add3A_1329, %xor3A_1337 : vector<16xi32>
          %shift_left3A_1339 = arith.constant 15 : i32
          %shift_left3A_1340 = vector.broadcast %shift_left3A_1339 : i32 to vector<16xi32>
          %shift_left3A_1341 = arith.shli %xor3A_1337, %shift_left3A_1340 : vector<16xi32>
          %shift_right_logical3A_1342 = arith.constant 17 : i32
          %shift_right_logical3A_1343 = vector.broadcast %shift_right_logical3A_1342 : i32 to vector<16xi32>
          %shift_right_logical3A_1344 = arith.shrui %xor3A_1337, %shift_right_logical3A_1343 : vector<16xi32>
          %or3A_1345 = arith.ori %shift_left3A_1341, %shift_right_logical3A_1344 : vector<16xi32>
          %xor3A_1346 = arith.xori %or3A_1345, %add3A_1338 : vector<16xi32>
          %add3A_1347 = arith.addi %add3A_1338, %xor3A_1346 : vector<16xi32>
          %shift_left3A_1348 = arith.constant 26 : i32
          %shift_left3A_1349 = vector.broadcast %shift_left3A_1348 : i32 to vector<16xi32>
          %shift_left3A_1350 = arith.shli %xor3A_1346, %shift_left3A_1349 : vector<16xi32>
          %shift_right_logical3A_1351 = arith.constant 6 : i32
          %shift_right_logical3A_1352 = vector.broadcast %shift_right_logical3A_1351 : i32 to vector<16xi32>
          %shift_right_logical3A_1353 = arith.shrui %xor3A_1346, %shift_right_logical3A_1352 : vector<16xi32>
          %or3A_1354 = arith.ori %shift_left3A_1350, %shift_right_logical3A_1353 : vector<16xi32>
          %xor3A_1355 = arith.xori %or3A_1354, %add3A_1347 : vector<16xi32>
          %add3A_1356 = arith.addi %add3A_1347, %xor3A_1355 : vector<16xi32>
          %shift_left3A_1357 = arith.constant 6 : i32
          %shift_left3A_1358 = vector.broadcast %shift_left3A_1357 : i32 to vector<16xi32>
          %shift_left3A_1359 = arith.shli %xor3A_1355, %shift_left3A_1358 : vector<16xi32>
          %shift_right_logical3A_1360 = arith.constant 26 : i32
          %shift_right_logical3A_1361 = vector.broadcast %shift_right_logical3A_1360 : i32 to vector<16xi32>
          %shift_right_logical3A_1362 = arith.shrui %xor3A_1355, %shift_right_logical3A_1361 : vector<16xi32>
          %or3A_1363 = arith.ori %shift_left3A_1359, %shift_right_logical3A_1362 : vector<16xi32>
          %xor3A_1364 = arith.xori %or3A_1363, %add3A_1356 : vector<16xi32>
          %add3A_1365 = arith.constant 466689008 : i32
          %add3A_1366 = vector.broadcast %add3A_1365 : i32 to vector<16xi32>
          %add3A_1367 = arith.addi %add3A_1356, %add3A_1366 : vector<16xi32>
          %add3A_1368 = arith.constant 5 : i32
          %add3A_1369 = vector.broadcast %add3A_1368 : i32 to vector<16xi32>
          %add3A_1370 = arith.addi %xor3A_1364, %add3A_1369 : vector<16xi32>
          %xor3A_1371 = arith.xori %add3A_1367, %add3A_1370 : vector<16xi32>
          %shift_right_logical3A_1372 = arith.constant 9 : i32
          %shift_right_logical3A_1373 = vector.broadcast %shift_right_logical3A_1372 : i32 to vector<16xi32>
          %shift_right_logical3A_1374 = arith.shrui %xor3A_1371, %shift_right_logical3A_1373 : vector<16xi32>
          %or3A_1375 = arith.constant 1065353216 : i32
          %or3A_1376 = vector.broadcast %or3A_1375 : i32 to vector<16xi32>
          %or3A_1377 = arith.ori %shift_right_logical3A_1374, %or3A_1376 : vector<16xi32>
          %add3A_1378 = arith.constant 80 : i32
          %add3A_1379 = arith.addi %mul3A_39, %add3A_1378 : i32
          %swap3A_1380 = arith.index_cast %scan3A_22 : i32 to index
          %swap3A_1381 = arith.index_cast %add3A_1379 : i32 to index
          %swap3A_1382 = tpu.vector_load %arg3[%swap3A_1380, %swap3A_1381] {strides = array<i32>} : memref<8x1024xi32, #tpu.memory_space<vmem>>, vector<1x16xi32>,
          %swap3A_1383 = vector.shape_cast %swap3A_1382 : vector<1x16xi32> to vector<16xi32>
          %swap3A_1384 = vector.shape_cast %or3A_1377 : vector<16xi32> to vector<1x16xi32>
          tpu.vector_store %arg3[%swap3A_1380, %swap3A_1381], %swap3A_1384 {strides = array<i32>} : memref<8x1024xi32, #tpu.memory_space<vmem>>, vector<1x16xi32>,
          %add3A_1385 = arith.constant 96 : i32
          %add3A_1386 = arith.addi %mul3A_39, %add3A_1385 : i32
          %add3A_1387 = arith.addi %add3A_28, %add3A_1386 : i32
          %add3A_1388 = vector.broadcast %add3A_1387 : i32 to vector<16xi32>
          %add3A_1389 = arith.addi %iota3A, %add3A_1388 : vector<16xi32>
          %shift_left3A_1390 = arith.constant 13 : i32
          %shift_left3A_1391 = vector.broadcast %shift_left3A_1390 : i32 to vector<16xi32>
          %shift_left3A_1392 = arith.shli %add3A_1389, %shift_left3A_1391 : vector<16xi32>
          %shift_right_logical3A_1393 = arith.constant 19 : i32
          %shift_right_logical3A_1394 = vector.broadcast %shift_right_logical3A_1393 : i32 to vector<16xi32>
          %shift_right_logical3A_1395 = arith.shrui %add3A_1389, %shift_right_logical3A_1394 : vector<16xi32>
          %or3A_1396 = arith.ori %shift_left3A_1392, %shift_right_logical3A_1395 : vector<16xi32>
          %xor3A_1397 = arith.xori %or3A_1396, %add3A_1389 : vector<16xi32>
          %add3A_1398 = arith.addi %add3A_1389, %xor3A_1397 : vector<16xi32>
          %shift_left3A_1399 = arith.constant 15 : i32
          %shift_left3A_1400 = vector.broadcast %shift_left3A_1399 : i32 to vector<16xi32>
          %shift_left3A_1401 = arith.shli %xor3A_1397, %shift_left3A_1400 : vector<16xi32>
          %shift_right_logical3A_1402 = arith.constant 17 : i32
          %shift_right_logical3A_1403 = vector.broadcast %shift_right_logical3A_1402 : i32 to vector<16xi32>
          %shift_right_logical3A_1404 = arith.shrui %xor3A_1397, %shift_right_logical3A_1403 : vector<16xi32>
          %or3A_1405 = arith.ori %shift_left3A_1401, %shift_right_logical3A_1404 : vector<16xi32>
          %xor3A_1406 = arith.xori %or3A_1405, %add3A_1398 : vector<16xi32>
          %add3A_1407 = arith.addi %add3A_1398, %xor3A_1406 : vector<16xi32>
          %shift_left3A_1408 = arith.constant 26 : i32
          %shift_left3A_1409 = vector.broadcast %shift_left3A_1408 : i32 to vector<16xi32>
          %shift_left3A_1410 = arith.shli %xor3A_1406, %shift_left3A_1409 : vector<16xi32>
          %shift_right_logical3A_1411 = arith.constant 6 : i32
          %shift_right_logical3A_1412 = vector.broadcast %shift_right_logical3A_1411 : i32 to vector<16xi32>
          %shift_right_logical3A_1413 = arith.shrui %xor3A_1406, %shift_right_logical3A_1412 : vector<16xi32>
          %or3A_1414 = arith.ori %shift_left3A_1410, %shift_right_logical3A_1413 : vector<16xi32>
          %xor3A_1415 = arith.xori %or3A_1414, %add3A_1407 : vector<16xi32>
          %add3A_1416 = arith.addi %add3A_1407, %xor3A_1415 : vector<16xi32>
          %shift_left3A_1417 = arith.constant 6 : i32
          %shift_left3A_1418 = vector.broadcast %shift_left3A_1417 : i32 to vector<16xi32>
          %shift_left3A_1419 = arith.shli %xor3A_1415, %shift_left3A_1418 : vector<16xi32>
          %shift_right_logical3A_1420 = arith.constant 26 : i32
          %shift_right_logical3A_1421 = vector.broadcast %shift_right_logical3A_1420 : i32 to vector<16xi32>
          %shift_right_logical3A_1422 = arith.shrui %xor3A_1415, %shift_right_logical3A_1421 : vector<16xi32>
          %or3A_1423 = arith.ori %shift_left3A_1419, %shift_right_logical3A_1422 : vector<16xi32>
          %xor3A_1424 = arith.xori %or3A_1423, %add3A_1416 : vector<16xi32>
          %add3A_1425 = arith.constant 42 : i32
          %add3A_1426 = vector.broadcast %add3A_1425 : i32 to vector<16xi32>
          %add3A_1427 = arith.addi %add3A_1416, %add3A_1426 : vector<16xi32>
          %add3A_1428 = arith.constant 466689009 : i32
          %add3A_1429 = vector.broadcast %add3A_1428 : i32 to vector<16xi32>
          %add3A_1430 = arith.addi %xor3A_1424, %add3A_1429 : vector<16xi32>
          %add3A_1431 = arith.addi %add3A_1427, %add3A_1430 : vector<16xi32>
          %shift_left3A_1432 = arith.constant 17 : i32
          %shift_left3A_1433 = vector.broadcast %shift_left3A_1432 : i32 to vector<16xi32>
          %shift_left3A_1434 = arith.shli %add3A_1430, %shift_left3A_1433 : vector<16xi32>
          %shift_right_logical3A_1435 = arith.constant 15 : i32
          %shift_right_logical3A_1436 = vector.broadcast %shift_right_logical3A_1435 : i32 to vector<16xi32>
          %shift_right_logical3A_1437 = arith.shrui %add3A_1430, %shift_right_logical3A_1436 : vector<16xi32>
          %or3A_1438 = arith.ori %shift_left3A_1434, %shift_right_logical3A_1437 : vector<16xi32>
          %xor3A_1439 = arith.xori %or3A_1438, %add3A_1431 : vector<16xi32>
          %add3A_1440 = arith.addi %add3A_1431, %xor3A_1439 : vector<16xi32>
          %shift_left3A_1441 = arith.constant 29 : i32
          %shift_left3A_1442 = vector.broadcast %shift_left3A_1441 : i32 to vector<16xi32>
          %shift_left3A_1443 = arith.shli %xor3A_1439, %shift_left3A_1442 : vector<16xi32>
          %shift_right_logical3A_1444 = arith.constant 3 : i32
          %shift_right_logical3A_1445 = vector.broadcast %shift_right_logical3A_1444 : i32 to vector<16xi32>
          %shift_right_logical3A_1446 = arith.shrui %xor3A_1439, %shift_right_logical3A_1445 : vector<16xi32>
          %or3A_1447 = arith.ori %shift_left3A_1443, %shift_right_logical3A_1446 : vector<16xi32>
          %xor3A_1448 = arith.xori %or3A_1447, %add3A_1440 : vector<16xi32>
          %add3A_1449 = arith.addi %add3A_1440, %xor3A_1448 : vector<16xi32>
          %shift_left3A_1450 = arith.constant 16 : i32
          %shift_left3A_1451 = vector.broadcast %shift_left3A_1450 : i32 to vector<16xi32>
          %shift_left3A_1452 = arith.shli %xor3A_1448, %shift_left3A_1451 : vector<16xi32>
          %shift_right_logical3A_1453 = arith.constant 16 : i32
          %shift_right_logical3A_1454 = vector.broadcast %shift_right_logical3A_1453 : i32 to vector<16xi32>
          %shift_right_logical3A_1455 = arith.shrui %xor3A_1448, %shift_right_logical3A_1454 : vector<16xi32>
          %or3A_1456 = arith.ori %shift_left3A_1452, %shift_right_logical3A_1455 : vector<16xi32>
          %xor3A_1457 = arith.xori %or3A_1456, %add3A_1449 : vector<16xi32>
          %add3A_1458 = arith.addi %add3A_1449, %xor3A_1457 : vector<16xi32>
          %shift_left3A_1459 = arith.constant 24 : i32
          %shift_left3A_1460 = vector.broadcast %shift_left3A_1459 : i32 to vector<16xi32>
          %shift_left3A_1461 = arith.shli %xor3A_1457, %shift_left3A_1460 : vector<16xi32>
          %shift_right_logical3A_1462 = arith.constant 8 : i32
          %shift_right_logical3A_1463 = vector.broadcast %shift_right_logical3A_1462 : i32 to vector<16xi32>
          %shift_right_logical3A_1464 = arith.shrui %xor3A_1457, %shift_right_logical3A_1463 : vector<16xi32>
          %or3A_1465 = arith.ori %shift_left3A_1461, %shift_right_logical3A_1464 : vector<16xi32>
          %xor3A_1466 = arith.xori %or3A_1465, %add3A_1458 : vector<16xi32>
          %add3A_1467 = arith.constant 466689008 : i32
          %add3A_1468 = vector.broadcast %add3A_1467 : i32 to vector<16xi32>
          %add3A_1469 = arith.addi %add3A_1458, %add3A_1468 : vector<16xi32>
          %add3A_1470 = arith.constant 2 : i32
          %add3A_1471 = vector.broadcast %add3A_1470 : i32 to vector<16xi32>
          %add3A_1472 = arith.addi %xor3A_1466, %add3A_1471 : vector<16xi32>
          %add3A_1473 = arith.addi %add3A_1469, %add3A_1472 : vector<16xi32>
          %shift_left3A_1474 = arith.constant 13 : i32
          %shift_left3A_1475 = vector.broadcast %shift_left3A_1474 : i32 to vector<16xi32>
          %shift_left3A_1476 = arith.shli %add3A_1472, %shift_left3A_1475 : vector<16xi32>
          %shift_right_logical3A_1477 = arith.constant 19 : i32
          %shift_right_logical3A_1478 = vector.broadcast %shift_right_logical3A_1477 : i32 to vector<16xi32>
          %shift_right_logical3A_1479 = arith.shrui %add3A_1472, %shift_right_logical3A_1478 : vector<16xi32>
          %or3A_1480 = arith.ori %shift_left3A_1476, %shift_right_logical3A_1479 : vector<16xi32>
          %xor3A_1481 = arith.xori %or3A_1480, %add3A_1473 : vector<16xi32>
          %add3A_1482 = arith.addi %add3A_1473, %xor3A_1481 : vector<16xi32>
          %shift_left3A_1483 = arith.constant 15 : i32
          %shift_left3A_1484 = vector.broadcast %shift_left3A_1483 : i32 to vector<16xi32>
          %shift_left3A_1485 = arith.shli %xor3A_1481, %shift_left3A_1484 : vector<16xi32>
          %shift_right_logical3A_1486 = arith.constant 17 : i32
          %shift_right_logical3A_1487 = vector.broadcast %shift_right_logical3A_1486 : i32 to vector<16xi32>
          %shift_right_logical3A_1488 = arith.shrui %xor3A_1481, %shift_right_logical3A_1487 : vector<16xi32>
          %or3A_1489 = arith.ori %shift_left3A_1485, %shift_right_logical3A_1488 : vector<16xi32>
          %xor3A_1490 = arith.xori %or3A_1489, %add3A_1482 : vector<16xi32>
          %add3A_1491 = arith.addi %add3A_1482, %xor3A_1490 : vector<16xi32>
          %shift_left3A_1492 = arith.constant 26 : i32
          %shift_left3A_1493 = vector.broadcast %shift_left3A_1492 : i32 to vector<16xi32>
          %shift_left3A_1494 = arith.shli %xor3A_1490, %shift_left3A_1493 : vector<16xi32>
          %shift_right_logical3A_1495 = arith.constant 6 : i32
          %shift_right_logical3A_1496 = vector.broadcast %shift_right_logical3A_1495 : i32 to vector<16xi32>
          %shift_right_logical3A_1497 = arith.shrui %xor3A_1490, %shift_right_logical3A_1496 : vector<16xi32>
          %or3A_1498 = arith.ori %shift_left3A_1494, %shift_right_logical3A_1497 : vector<16xi32>
          %xor3A_1499 = arith.xori %or3A_1498, %add3A_1491 : vector<16xi32>
          %add3A_1500 = arith.addi %add3A_1491, %xor3A_1499 : vector<16xi32>
          %shift_left3A_1501 = arith.constant 6 : i32
          %shift_left3A_1502 = vector.broadcast %shift_left3A_1501 : i32 to vector<16xi32>
          %shift_left3A_1503 = arith.shli %xor3A_1499, %shift_left3A_1502 : vector<16xi32>
          %shift_right_logical3A_1504 = arith.constant 26 : i32
          %shift_right_logical3A_1505 = vector.broadcast %shift_right_logical3A_1504 : i32 to vector<16xi32>
          %shift_right_logical3A_1506 = arith.shrui %xor3A_1499, %shift_right_logical3A_1505 : vector<16xi32>
          %or3A_1507 = arith.ori %shift_left3A_1503, %shift_right_logical3A_1506 : vector<16xi32>
          %xor3A_1508 = arith.xori %or3A_1507, %add3A_1500 : vector<16xi32>
          %add3A_1509 = arith.constant 45 : i32
          %add3A_1510 = vector.broadcast %add3A_1509 : i32 to vector<16xi32>
          %add3A_1511 = arith.addi %xor3A_1508, %add3A_1510 : vector<16xi32>
          %add3A_1512 = arith.addi %add3A_1500, %add3A_1511 : vector<16xi32>
          %shift_left3A_1513 = arith.constant 17 : i32
          %shift_left3A_1514 = vector.broadcast %shift_left3A_1513 : i32 to vector<16xi32>
          %shift_left3A_1515 = arith.shli %add3A_1511, %shift_left3A_1514 : vector<16xi32>
          %shift_right_logical3A_1516 = arith.constant 15 : i32
          %shift_right_logical3A_1517 = vector.broadcast %shift_right_logical3A_1516 : i32 to vector<16xi32>
          %shift_right_logical3A_1518 = arith.shrui %add3A_1511, %shift_right_logical3A_1517 : vector<16xi32>
          %or3A_1519 = arith.ori %shift_left3A_1515, %shift_right_logical3A_1518 : vector<16xi32>
          %xor3A_1520 = arith.xori %or3A_1519, %add3A_1512 : vector<16xi32>
          %add3A_1521 = arith.addi %add3A_1512, %xor3A_1520 : vector<16xi32>
          %shift_left3A_1522 = arith.constant 29 : i32
          %shift_left3A_1523 = vector.broadcast %shift_left3A_1522 : i32 to vector<16xi32>
          %shift_left3A_1524 = arith.shli %xor3A_1520, %shift_left3A_1523 : vector<16xi32>
          %shift_right_logical3A_1525 = arith.constant 3 : i32
          %shift_right_logical3A_1526 = vector.broadcast %shift_right_logical3A_1525 : i32 to vector<16xi32>
          %shift_right_logical3A_1527 = arith.shrui %xor3A_1520, %shift_right_logical3A_1526 : vector<16xi32>
          %or3A_1528 = arith.ori %shift_left3A_1524, %shift_right_logical3A_1527 : vector<16xi32>
          %xor3A_1529 = arith.xori %or3A_1528, %add3A_1521 : vector<16xi32>
          %add3A_1530 = arith.addi %add3A_1521, %xor3A_1529 : vector<16xi32>
          %shift_left3A_1531 = arith.constant 16 : i32
          %shift_left3A_1532 = vector.broadcast %shift_left3A_1531 : i32 to vector<16xi32>
          %shift_left3A_1533 = arith.shli %xor3A_1529, %shift_left3A_1532 : vector<16xi32>
          %shift_right_logical3A_1534 = arith.constant 16 : i32
          %shift_right_logical3A_1535 = vector.broadcast %shift_right_logical3A_1534 : i32 to vector<16xi32>
          %shift_right_logical3A_1536 = arith.shrui %xor3A_1529, %shift_right_logical3A_1535 : vector<16xi32>
          %or3A_1537 = arith.ori %shift_left3A_1533, %shift_right_logical3A_1536 : vector<16xi32>
          %xor3A_1538 = arith.xori %or3A_1537, %add3A_1530 : vector<16xi32>
          %add3A_1539 = arith.addi %add3A_1530, %xor3A_1538 : vector<16xi32>
          %shift_left3A_1540 = arith.constant 24 : i32
          %shift_left3A_1541 = vector.broadcast %shift_left3A_1540 : i32 to vector<16xi32>
          %shift_left3A_1542 = arith.shli %xor3A_1538, %shift_left3A_1541 : vector<16xi32>
          %shift_right_logical3A_1543 = arith.constant 8 : i32
          %shift_right_logical3A_1544 = vector.broadcast %shift_right_logical3A_1543 : i32 to vector<16xi32>
          %shift_right_logical3A_1545 = arith.shrui %xor3A_1538, %shift_right_logical3A_1544 : vector<16xi32>
          %or3A_1546 = arith.ori %shift_left3A_1542, %shift_right_logical3A_1545 : vector<16xi32>
          %xor3A_1547 = arith.xori %or3A_1546, %add3A_1539 : vector<16xi32>
          %add3A_1548 = arith.constant 42 : i32
          %add3A_1549 = vector.broadcast %add3A_1548 : i32 to vector<16xi32>
          %add3A_1550 = arith.addi %add3A_1539, %add3A_1549 : vector<16xi32>
          %add3A_1551 = arith.constant 466689012 : i32
          %add3A_1552 = vector.broadcast %add3A_1551 : i32 to vector<16xi32>
          %add3A_1553 = arith.addi %xor3A_1547, %add3A_1552 : vector<16xi32>
          %add3A_1554 = arith.addi %add3A_1550, %add3A_1553 : vector<16xi32>
          %shift_left3A_1555 = arith.constant 13 : i32
          %shift_left3A_1556 = vector.broadcast %shift_left3A_1555 : i32 to vector<16xi32>
          %shift_left3A_1557 = arith.shli %add3A_1553, %shift_left3A_1556 : vector<16xi32>
          %shift_right_logical3A_1558 = arith.constant 19 : i32
          %shift_right_logical3A_1559 = vector.broadcast %shift_right_logical3A_1558 : i32 to vector<16xi32>
          %shift_right_logical3A_1560 = arith.shrui %add3A_1553, %shift_right_logical3A_1559 : vector<16xi32>
          %or3A_1561 = arith.ori %shift_left3A_1557, %shift_right_logical3A_1560 : vector<16xi32>
          %xor3A_1562 = arith.xori %or3A_1561, %add3A_1554 : vector<16xi32>
          %add3A_1563 = arith.addi %add3A_1554, %xor3A_1562 : vector<16xi32>
          %shift_left3A_1564 = arith.constant 15 : i32
          %shift_left3A_1565 = vector.broadcast %shift_left3A_1564 : i32 to vector<16xi32>
          %shift_left3A_1566 = arith.shli %xor3A_1562, %shift_left3A_1565 : vector<16xi32>
          %shift_right_logical3A_1567 = arith.constant 17 : i32
          %shift_right_logical3A_1568 = vector.broadcast %shift_right_logical3A_1567 : i32 to vector<16xi32>
          %shift_right_logical3A_1569 = arith.shrui %xor3A_1562, %shift_right_logical3A_1568 : vector<16xi32>
          %or3A_1570 = arith.ori %shift_left3A_1566, %shift_right_logical3A_1569 : vector<16xi32>
          %xor3A_1571 = arith.xori %or3A_1570, %add3A_1563 : vector<16xi32>
          %add3A_1572 = arith.addi %add3A_1563, %xor3A_1571 : vector<16xi32>
          %shift_left3A_1573 = arith.constant 26 : i32
          %shift_left3A_1574 = vector.broadcast %shift_left3A_1573 : i32 to vector<16xi32>
          %shift_left3A_1575 = arith.shli %xor3A_1571, %shift_left3A_1574 : vector<16xi32>
          %shift_right_logical3A_1576 = arith.constant 6 : i32
          %shift_right_logical3A_1577 = vector.broadcast %shift_right_logical3A_1576 : i32 to vector<16xi32>
          %shift_right_logical3A_1578 = arith.shrui %xor3A_1571, %shift_right_logical3A_1577 : vector<16xi32>
          %or3A_1579 = arith.ori %shift_left3A_1575, %shift_right_logical3A_1578 : vector<16xi32>
          %xor3A_1580 = arith.xori %or3A_1579, %add3A_1572 : vector<16xi32>
          %add3A_1581 = arith.addi %add3A_1572, %xor3A_1580 : vector<16xi32>
          %shift_left3A_1582 = arith.constant 6 : i32
          %shift_left3A_1583 = vector.broadcast %shift_left3A_1582 : i32 to vector<16xi32>
          %shift_left3A_1584 = arith.shli %xor3A_1580, %shift_left3A_1583 : vector<16xi32>
          %shift_right_logical3A_1585 = arith.constant 26 : i32
          %shift_right_logical3A_1586 = vector.broadcast %shift_right_logical3A_1585 : i32 to vector<16xi32>
          %shift_right_logical3A_1587 = arith.shrui %xor3A_1580, %shift_right_logical3A_1586 : vector<16xi32>
          %or3A_1588 = arith.ori %shift_left3A_1584, %shift_right_logical3A_1587 : vector<16xi32>
          %xor3A_1589 = arith.xori %or3A_1588, %add3A_1581 : vector<16xi32>
          %add3A_1590 = arith.constant 466689008 : i32
          %add3A_1591 = vector.broadcast %add3A_1590 : i32 to vector<16xi32>
          %add3A_1592 = arith.addi %add3A_1581, %add3A_1591 : vector<16xi32>
          %add3A_1593 = arith.constant 5 : i32
          %add3A_1594 = vector.broadcast %add3A_1593 : i32 to vector<16xi32>
          %add3A_1595 = arith.addi %xor3A_1589, %add3A_1594 : vector<16xi32>
          %xor3A_1596 = arith.xori %add3A_1592, %add3A_1595 : vector<16xi32>
          %shift_right_logical3A_1597 = arith.constant 9 : i32
          %shift_right_logical3A_1598 = vector.broadcast %shift_right_logical3A_1597 : i32 to vector<16xi32>
          %shift_right_logical3A_1599 = arith.shrui %xor3A_1596, %shift_right_logical3A_1598 : vector<16xi32>
          %or3A_1600 = arith.constant 1065353216 : i32
          %or3A_1601 = vector.broadcast %or3A_1600 : i32 to vector<16xi32>
          %or3A_1602 = arith.ori %shift_right_logical3A_1599, %or3A_1601 : vector<16xi32>
          %add3A_1603 = arith.constant 96 : i32
          %add3A_1604 = arith.addi %mul3A_39, %add3A_1603 : i32
          %swap3A_1605 = arith.index_cast %scan3A_22 : i32 to index
          %swap3A_1606 = arith.index_cast %add3A_1604 : i32 to index
          %swap3A_1607 = tpu.vector_load %arg3[%swap3A_1605, %swap3A_1606] {strides = array<i32>} : memref<8x1024xi32, #tpu.memory_space<vmem>>, vector<1x16xi32>,
          %swap3A_1608 = vector.shape_cast %swap3A_1607 : vector<1x16xi32> to vector<16xi32>
          %swap3A_1609 = vector.shape_cast %or3A_1602 : vector<16xi32> to vector<1x16xi32>
          tpu.vector_store %arg3[%swap3A_1605, %swap3A_1606], %swap3A_1609 {strides = array<i32>} : memref<8x1024xi32, #tpu.memory_space<vmem>>, vector<1x16xi32>,
          %add3A_1610 = arith.constant 112 : i32
          %add3A_1611 = arith.addi %mul3A_39, %add3A_1610 : i32
          %add3A_1612 = arith.addi %add3A_28, %add3A_1611 : i32
          %add3A_1613 = vector.broadcast %add3A_1612 : i32 to vector<16xi32>
          %add3A_1614 = arith.addi %iota3A, %add3A_1613 : vector<16xi32>
          %shift_left3A_1615 = arith.constant 13 : i32
          %shift_left3A_1616 = vector.broadcast %shift_left3A_1615 : i32 to vector<16xi32>
          %shift_left3A_1617 = arith.shli %add3A_1614, %shift_left3A_1616 : vector<16xi32>
          %shift_right_logical3A_1618 = arith.constant 19 : i32
          %shift_right_logical3A_1619 = vector.broadcast %shift_right_logical3A_1618 : i32 to vector<16xi32>
          %shift_right_logical3A_1620 = arith.shrui %add3A_1614, %shift_right_logical3A_1619 : vector<16xi32>
          %or3A_1621 = arith.ori %shift_left3A_1617, %shift_right_logical3A_1620 : vector<16xi32>
          %xor3A_1622 = arith.xori %or3A_1621, %add3A_1614 : vector<16xi32>
          %add3A_1623 = arith.addi %add3A_1614, %xor3A_1622 : vector<16xi32>
          %shift_left3A_1624 = arith.constant 15 : i32
          %shift_left3A_1625 = vector.broadcast %shift_left3A_1624 : i32 to vector<16xi32>
          %shift_left3A_1626 = arith.shli %xor3A_1622, %shift_left3A_1625 : vector<16xi32>
          %shift_right_logical3A_1627 = arith.constant 17 : i32
          %shift_right_logical3A_1628 = vector.broadcast %shift_right_logical3A_1627 : i32 to vector<16xi32>
          %shift_right_logical3A_1629 = arith.shrui %xor3A_1622, %shift_right_logical3A_1628 : vector<16xi32>
          %or3A_1630 = arith.ori %shift_left3A_1626, %shift_right_logical3A_1629 : vector<16xi32>
          %xor3A_1631 = arith.xori %or3A_1630, %add3A_1623 : vector<16xi32>
          %add3A_1632 = arith.addi %add3A_1623, %xor3A_1631 : vector<16xi32>
          %shift_left3A_1633 = arith.constant 26 : i32
          %shift_left3A_1634 = vector.broadcast %shift_left3A_1633 : i32 to vector<16xi32>
          %shift_left3A_1635 = arith.shli %xor3A_1631, %shift_left3A_1634 : vector<16xi32>
          %shift_right_logical3A_1636 = arith.constant 6 : i32
          %shift_right_logical3A_1637 = vector.broadcast %shift_right_logical3A_1636 : i32 to vector<16xi32>
          %shift_right_logical3A_1638 = arith.shrui %xor3A_1631, %shift_right_logical3A_1637 : vector<16xi32>
          %or3A_1639 = arith.ori %shift_left3A_1635, %shift_right_logical3A_1638 : vector<16xi32>
          %xor3A_1640 = arith.xori %or3A_1639, %add3A_1632 : vector<16xi32>
          %add3A_1641 = arith.addi %add3A_1632, %xor3A_1640 : vector<16xi32>
          %shift_left3A_1642 = arith.constant 6 : i32
          %shift_left3A_1643 = vector.broadcast %shift_left3A_1642 : i32 to vector<16xi32>
          %shift_left3A_1644 = arith.shli %xor3A_1640, %shift_left3A_1643 : vector<16xi32>
          %shift_right_logical3A_1645 = arith.constant 26 : i32
          %shift_right_logical3A_1646 = vector.broadcast %shift_right_logical3A_1645 : i32 to vector<16xi32>
          %shift_right_logical3A_1647 = arith.shrui %xor3A_1640, %shift_right_logical3A_1646 : vector<16xi32>
          %or3A_1648 = arith.ori %shift_left3A_1644, %shift_right_logical3A_1647 : vector<16xi32>
          %xor3A_1649 = arith.xori %or3A_1648, %add3A_1641 : vector<16xi32>
          %add3A_1650 = arith.constant 42 : i32
          %add3A_1651 = vector.broadcast %add3A_1650 : i32 to vector<16xi32>
          %add3A_1652 = arith.addi %add3A_1641, %add3A_1651 : vector<16xi32>
          %add3A_1653 = arith.constant 466689009 : i32
          %add3A_1654 = vector.broadcast %add3A_1653 : i32 to vector<16xi32>
          %add3A_1655 = arith.addi %xor3A_1649, %add3A_1654 : vector<16xi32>
          %add3A_1656 = arith.addi %add3A_1652, %add3A_1655 : vector<16xi32>
          %shift_left3A_1657 = arith.constant 17 : i32
          %shift_left3A_1658 = vector.broadcast %shift_left3A_1657 : i32 to vector<16xi32>
          %shift_left3A_1659 = arith.shli %add3A_1655, %shift_left3A_1658 : vector<16xi32>
          %shift_right_logical3A_1660 = arith.constant 15 : i32
          %shift_right_logical3A_1661 = vector.broadcast %shift_right_logical3A_1660 : i32 to vector<16xi32>
          %shift_right_logical3A_1662 = arith.shrui %add3A_1655, %shift_right_logical3A_1661 : vector<16xi32>
          %or3A_1663 = arith.ori %shift_left3A_1659, %shift_right_logical3A_1662 : vector<16xi32>
          %xor3A_1664 = arith.xori %or3A_1663, %add3A_1656 : vector<16xi32>
          %add3A_1665 = arith.addi %add3A_1656, %xor3A_1664 : vector<16xi32>
          %shift_left3A_1666 = arith.constant 29 : i32
          %shift_left3A_1667 = vector.broadcast %shift_left3A_1666 : i32 to vector<16xi32>
          %shift_left3A_1668 = arith.shli %xor3A_1664, %shift_left3A_1667 : vector<16xi32>
          %shift_right_logical3A_1669 = arith.constant 3 : i32
          %shift_right_logical3A_1670 = vector.broadcast %shift_right_logical3A_1669 : i32 to vector<16xi32>
          %shift_right_logical3A_1671 = arith.shrui %xor3A_1664, %shift_right_logical3A_1670 : vector<16xi32>
          %or3A_1672 = arith.ori %shift_left3A_1668, %shift_right_logical3A_1671 : vector<16xi32>
          %xor3A_1673 = arith.xori %or3A_1672, %add3A_1665 : vector<16xi32>
          %add3A_1674 = arith.addi %add3A_1665, %xor3A_1673 : vector<16xi32>
          %shift_left3A_1675 = arith.constant 16 : i32
          %shift_left3A_1676 = vector.broadcast %shift_left3A_1675 : i32 to vector<16xi32>
          %shift_left3A_1677 = arith.shli %xor3A_1673, %shift_left3A_1676 : vector<16xi32>
          %shift_right_logical3A_1678 = arith.constant 16 : i32
          %shift_right_logical3A_1679 = vector.broadcast %shift_right_logical3A_1678 : i32 to vector<16xi32>
          %shift_right_logical3A_1680 = arith.shrui %xor3A_1673, %shift_right_logical3A_1679 : vector<16xi32>
          %or3A_1681 = arith.ori %shift_left3A_1677, %shift_right_logical3A_1680 : vector<16xi32>
          %xor3A_1682 = arith.xori %or3A_1681, %add3A_1674 : vector<16xi32>
          %add3A_1683 = arith.addi %add3A_1674, %xor3A_1682 : vector<16xi32>
          %shift_left3A_1684 = arith.constant 24 : i32
          %shift_left3A_1685 = vector.broadcast %shift_left3A_1684 : i32 to vector<16xi32>
          %shift_left3A_1686 = arith.shli %xor3A_1682, %shift_left3A_1685 : vector<16xi32>
          %shift_right_logical3A_1687 = arith.constant 8 : i32
          %shift_right_logical3A_1688 = vector.broadcast %shift_right_logical3A_1687 : i32 to vector<16xi32>
          %shift_right_logical3A_1689 = arith.shrui %xor3A_1682, %shift_right_logical3A_1688 : vector<16xi32>
          %or3A_1690 = arith.ori %shift_left3A_1686, %shift_right_logical3A_1689 : vector<16xi32>
          %xor3A_1691 = arith.xori %or3A_1690, %add3A_1683 : vector<16xi32>
          %add3A_1692 = arith.constant 466689008 : i32
          %add3A_1693 = vector.broadcast %add3A_1692 : i32 to vector<16xi32>
          %add3A_1694 = arith.addi %add3A_1683, %add3A_1693 : vector<16xi32>
          %add3A_1695 = arith.constant 2 : i32
          %add3A_1696 = vector.broadcast %add3A_1695 : i32 to vector<16xi32>
          %add3A_1697 = arith.addi %xor3A_1691, %add3A_1696 : vector<16xi32>
          %add3A_1698 = arith.addi %add3A_1694, %add3A_1697 : vector<16xi32>
          %shift_left3A_1699 = arith.constant 13 : i32
          %shift_left3A_1700 = vector.broadcast %shift_left3A_1699 : i32 to vector<16xi32>
          %shift_left3A_1701 = arith.shli %add3A_1697, %shift_left3A_1700 : vector<16xi32>
          %shift_right_logical3A_1702 = arith.constant 19 : i32
          %shift_right_logical3A_1703 = vector.broadcast %shift_right_logical3A_1702 : i32 to vector<16xi32>
          %shift_right_logical3A_1704 = arith.shrui %add3A_1697, %shift_right_logical3A_1703 : vector<16xi32>
          %or3A_1705 = arith.ori %shift_left3A_1701, %shift_right_logical3A_1704 : vector<16xi32>
          %xor3A_1706 = arith.xori %or3A_1705, %add3A_1698 : vector<16xi32>
          %add3A_1707 = arith.addi %add3A_1698, %xor3A_1706 : vector<16xi32>
          %shift_left3A_1708 = arith.constant 15 : i32
          %shift_left3A_1709 = vector.broadcast %shift_left3A_1708 : i32 to vector<16xi32>
          %shift_left3A_1710 = arith.shli %xor3A_1706, %shift_left3A_1709 : vector<16xi32>
          %shift_right_logical3A_1711 = arith.constant 17 : i32
          %shift_right_logical3A_1712 = vector.broadcast %shift_right_logical3A_1711 : i32 to vector<16xi32>
          %shift_right_logical3A_1713 = arith.shrui %xor3A_1706, %shift_right_logical3A_1712 : vector<16xi32>
          %or3A_1714 = arith.ori %shift_left3A_1710, %shift_right_logical3A_1713 : vector<16xi32>
          %xor3A_1715 = arith.xori %or3A_1714, %add3A_1707 : vector<16xi32>
          %add3A_1716 = arith.addi %add3A_1707, %xor3A_1715 : vector<16xi32>
          %shift_left3A_1717 = arith.constant 26 : i32
          %shift_left3A_1718 = vector.broadcast %shift_left3A_1717 : i32 to vector<16xi32>
          %shift_left3A_1719 = arith.shli %xor3A_1715, %shift_left3A_1718 : vector<16xi32>
          %shift_right_logical3A_1720 = arith.constant 6 : i32
          %shift_right_logical3A_1721 = vector.broadcast %shift_right_logical3A_1720 : i32 to vector<16xi32>
          %shift_right_logical3A_1722 = arith.shrui %xor3A_1715, %shift_right_logical3A_1721 : vector<16xi32>
          %or3A_1723 = arith.ori %shift_left3A_1719, %shift_right_logical3A_1722 : vector<16xi32>
          %xor3A_1724 = arith.xori %or3A_1723, %add3A_1716 : vector<16xi32>
          %add3A_1725 = arith.addi %add3A_1716, %xor3A_1724 : vector<16xi32>
          %shift_left3A_1726 = arith.constant 6 : i32
          %shift_left3A_1727 = vector.broadcast %shift_left3A_1726 : i32 to vector<16xi32>
          %shift_left3A_1728 = arith.shli %xor3A_1724, %shift_left3A_1727 : vector<16xi32>
          %shift_right_logical3A_1729 = arith.constant 26 : i32
          %shift_right_logical3A_1730 = vector.broadcast %shift_right_logical3A_1729 : i32 to vector<16xi32>
          %shift_right_logical3A_1731 = arith.shrui %xor3A_1724, %shift_right_logical3A_1730 : vector<16xi32>
          %or3A_1732 = arith.ori %shift_left3A_1728, %shift_right_logical3A_1731 : vector<16xi32>
          %xor3A_1733 = arith.xori %or3A_1732, %add3A_1725 : vector<16xi32>
          %add3A_1734 = arith.constant 45 : i32
          %add3A_1735 = vector.broadcast %add3A_1734 : i32 to vector<16xi32>
          %add3A_1736 = arith.addi %xor3A_1733, %add3A_1735 : vector<16xi32>
          %add3A_1737 = arith.addi %add3A_1725, %add3A_1736 : vector<16xi32>
          %shift_left3A_1738 = arith.constant 17 : i32
          %shift_left3A_1739 = vector.broadcast %shift_left3A_1738 : i32 to vector<16xi32>
          %shift_left3A_1740 = arith.shli %add3A_1736, %shift_left3A_1739 : vector<16xi32>
          %shift_right_logical3A_1741 = arith.constant 15 : i32
          %shift_right_logical3A_1742 = vector.broadcast %shift_right_logical3A_1741 : i32 to vector<16xi32>
          %shift_right_logical3A_1743 = arith.shrui %add3A_1736, %shift_right_logical3A_1742 : vector<16xi32>
          %or3A_1744 = arith.ori %shift_left3A_1740, %shift_right_logical3A_1743 : vector<16xi32>
          %xor3A_1745 = arith.xori %or3A_1744, %add3A_1737 : vector<16xi32>
          %add3A_1746 = arith.addi %add3A_1737, %xor3A_1745 : vector<16xi32>
          %shift_left3A_1747 = arith.constant 29 : i32
          %shift_left3A_1748 = vector.broadcast %shift_left3A_1747 : i32 to vector<16xi32>
          %shift_left3A_1749 = arith.shli %xor3A_1745, %shift_left3A_1748 : vector<16xi32>
          %shift_right_logical3A_1750 = arith.constant 3 : i32
          %shift_right_logical3A_1751 = vector.broadcast %shift_right_logical3A_1750 : i32 to vector<16xi32>
          %shift_right_logical3A_1752 = arith.shrui %xor3A_1745, %shift_right_logical3A_1751 : vector<16xi32>
          %or3A_1753 = arith.ori %shift_left3A_1749, %shift_right_logical3A_1752 : vector<16xi32>
          %xor3A_1754 = arith.xori %or3A_1753, %add3A_1746 : vector<16xi32>
          %add3A_1755 = arith.addi %add3A_1746, %xor3A_1754 : vector<16xi32>
          %shift_left3A_1756 = arith.constant 16 : i32
          %shift_left3A_1757 = vector.broadcast %shift_left3A_1756 : i32 to vector<16xi32>
          %shift_left3A_1758 = arith.shli %xor3A_1754, %shift_left3A_1757 : vector<16xi32>
          %shift_right_logical3A_1759 = arith.constant 16 : i32
          %shift_right_logical3A_1760 = vector.broadcast %shift_right_logical3A_1759 : i32 to vector<16xi32>
          %shift_right_logical3A_1761 = arith.shrui %xor3A_1754, %shift_right_logical3A_1760 : vector<16xi32>
          %or3A_1762 = arith.ori %shift_left3A_1758, %shift_right_logical3A_1761 : vector<16xi32>
          %xor3A_1763 = arith.xori %or3A_1762, %add3A_1755 : vector<16xi32>
          %add3A_1764 = arith.addi %add3A_1755, %xor3A_1763 : vector<16xi32>
          %shift_left3A_1765 = arith.constant 24 : i32
          %shift_left3A_1766 = vector.broadcast %shift_left3A_1765 : i32 to vector<16xi32>
          %shift_left3A_1767 = arith.shli %xor3A_1763, %shift_left3A_1766 : vector<16xi32>
          %shift_right_logical3A_1768 = arith.constant 8 : i32
          %shift_right_logical3A_1769 = vector.broadcast %shift_right_logical3A_1768 : i32 to vector<16xi32>
          %shift_right_logical3A_1770 = arith.shrui %xor3A_1763, %shift_right_logical3A_1769 : vector<16xi32>
          %or3A_1771 = arith.ori %shift_left3A_1767, %shift_right_logical3A_1770 : vector<16xi32>
          %xor3A_1772 = arith.xori %or3A_1771, %add3A_1764 : vector<16xi32>
          %add3A_1773 = arith.constant 42 : i32
          %add3A_1774 = vector.broadcast %add3A_1773 : i32 to vector<16xi32>
          %add3A_1775 = arith.addi %add3A_1764, %add3A_1774 : vector<16xi32>
          %add3A_1776 = arith.constant 466689012 : i32
          %add3A_1777 = vector.broadcast %add3A_1776 : i32 to vector<16xi32>
          %add3A_1778 = arith.addi %xor3A_1772, %add3A_1777 : vector<16xi32>
          %add3A_1779 = arith.addi %add3A_1775, %add3A_1778 : vector<16xi32>
          %shift_left3A_1780 = arith.constant 13 : i32
          %shift_left3A_1781 = vector.broadcast %shift_left3A_1780 : i32 to vector<16xi32>
          %shift_left3A_1782 = arith.shli %add3A_1778, %shift_left3A_1781 : vector<16xi32>
          %shift_right_logical3A_1783 = arith.constant 19 : i32
          %shift_right_logical3A_1784 = vector.broadcast %shift_right_logical3A_1783 : i32 to vector<16xi32>
          %shift_right_logical3A_1785 = arith.shrui %add3A_1778, %shift_right_logical3A_1784 : vector<16xi32>
          %or3A_1786 = arith.ori %shift_left3A_1782, %shift_right_logical3A_1785 : vector<16xi32>
          %xor3A_1787 = arith.xori %or3A_1786, %add3A_1779 : vector<16xi32>
          %add3A_1788 = arith.addi %add3A_1779, %xor3A_1787 : vector<16xi32>
          %shift_left3A_1789 = arith.constant 15 : i32
          %shift_left3A_1790 = vector.broadcast %shift_left3A_1789 : i32 to vector<16xi32>
          %shift_left3A_1791 = arith.shli %xor3A_1787, %shift_left3A_1790 : vector<16xi32>
          %shift_right_logical3A_1792 = arith.constant 17 : i32
          %shift_right_logical3A_1793 = vector.broadcast %shift_right_logical3A_1792 : i32 to vector<16xi32>
          %shift_right_logical3A_1794 = arith.shrui %xor3A_1787, %shift_right_logical3A_1793 : vector<16xi32>
          %or3A_1795 = arith.ori %shift_left3A_1791, %shift_right_logical3A_1794 : vector<16xi32>
          %xor3A_1796 = arith.xori %or3A_1795, %add3A_1788 : vector<16xi32>
          %add3A_1797 = arith.addi %add3A_1788, %xor3A_1796 : vector<16xi32>
          %shift_left3A_1798 = arith.constant 26 : i32
          %shift_left3A_1799 = vector.broadcast %shift_left3A_1798 : i32 to vector<16xi32>
          %shift_left3A_1800 = arith.shli %xor3A_1796, %shift_left3A_1799 : vector<16xi32>
          %shift_right_logical3A_1801 = arith.constant 6 : i32
          %shift_right_logical3A_1802 = vector.broadcast %shift_right_logical3A_1801 : i32 to vector<16xi32>
          %shift_right_logical3A_1803 = arith.shrui %xor3A_1796, %shift_right_logical3A_1802 : vector<16xi32>
          %or3A_1804 = arith.ori %shift_left3A_1800, %shift_right_logical3A_1803 : vector<16xi32>
          %xor3A_1805 = arith.xori %or3A_1804, %add3A_1797 : vector<16xi32>
          %add3A_1806 = arith.addi %add3A_1797, %xor3A_1805 : vector<16xi32>
          %shift_left3A_1807 = arith.constant 6 : i32
          %shift_left3A_1808 = vector.broadcast %shift_left3A_1807 : i32 to vector<16xi32>
          %shift_left3A_1809 = arith.shli %xor3A_1805, %shift_left3A_1808 : vector<16xi32>
          %shift_right_logical3A_1810 = arith.constant 26 : i32
          %shift_right_logical3A_1811 = vector.broadcast %shift_right_logical3A_1810 : i32 to vector<16xi32>
          %shift_right_logical3A_1812 = arith.shrui %xor3A_1805, %shift_right_logical3A_1811 : vector<16xi32>
          %or3A_1813 = arith.ori %shift_left3A_1809, %shift_right_logical3A_1812 : vector<16xi32>
          %xor3A_1814 = arith.xori %or3A_1813, %add3A_1806 : vector<16xi32>
          %add3A_1815 = arith.constant 466689008 : i32
          %add3A_1816 = vector.broadcast %add3A_1815 : i32 to vector<16xi32>
          %add3A_1817 = arith.addi %add3A_1806, %add3A_1816 : vector<16xi32>
          %add3A_1818 = arith.constant 5 : i32
          %add3A_1819 = vector.broadcast %add3A_1818 : i32 to vector<16xi32>
          %add3A_1820 = arith.addi %xor3A_1814, %add3A_1819 : vector<16xi32>
          %xor3A_1821 = arith.xori %add3A_1817, %add3A_1820 : vector<16xi32>
          %shift_right_logical3A_1822 = arith.constant 9 : i32
          %shift_right_logical3A_1823 = vector.broadcast %shift_right_logical3A_1822 : i32 to vector<16xi32>
          %shift_right_logical3A_1824 = arith.shrui %xor3A_1821, %shift_right_logical3A_1823 : vector<16xi32>
          %or3A_1825 = arith.constant 1065353216 : i32
          %or3A_1826 = vector.broadcast %or3A_1825 : i32 to vector<16xi32>
          %or3A_1827 = arith.ori %shift_right_logical3A_1824, %or3A_1826 : vector<16xi32>
          %add3A_1828 = arith.constant 112 : i32
          %add3A_1829 = arith.addi %mul3A_39, %add3A_1828 : i32
          %swap3A_1830 = arith.index_cast %scan3A_22 : i32 to index
          %swap3A_1831 = arith.index_cast %add3A_1829 : i32 to index
          %swap3A_1832 = tpu.vector_load %arg3[%swap3A_1830, %swap3A_1831] {strides = array<i32>} : memref<8x1024xi32, #tpu.memory_space<vmem>>, vector<1x16xi32>,
          %swap3A_1833 = vector.shape_cast %swap3A_1832 : vector<1x16xi32> to vector<16xi32>
          %swap3A_1834 = vector.shape_cast %or3A_1827 : vector<16xi32> to vector<1x16xi32>
          tpu.vector_store %arg3[%swap3A_1830, %swap3A_1831], %swap3A_1834 {strides = array<i32>} : memref<8x1024xi32, #tpu.memory_space<vmem>>, vector<1x16xi32>,
          %scan3A_1835 = arith.constant 0 : i32
          scf.yield %scan3A_1835 : i32
        }
        %scan3A_35 = arith.constant 8 : i32
        scf.yield %scan3A_34 : i32
      }
      %scan3A_20 = arith.constant 8 : i32
      "tpu.region"() ({
        %run_scoped3A = tpu.sem_alloc : memref<!tpu.dma_semaphore, #tpu.memory_space<semaphore_mem>>
        %dma_start3A = arith.constant 0 : i32
        %dma_start3A_22 = tpu.memref_slice %arg2[%add3A_13, %dma_start3A] : memref<4096x1024xi32, #tpu.memory_space<hbm>> -> memref<8x1024xi32, #tpu.memory_space<hbm>>
        %dma_start3A_23 = arith.constant 0 : i32
        %dma_start3A_24 = tpu.memref_slice %arg2[%add3A_13, %dma_start3A_23] : memref<4096x1024xi32, #tpu.memory_space<hbm>> -> memref<8x1024xi32, #tpu.memory_space<hbm>>
        tpu.enqueue_dma source(%arg3 : memref<8x1024xi32, #tpu.memory_space<vmem>>) target(%dma_start3A_24 : memref<8x1024xi32, #tpu.memory_space<hbm>>) target_semaphore(%run_scoped3A : memref<!tpu.dma_semaphore, #tpu.memory_space<semaphore_mem>>)
        %dma_wait3A = arith.constant 0 : i32
        %dma_wait3A_25 = tpu.memref_slice %arg2[%add3A_13, %dma_wait3A] : memref<4096x1024xi32, #tpu.memory_space<hbm>> -> memref<8x1024xi32, #tpu.memory_space<hbm>>
        %dma_wait3A_26 = arith.constant 0 : i32
        %dma_wait3A_27 = tpu.memref_slice %arg2[%add3A_13, %dma_wait3A_26] : memref<4096x1024xi32, #tpu.memory_space<hbm>> -> memref<8x1024xi32, #tpu.memory_space<hbm>>
        tpu.wait_dma2 semaphore(%run_scoped3A : memref<!tpu.dma_semaphore, #tpu.memory_space<semaphore_mem>>) src(%arg3 : memref<8x1024xi32, #tpu.memory_space<vmem>>) dst(%dma_wait3A_27 : memref<8x1024xi32, #tpu.memory_space<hbm>>)
        tpu.yield
      }) : () -> ()
      %scan3A_21 = arith.constant 0 : i32
      scf.yield %scan3A_21 : i32
    }
    %scan3A_8 = arith.constant 16 : i32
    return
  }
}

module attributes {stable_mosaic.version = 14 : i64} {
  func.func @_stripe_body(%arg0: i32, %arg1: memref<4096x64xf32, #tpu.memory_space<vmem>>, %arg2: memref<64x512xf32, #tpu.memory_space<vmem>>, %arg3: memref<4096x512xi32, #tpu.memory_space<vmem>>, %arg4: memref<1x1x512xi32, #tpu.memory_space<vmem>>, %arg5: memref<4096x512xf32, #tpu.memory_space<vmem>>) attributes {dimension_semantics = [#tpu.dimension_semantics<arbitrary>], iteration_bounds = array<i64: 2>, scalar_prefetch = 0 : i64, scratch_operands = 1 : i64, tpu.core_type = #tpu.core_type<tc>, window_params = [{pipeline_mode = #tpu.pipeline_mode<synchronous>, transform_indices = @transform_0, window_bounds = array<i64: 4096, 64>}, {transform_indices = @transform_1, window_bounds = array<i64: 64, 512>}, {transform_indices = @transform_2, window_bounds = array<i64: 4096, 512>}, {transform_indices = @transform_3, window_bounds = array<i64: 1, 1, 512>}]} {
    %get3A = arith.constant 0 : index
    %get3A_0 = arith.constant 0 : index
    %get3A_1 = vector.load %arg2[%get3A, %get3A_0] : memref<64x512xf32, #tpu.memory_space<vmem>>, vector<64x512xf32>
    %mul3A = arith.mulf %get3A_1, %get3A_1 : vector<64x512xf32>
    %reduce_sum3A = arith.constant dense<0.000000e+00> : vector<512xf32>
    %reduce_sum3A_2 = vector.multi_reduction <add>, %mul3A, %reduce_sum3A [0] : vector<64x512xf32> to vector<512xf32>
    %broadcast_in_dim3A = vector.shape_cast %reduce_sum3A_2 : vector<512xf32> to vector<1x512xf32>
    %iota3A = tpu.iota {dimensions = array<i32: 0>} : vector<128x512xi32>
    %broadcast_in_dim3A_3 = arith.constant 0x7F800000 : f32
    %broadcast_in_dim3A_4 = vector.broadcast %broadcast_in_dim3A_3 : f32 to vector<128x512xf32>
    %broadcast_in_dim3A_5 = arith.constant 0 : i32
    %broadcast_in_dim3A_6 = vector.broadcast %broadcast_in_dim3A_5 : i32 to vector<128x512xi32>
    %scan3A = arith.constant 0 : i32
    %mul3A_7 = arith.constant 4096 : i32
    %mul3A_8 = arith.muli %scan3A, %mul3A_7 : i32
    %get3A_9 = arith.index_cast %mul3A_8 : i32 to index
    %get3A_10 = arith.constant 0 : index
    %get3A_11 = vector.load %arg1[%get3A_9, %get3A_10] : memref<4096x64xf32, #tpu.memory_space<vmem>>, vector<4096x64xf32>
    %dot_general3A = arith.constant dense<0.000000e+00> : vector<4096x512xf32>
    %dot_general3A_12 = tpu.matmul %get3A_11, %get3A_1, %dot_general3A {dimension_numbers = #tpu.dot_dimension_numbers<[1], [0], [0], [1], [0, 0, 1, 1], [], []>, transpose_lhs_hint = false} : vector<4096x64xf32>, vector<64x512xf32>, vector<4096x512xf32> -> vector<4096x512xf32>
    %swap3A = arith.constant 0 : index
    %swap3A_13 = arith.constant 0 : index
    %swap3A_14 = vector.load %arg5[%swap3A, %swap3A_13] : memref<4096x512xf32, #tpu.memory_space<vmem>>, vector<4096x512xf32>
    tpu.vector_store %arg5[%swap3A, %swap3A_13], %dot_general3A_12 {strides = array<i32>} : memref<4096x512xf32, #tpu.memory_space<vmem>>, vector<4096x512xf32>,
    %scan3A_15 = arith.constant 0 : i32
    %scan3A_16 = arith.constant 32 : i32
    %scan3A_17 = arith.addi %scan3A_15, %scan3A_16 : i32
    %scan3A_18 = arith.constant 1 : i32
    %scan3A_19:2 = scf.for %scan3A_34 = %scan3A_15 to %scan3A_17 step %scan3A_18 iter_args(%scan3A_35 = %broadcast_in_dim3A_4, %scan3A_36 = %broadcast_in_dim3A_6) -> (vector<128x512xf32>, vector<128x512xi32>)  : i32 {
      %mul3A_37 = arith.constant 128 : i32
      %mul3A_38 = arith.muli %scan3A_34, %mul3A_37 : i32
      %add3A = arith.addi %mul3A_8, %mul3A_38 : i32
      %get3A_39 = arith.index_cast %add3A : i32 to index
      %get3A_40 = arith.constant 0 : index
      %get3A_41 = vector.load %arg1[%get3A_39, %get3A_40] : memref<4096x64xf32, #tpu.memory_space<vmem>>, vector<128x64xf32>
      %mul3A_42 = arith.mulf %get3A_41, %get3A_41 : vector<128x64xf32>
      %reduce_sum3A_43 = arith.constant dense<0.000000e+00> : vector<128xf32>
      %reduce_sum3A_44 = vector.multi_reduction <add>, %mul3A_42, %reduce_sum3A_43 [1] : vector<128x64xf32> to vector<128xf32>
      %broadcast_in_dim3A_45 = vector.shape_cast %reduce_sum3A_44 : vector<128xf32> to vector<128x1xf32>
      %mul3A_46 = arith.constant 128 : i32
      %mul3A_47 = arith.muli %scan3A_34, %mul3A_46 : i32
      %get3A_48 = arith.index_cast %mul3A_47 : i32 to index
      %get3A_49 = arith.constant 0 : index
      %get3A_50 = vector.load %arg5[%get3A_48, %get3A_49] : memref<4096x512xf32, #tpu.memory_space<vmem>>, vector<128x512xf32>
      %mul3A_51 = arith.constant 2.000000e+00 : f32
      %mul3A_52 = vector.broadcast %mul3A_51 : f32 to vector<128x512xf32>
      %mul3A_53 = arith.mulf %mul3A_52, %get3A_50 : vector<128x512xf32>
      %sub3A = vector.broadcast %broadcast_in_dim3A_45 : vector<128x1xf32> to vector<128x512xf32>
      %sub3A_54 = arith.subf %sub3A, %mul3A_53 : vector<128x512xf32>
      %add3A_55 = vector.broadcast %broadcast_in_dim3A : vector<1x512xf32> to vector<128x512xf32>
      %add3A_56 = arith.addf %sub3A_54, %add3A_55 : vector<128x512xf32>
      %get3A_57 = arith.index_cast %add3A : i32 to index
      %get3A_58 = arith.constant 0 : index
      %get3A_59 = vector.load %arg3[%get3A_57, %get3A_58] : memref<4096x512xi32, #tpu.memory_space<vmem>>, vector<128x512xi32>
      %bitcast_convert_type3A = tpu.bitcast %get3A_59 : vector<128x512xi32> -> vector<128x512xf32>
      %sub3A_60 = arith.constant 1.000000e+00 : f32
      %sub3A_61 = vector.broadcast %sub3A_60 : f32 to vector<128x512xf32>
      %sub3A_62 = arith.subf %bitcast_convert_type3A, %sub3A_61 : vector<128x512xf32>
      %log3A = math.log %sub3A_62 : vector<128x512xf32>
      %neg3A = arith.constant 0.000000e+00 : f32
      %neg3A_63 = vector.broadcast %neg3A : f32 to vector<128x512xf32>
      %neg3A_64 = arith.subf %neg3A_63, %log3A : vector<128x512xf32>
      %log3A_65 = math.log %neg3A_64 : vector<128x512xf32>
      %add3A_66 = arith.addf %add3A_56, %log3A_65 : vector<128x512xf32>
      %lt3A = arith.cmpf olt, %add3A_66, %scan3A_35 : vector<128x512xf32>
      %select_n3A_67 = arith.select %lt3A, %add3A_66, %scan3A_35 : vector<128x512xi1>, vector<128x512xf32>
      %add3A_68 = vector.broadcast %add3A : i32 to vector<128x512xi32>
      %add3A_69 = arith.addi %add3A_68, %iota3A : vector<128x512xi32>
      %select_n3A_70 = arith.select %lt3A, %add3A_69, %scan3A_36 : vector<128x512xi1>, vector<128x512xi32>
      scf.yield %select_n3A_67, %select_n3A_70 : vector<128x512xf32>, vector<128x512xi32>
    }
    %scan3A_20 = arith.constant 32 : i32
    %scan3A_21 = arith.constant 1 : i32
    %reduce_min3A = arith.constant dense<0x7F800000> : vector<512xf32>
    %reduce_min3A_22 = vector.multi_reduction <minimumf>, %scan3A_19#0, %reduce_min3A [0] : vector<128x512xf32> to vector<512xf32>
    %broadcast_in_dim3A_23 = vector.shape_cast %reduce_min3A_22 : vector<512xf32> to vector<1x512xf32>
    %eq3A = vector.broadcast %broadcast_in_dim3A_23 : vector<1x512xf32> to vector<128x512xf32>
    %eq3A_24 = arith.cmpf oeq, %scan3A_19#0, %eq3A : vector<128x512xf32>
    %jit3A = arith.constant 1073741824 : i32
    %broadcast_in_dim3A_25 = vector.broadcast %jit3A : i32 to vector<128x512xi32>
    %select_n3A = arith.select %eq3A_24, %scan3A_19#1, %broadcast_in_dim3A_25 : vector<128x512xi1>, vector<128x512xi32>
    %reduce_min3A_26 = arith.constant dense<2147483647> : vector<512xi32>
    %reduce_min3A_27 = vector.multi_reduction <minsi>, %select_n3A, %reduce_min3A_26 [0] : vector<128x512xi32> to vector<512xi32>
    %swap3A_28 = arith.constant 0 : index
    %swap3A_29 = arith.constant 0 : index
    %swap3A_30 = arith.constant 0 : index
    %swap3A_31 = vector.load %arg4[%swap3A_28, %swap3A_29, %swap3A_30] : memref<1x1x512xi32, #tpu.memory_space<vmem>>, vector<1x1x512xi32>
    %swap3A_32 = vector.shape_cast %swap3A_31 : vector<1x1x512xi32> to vector<512xi32>
    %swap3A_33 = vector.shape_cast %reduce_min3A_27 : vector<512xi32> to vector<1x1x512xi32>
    tpu.vector_store %arg4[%swap3A_28, %swap3A_29, %swap3A_30], %swap3A_33 {strides = array<i32>} : memref<1x1x512xi32, #tpu.memory_space<vmem>>, vector<1x1x512xi32>,
    return
  }
  func.func @transform_0(%arg0: i32) -> (i32, i32) {
    %c0_i32 = arith.constant 0 : i32
    %c0_i32_0 = arith.constant 0 : i32
    %c0_i32_1 = arith.constant 0 : i32
    return %c0_i32, %c0_i32_0 : i32, i32
  }
  func.func @transform_1(%arg0: i32) -> (i32, i32) {
    %c0_i32 = arith.constant 0 : i32
    %c0_i32_0 = arith.constant 0 : i32
    return %c0_i32, %arg0 : i32, i32
  }
  func.func @transform_2(%arg0: i32) -> (i32, i32) {
    %c0_i32 = arith.constant 0 : i32
    %c0_i32_0 = arith.constant 0 : i32
    return %c0_i32, %arg0 : i32, i32
  }
  func.func @transform_3(%arg0: i32) -> (i32, i32, i32) {
    %c0_i32 = arith.constant 0 : i32
    %c0_i32_0 = arith.constant 0 : i32
    %c0_i32_1 = arith.constant 0 : i32
    return %arg0, %c0_i32, %c0_i32_0 : i32, i32, i32
  }
}

module attributes {stable_mosaic.version = 14 : i64} {
  func.func @_sampler_body(%arg0: i32, %arg1: memref<4096x64xf32, #tpu.memory_space<vmem>>, %arg2: memref<64x512xf32, #tpu.memory_space<vmem>>, %arg3: memref<1x1x512xi32, #tpu.memory_space<vmem>>, %arg4: memref<4096x512xf32, #tpu.memory_space<vmem>>) attributes {dimension_semantics = [#tpu.dimension_semantics<arbitrary>], iteration_bounds = array<i64: 6>, scalar_prefetch = 0 : i64, scratch_operands = 1 : i64, tpu.core_type = #tpu.core_type<tc>, window_params = [{pipeline_mode = #tpu.pipeline_mode<synchronous>, transform_indices = @transform_0, window_bounds = array<i64: 4096, 64>}, {transform_indices = @transform_1, window_bounds = array<i64: 64, 512>}, {transform_indices = @transform_2, window_bounds = array<i64: 1, 1, 512>}]} {
    %get3A = arith.constant 0 : index
    %get3A_0 = arith.constant 0 : index
    %get3A_1 = vector.load %arg2[%get3A, %get3A_0] : memref<64x512xf32, #tpu.memory_space<vmem>>, vector<64x512xf32>
    %mul3A = arith.mulf %get3A_1, %get3A_1 : vector<64x512xf32>
    %reduce_sum3A = arith.constant dense<0.000000e+00> : vector<512xf32>
    %reduce_sum3A_2 = vector.multi_reduction <add>, %mul3A, %reduce_sum3A [0] : vector<64x512xf32> to vector<512xf32>
    %broadcast_in_dim3A = vector.shape_cast %reduce_sum3A_2 : vector<512xf32> to vector<1x512xf32>
    %add3A = arith.constant 2 : i32
    %add3A_3 = arith.addi %arg0, %add3A : i32
    %mul3A_4 = arith.constant 512 : i32
    %mul3A_5 = arith.muli %add3A_3, %mul3A_4 : i32
    %iota3A = tpu.iota {dimensions = array<i32: 0>} : vector<32x512xi32>
    %shift_left3A = arith.constant 12 : i32
    %shift_left3A_6 = vector.broadcast %shift_left3A : i32 to vector<32x512xi32>
    %shift_left3A_7 = arith.shli %iota3A, %shift_left3A_6 : vector<32x512xi32>
    %iota3A_8 = tpu.iota {dimensions = array<i32: 1>} : vector<32x512xi32>
    %add3A_9 = arith.addi %shift_left3A_7, %iota3A_8 : vector<32x512xi32>
    %add3A_10 = arith.constant 42 : i32
    %add3A_11 = arith.addi %mul3A_5, %add3A_10 : i32
    %add3A_12 = vector.broadcast %add3A_11 : i32 to vector<32x512xi32>
    %add3A_13 = arith.addi %add3A_9, %add3A_12 : vector<32x512xi32>
    %broadcast_in_dim3A_14 = arith.constant 0x7F800000 : f32
    %broadcast_in_dim3A_15 = vector.broadcast %broadcast_in_dim3A_14 : f32 to vector<32x512xf32>
    %broadcast_in_dim3A_16 = arith.constant 0 : i32
    %broadcast_in_dim3A_17 = vector.broadcast %broadcast_in_dim3A_16 : i32 to vector<32x512xi32>
    %scan3A = arith.constant 0 : i32
    %mul3A_18 = arith.constant 4096 : i32
    %mul3A_19 = arith.muli %scan3A, %mul3A_18 : i32
    %get3A_20 = arith.index_cast %mul3A_19 : i32 to index
    %get3A_21 = arith.constant 0 : index
    %get3A_22 = vector.load %arg1[%get3A_20, %get3A_21] : memref<4096x64xf32, #tpu.memory_space<vmem>>, vector<4096x64xf32>
    %dot_general3A = arith.constant dense<0.000000e+00> : vector<4096x512xf32>
    %dot_general3A_23 = tpu.matmul %get3A_22, %get3A_1, %dot_general3A {dimension_numbers = #tpu.dot_dimension_numbers<[1], [0], [0], [1], [0, 0, 1, 1], [], []>, transpose_lhs_hint = false} : vector<4096x64xf32>, vector<64x512xf32>, vector<4096x512xf32> -> vector<4096x512xf32>
    %swap3A = arith.constant 0 : index
    %swap3A_24 = arith.constant 0 : index
    %swap3A_25 = vector.load %arg4[%swap3A, %swap3A_24] : memref<4096x512xf32, #tpu.memory_space<vmem>>, vector<4096x512xf32>
    tpu.vector_store %arg4[%swap3A, %swap3A_24], %dot_general3A_23 {strides = array<i32>} : memref<4096x512xf32, #tpu.memory_space<vmem>>, vector<4096x512xf32>,
    %scan3A_26 = arith.constant 0 : i32
    %scan3A_27 = arith.constant 128 : i32
    %scan3A_28 = arith.addi %scan3A_26, %scan3A_27 : i32
    %scan3A_29 = arith.constant 1 : i32
    %scan3A_30:2 = scf.for %scan3A_45 = %scan3A_26 to %scan3A_28 step %scan3A_29 iter_args(%scan3A_46 = %broadcast_in_dim3A_15, %scan3A_47 = %broadcast_in_dim3A_17) -> (vector<32x512xf32>, vector<32x512xi32>)  : i32 {
      %mul3A_48 = arith.constant 32 : i32
      %mul3A_49 = arith.muli %scan3A_45, %mul3A_48 : i32
      %add3A_50 = arith.addi %mul3A_19, %mul3A_49 : i32
      %get3A_51 = arith.index_cast %add3A_50 : i32 to index
      %get3A_52 = arith.constant 0 : index
      %get3A_53 = vector.load %arg1[%get3A_51, %get3A_52] : memref<4096x64xf32, #tpu.memory_space<vmem>>, vector<32x64xf32>
      %mul3A_54 = arith.mulf %get3A_53, %get3A_53 : vector<32x64xf32>
      %reduce_sum3A_55 = arith.constant dense<0.000000e+00> : vector<32xf32>
      %reduce_sum3A_56 = vector.multi_reduction <add>, %mul3A_54, %reduce_sum3A_55 [1] : vector<32x64xf32> to vector<32xf32>
      %broadcast_in_dim3A_57 = vector.shape_cast %reduce_sum3A_56 : vector<32xf32> to vector<32x1xf32>
      %mul3A_58 = arith.constant 32 : i32
      %mul3A_59 = arith.muli %scan3A_45, %mul3A_58 : i32
      %get3A_60 = arith.index_cast %mul3A_59 : i32 to index
      %get3A_61 = arith.constant 0 : index
      %get3A_62 = vector.load %arg4[%get3A_60, %get3A_61] : memref<4096x512xf32, #tpu.memory_space<vmem>>, vector<32x512xf32>
      %mul3A_63 = arith.constant 2.000000e+00 : f32
      %mul3A_64 = vector.broadcast %mul3A_63 : f32 to vector<32x512xf32>
      %mul3A_65 = arith.mulf %mul3A_64, %get3A_62 : vector<32x512xf32>
      %sub3A = vector.broadcast %broadcast_in_dim3A_57 : vector<32x1xf32> to vector<32x512xf32>
      %sub3A_66 = arith.subf %sub3A, %mul3A_65 : vector<32x512xf32>
      %add3A_67 = vector.broadcast %broadcast_in_dim3A : vector<1x512xf32> to vector<32x512xf32>
      %add3A_68 = arith.addf %sub3A_66, %add3A_67 : vector<32x512xf32>
      %shift_left3A_69 = arith.constant 12 : i32
      %shift_left3A_70 = arith.shli %add3A_50, %shift_left3A_69 : i32
      %add3A_71 = vector.broadcast %shift_left3A_70 : i32 to vector<32x512xi32>
      %add3A_72 = arith.addi %add3A_13, %add3A_71 : vector<32x512xi32>
      %shift_left3A_73 = arith.constant 13 : i32
      %shift_left3A_74 = vector.broadcast %shift_left3A_73 : i32 to vector<32x512xi32>
      %shift_left3A_75 = arith.shli %add3A_72, %shift_left3A_74 : vector<32x512xi32>
      %shift_right_logical3A = arith.constant 19 : i32
      %shift_right_logical3A_76 = vector.broadcast %shift_right_logical3A : i32 to vector<32x512xi32>
      %shift_right_logical3A_77 = arith.shrui %add3A_72, %shift_right_logical3A_76 : vector<32x512xi32>
      %or3A = arith.ori %shift_left3A_75, %shift_right_logical3A_77 : vector<32x512xi32>
      %xor3A = arith.xori %or3A, %add3A_72 : vector<32x512xi32>
      %add3A_78 = arith.addi %add3A_72, %xor3A : vector<32x512xi32>
      %shift_left3A_79 = arith.constant 15 : i32
      %shift_left3A_80 = vector.broadcast %shift_left3A_79 : i32 to vector<32x512xi32>
      %shift_left3A_81 = arith.shli %xor3A, %shift_left3A_80 : vector<32x512xi32>
      %shift_right_logical3A_82 = arith.constant 17 : i32
      %shift_right_logical3A_83 = vector.broadcast %shift_right_logical3A_82 : i32 to vector<32x512xi32>
      %shift_right_logical3A_84 = arith.shrui %xor3A, %shift_right_logical3A_83 : vector<32x512xi32>
      %or3A_85 = arith.ori %shift_left3A_81, %shift_right_logical3A_84 : vector<32x512xi32>
      %xor3A_86 = arith.xori %or3A_85, %add3A_78 : vector<32x512xi32>
      %add3A_87 = arith.addi %add3A_78, %xor3A_86 : vector<32x512xi32>
      %shift_left3A_88 = arith.constant 26 : i32
      %shift_left3A_89 = vector.broadcast %shift_left3A_88 : i32 to vector<32x512xi32>
      %shift_left3A_90 = arith.shli %xor3A_86, %shift_left3A_89 : vector<32x512xi32>
      %shift_right_logical3A_91 = arith.constant 6 : i32
      %shift_right_logical3A_92 = vector.broadcast %shift_right_logical3A_91 : i32 to vector<32x512xi32>
      %shift_right_logical3A_93 = arith.shrui %xor3A_86, %shift_right_logical3A_92 : vector<32x512xi32>
      %or3A_94 = arith.ori %shift_left3A_90, %shift_right_logical3A_93 : vector<32x512xi32>
      %xor3A_95 = arith.xori %or3A_94, %add3A_87 : vector<32x512xi32>
      %add3A_96 = arith.addi %add3A_87, %xor3A_95 : vector<32x512xi32>
      %shift_left3A_97 = arith.constant 6 : i32
      %shift_left3A_98 = vector.broadcast %shift_left3A_97 : i32 to vector<32x512xi32>
      %shift_left3A_99 = arith.shli %xor3A_95, %shift_left3A_98 : vector<32x512xi32>
      %shift_right_logical3A_100 = arith.constant 26 : i32
      %shift_right_logical3A_101 = vector.broadcast %shift_right_logical3A_100 : i32 to vector<32x512xi32>
      %shift_right_logical3A_102 = arith.shrui %xor3A_95, %shift_right_logical3A_101 : vector<32x512xi32>
      %or3A_103 = arith.ori %shift_left3A_99, %shift_right_logical3A_102 : vector<32x512xi32>
      %xor3A_104 = arith.xori %or3A_103, %add3A_96 : vector<32x512xi32>
      %add3A_105 = arith.constant 42 : i32
      %add3A_106 = vector.broadcast %add3A_105 : i32 to vector<32x512xi32>
      %add3A_107 = arith.addi %add3A_96, %add3A_106 : vector<32x512xi32>
      %add3A_108 = arith.constant 466689009 : i32
      %add3A_109 = vector.broadcast %add3A_108 : i32 to vector<32x512xi32>
      %add3A_110 = arith.addi %xor3A_104, %add3A_109 : vector<32x512xi32>
      %add3A_111 = arith.addi %add3A_107, %add3A_110 : vector<32x512xi32>
      %shift_left3A_112 = arith.constant 17 : i32
      %shift_left3A_113 = vector.broadcast %shift_left3A_112 : i32 to vector<32x512xi32>
      %shift_left3A_114 = arith.shli %add3A_110, %shift_left3A_113 : vector<32x512xi32>
      %shift_right_logical3A_115 = arith.constant 15 : i32
      %shift_right_logical3A_116 = vector.broadcast %shift_right_logical3A_115 : i32 to vector<32x512xi32>
      %shift_right_logical3A_117 = arith.shrui %add3A_110, %shift_right_logical3A_116 : vector<32x512xi32>
      %or3A_118 = arith.ori %shift_left3A_114, %shift_right_logical3A_117 : vector<32x512xi32>
      %xor3A_119 = arith.xori %or3A_118, %add3A_111 : vector<32x512xi32>
      %add3A_120 = arith.addi %add3A_111, %xor3A_119 : vector<32x512xi32>
      %shift_left3A_121 = arith.constant 29 : i32
      %shift_left3A_122 = vector.broadcast %shift_left3A_121 : i32 to vector<32x512xi32>
      %shift_left3A_123 = arith.shli %xor3A_119, %shift_left3A_122 : vector<32x512xi32>
      %shift_right_logical3A_124 = arith.constant 3 : i32
      %shift_right_logical3A_125 = vector.broadcast %shift_right_logical3A_124 : i32 to vector<32x512xi32>
      %shift_right_logical3A_126 = arith.shrui %xor3A_119, %shift_right_logical3A_125 : vector<32x512xi32>
      %or3A_127 = arith.ori %shift_left3A_123, %shift_right_logical3A_126 : vector<32x512xi32>
      %xor3A_128 = arith.xori %or3A_127, %add3A_120 : vector<32x512xi32>
      %add3A_129 = arith.addi %add3A_120, %xor3A_128 : vector<32x512xi32>
      %shift_left3A_130 = arith.constant 16 : i32
      %shift_left3A_131 = vector.broadcast %shift_left3A_130 : i32 to vector<32x512xi32>
      %shift_left3A_132 = arith.shli %xor3A_128, %shift_left3A_131 : vector<32x512xi32>
      %shift_right_logical3A_133 = arith.constant 16 : i32
      %shift_right_logical3A_134 = vector.broadcast %shift_right_logical3A_133 : i32 to vector<32x512xi32>
      %shift_right_logical3A_135 = arith.shrui %xor3A_128, %shift_right_logical3A_134 : vector<32x512xi32>
      %or3A_136 = arith.ori %shift_left3A_132, %shift_right_logical3A_135 : vector<32x512xi32>
      %xor3A_137 = arith.xori %or3A_136, %add3A_129 : vector<32x512xi32>
      %add3A_138 = arith.addi %add3A_129, %xor3A_137 : vector<32x512xi32>
      %shift_left3A_139 = arith.constant 24 : i32
      %shift_left3A_140 = vector.broadcast %shift_left3A_139 : i32 to vector<32x512xi32>
      %shift_left3A_141 = arith.shli %xor3A_137, %shift_left3A_140 : vector<32x512xi32>
      %shift_right_logical3A_142 = arith.constant 8 : i32
      %shift_right_logical3A_143 = vector.broadcast %shift_right_logical3A_142 : i32 to vector<32x512xi32>
      %shift_right_logical3A_144 = arith.shrui %xor3A_137, %shift_right_logical3A_143 : vector<32x512xi32>
      %or3A_145 = arith.ori %shift_left3A_141, %shift_right_logical3A_144 : vector<32x512xi32>
      %xor3A_146 = arith.xori %or3A_145, %add3A_138 : vector<32x512xi32>
      %add3A_147 = arith.constant 466689008 : i32
      %add3A_148 = vector.broadcast %add3A_147 : i32 to vector<32x512xi32>
      %add3A_149 = arith.addi %add3A_138, %add3A_148 : vector<32x512xi32>
      %add3A_150 = arith.constant 2 : i32
      %add3A_151 = vector.broadcast %add3A_150 : i32 to vector<32x512xi32>
      %add3A_152 = arith.addi %xor3A_146, %add3A_151 : vector<32x512xi32>
      %add3A_153 = arith.addi %add3A_149, %add3A_152 : vector<32x512xi32>
      %shift_left3A_154 = arith.constant 13 : i32
      %shift_left3A_155 = vector.broadcast %shift_left3A_154 : i32 to vector<32x512xi32>
      %shift_left3A_156 = arith.shli %add3A_152, %shift_left3A_155 : vector<32x512xi32>
      %shift_right_logical3A_157 = arith.constant 19 : i32
      %shift_right_logical3A_158 = vector.broadcast %shift_right_logical3A_157 : i32 to vector<32x512xi32>
      %shift_right_logical3A_159 = arith.shrui %add3A_152, %shift_right_logical3A_158 : vector<32x512xi32>
      %or3A_160 = arith.ori %shift_left3A_156, %shift_right_logical3A_159 : vector<32x512xi32>
      %xor3A_161 = arith.xori %or3A_160, %add3A_153 : vector<32x512xi32>
      %add3A_162 = arith.addi %add3A_153, %xor3A_161 : vector<32x512xi32>
      %shift_left3A_163 = arith.constant 15 : i32
      %shift_left3A_164 = vector.broadcast %shift_left3A_163 : i32 to vector<32x512xi32>
      %shift_left3A_165 = arith.shli %xor3A_161, %shift_left3A_164 : vector<32x512xi32>
      %shift_right_logical3A_166 = arith.constant 17 : i32
      %shift_right_logical3A_167 = vector.broadcast %shift_right_logical3A_166 : i32 to vector<32x512xi32>
      %shift_right_logical3A_168 = arith.shrui %xor3A_161, %shift_right_logical3A_167 : vector<32x512xi32>
      %or3A_169 = arith.ori %shift_left3A_165, %shift_right_logical3A_168 : vector<32x512xi32>
      %xor3A_170 = arith.xori %or3A_169, %add3A_162 : vector<32x512xi32>
      %add3A_171 = arith.addi %add3A_162, %xor3A_170 : vector<32x512xi32>
      %shift_left3A_172 = arith.constant 26 : i32
      %shift_left3A_173 = vector.broadcast %shift_left3A_172 : i32 to vector<32x512xi32>
      %shift_left3A_174 = arith.shli %xor3A_170, %shift_left3A_173 : vector<32x512xi32>
      %shift_right_logical3A_175 = arith.constant 6 : i32
      %shift_right_logical3A_176 = vector.broadcast %shift_right_logical3A_175 : i32 to vector<32x512xi32>
      %shift_right_logical3A_177 = arith.shrui %xor3A_170, %shift_right_logical3A_176 : vector<32x512xi32>
      %or3A_178 = arith.ori %shift_left3A_174, %shift_right_logical3A_177 : vector<32x512xi32>
      %xor3A_179 = arith.xori %or3A_178, %add3A_171 : vector<32x512xi32>
      %add3A_180 = arith.addi %add3A_171, %xor3A_179 : vector<32x512xi32>
      %shift_left3A_181 = arith.constant 6 : i32
      %shift_left3A_182 = vector.broadcast %shift_left3A_181 : i32 to vector<32x512xi32>
      %shift_left3A_183 = arith.shli %xor3A_179, %shift_left3A_182 : vector<32x512xi32>
      %shift_right_logical3A_184 = arith.constant 26 : i32
      %shift_right_logical3A_185 = vector.broadcast %shift_right_logical3A_184 : i32 to vector<32x512xi32>
      %shift_right_logical3A_186 = arith.shrui %xor3A_179, %shift_right_logical3A_185 : vector<32x512xi32>
      %or3A_187 = arith.ori %shift_left3A_183, %shift_right_logical3A_186 : vector<32x512xi32>
      %xor3A_188 = arith.xori %or3A_187, %add3A_180 : vector<32x512xi32>
      %add3A_189 = arith.constant 45 : i32
      %add3A_190 = vector.broadcast %add3A_189 : i32 to vector<32x512xi32>
      %add3A_191 = arith.addi %xor3A_188, %add3A_190 : vector<32x512xi32>
      %add3A_192 = arith.addi %add3A_180, %add3A_191 : vector<32x512xi32>
      %shift_left3A_193 = arith.constant 17 : i32
      %shift_left3A_194 = vector.broadcast %shift_left3A_193 : i32 to vector<32x512xi32>
      %shift_left3A_195 = arith.shli %add3A_191, %shift_left3A_194 : vector<32x512xi32>
      %shift_right_logical3A_196 = arith.constant 15 : i32
      %shift_right_logical3A_197 = vector.broadcast %shift_right_logical3A_196 : i32 to vector<32x512xi32>
      %shift_right_logical3A_198 = arith.shrui %add3A_191, %shift_right_logical3A_197 : vector<32x512xi32>
      %or3A_199 = arith.ori %shift_left3A_195, %shift_right_logical3A_198 : vector<32x512xi32>
      %xor3A_200 = arith.xori %or3A_199, %add3A_192 : vector<32x512xi32>
      %add3A_201 = arith.addi %add3A_192, %xor3A_200 : vector<32x512xi32>
      %shift_left3A_202 = arith.constant 29 : i32
      %shift_left3A_203 = vector.broadcast %shift_left3A_202 : i32 to vector<32x512xi32>
      %shift_left3A_204 = arith.shli %xor3A_200, %shift_left3A_203 : vector<32x512xi32>
      %shift_right_logical3A_205 = arith.constant 3 : i32
      %shift_right_logical3A_206 = vector.broadcast %shift_right_logical3A_205 : i32 to vector<32x512xi32>
      %shift_right_logical3A_207 = arith.shrui %xor3A_200, %shift_right_logical3A_206 : vector<32x512xi32>
      %or3A_208 = arith.ori %shift_left3A_204, %shift_right_logical3A_207 : vector<32x512xi32>
      %xor3A_209 = arith.xori %or3A_208, %add3A_201 : vector<32x512xi32>
      %add3A_210 = arith.addi %add3A_201, %xor3A_209 : vector<32x512xi32>
      %shift_left3A_211 = arith.constant 16 : i32
      %shift_left3A_212 = vector.broadcast %shift_left3A_211 : i32 to vector<32x512xi32>
      %shift_left3A_213 = arith.shli %xor3A_209, %shift_left3A_212 : vector<32x512xi32>
      %shift_right_logical3A_214 = arith.constant 16 : i32
      %shift_right_logical3A_215 = vector.broadcast %shift_right_logical3A_214 : i32 to vector<32x512xi32>
      %shift_right_logical3A_216 = arith.shrui %xor3A_209, %shift_right_logical3A_215 : vector<32x512xi32>
      %or3A_217 = arith.ori %shift_left3A_213, %shift_right_logical3A_216 : vector<32x512xi32>
      %xor3A_218 = arith.xori %or3A_217, %add3A_210 : vector<32x512xi32>
      %add3A_219 = arith.addi %add3A_210, %xor3A_218 : vector<32x512xi32>
      %shift_left3A_220 = arith.constant 24 : i32
      %shift_left3A_221 = vector.broadcast %shift_left3A_220 : i32 to vector<32x512xi32>
      %shift_left3A_222 = arith.shli %xor3A_218, %shift_left3A_221 : vector<32x512xi32>
      %shift_right_logical3A_223 = arith.constant 8 : i32
      %shift_right_logical3A_224 = vector.broadcast %shift_right_logical3A_223 : i32 to vector<32x512xi32>
      %shift_right_logical3A_225 = arith.shrui %xor3A_218, %shift_right_logical3A_224 : vector<32x512xi32>
      %or3A_226 = arith.ori %shift_left3A_222, %shift_right_logical3A_225 : vector<32x512xi32>
      %xor3A_227 = arith.xori %or3A_226, %add3A_219 : vector<32x512xi32>
      %add3A_228 = arith.constant 42 : i32
      %add3A_229 = vector.broadcast %add3A_228 : i32 to vector<32x512xi32>
      %add3A_230 = arith.addi %add3A_219, %add3A_229 : vector<32x512xi32>
      %add3A_231 = arith.constant 466689012 : i32
      %add3A_232 = vector.broadcast %add3A_231 : i32 to vector<32x512xi32>
      %add3A_233 = arith.addi %xor3A_227, %add3A_232 : vector<32x512xi32>
      %add3A_234 = arith.addi %add3A_230, %add3A_233 : vector<32x512xi32>
      %shift_left3A_235 = arith.constant 13 : i32
      %shift_left3A_236 = vector.broadcast %shift_left3A_235 : i32 to vector<32x512xi32>
      %shift_left3A_237 = arith.shli %add3A_233, %shift_left3A_236 : vector<32x512xi32>
      %shift_right_logical3A_238 = arith.constant 19 : i32
      %shift_right_logical3A_239 = vector.broadcast %shift_right_logical3A_238 : i32 to vector<32x512xi32>
      %shift_right_logical3A_240 = arith.shrui %add3A_233, %shift_right_logical3A_239 : vector<32x512xi32>
      %or3A_241 = arith.ori %shift_left3A_237, %shift_right_logical3A_240 : vector<32x512xi32>
      %xor3A_242 = arith.xori %or3A_241, %add3A_234 : vector<32x512xi32>
      %add3A_243 = arith.addi %add3A_234, %xor3A_242 : vector<32x512xi32>
      %shift_left3A_244 = arith.constant 15 : i32
      %shift_left3A_245 = vector.broadcast %shift_left3A_244 : i32 to vector<32x512xi32>
      %shift_left3A_246 = arith.shli %xor3A_242, %shift_left3A_245 : vector<32x512xi32>
      %shift_right_logical3A_247 = arith.constant 17 : i32
      %shift_right_logical3A_248 = vector.broadcast %shift_right_logical3A_247 : i32 to vector<32x512xi32>
      %shift_right_logical3A_249 = arith.shrui %xor3A_242, %shift_right_logical3A_248 : vector<32x512xi32>
      %or3A_250 = arith.ori %shift_left3A_246, %shift_right_logical3A_249 : vector<32x512xi32>
      %xor3A_251 = arith.xori %or3A_250, %add3A_243 : vector<32x512xi32>
      %add3A_252 = arith.addi %add3A_243, %xor3A_251 : vector<32x512xi32>
      %shift_left3A_253 = arith.constant 26 : i32
      %shift_left3A_254 = vector.broadcast %shift_left3A_253 : i32 to vector<32x512xi32>
      %shift_left3A_255 = arith.shli %xor3A_251, %shift_left3A_254 : vector<32x512xi32>
      %shift_right_logical3A_256 = arith.constant 6 : i32
      %shift_right_logical3A_257 = vector.broadcast %shift_right_logical3A_256 : i32 to vector<32x512xi32>
      %shift_right_logical3A_258 = arith.shrui %xor3A_251, %shift_right_logical3A_257 : vector<32x512xi32>
      %or3A_259 = arith.ori %shift_left3A_255, %shift_right_logical3A_258 : vector<32x512xi32>
      %xor3A_260 = arith.xori %or3A_259, %add3A_252 : vector<32x512xi32>
      %add3A_261 = arith.addi %add3A_252, %xor3A_260 : vector<32x512xi32>
      %shift_left3A_262 = arith.constant 6 : i32
      %shift_left3A_263 = vector.broadcast %shift_left3A_262 : i32 to vector<32x512xi32>
      %shift_left3A_264 = arith.shli %xor3A_260, %shift_left3A_263 : vector<32x512xi32>
      %shift_right_logical3A_265 = arith.constant 26 : i32
      %shift_right_logical3A_266 = vector.broadcast %shift_right_logical3A_265 : i32 to vector<32x512xi32>
      %shift_right_logical3A_267 = arith.shrui %xor3A_260, %shift_right_logical3A_266 : vector<32x512xi32>
      %or3A_268 = arith.ori %shift_left3A_264, %shift_right_logical3A_267 : vector<32x512xi32>
      %xor3A_269 = arith.xori %or3A_268, %add3A_261 : vector<32x512xi32>
      %add3A_270 = arith.constant 466689008 : i32
      %add3A_271 = vector.broadcast %add3A_270 : i32 to vector<32x512xi32>
      %add3A_272 = arith.addi %add3A_261, %add3A_271 : vector<32x512xi32>
      %add3A_273 = arith.constant 5 : i32
      %add3A_274 = vector.broadcast %add3A_273 : i32 to vector<32x512xi32>
      %add3A_275 = arith.addi %xor3A_269, %add3A_274 : vector<32x512xi32>
      %xor3A_276 = arith.xori %add3A_272, %add3A_275 : vector<32x512xi32>
      %shift_right_logical3A_277 = arith.constant 9 : i32
      %shift_right_logical3A_278 = vector.broadcast %shift_right_logical3A_277 : i32 to vector<32x512xi32>
      %shift_right_logical3A_279 = arith.shrui %xor3A_276, %shift_right_logical3A_278 : vector<32x512xi32>
      %or3A_280 = arith.constant 1065353216 : i32
      %or3A_281 = vector.broadcast %or3A_280 : i32 to vector<32x512xi32>
      %or3A_282 = arith.ori %shift_right_logical3A_279, %or3A_281 : vector<32x512xi32>
      %bitcast_convert_type3A = tpu.bitcast %or3A_282 : vector<32x512xi32> -> vector<32x512xf32>
      %sub3A_283 = arith.constant 1.000000e+00 : f32
      %sub3A_284 = vector.broadcast %sub3A_283 : f32 to vector<32x512xf32>
      %sub3A_285 = arith.subf %bitcast_convert_type3A, %sub3A_284 : vector<32x512xf32>
      %log3A = math.log %sub3A_285 : vector<32x512xf32>
      %neg3A = arith.constant 0.000000e+00 : f32
      %neg3A_286 = vector.broadcast %neg3A : f32 to vector<32x512xf32>
      %neg3A_287 = arith.subf %neg3A_286, %log3A : vector<32x512xf32>
      %log3A_288 = math.log %neg3A_287 : vector<32x512xf32>
      %add3A_289 = arith.addf %add3A_68, %log3A_288 : vector<32x512xf32>
      %lt3A = arith.cmpf olt, %add3A_289, %scan3A_46 : vector<32x512xf32>
      %select_n3A_290 = arith.select %lt3A, %add3A_289, %scan3A_46 : vector<32x512xi1>, vector<32x512xf32>
      %add3A_291 = vector.broadcast %add3A_50 : i32 to vector<32x512xi32>
      %add3A_292 = arith.addi %add3A_291, %iota3A : vector<32x512xi32>
      %select_n3A_293 = arith.select %lt3A, %add3A_292, %scan3A_47 : vector<32x512xi1>, vector<32x512xi32>
      scf.yield %select_n3A_290, %select_n3A_293 : vector<32x512xf32>, vector<32x512xi32>
    }
    %scan3A_31 = arith.constant 128 : i32
    %scan3A_32 = arith.constant 1 : i32
    %reduce_min3A = arith.constant dense<0x7F800000> : vector<512xf32>
    %reduce_min3A_33 = vector.multi_reduction <minimumf>, %scan3A_30#0, %reduce_min3A [0] : vector<32x512xf32> to vector<512xf32>
    %broadcast_in_dim3A_34 = vector.shape_cast %reduce_min3A_33 : vector<512xf32> to vector<1x512xf32>
    %eq3A = vector.broadcast %broadcast_in_dim3A_34 : vector<1x512xf32> to vector<32x512xf32>
    %eq3A_35 = arith.cmpf oeq, %scan3A_30#0, %eq3A : vector<32x512xf32>
    %jit3A = arith.constant 1073741824 : i32
    %broadcast_in_dim3A_36 = vector.broadcast %jit3A : i32 to vector<32x512xi32>
    %select_n3A = arith.select %eq3A_35, %scan3A_30#1, %broadcast_in_dim3A_36 : vector<32x512xi1>, vector<32x512xi32>
    %reduce_min3A_37 = arith.constant dense<2147483647> : vector<512xi32>
    %reduce_min3A_38 = vector.multi_reduction <minsi>, %select_n3A, %reduce_min3A_37 [0] : vector<32x512xi32> to vector<512xi32>
    %swap3A_39 = arith.constant 0 : index
    %swap3A_40 = arith.constant 0 : index
    %swap3A_41 = arith.constant 0 : index
    %swap3A_42 = vector.load %arg3[%swap3A_39, %swap3A_40, %swap3A_41] : memref<1x1x512xi32, #tpu.memory_space<vmem>>, vector<1x1x512xi32>
    %swap3A_43 = vector.shape_cast %swap3A_42 : vector<1x1x512xi32> to vector<512xi32>
    %swap3A_44 = vector.shape_cast %reduce_min3A_38 : vector<512xi32> to vector<1x1x512xi32>
    tpu.vector_store %arg3[%swap3A_39, %swap3A_40, %swap3A_41], %swap3A_44 {strides = array<i32>} : memref<1x1x512xi32, #tpu.memory_space<vmem>>, vector<1x1x512xi32>,
    return
  }
  func.func @transform_0(%arg0: i32) -> (i32, i32) {
    %c0_i32 = arith.constant 0 : i32
    %c0_i32_0 = arith.constant 0 : i32
    %c0_i32_1 = arith.constant 0 : i32
    return %c0_i32, %c0_i32_0 : i32, i32
  }
  func.func @transform_1(%arg0: i32) -> (i32, i32) {
    %add3A = arith.constant 2 : i32
    %add3A_0 = arith.addi %arg0, %add3A : i32
    %c0_i32 = arith.constant 0 : i32
    %c0_i32_1 = arith.constant 0 : i32
    return %c0_i32, %add3A_0 : i32, i32
  }
  func.func @transform_2(%arg0: i32) -> (i32, i32, i32) {
    %c0_i32 = arith.constant 0 : i32
    %c0_i32_0 = arith.constant 0 : i32
    %c0_i32_1 = arith.constant 0 : i32
    return %arg0, %c0_i32, %c0_i32_0 : i32, i32, i32
  }
}

</mosaic_0001>

<sc_bundles>
// kernel: kernel.6.cloned.1.call-start
scs
__scs_entry_jumppad:
0x0: {  	(pc) =	sbr.rel $0x88, $3  }
0x1: {  	(tag) =	ssettag $0x0;
	lr =	simm.s32 $0x1  }
0x2: {  	[smem:$0x3F9F] =	sst lr;
	_ =	strace $0xD0000000  }
0x3: {  	_ = 	snop  }
0x4: {  	_ = 	snop  }
0x5: {  	_ = 	snop  }
0x6: {  	_ = 	snop  }
0x7: {  	_ = 	snop  }
__scs_overlays_trampoline_lowered:
0x8: {  	[smem:$0x3FAE] =	sst s0  }
0x9: {  	[smem:$0x3FAF] =	sst s1  }
0xa: {  	[smem:$0x3FB0] =	sst s2  }
0xb: {  	[smem:$0x3FB1] =	sst s3  }
0xc: {  	[smem:$0x3FB2] =	sst s4  }
0xd: {  	[smem:$0x3FB3] =	sst s5  }
0xe: {  	[smem:$0x3FB4] =	sst s6  }
0xf: {  	[smem:$0x3FB5] =	sst s7  }
0x10: {  	[smem:$0x3FB6] =	sst s8  }
0x11: {  	[smem:$0x3FB7] =	sst s9;
	s0 =	simm.s32 @!p0 $0x0  }
0x12: {  	s1 =	sld [smem:$0x3F9D];
	s0 =	simm.s32 @p0 $0x1  }
0x13: {  	[smem:$0x3FB8] =	sst s0;
	s0 =	simm.s32 @!p1 $0x0  }
0x14: {  	s2 =	sld [smem:$0x3F9C];
	s0 =	simm.s32 @p1 $0x1  }
0x15: {  	[smem:$0x3FB9] =	sst s0;
	s0 =	simm.s32 @!p2 $0x0  }
0x16: {  	s3 =	sld [smem:$0x3FDB];
	s0 =	simm.s32 @p2 $0x1  }
0x17: {  	s4 =	simm.s32 $0x1BF5;
	[smem:$0x3FBB] =	sst s0  }
0x18: {  	s0 =	sld [smem:$0x3F9E];
	_ =	swait.ge [sflag:s4], $0x0  }
0x19: {  	s7 =	sld [smem:$0x3F9F]  }
0x1a: {  	s8 =	sadd.s32 $0xFFFFE003, lr  }
0x1b: {  	s9 =	sadd.s32 $0xFFFFFEF7, lr;
	s5 =	simm.s32 $0xFFFFFFFF;
	p2 =	slt.u32 s8, $0xFFFFF086  }
0x1c: {  	p1 =	slt.u32 s9, $0xF7A;
	s5 =	simm.s32 @!p2 $0x0  }
0x1d: {  	s5 =	simm.s32 @p1 $0x1;
	p0 =	seq.s32 s7, s2  }
0x1e: {  	s7 =	smul.u32 @!p0 $0xF7A, s2;
	p2 =	seq.s32 @!p0 s5, $0x0  }
0x1f: {  	s9 =	smul.u32 $0xF7A, s1;
	s8 =	simm.s32 @!p0 $0x1BF5;
	p2 =	por !p2, p0  }
0x20: {  	[sflag:s8] =	ssyncset.s32 @!p0 $0xFFFFF086;
	s6 =	sadd.s32 @!p0 s3, s7;
	s7 =	simm.s32 @!p0 $0x108  }
0x21: {  	s3 =	sadd.s32 s3, s9;
	s6 =	sadd.s32 @!p0 $0x88, s6;
	s7 =	simm.s32 @p2 $0x1082  }
0x22: {  	[simem:s7], [sflag:s8] =	dma.local @!p0 [hbm:s6], $0xF7A  }
0x23: {  	s9 =	sor.u32 $0xD0000000, s2;
	s6 =	simm.s32 $0x108;
	_ =	swait.ge @!p0 [sflag:s8], $0x0  }
0x24: {  	s3 =	sadd.s32 $0x88, s3;
	s6 =	simm.s32 @!p1 $0x1082;
	[sflag:s4] =	ssyncset.s32 $0xFFFFF086  }
0x25: {  	[simem:s6], [sflag:s4] =	dma.local [hbm:s3], $0xF7A  }
0x26: {  	[smem:$0x3F9F] =	sst s1;
	(tag) =	ssettag s2;
	_ =	strace s9  }
0x27: {  	s1 =	sld [smem:$0x3FAF]  }
0x28: {  	s2 =	sld [smem:$0x3FB0]  }
0x29: {  	s4 =	sld [smem:$0x3FB2]  }
0x2a: {  	p0 =	seq.s32 s5, $0x0;
	s5 =	sld [smem:$0x3FB3]  }
0x2b: {  	s6 =	sld [smem:$0x3FB4]  }
0x2c: {  	s7 =	sld [smem:$0x3FB5]  }
0x2d: {  	s3 =	simm.s32 $0x108;
	s8 =	sld [smem:$0x3FB6]  }
0x2e: {  	s3 =	simm.s32 @!p0 $0x1082;
	s9 =	sld [smem:$0x3FB7]  }
0x2f: {  	lr =	sadd.s32 s0, s3;
	s0 =	sld [smem:$0x3FAE]  }
0x30: {  	s3 =	sld [smem:$0x3FB1]  }
0x31: {  	[smem:$0x3FBA] =	sst s10  }
0x32: {  	s10 =	sld [smem:$0x3FB8];
	_ =	sdelay $0x3  }
0x33: {  	p0 =	seq.s32 s10, $0x1;
	s10 =	sld [smem:$0x3FBA];
	_ =	sdelay $0x3  }
0x34: {  	[smem:$0x3FBA] =	sst s10  }
0x35: {  	s10 =	sld [smem:$0x3FB9];
	_ =	sdelay $0x3  }
0x36: {  	p1 =	seq.s32 s10, $0x1;
	s10 =	sld [smem:$0x3FBA];
	_ =	sdelay $0x3  }
0x37: {  	[smem:$0x3FBA] =	sst s10  }
0x38: {  	s10 =	sld [smem:$0x3FBB]  }
0x39: {  	_ = 	snop;
	(pc) =	sbr.ind lr, $3  }
0x3a: {  	_ = 	snop  }
0x3b: {  	_ = 	snop  }
0x3c: {  	p2 =	seq.s32 s10, $0x1;
	s10 =	sld [smem:$0x3FBA]  }
0x3d: {  	_ =	shalt  }
0x3e: {  	_ =	shalt  }
0x3f: {  	_ =	shalt  }
0x40: {  	_ =	shalt  }
0x41: {  	_ =	shalt  }
0x42: {  	_ =	shalt  }
0x43: {  	_ =	shalt  }
0x44: {  	_ =	shalt  }
0x45: {  	_ =	shalt  }
0x46: {  	_ =	shalt  }
0x47: {  	_ =	shalt  }
0x48: {  	_ =	shalt  }
0x49: {  	_ =	shalt  }
0x4a: {  	_ =	shalt  }
0x4b: {  	_ =	shalt  }
0x4c: {  	_ =	shalt  }
0x4d: {  	_ =	shalt  }
0x4e: {  	_ =	shalt  }
0x4f: {  	_ =	shalt  }
0x50: {  	_ =	shalt  }
0x51: {  	_ =	shalt  }
0x52: {  	_ =	shalt  }
0x53: {  	_ =	shalt  }
0x54: {  	_ =	shalt  }
0x55: {  	_ =	shalt  }
0x56: {  	_ =	shalt  }
0x57: {  	_ =	shalt  }
0x58: {  	_ =	shalt  }
0x59: {  	_ =	shalt  }
0x5a: {  	_ =	shalt  }
0x5b: {  	_ =	shalt  }
0x5c: {  	_ =	shalt  }
0x5d: {  	_ =	shalt  }
0x5e: {  	_ =	shalt  }
0x5f: {  	_ =	shalt  }
0x60: {  	_ =	shalt  }
0x61: {  	_ =	shalt  }
0x62: {  	_ =	shalt  }
0x63: {  	_ =	shalt  }
0x64: {  	_ =	shalt  }
0x65: {  	_ =	shalt  }
0x66: {  	_ =	shalt  }
0x67: {  	_ =	shalt  }
0x68: {  	_ =	shalt  }
0x69: {  	_ =	shalt  }
0x6a: {  	_ =	shalt  }
0x6b: {  	_ =	shalt  }
0x6c: {  	_ =	shalt  }
0x6d: {  	_ =	shalt  }
0x6e: {  	_ =	shalt  }
0x6f: {  	_ =	shalt  }
0x70: {  	_ =	shalt  }
0x71: {  	_ =	shalt  }
0x72: {  	_ =	shalt  }
0x73: {  	_ =	shalt  }
0x74: {  	_ =	shalt  }
0x75: {  	_ =	shalt  }
0x76: {  	_ =	shalt  }
0x77: {  	_ =	shalt  }
0x78: {  	_ =	shalt  }
0x79: {  	_ =	shalt  }
0x7a: {  	_ =	shalt  }
0x7b: {  	_ =	shalt  }
0x7c: {  	_ =	shalt  }
0x7d: {  	_ =	shalt  }
0x7e: {  	_ =	shalt  }
0x7f: {  	_ =	shalt  }
0x80: {  	_ =	shalt  }
0x81: {  	_ =	shalt  }
0x82: {  	_ =	shalt  }
0x83: {  	_ =	shalt  }
0x84: {  	_ =	shalt  }
0x85: {  	_ =	shalt  }
0x86: {  	_ =	shalt  }
0x87: {  	_ =	shalt  }
.Lfunc_end0:
.L_simem_size_0:
called_computation_lowered:
.L_overlay_start_0:
0x88: {  	s2 =	sld [smem:$0x3FD9]  }
0x89: {  	s3 =	sld [smem:$0x3FFE];
	_ =	sdelay $0x1  }
0x8a: {  	s1 =	srdreg.scid  }
0x8b: {  	s0 =	sand.u32 $0x1, s1  }
0x8c: {  	s16 =	sshll.u32 s0, $0xA;
	s2 =	sadd.s32 s3, s2  }
0x8d: {  	s2 =	sadd.s32 s2, s16  }
0x8e: {  	[smem:$0x3FC6] =	sst s2  }
0x8f: {  	_ = 	snop  }
0x90: {  	(tm) =	ssettm $0x1  }
0x91: {  	s17 =	sld [smem:$0x3FFB];
	_ =	sdelay $0x3  }
0x92: {  	_ =	strace s17  }
0x93: {  	s2 =	sld [smem:$0x3FFC];
	_ =	sdelay $0x3  }
0x94: {  	_ =	strace s2  }
0x95: {  	s2 =	sld [smem:$0x3FFD];
	_ =	sdelay $0x3  }
0x96: {  	_ =	strace s2  }
0x97: {  	_ =	strace $0x8FFFFFFF  }
0x98: {  	s18 =	sld [smem:$0x3FDB];
	_ =	sdelay $0x1  }
0x99: {  	s19 =	simm.s32 $_scs_section_size  }
0x9a: {  	s4 =	simm.s32 $_size__tile_overlayer_lowered;
	s5 =	simm.s32 $_tile_overlayer_lowered  }
0x9b: {  	s22 =	simm.s32 $0x1BFF;
	s21 =	sshll.u32 s5, $0x1;
	s2 =	sadd.s32 s19, s18  }
0x9c: {  	s6 =	simm.s32 $0x0;
	s20 =	sshll.u32 s4, $0x1;
	s4 =	sadd.s32 s21, s2  }
0x9d: {  	[timem:s6], [sflag:s22] =	dma.local [hbm:s4], s20  }
0x9e: {  	_ =	swait.ge [sflag:s22], s20  }
0x9f: {  	s3 =	ssub.s32 $0x0, s20;
	[sflag:s22] =	ssyncset.done $0x0  }
0xa0: {  	[sflag:s22] =	ssyncadd.s32 s3;
	_ =	sdelay $0x1  }
0xa1: {  	s23 =	simm.s32 $0x1B8B  }
0xa2: {  	_ =	swait.ge [sflag:s23], $0x1  }
0xa3: {  	[sflag:s23] =	ssyncset.done $0x0  }
0xa4: {  	s25 =	simm.s32 $0x1B8E;
	s24 =	sld [smem:$0x3FFE];
	[sflag:s23] =	ssyncadd.s32 $0xFFFFFFFF  }
0xa5: {  	s26 =	simm.s32 $execute0_lowered;
	[smem:$0x3FD2] =	sst s25  }
0xa6: {  	s4 =	sshll.u32 s26, $0x1;
	_ =	strace $0x80000046;
	[dreg:$0x1] =	wrdreg $0xFFFFFFFF  }
0xa7: {  	s28 =	simm.s32 $_size_execute0_lowered;
	s2 =	sadd.s32 s2, s4;
	[dreg:$0x0] =	wrdreg $0x0  }
0xa8: {  	s4 =	sshll.u32 s28, $0x1;
	[dreg:$0x2] =	wrdreg s2  }
0xa9: {  	[dreg:$0x3] =	wrdreg s4  }
0xaa: {  	[dreg:$0x4] =	wrdreg $0xC0  }
0xab: {  	_ =	task [dreg:s6], $0x5FFFF  }
0xac: {  	[dreg:$0x1] =	wrdreg $0xFFFFFFFF  }
0xad: {  	[dreg:$0x0] =	wrdreg $0x60  }
0xae: {  	[dreg:$0x2] =	wrdreg s24  }
0xaf: {  	[dreg:$0x3] =	wrdreg $0x9  }
0xb0: {  	_ =	task.clear_ibuf [dreg:s6], $0x4FFFF;
	_ =	strace $0x90000046  }
0xb1: {  	s29 =	simm.s32 $0x9;
	_ =	strace $0x80000048  }
0xb2: {  	_ =	swait.ge [sflag:s29], $0x1  }
0xb3: {  	[sflag:s29] =	ssyncadd.s32 $0xFFFFFFFF  }
0xb4: {  	_ =	strace $0x90000048  }
0xb5: {  	_ =	sfence  }
0xb6: {  	s30 =	sld [smem:$0x0];
	_ =	sdelay $0x2  }
0xb7: {  	s31 =	sshll.u32 s1, $0xD;
	s1 =	sshrl.u32 s1, $0x2  }
0xb8: {  	s3 =	sand.u32 $0x4000, s31;
	s1 =	sadd.s32 s1, s30  }
0xb9: {  	s0 =	sor.u32 s3, s0;
	s1 =	sshll.u32 s1, $0x11  }
0xba: {  	s0 =	sor.u32 s1, s0  }
0xbb: {  	s0 =	sadd.s32 $0x8F2B, s0  }
0xbc: {  	[sflag:s0] =	ssyncadd.remote.s32 $0x1  }
0xbd: {  	_ =	sfence.sel $0xFFFF  }
0xbe: {  	[dreg:$0x0] =	wrdreg $0xFFFFFFFF;
	(pc) =	sbr.abs _section_cstart, $3  }
0xbf: {  	[dreg:$0x1] =	wrdreg $0xFFFFFFFF  }
0xc0: {  	_ =	task.clear_ibuf [dreg:s6], $0x2FFFF;
	_ =	strace $0x9FFFFFFF  }
0xc1: {  	(tm) =	ssettm $0x7FFFFFFF  }
tec
execute0_lowered:
.L_overlay_start_1:
0x0: {  	(tag) =	ssettag $0x1  }
0x1: {  	s3 =	rddreg [dreg:$0x0]  }
0x2: {  	s0 =	rddreg [dreg:$0x1];
	s1 =	simm.s32 $0x0;
	s2 =	srdreg.scid  }
0x3: {  	[smem:$0x7FF] =	sst s1;
	s6 =	sand.u32 $0x1, s2  }
0x4: {  	s2 =	stileid.u32;
	s3 =	sadd.s32 $0x1200, s3;
	_ =	strace $0x80000047  }
0x5: {  	s4 =	ssub.s32 $0x2, s6;
	s7 =	sshll.u32 s2, $0x8;
	s8 =	sshll.u32 s6, $0x7  }
0x6: {  	s31 =	sshll.u32 s2, $0x14;
	s6 =	sshll.u32 s6, $0x13;
	s5 =	sshrl.u32 s4, $0x1  }
0x7: {  	s6 =	sor.u32 s6, s31;
	s5 =	ssub.s32 s4, s5;
	s4 =	sor.u32 s8, s7  }
0x8: {  	v0 =	vlaneseq.u32;
	s7 =	simm.s32 $0x1;
	s8 =	simm.s32 $0x0;
	s5 =	smax.u32 s5, $0x1  }
.LBB2_1:
0x9: {  	s9 =	smov.u32 s6;
	s10 =	simm.s32 $0x0  }
.LBB2_2:
0xa: {  	s11 =	sshll.u32 s10, $0x3;
	s12 =	simm.s32 $0x0  }
0xb: {  	s13 =	simm.s32 $0x40;
	s14 =	smov.u32 s9;
	s11 =	sadd.s32 s4, s11  }
.LBB2_3:
0xc: {  	s15 =	sadd.s32 $0x0, s14  }
0xd: {  	s16 =	sadd.s32 $0x2A, s15;
	s17 =	sadd.s32 $0x9A, s15  }
0xe: {  	s29 =	sadd.s32 $0x3A, s15;
	s30 =	sadd.s32 $0x4A, s15;
	s18 =	sadd.s32 $0x5A, s15;
	v1 =	vadd.s32 s16, v0;
	v2 =	vadd.s32 s17, v0  }
0xf: {  	s31 =	sadd.s32 $0x6A, s15;
	s19 =	sadd.s32 $0x7A, s15;
	s15 =	sadd.s32 $0x8A, s15;
	v3 =	vadd.s32 s29, v0;
	v6 =	vadd.s32 s30, v0;
	v7 =	vadd.s32 s18, v0  }
0x10: {  	v8 =	vadd.s32 s19, v0;
	v9 =	vadd.s32 s15, v0;
	v4 =	vshrl.u32 v2, $0x13  }
0x11: {  	v5 =	vshll.u32 v2, $0xD;
	v12 =	vshrl.u32 v1, $0x13;
	v41 =	vshll.u32 v1, $0xD  }
0x12: {  	v42 =	vshrl.u32 v3, $0x13;
	v13 =	vshll.u32 v3, $0xD;
	v16 =	vshrl.u32 v6, $0x13  }
0x13: {  	v43 =	vshll.u32 v6, $0xD;
	v44 =	vshrl.u32 v7, $0x13;
	v17 =	vshll.u32 v7, $0xD  }
0x14: {  	v46 =	vshrl.u32 v8, $0x13;
	v21 =	vshll.u32 v8, $0xD;
	v4 =	vor.u32 v4, v5  }
0x15: {  	v22 =	vshrl.u32 v9, $0x13;
	v24 =	vshll.u32 v9, $0xD;
	v4 =	vxor.u32 v2, v4  }
0x16: {  	v5 =	vadd.s32 s31, v0;
	v10 =	vshrl.u32 v4, $0x11;
	v11 =	vshll.u32 v4, $0xF  }
0x17: {  	v47 =	vor.u32 v16, v43;
	v2 =	vadd.s32 v2, v4;
	v4 =	vor.u32 v10, v11  }
0x18: {  	v51 =	vor.u32 v46, v21;
	v52 =	vor.u32 v22, v24;
	v4 =	vxor.u32 v2, v4  }
0x19: {  	v20 =	vshrl.u32 v5, $0x13;
	v14 =	vshrl.u32 v4, $0x6;
	v15 =	vshll.u32 v4, $0x1A  }
0x1a: {  	v45 =	vshll.u32 v5, $0xD;
	v2 =	vadd.s32 v2, v4;
	v4 =	vor.u32 v14, v15  }
0x1b: {  	v16 =	vxor.u32 v9, v52;
	v50 =	vor.u32 v20, v45;
	v4 =	vxor.u32 v2, v4  }
0x1c: {  	v40 =	vshrl.u32 v16, $0x11;
	v18 =	vshrl.u32 v4, $0x1A;
	v19 =	vshll.u32 v4, $0x6  }
0x1d: {  	v30 =	vshll.u32 v16, $0xF;
	v2 =	vadd.s32 v2, v4;
	v4 =	vor.u32 v18, v19  }
0x1e: {  	v9 =	vadd.s32 v9, v16;
	v10 =	vor.u32 v12, v41;
	v4 =	vxor.u32 v2, v4  }
0x1f: {  	v11 =	vor.u32 v42, v13;
	v12 =	vxor.u32 v6, v47;
	v4 =	vadd.s32 $0x1BD11BF1, v4  }
0x20: {  	v2 =	vadd.s32 v4, v2;
	v23 =	vshrl.u32 v4, $0xF;
	v4 =	vshll.u32 v4, $0x11  }
0x21: {  	v13 =	vxor.u32 v5, v50;
	v2 =	vadd.s32 $0x2A, v2;
	v4 =	vor.u32 v23, v4  }
0x22: {  	v10 =	vxor.u32 v1, v10;
	v11 =	vxor.u32 v3, v11;
	v4 =	vxor.u32 v2, v4  }
0x23: {  	v62 =	vshrl.u32 v12, $0x11;
	v48 =	vshrl.u32 v4, $0x3;
	v49 =	vshll.u32 v4, $0x1D  }
0x24: {  	v63 =	vshll.u32 v12, $0xF;
	v2 =	vadd.s32 v2, v4;
	v4 =	vor.u32 v48, v49  }
0x25: {  	v38 =	vshrl.u32 v13, $0x11;
	v26 =	vshll.u32 v13, $0xF;
	v4 =	vxor.u32 v2, v4  }
0x26: {  	v6 =	vadd.s32 v6, v12;
	v53 =	vshrl.u32 v4, $0x10;
	v54 =	vshll.u32 v4, $0x10  }
0x27: {  	v5 =	vadd.s32 v5, v13;
	v2 =	vadd.s32 v2, v4;
	v4 =	vor.u32 v53, v54  }
0x28: {  	v57 =	vshrl.u32 v10, $0x11;
	v58 =	vshll.u32 v10, $0xF;
	v4 =	vxor.u32 v2, v4  }
0x29: {  	v60 =	vshrl.u32 v11, $0x11;
	v55 =	vshrl.u32 v4, $0x8;
	v56 =	vshll.u32 v4, $0x18  }
0x2a: {  	v61 =	vshll.u32 v11, $0xF;
	v2 =	vadd.s32 v2, v4;
	v4 =	vor.u32 v55, v56  }
0x2b: {  	v42 =	vor.u32 v62, v63;
	v1 =	vadd.s32 v1, v10;
	v4 =	vxor.u32 v2, v4  }
0x2c: {  	v3 =	vadd.s32 v3, v11;
	v15 =	vor.u32 v44, v17;
	v4 =	vadd.s32 $0x2, v4  }
0x2d: {  	v2 =	vadd.s32 v4, v2;
	v59 =	vshrl.u32 v4, $0x13;
	v4 =	vshll.u32 v4, $0xD  }
0x2e: {  	v14 =	vxor.u32 v8, v51;
	v2 =	vadd.s32 $0x1BD11BF0, v2;
	v4 =	vor.u32 v59, v4  }
0x2f: {  	v17 =	vor.u32 v57, v58;
	v41 =	vor.u32 v60, v61;
	v4 =	vxor.u32 v2, v4  }
0x30: {  	v44 =	vor.u32 v38, v26;
	v35 =	vshrl.u32 v4, $0x11;
	v36 =	vshll.u32 v4, $0xF  }
0x31: {  	v11 =	vxor.u32 v6, v42;
	v2 =	vadd.s32 v2, v4;
	v4 =	vor.u32 v35, v36  }
0x32: {  	v15 =	vxor.u32 v7, v15;
	v29 =	vshrl.u32 v14, $0x11;
	v4 =	vxor.u32 v2, v4  }
0x33: {  	v39 =	vshll.u32 v14, $0xF;
	v27 =	vshrl.u32 v4, $0x6;
	v28 =	vshll.u32 v4, $0x1A  }
0x34: {  	v8 =	vadd.s32 v8, v14;
	v2 =	vadd.s32 v2, v4;
	v4 =	vor.u32 v27, v28  }
0x35: {  	v12 =	vxor.u32 v1, v17;
	v10 =	vxor.u32 v3, v41;
	v4 =	vxor.u32 v2, v4  }
0x36: {  	v62 =	vshrl.u32 v11, $0x6;
	v31 =	vshrl.u32 v4, $0x1A;
	v32 =	vshll.u32 v4, $0x6  }
0x37: {  	v63 =	vshll.u32 v11, $0x1A;
	v2 =	vadd.s32 v2, v4;
	v4 =	vor.u32 v31, v32  }
0x38: {  	v25 =	vshrl.u32 v15, $0x11;
	v37 =	vshll.u32 v15, $0xF;
	v4 =	vxor.u32 v2, v4  }
0x39: {  	v45 =	vor.u32 v29, v39;
	v7 =	vadd.s32 v7, v15;
	v4 =	vadd.s32 $0x2D, v4  }
0x3a: {  	v17 =	vshrl.u32 v12, $0x6;
	v46 =	vshrl.u32 v4, $0xF;
	v47 =	vshll.u32 v4, $0x11  }
0x3b: {  	v58 =	vshll.u32 v12, $0x1A;
	v2 =	vadd.s32 v2, v4;
	v4 =	vor.u32 v46, v47  }
0x3c: {  	v60 =	vshrl.u32 v10, $0x6;
	v61 =	vshll.u32 v10, $0x1A;
	v4 =	vxor.u32 v2, v4  }
0x3d: {  	v43 =	vor.u32 v25, v37;
	v49 =	vshrl.u32 v4, $0x3;
	v50 =	vshll.u32 v4, $0x1D  }
0x3e: {  	v13 =	vxor.u32 v7, v43;
	v2 =	vadd.s32 v2, v4;
	v4 =	vor.u32 v49, v50  }
0x3f: {  	v17 =	vor.u32 v17, v58;
	v37 =	vshll.u32 v13, $0x1A;
	v4 =	vxor.u32 v2, v4  }
0x40: {  	v48 =	vor.u32 v40, v30;
	v51 =	vshrl.u32 v4, $0x10;
	v52 =	vshll.u32 v4, $0x10  }
0x41: {  	v57 =	vxor.u32 v9, v48;
	v2 =	vadd.s32 v2, v4;
	v4 =	vor.u32 v51, v52  }
0x42: {  	v48 =	vor.u32 v60, v61;
	v9 =	vadd.s32 v9, v57;
	v4 =	vxor.u32 v2, v4  }
0x43: {  	v55 =	vxor.u32 v5, v44;
	v53 =	vshrl.u32 v4, $0x8;
	v54 =	vshll.u32 v4, $0x18  }
0x44: {  	v56 =	vxor.u32 v8, v45;
	v2 =	vadd.s32 v2, v4;
	v4 =	vor.u32 v53, v54  }
0x45: {  	v44 =	vshrl.u32 v57, $0x6;
	v45 =	vshll.u32 v57, $0x1A;
	v4 =	vxor.u32 v2, v4  }
0x46: {  	v38 =	vshrl.u32 v55, $0x6;
	v39 =	vshll.u32 v55, $0x1A;
	v4 =	vadd.s32 $0x1BD11BF4, v4  }
0x47: {  	v2 =	vadd.s32 v4, v2;
	v59 =	vshrl.u32 v4, $0x13;
	v4 =	vshll.u32 v4, $0xD  }
0x48: {  	v42 =	vshrl.u32 v56, $0x6;
	v2 =	vadd.s32 $0x2A, v2;
	v4 =	vor.u32 v59, v4  }
0x49: {  	v43 =	vshll.u32 v56, $0x1A;
	v5 =	vadd.s32 v5, v55;
	v4 =	vxor.u32 v2, v4  }
0x4a: {  	v36 =	vshrl.u32 v13, $0x6;
	v34 =	vshrl.u32 v4, $0x11;
	v35 =	vshll.u32 v4, $0xF  }
0x4b: {  	v49 =	vor.u32 v62, v63;
	v2 =	vadd.s32 v2, v4;
	v4 =	vor.u32 v34, v35  }
0x4c: {  	v50 =	vor.u32 v36, v37;
	v51 =	vor.u32 v38, v39;
	v4 =	vxor.u32 v2, v4  }
0x4d: {  	v54 =	vxor.u32 v5, v51;
	v40 =	vshrl.u32 v4, $0x6;
	v41 =	vshll.u32 v4, $0x1A  }
0x4e: {  	v62 =	vshrl.u32 v54, $0x1A;
	v2 =	vadd.s32 v2, v4;
	v4 =	vor.u32 v40, v41  }
0x4f: {  	v63 =	vshll.u32 v54, $0x6;
	v5 =	vadd.s32 v5, v54;
	v4 =	vxor.u32 v2, v4  }
0x50: {  	v39 =	vor.u32 v62, v63;
	v46 =	vshrl.u32 v4, $0x1A;
	v47 =	vshll.u32 v4, $0x6  }
0x51: {  	v14 =	vxor.u32 v5, v39;
	v2 =	vadd.s32 v2, v4;
	v4 =	vor.u32 v46, v47  }
0x52: {  	v52 =	vor.u32 v42, v43;
	v14 =	vadd.s32 $0x1BD11BF1, v14;
	v4 =	vxor.u32 v2, v4  }
0x53: {  	v5 =	vadd.s32 v14, v5;
	v2 =	vadd.s32 $0x1BD11BF0, v2;
	v4 =	vadd.s32 $0x5, v4  }
0x54: {  	v53 =	vor.u32 v44, v45;
	v5 =	vadd.s32 $0x2A, v5;
	v2 =	vxor.u32 v2, v4  }
0x55: {  	v4 =	vadd.s32 v1, v12;
	v12 =	vxor.u32 v9, v53;
	v1 =	vshrl.u32 v2, $0x9  }
0x56: {  	v2 =	vadd.s32 v3, v10;
	v3 =	vadd.s32 v6, v11;
	v6 =	vadd.s32 v7, v13  }
0x57: {  	v7 =	vadd.s32 v8, v56;
	v8 =	vxor.u32 v4, v17;
	v34 =	vshrl.u32 v12, $0x1A  }
0x58: {  	v36 =	vshll.u32 v12, $0x6;
	v9 =	vadd.s32 v9, v12;
	v1 =	vor.u32 $0x3F800000, v1  }
0x59: {  	v10 =	vxor.u32 v2, v48;
	v11 =	vxor.u32 v3, v49;
	v13 =	vxor.u32 v6, v50  }
0x5a: {  	v55 =	vshrl.u32 v8, $0x1A;
	v56 =	vxor.u32 v7, v52;
	v17 =	vshll.u32 v8, $0x6  }
0x5b: {  	v4 =	vadd.s32 v4, v8;
	v48 =	vshrl.u32 v14, $0xF;
	v14 =	vshll.u32 v14, $0x11  }
0x5c: {  	v18 =	vshrl.u32 v10, $0x1A;
	v57 =	vshll.u32 v10, $0x6;
	v58 =	vshrl.u32 v11, $0x1A  }
0x5d: {  	v59 =	vshll.u32 v11, $0x6;
	v60 =	vshrl.u32 v13, $0x1A;
	v61 =	vshll.u32 v13, $0x6  }
0x5e: {  	v32 =	vshrl.u32 v56, $0x1A;
	v33 =	vshll.u32 v56, $0x6;
	v15 =	vor.u32 v55, v17  }
0x5f: {  	v2 =	vadd.s32 v2, v10;
	v3 =	vadd.s32 v3, v11;
	v6 =	vadd.s32 v6, v13  }
0x60: {  	v7 =	vadd.s32 v7, v56;
	v14 =	vor.u32 v48, v14;
	v35 =	vor.u32 v18, v57  }
0x61: {  	v37 =	vor.u32 v58, v59;
	v38 =	vor.u32 v60, v61;
	v8 =	vor.u32 v32, v33  }
0x62: {  	v18 =	vor.u32 v34, v36;
	v40 =	vxor.u32 v4, v15;
	v14 =	vxor.u32 v5, v14  }
0x63: {  	v41 =	vxor.u32 v2, v35;
	v42 =	vxor.u32 v3, v37;
	v13 =	vxor.u32 v6, v38  }
0x64: {  	v8 =	vxor.u32 v7, v8;
	v10 =	vadd.s32 $0x1BD11BF1, v40;
	v43 =	vxor.u32 v9, v18  }
0x65: {  	v59 =	vshrl.u32 v14, $0x3;
	v60 =	vshll.u32 v14, $0x1D;
	v5 =	vadd.s32 v5, v14  }
0x66: {  	v11 =	vadd.s32 $0x1BD11BF1, v41;
	v12 =	vadd.s32 $0x1BD11BF1, v42;
	v13 =	vadd.s32 $0x1BD11BF1, v13  }
0x67: {  	v4 =	vadd.s32 v10, v4;
	v8 =	vadd.s32 $0x1BD11BF1, v8;
	v15 =	vadd.s32 $0x1BD11BF1, v43  }
0x68: {  	v44 =	vshrl.u32 v10, $0xF;
	v10 =	vshll.u32 v10, $0x11;
	v33 =	vor.u32 v59, v60  }
0x69: {  	v2 =	vadd.s32 v11, v2;
	v45 =	vshrl.u32 v11, $0xF;
	v11 =	vshll.u32 v11, $0x11  }
0x6a: {  	v3 =	vadd.s32 v12, v3;
	v46 =	vshrl.u32 v12, $0xF;
	v12 =	vshll.u32 v12, $0x11  }
0x6b: {  	v6 =	vadd.s32 v13, v6;
	v47 =	vshrl.u32 v13, $0xF;
	v13 =	vshll.u32 v13, $0x11  }
0x6c: {  	v7 =	vadd.s32 v8, v7;
	v49 =	vshrl.u32 v8, $0xF;
	v8 =	vshll.u32 v8, $0x11  }
0x6d: {  	v9 =	vadd.s32 v15, v9;
	v4 =	vadd.s32 $0x2A, v4;
	v50 =	vshrl.u32 v15, $0xF  }
0x6e: {  	v15 =	vshll.u32 v15, $0x11;
	v10 =	vor.u32 v44, v10;
	v14 =	vxor.u32 v5, v33  }
0x6f: {  	v2 =	vadd.s32 $0x2A, v2;
	v11 =	vor.u32 v45, v11;
	v3 =	vadd.s32 $0x2A, v3  }
0x70: {  	v12 =	vor.u32 v46, v12;
	v6 =	vadd.s32 $0x2A, v6;
	v13 =	vor.u32 v47, v13  }
0x71: {  	v7 =	vadd.s32 $0x2A, v7;
	v8 =	vor.u32 v49, v8;
	v9 =	vadd.s32 $0x2A, v9  }
0x72: {  	v10 =	vxor.u32 v4, v10;
	v15 =	vor.u32 v50, v15;
	v44 =	vshrl.u32 v14, $0x10  }
0x73: {  	v45 =	vshll.u32 v14, $0x10;
	v5 =	vadd.s32 v5, v14;
	v11 =	vxor.u32 v2, v11  }
0x74: {  	v12 =	vxor.u32 v3, v12;
	v13 =	vxor.u32 v6, v13;
	v51 =	vshrl.u32 v10, $0x3  }
0x75: {  	v8 =	vxor.u32 v7, v8;
	v15 =	vxor.u32 v9, v15;
	v52 =	vshll.u32 v10, $0x1D  }
0x76: {  	v4 =	vadd.s32 v4, v10;
	v53 =	vshrl.u32 v11, $0x3;
	v54 =	vshll.u32 v11, $0x1D  }
0x77: {  	v55 =	vshrl.u32 v12, $0x3;
	v56 =	vshll.u32 v12, $0x1D;
	v57 =	vshrl.u32 v13, $0x3  }
0x78: {  	v58 =	vshll.u32 v13, $0x1D;
	v61 =	vshrl.u32 v8, $0x3;
	v62 =	vshll.u32 v8, $0x1D  }
0x79: {  	v63 =	vshrl.u32 v15, $0x3;
	v16 =	vor.u32 v51, v52;
	v30 =	vshll.u32 v15, $0x1D  }
0x7a: {  	v2 =	vadd.s32 v2, v11;
	v3 =	vadd.s32 v3, v12;
	v6 =	vadd.s32 v6, v13  }
0x7b: {  	v7 =	vadd.s32 v7, v8;
	v8 =	vadd.s32 v9, v15;
	v29 =	vor.u32 v53, v54  }
0x7c: {  	v31 =	vor.u32 v55, v56;
	v32 =	vor.u32 v57, v58;
	v34 =	vor.u32 v61, v62  }
0x7d: {  	v18 =	vor.u32 v63, v30;
	v35 =	vxor.u32 v4, v16;
	v53 =	vor.u32 v44, v45  }
0x7e: {  	v11 =	vxor.u32 v2, v29;
	v12 =	vxor.u32 v3, v31;
	v13 =	vxor.u32 v6, v32  }
0x7f: {  	v10 =	vxor.u32 v7, v34;
	v36 =	vshrl.u32 v35, $0x10;
	v16 =	vshll.u32 v35, $0x10  }
0x80: {  	v37 =	vxor.u32 v8, v18;
	v4 =	vadd.s32 v4, v35;
	v14 =	vxor.u32 v5, v53  }
0x81: {  	v38 =	vshrl.u32 v11, $0x10;
	v39 =	vshll.u32 v11, $0x10;
	v40 =	vshrl.u32 v12, $0x10  }
0x82: {  	v41 =	vshll.u32 v12, $0x10;
	v42 =	vshrl.u32 v13, $0x10;
	v43 =	vshll.u32 v13, $0x10  }
0x83: {  	v46 =	vshrl.u32 v10, $0x10;
	v47 =	vshll.u32 v10, $0x10;
	v48 =	vshrl.u32 v37, $0x10  }
0x84: {  	v49 =	vshll.u32 v37, $0x10;
	v15 =	vor.u32 v36, v16;
	v2 =	vadd.s32 v2, v11  }
0x85: {  	v3 =	vadd.s32 v3, v12;
	v6 =	vadd.s32 v6, v13;
	v7 =	vadd.s32 v7, v10  }
0x86: {  	v8 =	vadd.s32 v8, v37;
	v35 =	vshrl.u32 v14, $0x8;
	v36 =	vshll.u32 v14, $0x18  }
0x87: {  	v5 =	vadd.s32 v5, v14;
	v50 =	vor.u32 v38, v39;
	v51 =	vor.u32 v40, v41  }
0x88: {  	v52 =	vor.u32 v42, v43;
	v54 =	vor.u32 v46, v47;
	v55 =	vor.u32 v48, v49  }
0x89: {  	v56 =	vxor.u32 v4, v15;
	v43 =	vor.u32 v35, v36;
	v57 =	vxor.u32 v2, v50  }
0x8a: {  	v12 =	vxor.u32 v3, v51;
	v13 =	vxor.u32 v6, v52;
	v58 =	vxor.u32 v7, v54  }
0x8b: {  	v9 =	vxor.u32 v8, v55;
	v59 =	vshrl.u32 v56, $0x8;
	v60 =	vshll.u32 v56, $0x18  }
0x8c: {  	v4 =	vadd.s32 v4, v56;
	v49 =	vxor.u32 v5, v43;
	v61 =	vshrl.u32 v57, $0x8  }
0x8d: {  	v62 =	vshll.u32 v57, $0x18;
	v63 =	vshrl.u32 v12, $0x8;
	v32 =	vshll.u32 v12, $0x18  }
0x8e: {  	v33 =	vshrl.u32 v13, $0x8;
	v34 =	vshll.u32 v13, $0x18;
	v37 =	vshrl.u32 v58, $0x8  }
0x8f: {  	v38 =	vshll.u32 v58, $0x18;
	v16 =	vor.u32 v59, v60;
	v39 =	vshrl.u32 v9, $0x8  }
0x90: {  	v40 =	vshll.u32 v9, $0x18;
	v2 =	vadd.s32 v2, v57;
	v3 =	vadd.s32 v3, v12  }
0x91: {  	v6 =	vadd.s32 v6, v13;
	v7 =	vadd.s32 v7, v58;
	v8 =	vadd.s32 v8, v9  }
0x92: {  	v13 =	vadd.s32 $0x2, v49;
	v18 =	vor.u32 v61, v62;
	v41 =	vor.u32 v63, v32  }
0x93: {  	v42 =	vor.u32 v33, v34;
	v44 =	vor.u32 v37, v38;
	v17 =	vor.u32 v39, v40  }
0x94: {  	v45 =	vxor.u32 v4, v16;
	v5 =	vadd.s32 v13, v5;
	v56 =	vshrl.u32 v13, $0x13  }
0x95: {  	v13 =	vshll.u32 v13, $0xD;
	v46 =	vxor.u32 v2, v18;
	v47 =	vxor.u32 v3, v41  }
0x96: {  	v48 =	vxor.u32 v6, v42;
	v10 =	vadd.s32 $0x2, v45;
	v50 =	vxor.u32 v7, v44  }
0x97: {  	v51 =	vxor.u32 v8, v17;
	v5 =	vadd.s32 $0x1BD11BF0, v5;
	v13 =	vor.u32 v56, v13  }
0x98: {  	v11 =	vadd.s32 $0x2, v46;
	v9 =	vadd.s32 $0x2, v47;
	v12 =	vadd.s32 $0x2, v48  }
0x99: {  	v14 =	vadd.s32 $0x2, v50;
	v15 =	vadd.s32 $0x2, v51;
	v4 =	vadd.s32 v10, v4  }
0x9a: {  	v52 =	vshrl.u32 v10, $0x13;
	v10 =	vshll.u32 v10, $0xD;
	v13 =	vxor.u32 v5, v13  }
0x9b: {  	v2 =	vadd.s32 v11, v2;
	v53 =	vshrl.u32 v11, $0x13;
	v11 =	vshll.u32 v11, $0xD  }
0x9c: {  	v3 =	vadd.s32 v9, v3;
	v54 =	vshrl.u32 v9, $0x13;
	v9 =	vshll.u32 v9, $0xD  }
0x9d: {  	v6 =	vadd.s32 v12, v6;
	v55 =	vshrl.u32 v12, $0x13;
	v12 =	vshll.u32 v12, $0xD  }
0x9e: {  	v7 =	vadd.s32 v14, v7;
	v57 =	vshrl.u32 v14, $0x13;
	v14 =	vshll.u32 v14, $0xD  }
0x9f: {  	v8 =	vadd.s32 v15, v8;
	v58 =	vshrl.u32 v15, $0x13;
	v15 =	vshll.u32 v15, $0xD  }
0xa0: {  	v4 =	vadd.s32 $0x1BD11BF0, v4;
	v10 =	vor.u32 v52, v10;
	v35 =	vshrl.u32 v13, $0x11  }
0xa1: {  	v36 =	vshll.u32 v13, $0xF;
	v5 =	vadd.s32 v5, v13;
	v2 =	vadd.s32 $0x1BD11BF0, v2  }
0xa2: {  	v11 =	vor.u32 v53, v11;
	v3 =	vadd.s32 $0x1BD11BF0, v3;
	v9 =	vor.u32 v54, v9  }
0xa3: {  	v6 =	vadd.s32 $0x1BD11BF0, v6;
	v12 =	vor.u32 v55, v12;
	v7 =	vadd.s32 $0x1BD11BF0, v7  }
0xa4: {  	v14 =	vor.u32 v57, v14;
	v10 =	vxor.u32 v4, v10;
	v8 =	vadd.s32 $0x1BD11BF0, v8  }
0xa5: {  	v15 =	vor.u32 v58, v15;
	v43 =	vor.u32 v35, v36;
	v11 =	vxor.u32 v2, v11  }
0xa6: {  	v9 =	vxor.u32 v3, v9;
	v12 =	vxor.u32 v6, v12;
	v14 =	vxor.u32 v7, v14  }
0xa7: {  	v15 =	vxor.u32 v8, v15;
	v59 =	vshrl.u32 v10, $0x11;
	v60 =	vshll.u32 v10, $0xF  }
0xa8: {  	v4 =	vadd.s32 v4, v10;
	v13 =	vxor.u32 v5, v43;
	v61 =	vshrl.u32 v11, $0x11  }
0xa9: {  	v62 =	vshll.u32 v11, $0xF;
	v63 =	vshrl.u32 v9, $0x11;
	v32 =	vshll.u32 v9, $0xF  }
0xaa: {  	v33 =	vshrl.u32 v12, $0x11;
	v34 =	vshll.u32 v12, $0xF;
	v37 =	vshrl.u32 v14, $0x11  }
0xab: {  	v38 =	vshll.u32 v14, $0xF;
	v16 =	vor.u32 v59, v60;
	v39 =	vshrl.u32 v15, $0x11  }
0xac: {  	v40 =	vshll.u32 v15, $0xF;
	v2 =	vadd.s32 v2, v11;
	v3 =	vadd.s32 v3, v9  }
0xad: {  	v6 =	vadd.s32 v6, v12;
	v7 =	vadd.s32 v7, v14;
	v8 =	vadd.s32 v8, v15  }
0xae: {  	v57 =	vshrl.u32 v13, $0x6;
	v58 =	vshll.u32 v13, $0x1A;
	v5 =	vadd.s32 v5, v13  }
0xaf: {  	v18 =	vor.u32 v61, v62;
	v41 =	vor.u32 v63, v32;
	v42 =	vor.u32 v33, v34  }
0xb0: {  	v44 =	vor.u32 v37, v38;
	v17 =	vor.u32 v39, v40;
	v45 =	vxor.u32 v4, v16  }
0xb1: {  	v31 =	vor.u32 v57, v58;
	v46 =	vxor.u32 v2, v18;
	v47 =	vxor.u32 v3, v41  }
0xb2: {  	v12 =	vxor.u32 v6, v42;
	v48 =	vshrl.u32 v45, $0x6;
	v49 =	vxor.u32 v7, v44  }
0xb3: {  	v50 =	vxor.u32 v8, v17;
	v51 =	vshll.u32 v45, $0x1A;
	v4 =	vadd.s32 v4, v45  }
0xb4: {  	v37 =	vxor.u32 v5, v31;
	v18 =	vshrl.u32 v46, $0x6;
	v52 =	vshll.u32 v46, $0x1A  }
0xb5: {  	v53 =	vshrl.u32 v47, $0x6;
	v54 =	vshll.u32 v47, $0x1A;
	v55 =	vshrl.u32 v12, $0x6  }
0xb6: {  	v56 =	vshll.u32 v12, $0x1A;
	v59 =	vshrl.u32 v49, $0x6;
	v60 =	vshll.u32 v49, $0x1A  }
0xb7: {  	v61 =	vshrl.u32 v50, $0x6;
	v14 =	vor.u32 v48, v51;
	v63 =	vshll.u32 v50, $0x1A  }
0xb8: {  	v2 =	vadd.s32 v2, v46;
	v3 =	vadd.s32 v3, v47;
	v6 =	vadd.s32 v6, v12  }
0xb9: {  	v7 =	vadd.s32 v7, v49;
	v8 =	vadd.s32 v8, v50;
	v47 =	vshrl.u32 v37, $0x1A  }
0xba: {  	v48 =	vshll.u32 v37, $0x6;
	v5 =	vadd.s32 v5, v37;
	v62 =	vor.u32 v18, v52  }
0xbb: {  	v29 =	vor.u32 v53, v54;
	v30 =	vor.u32 v55, v56;
	v32 =	vor.u32 v59, v60  }
0xbc: {  	v18 =	vor.u32 v61, v63;
	v33 =	vxor.u32 v4, v14;
	v56 =	vor.u32 v47, v48  }
0xbd: {  	v34 =	vxor.u32 v2, v62;
	v35 =	vxor.u32 v3, v29;
	v36 =	vxor.u32 v6, v30  }
0xbe: {  	v9 =	vxor.u32 v7, v32;
	v38 =	vshrl.u32 v33, $0x1A;
	v39 =	vshll.u32 v33, $0x6  }
0xbf: {  	v40 =	vxor.u32 v8, v18;
	v4 =	vadd.s32 v4, v33;
	v14 =	vxor.u32 v5, v56  }
0xc0: {  	v41 =	vshrl.u32 v34, $0x1A;
	v42 =	vshll.u32 v34, $0x6;
	v43 =	vshrl.u32 v35, $0x1A  }
0xc1: {  	v44 =	vshll.u32 v35, $0x6;
	v45 =	vshrl.u32 v36, $0x1A;
	v46 =	vshll.u32 v36, $0x6  }
0xc2: {  	v49 =	vshrl.u32 v9, $0x1A;
	v50 =	vshll.u32 v9, $0x6;
	v51 =	vshrl.u32 v40, $0x1A  }
0xc3: {  	v52 =	vshll.u32 v40, $0x6;
	v15 =	vor.u32 v38, v39;
	v2 =	vadd.s32 v2, v34  }
0xc4: {  	v3 =	vadd.s32 v3, v35;
	v6 =	vadd.s32 v6, v36;
	v7 =	vadd.s32 v7, v9  }
0xc5: {  	v8 =	vadd.s32 v8, v40;
	v14 =	vadd.s32 $0x2D, v14;
	v53 =	vor.u32 v41, v42  }
0xc6: {  	v54 =	vor.u32 v43, v44;
	v55 =	vor.u32 v45, v46;
	v57 =	vor.u32 v49, v50  }
0xc7: {  	v58 =	vor.u32 v51, v52;
	v59 =	vxor.u32 v4, v15;
	v38 =	vshrl.u32 v14, $0xF  }
0xc8: {  	v39 =	vshll.u32 v14, $0x11;
	v5 =	vadd.s32 v5, v14;
	v60 =	vxor.u32 v2, v53  }
0xc9: {  	v12 =	vxor.u32 v3, v54;
	v13 =	vxor.u32 v6, v55;
	v61 =	vxor.u32 v7, v57  }
0xca: {  	v10 =	vxor.u32 v8, v58;
	v11 =	vadd.s32 $0x2D, v59;
	v47 =	vor.u32 v38, v39  }
0xcb: {  	v9 =	vadd.s32 $0x2D, v60;
	v12 =	vadd.s32 $0x2D, v12;
	v13 =	vadd.s32 $0x2D, v13  }
0xcc: {  	v15 =	vadd.s32 $0x2D, v61;
	v62 =	vshrl.u32 v11, $0xF;
	v63 =	vshll.u32 v11, $0x11  }
0xcd: {  	v10 =	vadd.s32 $0x2D, v10;
	v4 =	vadd.s32 v4, v11;
	v14 =	vxor.u32 v5, v47  }
0xce: {  	v32 =	vshrl.u32 v9, $0xF;
	v33 =	vshll.u32 v9, $0x11;
	v34 =	vshrl.u32 v12, $0xF  }
0xcf: {  	v35 =	vshll.u32 v12, $0x11;
	v36 =	vshrl.u32 v13, $0xF;
	v37 =	vshll.u32 v13, $0x11  }
0xd0: {  	v40 =	vshrl.u32 v15, $0xF;
	v41 =	vshll.u32 v15, $0x11;
	v42 =	vshrl.u32 v10, $0xF  }
0xd1: {  	v43 =	vshll.u32 v10, $0x11;
	v16 =	vor.u32 v62, v63;
	v2 =	vadd.s32 v2, v9  }
0xd2: {  	v3 =	vadd.s32 v3, v12;
	v6 =	vadd.s32 v6, v13;
	v7 =	vadd.s32 v7, v15  }
0xd3: {  	v8 =	vadd.s32 v8, v10;
	v58 =	vshrl.u32 v14, $0x3;
	v59 =	vshll.u32 v14, $0x1D  }
0xd4: {  	v5 =	vadd.s32 v5, v14;
	v44 =	vor.u32 v32, v33;
	v45 =	vor.u32 v34, v35  }
0xd5: {  	v46 =	vor.u32 v36, v37;
	v48 =	vor.u32 v40, v41;
	v49 =	vor.u32 v42, v43  }
0xd6: {  	v11 =	vxor.u32 v4, v16;
	v33 =	vor.u32 v58, v59;
	v50 =	vxor.u32 v2, v44  }
0xd7: {  	v12 =	vxor.u32 v3, v45;
	v13 =	vxor.u32 v6, v46;
	v15 =	vxor.u32 v7, v48  }
0xd8: {  	v9 =	vxor.u32 v8, v49;
	v16 =	vshrl.u32 v11, $0x3;
	v51 =	vshll.u32 v11, $0x1D  }
0xd9: {  	v4 =	vadd.s32 v4, v11;
	v39 =	vxor.u32 v5, v33;
	v52 =	vshrl.u32 v50, $0x3  }
0xda: {  	v53 =	vshll.u32 v50, $0x1D;
	v54 =	vshrl.u32 v12, $0x3;
	v55 =	vshll.u32 v12, $0x1D  }
0xdb: {  	v56 =	vshrl.u32 v13, $0x3;
	v57 =	vshll.u32 v13, $0x1D;
	v60 =	vshrl.u32 v15, $0x3  }
0xdc: {  	v61 =	vshll.u32 v15, $0x1D;
	v16 =	vor.u32 v16, v51;
	v62 =	vshrl.u32 v9, $0x3  }
0xdd: {  	v63 =	vshll.u32 v9, $0x1D;
	v2 =	vadd.s32 v2, v50;
	v3 =	vadd.s32 v3, v12  }
0xde: {  	v6 =	vadd.s32 v6, v13;
	v7 =	vadd.s32 v7, v15;
	v8 =	vadd.s32 v8, v9  }
0xdf: {  	v48 =	vshrl.u32 v39, $0x10;
	v49 =	vshll.u32 v39, $0x10;
	v5 =	vadd.s32 v5, v39  }
0xe0: {  	v18 =	vor.u32 v52, v53;
	v31 =	vor.u32 v54, v55;
	v32 =	vor.u32 v56, v57  }
0xe1: {  	v34 =	vor.u32 v60, v61;
	v17 =	vor.u32 v62, v63;
	v35 =	vxor.u32 v4, v16  }
0xe2: {  	v57 =	vor.u32 v48, v49;
	v36 =	vxor.u32 v2, v18;
	v37 =	vxor.u32 v3, v31  }
0xe3: {  	v38 =	vxor.u32 v6, v32;
	v40 =	vshrl.u32 v35, $0x10;
	v15 =	vxor.u32 v7, v34  }
0xe4: {  	v41 =	vxor.u32 v8, v17;
	v42 =	vshll.u32 v35, $0x10;
	v4 =	vadd.s32 v4, v35  }
0xe5: {  	v62 =	vxor.u32 v5, v57;
	v18 =	vshrl.u32 v36, $0x10;
	v43 =	vshll.u32 v36, $0x10  }
0xe6: {  	v44 =	vshrl.u32 v37, $0x10;
	v45 =	vshll.u32 v37, $0x10;
	v46 =	vshrl.u32 v38, $0x10  }
0xe7: {  	v47 =	vshll.u32 v38, $0x10;
	v50 =	vshrl.u32 v15, $0x10;
	v51 =	vshll.u32 v15, $0x10  }
0xe8: {  	v52 =	vshrl.u32 v41, $0x10;
	v14 =	vor.u32 v40, v42;
	v54 =	vshll.u32 v41, $0x10  }
0xe9: {  	v2 =	vadd.s32 v2, v36;
	v3 =	vadd.s32 v3, v37;
	v6 =	vadd.s32 v6, v38  }
0xea: {  	v7 =	vadd.s32 v7, v15;
	v8 =	vadd.s32 v8, v41;
	v40 =	vshrl.u32 v62, $0x8  }
0xeb: {  	v41 =	vshll.u32 v62, $0x18;
	v5 =	vadd.s32 v5, v62;
	v53 =	vor.u32 v18, v43  }
0xec: {  	v55 =	vor.u32 v44, v45;
	v56 =	vor.u32 v46, v47;
	v58 =	vor.u32 v50, v51  }
0xed: {  	v18 =	vor.u32 v52, v54;
	v59 =	vxor.u32 v4, v14;
	v49 =	vor.u32 v40, v41  }
0xee: {  	v11 =	vxor.u32 v2, v53;
	v60 =	vxor.u32 v3, v55;
	v61 =	vxor.u32 v6, v56  }
0xef: {  	v10 =	vxor.u32 v7, v58;
	v63 =	vshrl.u32 v59, $0x8;
	v32 =	vshll.u32 v59, $0x18  }
0xf0: {  	v33 =	vxor.u32 v8, v18;
	v4 =	vadd.s32 v4, v59;
	v14 =	vxor.u32 v5, v49  }
0xf1: {  	v34 =	vshrl.u32 v11, $0x8;
	v35 =	vshll.u32 v11, $0x18;
	v36 =	vshrl.u32 v60, $0x8  }
0xf2: {  	v37 =	vshll.u32 v60, $0x18;
	v38 =	vshrl.u32 v61, $0x8;
	v39 =	vshll.u32 v61, $0x18  }
0xf3: {  	v42 =	vshrl.u32 v10, $0x8;
	v43 =	vshll.u32 v10, $0x18;
	v44 =	vshrl.u32 v33, $0x8  }
0xf4: {  	v45 =	vshll.u32 v33, $0x18;
	v15 =	vor.u32 v63, v32;
	v2 =	vadd.s32 v2, v11  }
0xf5: {  	v3 =	vadd.s32 v3, v60;
	v6 =	vadd.s32 v6, v61;
	v7 =	vadd.s32 v7, v10  }
0xf6: {  	v8 =	vadd.s32 v8, v33;
	v14 =	vadd.s32 $0x1BD11BF4, v14;
	v46 =	vor.u32 v34, v35  }
0xf7: {  	v47 =	vor.u32 v36, v37;
	v48 =	vor.u32 v38, v39;
	v50 =	vor.u32 v42, v43  }
0xf8: {  	v51 =	vor.u32 v44, v45;
	v52 =	vxor.u32 v4, v15;
	v5 =	vadd.s32 v14, v5  }
0xf9: {  	v59 =	vshrl.u32 v14, $0x13;
	v14 =	vshll.u32 v14, $0xD;
	v53 =	vxor.u32 v2, v46  }
0xfa: {  	v12 =	vxor.u32 v3, v47;
	v13 =	vxor.u32 v6, v48;
	v54 =	vxor.u32 v7, v50  }
0xfb: {  	v9 =	vxor.u32 v8, v51;
	v11 =	vadd.s32 $0x1BD11BF4, v52;
	v5 =	vadd.s32 $0x2A, v5  }
0xfc: {  	v14 =	vor.u32 v59, v14;
	v10 =	vadd.s32 $0x1BD11BF4, v53;
	v12 =	vadd.s32 $0x1BD11BF4, v12  }
0xfd: {  	v13 =	vadd.s32 $0x1BD11BF4, v13;
	v15 =	vadd.s32 $0x1BD11BF4, v54;
	v4 =	vadd.s32 v11, v4  }
0xfe: {  	v55 =	vshrl.u32 v11, $0x13;
	v9 =	vadd.s32 $0x1BD11BF4, v9;
	v11 =	vshll.u32 v11, $0xD  }
0xff: {  	v14 =	vxor.u32 v5, v14;
	v2 =	vadd.s32 v10, v2;
	v56 =	vshrl.u32 v10, $0x13  }
0x100: {  	v10 =	vshll.u32 v10, $0xD;
	v3 =	vadd.s32 v12, v3;
	v57 =	vshrl.u32 v12, $0x13  }
0x101: {  	v12 =	vshll.u32 v12, $0xD;
	v6 =	vadd.s32 v13, v6;
	v58 =	vshrl.u32 v13, $0x13  }
0x102: {  	v13 =	vshll.u32 v13, $0xD;
	v7 =	vadd.s32 v15, v7;
	v60 =	vshrl.u32 v15, $0x13  }
0x103: {  	v15 =	vshll.u32 v15, $0xD;
	v8 =	vadd.s32 v9, v8;
	v61 =	vshrl.u32 v9, $0x13  }
0x104: {  	v4 =	vadd.s32 $0x2A, v4;
	v11 =	vor.u32 v55, v11;
	v9 =	vshll.u32 v9, $0xD  }
0x105: {  	v38 =	vshrl.u32 v14, $0x11;
	v39 =	vshll.u32 v14, $0xF;
	v5 =	vadd.s32 v5, v14  }
0x106: {  	v2 =	vadd.s32 $0x2A, v2;
	v10 =	vor.u32 v56, v10;
	v3 =	vadd.s32 $0x2A, v3  }
0x107: {  	v12 =	vor.u32 v57, v12;
	v6 =	vadd.s32 $0x2A, v6;
	v13 =	vor.u32 v58, v13  }
0x108: {  	v7 =	vadd.s32 $0x2A, v7;
	v15 =	vor.u32 v60, v15;
	v8 =	vadd.s32 $0x2A, v8  }
0x109: {  	v9 =	vor.u32 v61, v9;
	v11 =	vxor.u32 v4, v11;
	v47 =	vor.u32 v38, v39  }
0x10a: {  	v10 =	vxor.u32 v2, v10;
	v12 =	vxor.u32 v3, v12;
	v13 =	vxor.u32 v6, v13  }
0x10b: {  	v15 =	vxor.u32 v7, v15;
	v62 =	vshrl.u32 v11, $0x11;
	v63 =	vshll.u32 v11, $0xF  }
0x10c: {  	v9 =	vxor.u32 v8, v9;
	v4 =	vadd.s32 v4, v11;
	v14 =	vxor.u32 v5, v47  }
0x10d: {  	v32 =	vshrl.u32 v10, $0x11;
	v33 =	vshll.u32 v10, $0xF;
	v34 =	vshrl.u32 v12, $0x11  }
0x10e: {  	v35 =	vshll.u32 v12, $0xF;
	v36 =	vshrl.u32 v13, $0x11;
	v37 =	vshll.u32 v13, $0xF  }
0x10f: {  	v40 =	vshrl.u32 v15, $0x11;
	v41 =	vshll.u32 v15, $0xF;
	v42 =	vshrl.u32 v9, $0x11  }
0x110: {  	v43 =	vshll.u32 v9, $0xF;
	v16 =	vor.u32 v62, v63;
	v2 =	vadd.s32 v2, v10  }
0x111: {  	v3 =	vadd.s32 v3, v12;
	v6 =	vadd.s32 v6, v13;
	v7 =	vadd.s32 v7, v15  }
0x112: {  	v8 =	vadd.s32 v8, v9;
	v58 =	vshrl.u32 v14, $0x6;
	v59 =	vshll.u32 v14, $0x1A  }
0x113: {  	v5 =	vadd.s32 v5, v14;
	v44 =	vor.u32 v32, v33;
	v45 =	vor.u32 v34, v35  }
0x114: {  	v46 =	vor.u32 v36, v37;
	v48 =	vor.u32 v40, v41;
	v49 =	vor.u32 v42, v43  }
0x115: {  	v11 =	vxor.u32 v4, v16;
	v31 =	vor.u32 v58, v59;
	v50 =	vxor.u32 v2, v44  }
0x116: {  	v12 =	vxor.u32 v3, v45;
	v13 =	vxor.u32 v6, v46;
	v15 =	vxor.u32 v7, v48  }
0x117: {  	v10 =	vxor.u32 v8, v49;
	v16 =	vshrl.u32 v11, $0x6;
	v51 =	vshll.u32 v11, $0x1A  }
0x118: {  	v4 =	vadd.s32 v4, v11;
	v37 =	vxor.u32 v5, v31;
	v52 =	vshrl.u32 v50, $0x6  }
0x119: {  	v53 =	vshll.u32 v50, $0x1A;
	v54 =	vshrl.u32 v12, $0x6;
	v55 =	vshll.u32 v12, $0x1A  }
0x11a: {  	v56 =	vshrl.u32 v13, $0x6;
	v57 =	vshll.u32 v13, $0x1A;
	v60 =	vshrl.u32 v15, $0x6  }
0x11b: {  	v61 =	vshll.u32 v15, $0x1A;
	v16 =	vor.u32 v16, v51;
	v62 =	vshrl.u32 v10, $0x6  }
0x11c: {  	v63 =	vshll.u32 v10, $0x1A;
	v2 =	vadd.s32 v2, v50;
	v3 =	vadd.s32 v3, v12  }
0x11d: {  	v6 =	vadd.s32 v6, v13;
	v7 =	vadd.s32 v7, v15;
	v8 =	vadd.s32 v8, v10  }
0x11e: {  	v46 =	vshrl.u32 v37, $0x1A;
	v47 =	vshll.u32 v37, $0x6;
	v5 =	vadd.s32 v5, v37  }
0x11f: {  	v18 =	vor.u32 v52, v53;
	v29 =	vor.u32 v54, v55;
	v30 =	vor.u32 v56, v57  }
0x120: {  	v32 =	vor.u32 v60, v61;
	v17 =	vor.u32 v62, v63;
	v33 =	vxor.u32 v4, v16  }
0x121: {  	v55 =	vor.u32 v46, v47;
	v34 =	vxor.u32 v2, v18;
	v35 =	vxor.u32 v3, v29  }
0x122: {  	v36 =	vxor.u32 v6, v30;
	v38 =	vshrl.u32 v33, $0x1A;
	v15 =	vxor.u32 v7, v32  }
0x123: {  	v39 =	vxor.u32 v8, v17;
	v40 =	vshll.u32 v33, $0x6;
	v4 =	vadd.s32 v4, v33  }
0x124: {  	v60 =	vxor.u32 v5, v55;
	v5 =	vadd.s32 $0x1BD11BF0, v5;
	v18 =	vshrl.u32 v34, $0x1A  }
0x125: {  	v41 =	vshll.u32 v34, $0x6;
	v42 =	vshrl.u32 v35, $0x1A;
	v43 =	vshll.u32 v35, $0x6  }
0x126: {  	v44 =	vshrl.u32 v36, $0x1A;
	v45 =	vshll.u32 v36, $0x6;
	v48 =	vshrl.u32 v15, $0x1A  }
0x127: {  	v49 =	vshll.u32 v15, $0x6;
	v50 =	vshrl.u32 v39, $0x1A;
	v14 =	vor.u32 v38, v40  }
0x128: {  	v52 =	vshll.u32 v39, $0x6;
	v2 =	vadd.s32 v2, v34;
	v3 =	vadd.s32 v3, v35  }
0x129: {  	v6 =	vadd.s32 v6, v36;
	v7 =	vadd.s32 v7, v15;
	v8 =	vadd.s32 v8, v39  }
0x12a: {  	v51 =	vor.u32 v18, v41;
	v53 =	vor.u32 v42, v43;
	v54 =	vor.u32 v44, v45  }
0x12b: {  	v56 =	vor.u32 v48, v49;
	v18 =	vor.u32 v50, v52;
	v57 =	vxor.u32 v4, v14  }
0x12c: {  	v14 =	vadd.s32 $0x5, v60;
	v4 =	vadd.s32 $0x1BD11BF0, v4;
	v11 =	vxor.u32 v2, v51  }
0x12d: {  	v58 =	vxor.u32 v3, v53;
	v59 =	vxor.u32 v6, v54;
	v9 =	vxor.u32 v7, v56  }
0x12e: {  	v10 =	vadd.s32 $0x5, v57;
	v61 =	vxor.u32 v8, v18;
	v2 =	vadd.s32 $0x1BD11BF0, v2  }
0x12f: {  	v3 =	vadd.s32 $0x1BD11BF0, v3;
	v6 =	vadd.s32 $0x1BD11BF0, v6;
	v7 =	vadd.s32 $0x1BD11BF0, v7  }
0x130: {  	v8 =	vadd.s32 $0x1BD11BF0, v8;
	v5 =	vxor.u32 v5, v14;
	v11 =	vadd.s32 $0x5, v11  }
0x131: {  	v12 =	vadd.s32 $0x5, v58;
	v13 =	vadd.s32 $0x5, v59;
	v9 =	vadd.s32 $0x5, v9  }
0x132: {  	v15 =	vadd.s32 $0x5, v61;
	v4 =	vxor.u32 v4, v10;
	v2 =	vxor.u32 v2, v11  }
0x133: {  	v3 =	vxor.u32 v3, v12;
	v6 =	vxor.u32 v6, v13;
	v7 =	vxor.u32 v7, v9  }
0x134: {  	v62 =	vshrl.u32 v4, $0x9;
	v8 =	vxor.u32 v8, v15;
	v4 =	vshrl.u32 v5, $0x9  }
0x135: {  	v2 =	vshrl.u32 v2, $0x9;
	v63 =	vshrl.u32 v3, $0x9;
	v6 =	vshrl.u32 v6, $0x9  }
0x136: {  	[tilespmem:s13+$0x30] =	vst v1;
	v1 =	vor.u32 $0x3F800000, v62;
	v5 =	vshrl.u32 v7, $0x9;
	v7 =	vshrl.u32 v8, $0x9  }
0x137: {  	s17 =	sadd.s32 $0x1000, s14;
	s16 =	simm.s32 $0x2000;
	s15 =	smov.u32 s13;
	[tilespmem:s13+$0xFFFFFFC0] =	vst v1;
	v3 =	vor.u32 $0x3F800000, v2;
	v2 =	vor.u32 $0x3F800000, v63;
	v1 =	vor.u32 $0x3F800000, v6  }
.LBB2_4:
0x138: {  	p0 =	sne.s32 s16, $0x7000;
	s18 =	sadd.s32 $0x2A, s17;
	s19 =	sadd.s32 $0x9A, s17;
	[tilespmem:s15+$0xFFFFFFD0] =	vst v3;
	v4 =	vor.u32 $0x3F800000, v4;
	v6 =	vor.u32 $0x3F800000, v5;
	v8 =	vor.u32 $0x3F800000, v7  }
0x139: {  	s20 =	sadd.s32 $0x4A, s17;
	s21 =	sadd.s32 $0x5A, s17;
	v3 =	vadd.s32 s18, v0;
	s18 =	sadd.s32 $0x3A, s17;
	v9 =	vadd.s32 s19, v0;
	[tilespmem:s15+$0xFFFFFFE0] =	vst v2  }
0x13a: {  	s19 =	sadd.s32 $0x7A, s17;
	v2 =	vadd.s32 s18, v0;
	s18 =	sadd.s32 $0x6A, s17;
	s17 =	sadd.s32 $0x8A, s17;
	v5 =	vshrl.u32 v9, $0x13;
	v10 =	vshll.u32 v9, $0xD;
	[tilespmem:s15+$0xFFFFFFF0] =	vst v1  }
0x13b: {  	v7 =	vadd.s32 s20, v0;
	v1 =	vadd.s32 s21, v0;
	v10 =	vor.u32 v5, v10;
	[tilespmem:s15+$0x0] =	vst v4  }
0x13c: {  	v4 =	vadd.s32 s18, v0;
	v5 =	vadd.s32 s19, v0;
	v10 =	vxor.u32 v9, v10;
	[tilespmem:s15+$0x10] =	vst v6  }
0x13d: {  	v6 =	vadd.s32 s17, v0;
	v11 =	vshrl.u32 v10, $0x11;
	v12 =	vshll.u32 v10, $0xF;
	[tilespmem:s15+$0x20] =	vst v8  }
0x13e: {  	v8 =	vshrl.u32 v3, $0x13;
	v9 =	vadd.s32 v9, v10;
	v10 =	vor.u32 v11, v12  }
0x13f: {  	v11 =	vshll.u32 v3, $0xD;
	v12 =	vshrl.u32 v2, $0x13;
	v10 =	vxor.u32 v9, v10  }
0x140: {  	v13 =	vshll.u32 v2, $0xD;
	v14 =	vshrl.u32 v10, $0x6;
	v15 =	vshll.u32 v10, $0x1A  }
0x141: {  	v16 =	vshrl.u32 v7, $0x13;
	v9 =	vadd.s32 v9, v10;
	v10 =	vor.u32 v14, v15  }
0x142: {  	v14 =	vshll.u32 v7, $0xD;
	v15 =	vshrl.u32 v1, $0x13;
	v10 =	vxor.u32 v9, v10  }
0x143: {  	v17 =	vshll.u32 v1, $0xD;
	v18 =	vshrl.u32 v10, $0x1A;
	v19 =	vshll.u32 v10, $0x6  }
0x144: {  	v20 =	vshrl.u32 v4, $0x13;
	v9 =	vadd.s32 v9, v10;
	v10 =	vor.u32 v18, v19  }
0x145: {  	v18 =	vshll.u32 v4, $0xD;
	v19 =	vshrl.u32 v5, $0x13;
	v10 =	vxor.u32 v9, v10  }
0x146: {  	v21 =	vshll.u32 v5, $0xD;
	v22 =	vshrl.u32 v6, $0x13;
	v10 =	vadd.s32 $0x1BD11BF1, v10  }
0x147: {  	v9 =	vadd.s32 v10, v9;
	v23 =	vshrl.u32 v10, $0xF;
	v10 =	vshll.u32 v10, $0x11  }
0x148: {  	v24 =	vshll.u32 v6, $0xD;
	v9 =	vadd.s32 $0x2A, v9;
	v10 =	vor.u32 v23, v10  }
0x149: {  	v8 =	vor.u32 v8, v11;
	v11 =	vor.u32 v12, v13;
	v10 =	vxor.u32 v9, v10  }
0x14a: {  	v12 =	vor.u32 v16, v14;
	v13 =	vshrl.u32 v10, $0x3;
	v14 =	vshll.u32 v10, $0x1D  }
0x14b: {  	v15 =	vor.u32 v15, v17;
	v9 =	vadd.s32 v9, v10;
	v10 =	vor.u32 v13, v14  }
0x14c: {  	v13 =	vor.u32 v20, v18;
	v14 =	vor.u32 v19, v21;
	v10 =	vxor.u32 v9, v10  }
0x14d: {  	v16 =	vor.u32 v22, v24;
	v17 =	vshrl.u32 v10, $0x10;
	v18 =	vshll.u32 v10, $0x10  }
0x14e: {  	v8 =	vxor.u32 v3, v8;
	v9 =	vadd.s32 v9, v10;
	v10 =	vor.u32 v17, v18  }
0x14f: {  	v11 =	vxor.u32 v2, v11;
	v12 =	vxor.u32 v7, v12;
	v10 =	vxor.u32 v9, v10  }
0x150: {  	v15 =	vxor.u32 v1, v15;
	v17 =	vshrl.u32 v10, $0x8;
	v18 =	vshll.u32 v10, $0x18  }
0x151: {  	v13 =	vxor.u32 v4, v13;
	v9 =	vadd.s32 v9, v10;
	v10 =	vor.u32 v17, v18  }
0x152: {  	v16 =	vxor.u32 v6, v16;
	v14 =	vxor.u32 v5, v14;
	v10 =	vxor.u32 v9, v10  }
0x153: {  	v17 =	vshrl.u32 v8, $0x11;
	v18 =	vshll.u32 v8, $0xF;
	v10 =	vadd.s32 $0x2, v10  }
0x154: {  	v9 =	vadd.s32 v10, v9;
	v19 =	vshrl.u32 v10, $0x13;
	v10 =	vshll.u32 v10, $0xD  }
0x155: {  	v20 =	vshrl.u32 v11, $0x11;
	v9 =	vadd.s32 $0x1BD11BF0, v9;
	v10 =	vor.u32 v19, v10  }
0x156: {  	v21 =	vshrl.u32 v12, $0x11;
	v19 =	vshll.u32 v11, $0xF;
	v10 =	vxor.u32 v9, v10  }
0x157: {  	v22 =	vshll.u32 v12, $0xF;
	v23 =	vshrl.u32 v10, $0x11;
	v24 =	vshll.u32 v10, $0xF  }
0x158: {  	v25 =	vshrl.u32 v15, $0x11;
	v9 =	vadd.s32 v9, v10;
	v10 =	vor.u32 v23, v24  }
0x159: {  	v23 =	vshll.u32 v15, $0xF;
	v24 =	vshrl.u32 v13, $0x11;
	v10 =	vxor.u32 v9, v10  }
0x15a: {  	v26 =	vshll.u32 v13, $0xF;
	v27 =	vshrl.u32 v10, $0x6;
	v28 =	vshll.u32 v10, $0x1A  }
0x15b: {  	v29 =	vshrl.u32 v14, $0x11;
	v9 =	vadd.s32 v9, v10;
	v10 =	vor.u32 v27, v28  }
0x15c: {  	v27 =	vshll.u32 v14, $0xF;
	v28 =	vshrl.u32 v16, $0x11;
	v10 =	vxor.u32 v9, v10  }
0x15d: {  	v30 =	vshll.u32 v16, $0xF;
	v31 =	vshrl.u32 v10, $0x1A;
	v32 =	vshll.u32 v10, $0x6  }
0x15e: {  	v17 =	vor.u32 v17, v18;
	v9 =	vadd.s32 v9, v10;
	v10 =	vor.u32 v31, v32  }
0x15f: {  	v18 =	vor.u32 v20, v19;
	v19 =	vor.u32 v21, v22;
	v10 =	vxor.u32 v9, v10  }
0x160: {  	v20 =	vor.u32 v25, v23;
	v21 =	vor.u32 v24, v26;
	v10 =	vadd.s32 $0x2D, v10  }
0x161: {  	v22 =	vor.u32 v29, v27;
	v23 =	vshrl.u32 v10, $0xF;
	v24 =	vshll.u32 v10, $0x11  }
0x162: {  	v25 =	vor.u32 v28, v30;
	v9 =	vadd.s32 v9, v10;
	v10 =	vor.u32 v23, v24  }
0x163: {  	v3 =	vadd.s32 v3, v8;
	v2 =	vadd.s32 v2, v11;
	v8 =	vxor.u32 v9, v10  }
0x164: {  	v7 =	vadd.s32 v7, v12;
	v10 =	vshrl.u32 v8, $0x3;
	v11 =	vshll.u32 v8, $0x1D  }
0x165: {  	v1 =	vadd.s32 v1, v15;
	v8 =	vadd.s32 v9, v8;
	v9 =	vor.u32 v10, v11  }
0x166: {  	v4 =	vadd.s32 v4, v13;
	v5 =	vadd.s32 v5, v14;
	v9 =	vxor.u32 v8, v9  }
0x167: {  	v6 =	vadd.s32 v6, v16;
	v10 =	vshrl.u32 v9, $0x10;
	v11 =	vshll.u32 v9, $0x10  }
0x168: {  	v12 =	vxor.u32 v3, v17;
	v8 =	vadd.s32 v8, v9;
	v9 =	vor.u32 v10, v11  }
0x169: {  	v10 =	vxor.u32 v2, v18;
	v11 =	vxor.u32 v7, v19;
	v9 =	vxor.u32 v8, v9  }
0x16a: {  	v13 =	vxor.u32 v1, v20;
	v14 =	vshrl.u32 v9, $0x8;
	v15 =	vshll.u32 v9, $0x18  }
0x16b: {  	v16 =	vxor.u32 v4, v21;
	v8 =	vadd.s32 v8, v9;
	v9 =	vor.u32 v14, v15  }
0x16c: {  	v14 =	vxor.u32 v5, v22;
	v15 =	vxor.u32 v6, v25;
	v9 =	vxor.u32 v8, v9  }
0x16d: {  	v17 =	vshrl.u32 v12, $0x6;
	v18 =	vshll.u32 v12, $0x1A;
	v9 =	vadd.s32 $0x1BD11BF4, v9  }
0x16e: {  	v8 =	vadd.s32 v9, v8;
	v19 =	vshrl.u32 v9, $0x13;
	v9 =	vshll.u32 v9, $0xD  }
0x16f: {  	v20 =	vshrl.u32 v10, $0x6;
	v8 =	vadd.s32 $0x2A, v8;
	v9 =	vor.u32 v19, v9  }
0x170: {  	v21 =	vshrl.u32 v11, $0x6;
	v19 =	vshll.u32 v10, $0x1A;
	v9 =	vxor.u32 v8, v9  }
0x171: {  	v22 =	vshll.u32 v11, $0x1A;
	v23 =	vshrl.u32 v9, $0x11;
	v24 =	vshll.u32 v9, $0xF  }
0x172: {  	v25 =	vshrl.u32 v13, $0x6;
	v8 =	vadd.s32 v8, v9;
	v9 =	vor.u32 v23, v24  }
0x173: {  	v23 =	vshll.u32 v13, $0x1A;
	v24 =	vshrl.u32 v16, $0x6;
	v9 =	vxor.u32 v8, v9  }
0x174: {  	v26 =	vshll.u32 v16, $0x1A;
	v27 =	vshrl.u32 v9, $0x6;
	v28 =	vshll.u32 v9, $0x1A  }
0x175: {  	v29 =	vshrl.u32 v14, $0x6;
	v8 =	vadd.s32 v8, v9;
	v9 =	vor.u32 v27, v28  }
0x176: {  	v27 =	vshll.u32 v14, $0x1A;
	v28 =	vshrl.u32 v15, $0x6;
	v9 =	vxor.u32 v8, v9  }
0x177: {  	v30 =	vshll.u32 v15, $0x1A;
	v31 =	vshrl.u32 v9, $0x1A;
	v32 =	vshll.u32 v9, $0x6  }
0x178: {  	v17 =	vor.u32 v17, v18;
	v8 =	vadd.s32 v8, v9;
	v9 =	vor.u32 v31, v32  }
0x179: {  	v18 =	vor.u32 v20, v19;
	v19 =	vor.u32 v21, v22;
	v9 =	vxor.u32 v8, v9  }
0x17a: {  	v20 =	vor.u32 v25, v23;
	v8 =	vadd.s32 $0x1BD11BF0, v8;
	v9 =	vadd.s32 $0x5, v9  }
0x17b: {  	v21 =	vor.u32 v24, v26;
	v22 =	vor.u32 v29, v27;
	v8 =	vxor.u32 v8, v9  }
0x17c: {  	v3 =	vadd.s32 v3, v12;
	v9 =	vor.u32 v28, v30;
	v8 =	vshrl.u32 v8, $0x9  }
0x17d: {  	s15 =	sadd.s32 $0x80, s15;
	v2 =	vadd.s32 v2, v10;
	v7 =	vadd.s32 v7, v11;
	v8 =	vor.u32 $0x3F800000, v8  }
0x17e: {  	v1 =	vadd.s32 v1, v13;
	v4 =	vadd.s32 v4, v16;
	v5 =	vadd.s32 v5, v14;
	[tilespmem:s15+$0x30] =	vst v8  }
0x17f: {  	v6 =	vadd.s32 v6, v15;
	v10 =	vxor.u32 v2, v18;
	v8 =	vxor.u32 v3, v17  }
0x180: {  	v11 =	vxor.u32 v7, v19;
	v12 =	vxor.u32 v1, v20;
	v13 =	vxor.u32 v4, v21  }
0x181: {  	v15 =	vxor.u32 v5, v22;
	v9 =	vxor.u32 v6, v9;
	v14 =	vshrl.u32 v8, $0x1A  }
0x182: {  	v18 =	vshll.u32 v10, $0x6;
	v17 =	vshrl.u32 v10, $0x1A;
	v16 =	vshll.u32 v8, $0x6  }
0x183: {  	v19 =	vshrl.u32 v11, $0x1A;
	v20 =	vshll.u32 v11, $0x6;
	v21 =	vshrl.u32 v12, $0x1A  }
0x184: {  	v23 =	vshrl.u32 v13, $0x1A;
	v24 =	vshll.u32 v13, $0x6;
	v22 =	vshll.u32 v12, $0x6  }
0x185: {  	v25 =	vshrl.u32 v15, $0x1A;
	v26 =	vshll.u32 v15, $0x6;
	v27 =	vshrl.u32 v9, $0x1A  }
0x186: {  	v14 =	vor.u32 v14, v16;
	v16 =	vor.u32 v17, v18;
	v17 =	vshll.u32 v9, $0x6  }
0x187: {  	v18 =	vor.u32 v19, v20;
	v19 =	vor.u32 v21, v22;
	v20 =	vor.u32 v23, v24  }
0x188: {  	v3 =	vadd.s32 v3, v8;
	v8 =	vor.u32 v25, v26;
	v17 =	vor.u32 v27, v17  }
0x189: {  	v2 =	vadd.s32 v2, v10;
	v7 =	vadd.s32 v7, v11;
	v1 =	vadd.s32 v1, v12  }
0x18a: {  	v4 =	vadd.s32 v4, v13;
	v5 =	vadd.s32 v5, v15;
	v6 =	vadd.s32 v6, v9  }
0x18b: {  	v9 =	vxor.u32 v3, v14;
	v10 =	vxor.u32 v2, v16;
	v11 =	vxor.u32 v7, v18  }
0x18c: {  	v8 =	vxor.u32 v5, v8;
	v12 =	vxor.u32 v1, v19;
	v13 =	vxor.u32 v4, v20  }
0x18d: {  	v9 =	vadd.s32 $0x1BD11BF1, v9;
	v10 =	vadd.s32 $0x1BD11BF1, v10;
	v14 =	vxor.u32 v6, v17  }
0x18e: {  	v11 =	vadd.s32 $0x1BD11BF1, v11;
	v12 =	vadd.s32 $0x1BD11BF1, v12;
	v13 =	vadd.s32 $0x1BD11BF1, v13  }
0x18f: {  	v8 =	vadd.s32 $0x1BD11BF1, v8;
	v3 =	vadd.s32 v9, v3;
	v14 =	vadd.s32 $0x1BD11BF1, v14  }
0x190: {  	v15 =	vshrl.u32 v9, $0xF;
	v9 =	vshll.u32 v9, $0x11;
	v2 =	vadd.s32 v10, v2  }
0x191: {  	v16 =	vshrl.u32 v10, $0xF;
	v10 =	vshll.u32 v10, $0x11;
	v7 =	vadd.s32 v11, v7  }
0x192: {  	v17 =	vshrl.u32 v11, $0xF;
	v11 =	vshll.u32 v11, $0x11;
	v1 =	vadd.s32 v12, v1  }
0x193: {  	v18 =	vshrl.u32 v12, $0xF;
	v12 =	vshll.u32 v12, $0x11;
	v4 =	vadd.s32 v13, v4  }
0x194: {  	v5 =	vadd.s32 v8, v5;
	v19 =	vshrl.u32 v13, $0xF;
	v13 =	vshll.u32 v13, $0x11  }
0x195: {  	v20 =	vshrl.u32 v8, $0xF;
	v8 =	vshll.u32 v8, $0x11;
	v6 =	vadd.s32 v14, v6  }
0x196: {  	v3 =	vadd.s32 $0x2A, v3;
	v21 =	vshrl.u32 v14, $0xF;
	v14 =	vshll.u32 v14, $0x11  }
0x197: {  	v9 =	vor.u32 v15, v9;
	v2 =	vadd.s32 $0x2A, v2;
	v10 =	vor.u32 v16, v10  }
0x198: {  	v7 =	vadd.s32 $0x2A, v7;
	v11 =	vor.u32 v17, v11;
	v1 =	vadd.s32 $0x2A, v1  }
0x199: {  	v12 =	vor.u32 v18, v12;
	v4 =	vadd.s32 $0x2A, v4;
	v13 =	vor.u32 v19, v13  }
0x19a: {  	v5 =	vadd.s32 $0x2A, v5;
	v8 =	vor.u32 v20, v8;
	v6 =	vadd.s32 $0x2A, v6  }
0x19b: {  	v9 =	vxor.u32 v3, v9;
	v10 =	vxor.u32 v2, v10;
	v14 =	vor.u32 v21, v14  }
0x19c: {  	v11 =	vxor.u32 v7, v11;
	v12 =	vxor.u32 v1, v12;
	v13 =	vxor.u32 v4, v13  }
0x19d: {  	v8 =	vxor.u32 v5, v8;
	v15 =	vshrl.u32 v9, $0x3;
	v14 =	vxor.u32 v6, v14  }
0x19e: {  	v16 =	vshll.u32 v9, $0x1D;
	v17 =	vshrl.u32 v10, $0x3;
	v18 =	vshll.u32 v10, $0x1D  }
0x19f: {  	v19 =	vshrl.u32 v11, $0x3;
	v20 =	vshll.u32 v11, $0x1D;
	v21 =	vshrl.u32 v12, $0x3  }
0x1a0: {  	v22 =	vshll.u32 v12, $0x1D;
	v23 =	vshrl.u32 v13, $0x3;
	v24 =	vshll.u32 v13, $0x1D  }
0x1a1: {  	v25 =	vshrl.u32 v8, $0x3;
	v26 =	vshll.u32 v8, $0x1D;
	v27 =	vshrl.u32 v14, $0x3  }
0x1a2: {  	v15 =	vor.u32 v15, v16;
	v16 =	vor.u32 v17, v18;
	v17 =	vshll.u32 v14, $0x1D  }
0x1a3: {  	v18 =	vor.u32 v19, v20;
	v19 =	vor.u32 v21, v22;
	v20 =	vor.u32 v23, v24  }
0x1a4: {  	v3 =	vadd.s32 v3, v9;
	v9 =	vor.u32 v25, v26;
	v17 =	vor.u32 v27, v17  }
0x1a5: {  	v2 =	vadd.s32 v2, v10;
	v7 =	vadd.s32 v7, v11;
	v1 =	vadd.s32 v1, v12  }
0x1a6: {  	v5 =	vadd.s32 v5, v8;
	v4 =	vadd.s32 v4, v13;
	v6 =	vadd.s32 v6, v14  }
0x1a7: {  	v8 =	vxor.u32 v3, v15;
	v10 =	vxor.u32 v2, v16;
	v11 =	vxor.u32 v7, v18  }
0x1a8: {  	v9 =	vxor.u32 v5, v9;
	v12 =	vxor.u32 v1, v19;
	v13 =	vxor.u32 v4, v20  }
0x1a9: {  	v14 =	vshrl.u32 v8, $0x10;
	v15 =	vshll.u32 v8, $0x10;
	v16 =	vxor.u32 v6, v17  }
0x1aa: {  	v17 =	vshrl.u32 v10, $0x10;
	v18 =	vshll.u32 v10, $0x10;
	v19 =	vshrl.u32 v11, $0x10  }
0x1ab: {  	v20 =	vshll.u32 v11, $0x10;
	v21 =	vshrl.u32 v12, $0x10;
	v22 =	vshll.u32 v12, $0x10  }
0x1ac: {  	v25 =	vshrl.u32 v9, $0x10;
	v23 =	vshrl.u32 v13, $0x10;
	v24 =	vshll.u32 v13, $0x10  }
0x1ad: {  	v26 =	vshll.u32 v9, $0x10;
	v27 =	vshrl.u32 v16, $0x10;
	v28 =	vshll.u32 v16, $0x10  }
0x1ae: {  	v14 =	vor.u32 v14, v15;
	v15 =	vor.u32 v17, v18;
	v17 =	vor.u32 v19, v20  }
0x1af: {  	v18 =	vor.u32 v21, v22;
	v19 =	vor.u32 v23, v24;
	v20 =	vor.u32 v25, v26  }
0x1b0: {  	v3 =	vadd.s32 v3, v8;
	v2 =	vadd.s32 v2, v10;
	v8 =	vor.u32 v27, v28  }
0x1b1: {  	v7 =	vadd.s32 v7, v11;
	v1 =	vadd.s32 v1, v12;
	v4 =	vadd.s32 v4, v13  }
0x1b2: {  	v5 =	vadd.s32 v5, v9;
	v6 =	vadd.s32 v6, v16;
	v10 =	vxor.u32 v3, v14  }
0x1b3: {  	v9 =	vxor.u32 v2, v15;
	v11 =	vxor.u32 v7, v17;
	v12 =	vxor.u32 v1, v18  }
0x1b4: {  	v13 =	vxor.u32 v4, v19;
	v14 =	vxor.u32 v5, v20;
	v8 =	vxor.u32 v6, v8  }
0x1b5: {  	v15 =	vshrl.u32 v10, $0x8;
	v16 =	vshll.u32 v10, $0x18;
	v17 =	vshrl.u32 v9, $0x8  }
0x1b6: {  	v18 =	vshll.u32 v9, $0x18;
	v19 =	vshrl.u32 v11, $0x8;
	v20 =	vshll.u32 v11, $0x18  }
0x1b7: {  	v21 =	vshrl.u32 v12, $0x8;
	v22 =	vshll.u32 v12, $0x18;
	v23 =	vshrl.u32 v13, $0x8  }
0x1b8: {  	v24 =	vshll.u32 v13, $0x18;
	v25 =	vshrl.u32 v14, $0x8;
	v26 =	vshll.u32 v14, $0x18  }
0x1b9: {  	v15 =	vor.u32 v15, v16;
	v16 =	vshrl.u32 v8, $0x8;
	v27 =	vshll.u32 v8, $0x18  }
0x1ba: {  	v17 =	vor.u32 v17, v18;
	v18 =	vor.u32 v19, v20;
	v19 =	vor.u32 v21, v22  }
0x1bb: {  	v20 =	vor.u32 v23, v24;
	v21 =	vor.u32 v25, v26;
	v16 =	vor.u32 v16, v27  }
0x1bc: {  	v3 =	vadd.s32 v3, v10;
	v2 =	vadd.s32 v2, v9;
	v7 =	vadd.s32 v7, v11  }
0x1bd: {  	v1 =	vadd.s32 v1, v12;
	v4 =	vadd.s32 v4, v13;
	v5 =	vadd.s32 v5, v14  }
0x1be: {  	v6 =	vadd.s32 v6, v8;
	v9 =	vxor.u32 v3, v15;
	v10 =	vxor.u32 v2, v17  }
0x1bf: {  	v8 =	vxor.u32 v7, v18;
	v11 =	vxor.u32 v1, v19;
	v12 =	vxor.u32 v4, v20  }
0x1c0: {  	v13 =	vxor.u32 v5, v21;
	v9 =	vadd.s32 $0x2, v9;
	v14 =	vxor.u32 v6, v16  }
0x1c1: {  	v10 =	vadd.s32 $0x2, v10;
	v8 =	vadd.s32 $0x2, v8;
	v11 =	vadd.s32 $0x2, v11  }
0x1c2: {  	v12 =	vadd.s32 $0x2, v12;
	v13 =	vadd.s32 $0x2, v13;
	v14 =	vadd.s32 $0x2, v14  }
0x1c3: {  	v3 =	vadd.s32 v9, v3;
	v15 =	vshrl.u32 v9, $0x13;
	v9 =	vshll.u32 v9, $0xD  }
0x1c4: {  	v2 =	vadd.s32 v10, v2;
	v16 =	vshrl.u32 v10, $0x13;
	v10 =	vshll.u32 v10, $0xD  }
0x1c5: {  	v7 =	vadd.s32 v8, v7;
	v17 =	vshrl.u32 v8, $0x13;
	v8 =	vshll.u32 v8, $0xD  }
0x1c6: {  	v1 =	vadd.s32 v11, v1;
	v18 =	vshrl.u32 v11, $0x13;
	v11 =	vshll.u32 v11, $0xD  }
0x1c7: {  	v4 =	vadd.s32 v12, v4;
	v19 =	vshrl.u32 v12, $0x13;
	v12 =	vshll.u32 v12, $0xD  }
0x1c8: {  	v5 =	vadd.s32 v13, v5;
	v20 =	vshrl.u32 v13, $0x13;
	v13 =	vshll.u32 v13, $0xD  }
0x1c9: {  	v6 =	vadd.s32 v14, v6;
	v21 =	vshrl.u32 v14, $0x13;
	v14 =	vshll.u32 v14, $0xD  }
0x1ca: {  	v3 =	vadd.s32 $0x1BD11BF0, v3;
	v9 =	vor.u32 v15, v9;
	v2 =	vadd.s32 $0x1BD11BF0, v2  }
0x1cb: {  	v10 =	vor.u32 v16, v10;
	v7 =	vadd.s32 $0x1BD11BF0, v7;
	v8 =	vor.u32 v17, v8  }
0x1cc: {  	v1 =	vadd.s32 $0x1BD11BF0, v1;
	v11 =	vor.u32 v18, v11;
	v4 =	vadd.s32 $0x1BD11BF0, v4  }
0x1cd: {  	v12 =	vor.u32 v19, v12;
	v5 =	vadd.s32 $0x1BD11BF0, v5;
	v13 =	vor.u32 v20, v13  }
0x1ce: {  	v9 =	vxor.u32 v3, v9;
	v6 =	vadd.s32 $0x1BD11BF0, v6;
	v14 =	vor.u32 v21, v14  }
0x1cf: {  	v10 =	vxor.u32 v2, v10;
	v8 =	vxor.u32 v7, v8;
	v11 =	vxor.u32 v1, v11  }
0x1d0: {  	v12 =	vxor.u32 v4, v12;
	v13 =	vxor.u32 v5, v13;
	v14 =	vxor.u32 v6, v14  }
0x1d1: {  	v15 =	vshrl.u32 v9, $0x11;
	v16 =	vshll.u32 v9, $0xF;
	v17 =	vshrl.u32 v10, $0x11  }
0x1d2: {  	v18 =	vshll.u32 v10, $0xF;
	v19 =	vshrl.u32 v8, $0x11;
	v20 =	vshll.u32 v8, $0xF  }
0x1d3: {  	v21 =	vshrl.u32 v11, $0x11;
	v22 =	vshll.u32 v11, $0xF;
	v23 =	vshrl.u32 v12, $0x11  }
0x1d4: {  	v24 =	vshll.u32 v12, $0xF;
	v25 =	vshrl.u32 v13, $0x11;
	v26 =	vshll.u32 v13, $0xF  }
0x1d5: {  	v15 =	vor.u32 v15, v16;
	v16 =	vshrl.u32 v14, $0x11;
	v27 =	vshll.u32 v14, $0xF  }
0x1d6: {  	v17 =	vor.u32 v17, v18;
	v18 =	vor.u32 v19, v20;
	v19 =	vor.u32 v21, v22  }
0x1d7: {  	v20 =	vor.u32 v23, v24;
	v21 =	vor.u32 v25, v26;
	v16 =	vor.u32 v16, v27  }
0x1d8: {  	v3 =	vadd.s32 v3, v9;
	v2 =	vadd.s32 v2, v10;
	v7 =	vadd.s32 v7, v8  }
0x1d9: {  	v1 =	vadd.s32 v1, v11;
	v4 =	vadd.s32 v4, v12;
	v5 =	vadd.s32 v5, v13  }
0x1da: {  	v6 =	vadd.s32 v6, v14;
	v8 =	vxor.u32 v3, v15;
	v9 =	vxor.u32 v2, v17  }
0x1db: {  	v10 =	vxor.u32 v7, v18;
	v11 =	vxor.u32 v1, v19;
	v12 =	vxor.u32 v4, v20  }
0x1dc: {  	v14 =	vxor.u32 v5, v21;
	v13 =	vshrl.u32 v8, $0x6;
	v15 =	vxor.u32 v6, v16  }
0x1dd: {  	v16 =	vshll.u32 v8, $0x1A;
	v17 =	vshrl.u32 v9, $0x6;
	v18 =	vshll.u32 v9, $0x1A  }
0x1de: {  	v19 =	vshrl.u32 v10, $0x6;
	v20 =	vshll.u32 v10, $0x1A;
	v21 =	vshrl.u32 v11, $0x6  }
0x1df: {  	v22 =	vshll.u32 v11, $0x1A;
	v23 =	vshrl.u32 v12, $0x6;
	v24 =	vshll.u32 v12, $0x1A  }
0x1e0: {  	v25 =	vshrl.u32 v14, $0x6;
	v26 =	vshll.u32 v14, $0x1A;
	v27 =	vshrl.u32 v15, $0x6  }
0x1e1: {  	v13 =	vor.u32 v13, v16;
	v16 =	vor.u32 v17, v18;
	v17 =	vshll.u32 v15, $0x1A  }
0x1e2: {  	v18 =	vor.u32 v19, v20;
	v19 =	vor.u32 v21, v22;
	v20 =	vor.u32 v23, v24  }
0x1e3: {  	v3 =	vadd.s32 v3, v8;
	v8 =	vor.u32 v25, v26;
	v17 =	vor.u32 v27, v17  }
0x1e4: {  	v2 =	vadd.s32 v2, v9;
	v7 =	vadd.s32 v7, v10;
	v1 =	vadd.s32 v1, v11  }
0x1e5: {  	v4 =	vadd.s32 v4, v12;
	v5 =	vadd.s32 v5, v14;
	v6 =	vadd.s32 v6, v15  }
0x1e6: {  	v9 =	vxor.u32 v3, v13;
	v10 =	vxor.u32 v2, v16;
	v11 =	vxor.u32 v7, v18  }
0x1e7: {  	v12 =	vxor.u32 v1, v19;
	v13 =	vxor.u32 v4, v20;
	v8 =	vxor.u32 v5, v8  }
0x1e8: {  	v14 =	vshrl.u32 v9, $0x1A;
	v15 =	vshll.u32 v9, $0x6;
	v16 =	vxor.u32 v6, v17  }
0x1e9: {  	v17 =	vshrl.u32 v10, $0x1A;
	v18 =	vshll.u32 v10, $0x6;
	v19 =	vshrl.u32 v11, $0x1A  }
0x1ea: {  	v20 =	vshll.u32 v11, $0x6;
	v21 =	vshrl.u32 v12, $0x1A;
	v22 =	vshll.u32 v12, $0x6  }
0x1eb: {  	v23 =	vshrl.u32 v13, $0x1A;
	v24 =	vshll.u32 v13, $0x6;
	v25 =	vshrl.u32 v8, $0x1A  }
0x1ec: {  	v26 =	vshll.u32 v8, $0x6;
	v27 =	vshrl.u32 v16, $0x1A;
	v28 =	vshll.u32 v16, $0x6  }
0x1ed: {  	v14 =	vor.u32 v14, v15;
	v15 =	vor.u32 v17, v18;
	v17 =	vor.u32 v19, v20  }
0x1ee: {  	v18 =	vor.u32 v21, v22;
	v19 =	vor.u32 v23, v24;
	v20 =	vor.u32 v25, v26  }
0x1ef: {  	v3 =	vadd.s32 v3, v9;
	v2 =	vadd.s32 v2, v10;
	v9 =	vor.u32 v27, v28  }
0x1f0: {  	v7 =	vadd.s32 v7, v11;
	v1 =	vadd.s32 v1, v12;
	v4 =	vadd.s32 v4, v13  }
0x1f1: {  	v5 =	vadd.s32 v5, v8;
	v6 =	vadd.s32 v6, v16;
	v10 =	vxor.u32 v3, v14  }
0x1f2: {  	v8 =	vxor.u32 v2, v15;
	v11 =	vxor.u32 v7, v17;
	v12 =	vxor.u32 v1, v18  }
0x1f3: {  	v13 =	vxor.u32 v4, v19;
	v14 =	vxor.u32 v5, v20;
	v9 =	vxor.u32 v6, v9  }
0x1f4: {  	v10 =	vadd.s32 $0x2D, v10;
	v8 =	vadd.s32 $0x2D, v8;
	v11 =	vadd.s32 $0x2D, v11  }
0x1f5: {  	v12 =	vadd.s32 $0x2D, v12;
	v13 =	vadd.s32 $0x2D, v13;
	v14 =	vadd.s32 $0x2D, v14  }
0x1f6: {  	v15 =	vshrl.u32 v10, $0xF;
	v16 =	vshll.u32 v10, $0x11;
	v9 =	vadd.s32 $0x2D, v9  }
0x1f7: {  	v17 =	vshrl.u32 v8, $0xF;
	v18 =	vshll.u32 v8, $0x11;
	v19 =	vshrl.u32 v11, $0xF  }
0x1f8: {  	v20 =	vshll.u32 v11, $0x11;
	v21 =	vshrl.u32 v12, $0xF;
	v22 =	vshll.u32 v12, $0x11  }
0x1f9: {  	v23 =	vshrl.u32 v13, $0xF;
	v24 =	vshll.u32 v13, $0x11;
	v25 =	vshrl.u32 v14, $0xF  }
0x1fa: {  	v26 =	vshll.u32 v14, $0x11;
	v27 =	vshrl.u32 v9, $0xF;
	v28 =	vshll.u32 v9, $0x11  }
0x1fb: {  	v15 =	vor.u32 v15, v16;
	v16 =	vor.u32 v17, v18;
	v17 =	vor.u32 v19, v20  }
0x1fc: {  	v18 =	vor.u32 v21, v22;
	v19 =	vor.u32 v23, v24;
	v20 =	vor.u32 v25, v26  }
0x1fd: {  	v3 =	vadd.s32 v3, v10;
	v2 =	vadd.s32 v2, v8;
	v8 =	vor.u32 v27, v28  }
0x1fe: {  	v7 =	vadd.s32 v7, v11;
	v1 =	vadd.s32 v1, v12;
	v4 =	vadd.s32 v4, v13  }
0x1ff: {  	v5 =	vadd.s32 v5, v14;
	v6 =	vadd.s32 v6, v9;
	v10 =	vxor.u32 v3, v15  }
0x200: {  	v9 =	vxor.u32 v2, v16;
	v11 =	vxor.u32 v7, v17;
	v12 =	vxor.u32 v1, v18  }
0x201: {  	v13 =	vxor.u32 v4, v19;
	v14 =	vxor.u32 v5, v20;
	v8 =	vxor.u32 v6, v8  }
0x202: {  	v15 =	vshrl.u32 v10, $0x3;
	v16 =	vshll.u32 v10, $0x1D;
	v17 =	vshrl.u32 v9, $0x3  }
0x203: {  	v18 =	vshll.u32 v9, $0x1D;
	v19 =	vshrl.u32 v11, $0x3;
	v20 =	vshll.u32 v11, $0x1D  }
0x204: {  	v21 =	vshrl.u32 v12, $0x3;
	v22 =	vshll.u32 v12, $0x1D;
	v23 =	vshrl.u32 v13, $0x3  }
0x205: {  	v24 =	vshll.u32 v13, $0x1D;
	v25 =	vshrl.u32 v14, $0x3;
	v26 =	vshll.u32 v14, $0x1D  }
0x206: {  	v15 =	vor.u32 v15, v16;
	v16 =	vshrl.u32 v8, $0x3;
	v27 =	vshll.u32 v8, $0x1D  }
0x207: {  	v17 =	vor.u32 v17, v18;
	v18 =	vor.u32 v19, v20;
	v19 =	vor.u32 v21, v22  }
0x208: {  	v20 =	vor.u32 v23, v24;
	v21 =	vor.u32 v25, v26;
	v16 =	vor.u32 v16, v27  }
0x209: {  	v3 =	vadd.s32 v3, v10;
	v2 =	vadd.s32 v2, v9;
	v7 =	vadd.s32 v7, v11  }
0x20a: {  	v1 =	vadd.s32 v1, v12;
	v4 =	vadd.s32 v4, v13;
	v5 =	vadd.s32 v5, v14  }
0x20b: {  	v6 =	vadd.s32 v6, v8;
	v9 =	vxor.u32 v3, v15;
	v10 =	vxor.u32 v2, v17  }
0x20c: {  	v8 =	vxor.u32 v7, v18;
	v11 =	vxor.u32 v1, v19;
	v12 =	vxor.u32 v4, v20  }
0x20d: {  	v14 =	vxor.u32 v5, v21;
	v13 =	vshrl.u32 v9, $0x10;
	v15 =	vxor.u32 v6, v16  }
0x20e: {  	v16 =	vshll.u32 v9, $0x10;
	v17 =	vshrl.u32 v10, $0x10;
	v18 =	vshll.u32 v10, $0x10  }
0x20f: {  	v19 =	vshrl.u32 v8, $0x10;
	v20 =	vshll.u32 v8, $0x10;
	v21 =	vshrl.u32 v11, $0x10  }
0x210: {  	v22 =	vshll.u32 v11, $0x10;
	v23 =	vshrl.u32 v12, $0x10;
	v24 =	vshll.u32 v12, $0x10  }
0x211: {  	v25 =	vshrl.u32 v14, $0x10;
	v26 =	vshll.u32 v14, $0x10;
	v27 =	vshrl.u32 v15, $0x10  }
0x212: {  	v13 =	vor.u32 v13, v16;
	v16 =	vor.u32 v17, v18;
	v17 =	vshll.u32 v15, $0x10  }
0x213: {  	v18 =	vor.u32 v19, v20;
	v19 =	vor.u32 v21, v22;
	v20 =	vor.u32 v23, v24  }
0x214: {  	v3 =	vadd.s32 v3, v9;
	v9 =	vor.u32 v25, v26;
	v17 =	vor.u32 v27, v17  }
0x215: {  	v2 =	vadd.s32 v2, v10;
	v7 =	vadd.s32 v7, v8;
	v1 =	vadd.s32 v1, v11  }
0x216: {  	v4 =	vadd.s32 v4, v12;
	v5 =	vadd.s32 v5, v14;
	v6 =	vadd.s32 v6, v15  }
0x217: {  	v8 =	vxor.u32 v3, v13;
	v10 =	vxor.u32 v2, v16;
	v11 =	vxor.u32 v7, v18  }
0x218: {  	v12 =	vxor.u32 v1, v19;
	v13 =	vxor.u32 v4, v20;
	v9 =	vxor.u32 v5, v9  }
0x219: {  	v14 =	vshrl.u32 v8, $0x8;
	v15 =	vshll.u32 v8, $0x18;
	v16 =	vxor.u32 v6, v17  }
0x21a: {  	v17 =	vshrl.u32 v10, $0x8;
	v18 =	vshll.u32 v10, $0x18;
	v19 =	vshrl.u32 v11, $0x8  }
0x21b: {  	v20 =	vshll.u32 v11, $0x18;
	v21 =	vshrl.u32 v12, $0x8;
	v22 =	vshll.u32 v12, $0x18  }
0x21c: {  	v23 =	vshrl.u32 v13, $0x8;
	v24 =	vshll.u32 v13, $0x18;
	v25 =	vshrl.u32 v9, $0x8  }
0x21d: {  	v26 =	vshll.u32 v9, $0x18;
	v27 =	vshrl.u32 v16, $0x8;
	v28 =	vshll.u32 v16, $0x18  }
0x21e: {  	v14 =	vor.u32 v14, v15;
	v15 =	vor.u32 v17, v18;
	v17 =	vor.u32 v19, v20  }
0x21f: {  	v18 =	vor.u32 v21, v22;
	v19 =	vor.u32 v23, v24;
	v20 =	vor.u32 v25, v26  }
0x220: {  	v3 =	vadd.s32 v3, v8;
	v2 =	vadd.s32 v2, v10;
	v8 =	vor.u32 v27, v28  }
0x221: {  	v7 =	vadd.s32 v7, v11;
	v1 =	vadd.s32 v1, v12;
	v4 =	vadd.s32 v4, v13  }
0x222: {  	v5 =	vadd.s32 v5, v9;
	v6 =	vadd.s32 v6, v16;
	v10 =	vxor.u32 v3, v14  }
0x223: {  	v9 =	vxor.u32 v2, v15;
	v11 =	vxor.u32 v7, v17;
	v12 =	vxor.u32 v1, v18  }
0x224: {  	v13 =	vxor.u32 v4, v19;
	v14 =	vxor.u32 v5, v20;
	v8 =	vxor.u32 v6, v8  }
0x225: {  	v10 =	vadd.s32 $0x1BD11BF4, v10;
	v9 =	vadd.s32 $0x1BD11BF4, v9;
	v11 =	vadd.s32 $0x1BD11BF4, v11  }
0x226: {  	v12 =	vadd.s32 $0x1BD11BF4, v12;
	v13 =	vadd.s32 $0x1BD11BF4, v13;
	v14 =	vadd.s32 $0x1BD11BF4, v14  }
0x227: {  	v3 =	vadd.s32 v10, v3;
	v15 =	vshrl.u32 v10, $0x13;
	v8 =	vadd.s32 $0x1BD11BF4, v8  }
0x228: {  	v10 =	vshll.u32 v10, $0xD;
	v2 =	vadd.s32 v9, v2;
	v16 =	vshrl.u32 v9, $0x13  }
0x229: {  	v9 =	vshll.u32 v9, $0xD;
	v7 =	vadd.s32 v11, v7;
	v17 =	vshrl.u32 v11, $0x13  }
0x22a: {  	v11 =	vshll.u32 v11, $0xD;
	v1 =	vadd.s32 v12, v1;
	v18 =	vshrl.u32 v12, $0x13  }
0x22b: {  	v12 =	vshll.u32 v12, $0xD;
	v4 =	vadd.s32 v13, v4;
	v19 =	vshrl.u32 v13, $0x13  }
0x22c: {  	v13 =	vshll.u32 v13, $0xD;
	v5 =	vadd.s32 v14, v5;
	v20 =	vshrl.u32 v14, $0x13  }
0x22d: {  	v14 =	vshll.u32 v14, $0xD;
	v6 =	vadd.s32 v8, v6;
	v21 =	vshrl.u32 v8, $0x13  }
0x22e: {  	v3 =	vadd.s32 $0x2A, v3;
	v10 =	vor.u32 v15, v10;
	v8 =	vshll.u32 v8, $0xD  }
0x22f: {  	v2 =	vadd.s32 $0x2A, v2;
	v9 =	vor.u32 v16, v9;
	v7 =	vadd.s32 $0x2A, v7  }
0x230: {  	v11 =	vor.u32 v17, v11;
	v1 =	vadd.s32 $0x2A, v1;
	v12 =	vor.u32 v18, v12  }
0x231: {  	v4 =	vadd.s32 $0x2A, v4;
	v13 =	vor.u32 v19, v13;
	v5 =	vadd.s32 $0x2A, v5  }
0x232: {  	v14 =	vor.u32 v20, v14;
	v6 =	vadd.s32 $0x2A, v6;
	v8 =	vor.u32 v21, v8  }
0x233: {  	v10 =	vxor.u32 v3, v10;
	v9 =	vxor.u32 v2, v9;
	v11 =	vxor.u32 v7, v11  }
0x234: {  	v12 =	vxor.u32 v1, v12;
	v13 =	vxor.u32 v4, v13;
	v14 =	vxor.u32 v5, v14  }
0x235: {  	v15 =	vshrl.u32 v10, $0x11;
	v16 =	vshll.u32 v10, $0xF;
	v8 =	vxor.u32 v6, v8  }
0x236: {  	v17 =	vshrl.u32 v9, $0x11;
	v18 =	vshll.u32 v9, $0xF;
	v19 =	vshrl.u32 v11, $0x11  }
0x237: {  	v20 =	vshll.u32 v11, $0xF;
	v21 =	vshrl.u32 v12, $0x11;
	v22 =	vshll.u32 v12, $0xF  }
0x238: {  	v23 =	vshrl.u32 v13, $0x11;
	v24 =	vshll.u32 v13, $0xF;
	v25 =	vshrl.u32 v14, $0x11  }
0x239: {  	v26 =	vshll.u32 v14, $0xF;
	v27 =	vshrl.u32 v8, $0x11;
	v28 =	vshll.u32 v8, $0xF  }
0x23a: {  	v15 =	vor.u32 v15, v16;
	v16 =	vor.u32 v17, v18;
	v17 =	vor.u32 v19, v20  }
0x23b: {  	v18 =	vor.u32 v21, v22;
	v19 =	vor.u32 v23, v24;
	v20 =	vor.u32 v25, v26  }
0x23c: {  	v3 =	vadd.s32 v3, v10;
	v2 =	vadd.s32 v2, v9;
	v9 =	vor.u32 v27, v28  }
0x23d: {  	v7 =	vadd.s32 v7, v11;
	v1 =	vadd.s32 v1, v12;
	v4 =	vadd.s32 v4, v13  }
0x23e: {  	v5 =	vadd.s32 v5, v14;
	v6 =	vadd.s32 v6, v8;
	v10 =	vxor.u32 v3, v15  }
0x23f: {  	v8 =	vxor.u32 v2, v16;
	v11 =	vxor.u32 v7, v17;
	v12 =	vxor.u32 v1, v18  }
0x240: {  	v13 =	vxor.u32 v4, v19;
	v14 =	vxor.u32 v5, v20;
	v9 =	vxor.u32 v6, v9  }
0x241: {  	v15 =	vshrl.u32 v10, $0x6;
	v16 =	vshll.u32 v10, $0x1A;
	v17 =	vshrl.u32 v8, $0x6  }
0x242: {  	v18 =	vshll.u32 v8, $0x1A;
	v19 =	vshrl.u32 v11, $0x6;
	v20 =	vshll.u32 v11, $0x1A  }
0x243: {  	v21 =	vshrl.u32 v12, $0x6;
	v22 =	vshll.u32 v12, $0x1A;
	v23 =	vshrl.u32 v13, $0x6  }
0x244: {  	v24 =	vshll.u32 v13, $0x1A;
	v25 =	vshrl.u32 v14, $0x6;
	v26 =	vshll.u32 v14, $0x1A  }
0x245: {  	v15 =	vor.u32 v15, v16;
	v16 =	vshrl.u32 v9, $0x6;
	v27 =	vshll.u32 v9, $0x1A  }
0x246: {  	v17 =	vor.u32 v17, v18;
	v18 =	vor.u32 v19, v20;
	v19 =	vor.u32 v21, v22  }
0x247: {  	v20 =	vor.u32 v23, v24;
	v21 =	vor.u32 v25, v26;
	v16 =	vor.u32 v16, v27  }
0x248: {  	v3 =	vadd.s32 v3, v10;
	v2 =	vadd.s32 v2, v8;
	v7 =	vadd.s32 v7, v11  }
0x249: {  	v1 =	vadd.s32 v1, v12;
	v4 =	vadd.s32 v4, v13;
	v5 =	vadd.s32 v5, v14  }
0x24a: {  	v6 =	vadd.s32 v6, v9;
	v8 =	vxor.u32 v3, v15;
	v10 =	vxor.u32 v2, v17  }
0x24b: {  	v9 =	vxor.u32 v7, v18;
	v11 =	vxor.u32 v1, v19;
	v12 =	vxor.u32 v4, v20  }
0x24c: {  	v14 =	vxor.u32 v5, v21;
	v13 =	vshrl.u32 v8, $0x1A;
	v15 =	vxor.u32 v6, v16  }
0x24d: {  	v16 =	vshll.u32 v8, $0x6;
	v17 =	vshrl.u32 v10, $0x1A;
	v18 =	vshll.u32 v10, $0x6  }
0x24e: {  	v19 =	vshrl.u32 v9, $0x1A;
	v20 =	vshll.u32 v9, $0x6;
	v21 =	vshrl.u32 v11, $0x1A  }
0x24f: {  	v22 =	vshll.u32 v11, $0x6;
	v23 =	vshrl.u32 v12, $0x1A;
	v24 =	vshll.u32 v12, $0x6  }
0x250: {  	v25 =	vshrl.u32 v14, $0x1A;
	v26 =	vshll.u32 v14, $0x6;
	v27 =	vshrl.u32 v15, $0x1A  }
0x251: {  	v13 =	vor.u32 v13, v16;
	v16 =	vor.u32 v17, v18;
	v17 =	vshll.u32 v15, $0x6  }
0x252: {  	v18 =	vor.u32 v19, v20;
	v19 =	vor.u32 v21, v22;
	v20 =	vor.u32 v23, v24  }
0x253: {  	v3 =	vadd.s32 v3, v8;
	v8 =	vor.u32 v25, v26;
	v17 =	vor.u32 v27, v17  }
0x254: {  	v2 =	vadd.s32 v2, v10;
	v7 =	vadd.s32 v7, v9;
	v1 =	vadd.s32 v1, v11  }
0x255: {  	v4 =	vadd.s32 v4, v12;
	v5 =	vadd.s32 v5, v14;
	v6 =	vadd.s32 v6, v15  }
0x256: {  	v9 =	vxor.u32 v3, v13;
	v10 =	vxor.u32 v2, v16;
	v11 =	vxor.u32 v7, v18  }
0x257: {  	v12 =	vxor.u32 v1, v19;
	v13 =	vxor.u32 v4, v20;
	v8 =	vxor.u32 v5, v8  }
0x258: {  	v9 =	vadd.s32 $0x5, v9;
	v10 =	vadd.s32 $0x5, v10;
	v14 =	vxor.u32 v6, v17  }
0x259: {  	v11 =	vadd.s32 $0x5, v11;
	v12 =	vadd.s32 $0x5, v12;
	v13 =	vadd.s32 $0x5, v13  }
0x25a: {  	v3 =	vadd.s32 $0x1BD11BF0, v3;
	v8 =	vadd.s32 $0x5, v8;
	v14 =	vadd.s32 $0x5, v14  }
0x25b: {  	v2 =	vadd.s32 $0x1BD11BF0, v2;
	v7 =	vadd.s32 $0x1BD11BF0, v7;
	v1 =	vadd.s32 $0x1BD11BF0, v1  }
0x25c: {  	v4 =	vadd.s32 $0x1BD11BF0, v4;
	v5 =	vadd.s32 $0x1BD11BF0, v5;
	v6 =	vadd.s32 $0x1BD11BF0, v6  }
0x25d: {  	v3 =	vxor.u32 v3, v9;
	v2 =	vxor.u32 v2, v10;
	v7 =	vxor.u32 v7, v11  }
.Ltmp0:
0x25e: {  	v1 =	vxor.u32 v1, v12;
	v4 =	vxor.u32 v4, v13;
	v5 =	vxor.u32 v5, v8;
	(pc) =	sbr.rel @p0 .LBB2_4-.Ltmp0, $4  }
0x25f: {  	v3 =	vshrl.u32 v3, $0x9;
	v2 =	vshrl.u32 v2, $0x9;
	v6 =	vxor.u32 v6, v14  }
0x260: {  	v8 =	vshrl.u32 v7, $0x9;
	v1 =	vshrl.u32 v1, $0x9;
	v4 =	vshrl.u32 v4, $0x9  }
0x261: {  	v5 =	vshrl.u32 v5, $0x9;
	v3 =	vor.u32 $0x3F800000, v3;
	v7 =	vshrl.u32 v6, $0x9  }
0x262: {  	s17 =	sadd.s32 s16, s14;
	s16 =	sadd.s32 $0x1000, s16;
	v1 =	vor.u32 $0x3F800000, v1;
	[tilespmem:s15+$0xFFFFFFC0] =	vst v3;
	v3 =	vor.u32 $0x3F800000, v2;
	v2 =	vor.u32 $0x3F800000, v8  }
0x263: {  	s16 =	sadd.s32 $0x9A, s17;
	v6 =	vor.u32 $0x3F800000, v4;
	s25 =	sadd.s32 $0x2A, s17;
	v5 =	vor.u32 $0x3F800000, v5  }
0x264: {  	v4 =	vor.u32 $0x3F800000, v7;
	s28 =	sadd.s32 $0x6A, s17;
	s29 =	sadd.s32 $0x7A, s17;
	v9 =	vadd.s32 s16, v0;
	v7 =	vadd.s32 s25, v0  }
0x265: {  	v13 =	vadd.s32 s28, v0;
	v16 =	vadd.s32 s29, v0;
	v8 =	vshrl.u32 v9, $0x13  }
0x266: {  	v10 =	vshll.u32 v9, $0xD;
	v53 =	vshrl.u32 v7, $0x13;
	v17 =	vshll.u32 v7, $0xD  }
0x267: {  	v57 =	vshrl.u32 v13, $0x13;
	v26 =	vshrl.u32 v16, $0x13;
	v29 =	vshll.u32 v16, $0xD  }
0x268: {  	s26 =	sadd.s32 $0x3A, s17;
	v25 =	vshll.u32 v13, $0xD;
	v8 =	vor.u32 v8, v10;
	v33 =	vor.u32 v26, v29  }
0x269: {  	v10 =	vxor.u32 v9, v8;
	v8 =	vadd.s32 s26, v0;
	v37 =	vxor.u32 v16, v33  }
0x26a: {  	v11 =	vshrl.u32 v10, $0x11;
	v12 =	vshll.u32 v10, $0xF;
	v9 =	vadd.s32 v9, v10  }
0x26b: {  	s18 =	sadd.s32 $0x4A, s17;
	s19 =	sadd.s32 $0x5A, s17;
	v20 =	vshrl.u32 v8, $0x13;
	v55 =	vshll.u32 v8, $0xD;
	v16 =	vadd.s32 v16, v37  }
0x26c: {  	v51 =	vor.u32 v11, v12;
	v11 =	vadd.s32 s18, v0;
	v12 =	vadd.s32 s19, v0  }
0x26d: {  	v10 =	vxor.u32 v9, v51;
	v56 =	vshrl.u32 v11, $0x13;
	v21 =	vshll.u32 v11, $0xD  }
0x26e: {  	v22 =	vshrl.u32 v12, $0x13;
	v24 =	vshll.u32 v12, $0xD;
	v14 =	vshrl.u32 v10, $0x6  }
0x26f: {  	s30 =	sadd.s32 $0x8A, s17;
	v15 =	vshll.u32 v10, $0x1A;
	v9 =	vadd.s32 v9, v10;
	v63 =	vor.u32 v56, v21  }
0x270: {  	v24 =	vor.u32 v22, v24;
	v52 =	vor.u32 v14, v15;
	v14 =	vadd.s32 s30, v0  }
0x271: {  	v15 =	vor.u32 v53, v17;
	v17 =	vxor.u32 v11, v63;
	v10 =	vxor.u32 v9, v52  }
0x272: {  	v59 =	vshrl.u32 v14, $0x13;
	v60 =	vshll.u32 v14, $0xD;
	v15 =	vxor.u32 v7, v15  }
0x273: {  	v47 =	vshrl.u32 v17, $0x11;
	v49 =	vshll.u32 v17, $0xF;
	v11 =	vadd.s32 v11, v17  }
0x274: {  	v18 =	vshrl.u32 v10, $0x1A;
	v19 =	vshll.u32 v10, $0x6;
	v9 =	vadd.s32 v9, v10  }
0x275: {  	v35 =	vor.u32 v59, v60;
	v40 =	vshrl.u32 v15, $0x11;
	v42 =	vshll.u32 v15, $0xF  }
0x276: {  	v56 =	vor.u32 v47, v49;
	v59 =	vshll.u32 v37, $0xF;
	v54 =	vor.u32 v18, v19  }
0x277: {  	v7 =	vadd.s32 v7, v15;
	v18 =	vor.u32 v20, v55;
	v10 =	vxor.u32 v9, v54  }
0x278: {  	v19 =	vxor.u32 v12, v24;
	v21 =	vxor.u32 v14, v35;
	v10 =	vadd.s32 $0x1BD11BF1, v10  }
0x279: {  	v9 =	vadd.s32 v10, v9;
	v23 =	vshrl.u32 v10, $0xF;
	v10 =	vshll.u32 v10, $0x11  }
0x27a: {  	v55 =	vshrl.u32 v37, $0x11;
	v9 =	vadd.s32 $0x2A, v9;
	v10 =	vor.u32 v23, v10  }
0x27b: {  	v18 =	vxor.u32 v8, v18;
	v50 =	vshrl.u32 v19, $0x11;
	v10 =	vxor.u32 v9, v10  }
0x27c: {  	v51 =	vshll.u32 v19, $0xF;
	v27 =	vshrl.u32 v10, $0x3;
	v28 =	vshll.u32 v10, $0x1D  }
0x27d: {  	v60 =	vshrl.u32 v21, $0x11;
	v9 =	vadd.s32 v9, v10;
	v58 =	vor.u32 v27, v28  }
0x27e: {  	v63 =	vshll.u32 v21, $0xF;
	v12 =	vadd.s32 v12, v19;
	v10 =	vxor.u32 v9, v58  }
0x27f: {  	v14 =	vadd.s32 v14, v21;
	v61 =	vshrl.u32 v10, $0x10;
	v30 =	vshll.u32 v10, $0x10  }
0x280: {  	v43 =	vshrl.u32 v18, $0x11;
	v9 =	vadd.s32 v9, v10;
	v62 =	vor.u32 v61, v30  }
0x281: {  	v44 =	vshll.u32 v18, $0xF;
	v8 =	vadd.s32 v8, v18;
	v10 =	vxor.u32 v9, v62  }
0x282: {  	v23 =	vor.u32 v40, v42;
	v31 =	vshrl.u32 v10, $0x8;
	v32 =	vshll.u32 v10, $0x18  }
0x283: {  	v40 =	vxor.u32 v11, v56;
	v9 =	vadd.s32 v9, v10;
	v34 =	vor.u32 v31, v32  }
0x284: {  	v24 =	vor.u32 v43, v44;
	v56 =	vshll.u32 v40, $0x1A;
	v10 =	vxor.u32 v9, v34  }
0x285: {  	v28 =	vor.u32 v50, v51;
	v30 =	vor.u32 v57, v25;
	v10 =	vadd.s32 $0x2, v10  }
0x286: {  	v9 =	vadd.s32 v10, v9;
	v36 =	vshrl.u32 v10, $0x13;
	v10 =	vshll.u32 v10, $0xD  }
0x287: {  	v20 =	vxor.u32 v13, v30;
	v9 =	vadd.s32 $0x1BD11BF0, v9;
	v10 =	vor.u32 v36, v10  }
0x288: {  	v42 =	vxor.u32 v12, v28;
	v52 =	vshrl.u32 v20, $0x11;
	v10 =	vxor.u32 v9, v10  }
0x289: {  	v53 =	vshll.u32 v20, $0xF;
	v38 =	vshrl.u32 v10, $0x11;
	v39 =	vshll.u32 v10, $0xF  }
0x28a: {  	v13 =	vadd.s32 v13, v20;
	v9 =	vadd.s32 v9, v10;
	v41 =	vor.u32 v38, v39  }
0x28b: {  	v38 =	vxor.u32 v7, v23;
	v39 =	vxor.u32 v8, v24;
	v10 =	vxor.u32 v9, v41  }
0x28c: {  	v47 =	vshrl.u32 v38, $0x6;
	v49 =	vshll.u32 v38, $0x1A;
	v50 =	vshrl.u32 v39, $0x6  }
0x28d: {  	v51 =	vshll.u32 v39, $0x1A;
	v45 =	vshrl.u32 v10, $0x6;
	v46 =	vshll.u32 v10, $0x1A  }
0x28e: {  	v17 =	vadd.s32 v7, v38;
	v9 =	vadd.s32 v9, v10;
	v48 =	vor.u32 v45, v46  }
0x28f: {  	v8 =	vadd.s32 v8, v39;
	v39 =	vadd.s32 v11, v40;
	v10 =	vxor.u32 v9, v48  }
0x290: {  	v23 =	vor.u32 v47, v49;
	v31 =	vshrl.u32 v10, $0x1A;
	v32 =	vshll.u32 v10, $0x6  }
0x291: {  	v9 =	vadd.s32 v9, v10;
	v10 =	vor.u32 v52, v53;
	v31 =	vor.u32 v31, v32  }
0x292: {  	v24 =	vor.u32 v50, v51;
	v10 =	vxor.u32 v13, v10;
	v54 =	vxor.u32 v9, v31  }
0x293: {  	v25 =	vadd.s32 $0x2D, v54;
	v54 =	vshrl.u32 v40, $0x6;
	v40 =	vadd.s32 v12, v42  }
0x294: {  	v57 =	vshrl.u32 v25, $0xF;
	v58 =	vshll.u32 v25, $0x11;
	v9 =	vadd.s32 v9, v25  }
0x295: {  	v25 =	vor.u32 v55, v59;
	v59 =	vshrl.u32 v10, $0x6;
	v27 =	vor.u32 v57, v58  }
0x296: {  	v43 =	vxor.u32 v16, v25;
	v57 =	vshrl.u32 v42, $0x6;
	v58 =	vshll.u32 v42, $0x1A  }
0x297: {  	v42 =	vxor.u32 v17, v23;
	v27 =	vxor.u32 v9, v27;
	v28 =	vor.u32 v57, v58  }
0x298: {  	v23 =	vshll.u32 v42, $0x6;
	v61 =	vshrl.u32 v27, $0x3;
	v62 =	vshll.u32 v27, $0x1D  }
0x299: {  	v9 =	vadd.s32 v9, v27;
	v27 =	vor.u32 v60, v63;
	v63 =	vshrl.u32 v43, $0x6  }
0x29a: {  	v30 =	vor.u32 v61, v62;
	v44 =	vxor.u32 v14, v27;
	v62 =	vshll.u32 v10, $0x1A  }
0x29b: {  	v27 =	vor.u32 v54, v56;
	v10 =	vadd.s32 v13, v10;
	v33 =	vxor.u32 v9, v30  }
0x29c: {  	v13 =	vadd.s32 v17, v42;
	v34 =	vshrl.u32 v33, $0x10;
	v30 =	vshll.u32 v33, $0x10  }
0x29d: {  	v9 =	vadd.s32 v9, v33;
	v15 =	vor.u32 v34, v30;
	v34 =	vshll.u32 v43, $0x1A  }
0x29e: {  	v14 =	vadd.s32 v14, v44;
	v15 =	vxor.u32 v9, v15;
	v26 =	vor.u32 v63, v34  }
0x29f: {  	v35 =	vshrl.u32 v15, $0x8;
	v36 =	vshll.u32 v15, $0x18;
	v9 =	vadd.s32 v9, v15  }
0x2a0: {  	v37 =	vor.u32 v35, v36;
	v35 =	vshrl.u32 v44, $0x6;
	v36 =	vshll.u32 v44, $0x1A  }
0x2a1: {  	v44 =	vxor.u32 v39, v27;
	v15 =	vxor.u32 v9, v37;
	v37 =	vor.u32 v35, v36  }
0x2a2: {  	v49 =	vshrl.u32 v44, $0x1A;
	v27 =	vshll.u32 v44, $0x6;
	v15 =	vadd.s32 $0x1BD11BF4, v15  }
0x2a3: {  	v22 =	vxor.u32 v14, v37;
	v9 =	vadd.s32 v15, v9;
	v41 =	vshrl.u32 v15, $0x13  }
0x2a4: {  	v15 =	vshll.u32 v15, $0xD;
	v56 =	vshll.u32 v22, $0x6;
	v14 =	vadd.s32 v14, v22  }
0x2a5: {  	v9 =	vadd.s32 $0x2A, v9;
	v15 =	vor.u32 v41, v15;
	v41 =	vadd.s32 v16, v43  }
0x2a6: {  	v43 =	vxor.u32 v8, v24;
	v15 =	vxor.u32 v9, v15;
	v47 =	vxor.u32 v41, v26  }
0x2a7: {  	v24 =	vshrl.u32 v43, $0x1A;
	v26 =	vor.u32 v49, v27;
	v8 =	vadd.s32 v8, v43  }
0x2a8: {  	v45 =	vshrl.u32 v15, $0x11;
	v46 =	vshll.u32 v15, $0xF;
	v9 =	vadd.s32 v9, v15  }
0x2a9: {  	v54 =	vshll.u32 v47, $0x6;
	v12 =	vadd.s32 v41, v47;
	v48 =	vor.u32 v45, v46  }
0x2aa: {  	v45 =	vxor.u32 v40, v28;
	v46 =	vshrl.u32 v42, $0x1A;
	v15 =	vxor.u32 v9, v48  }
0x2ab: {  	v48 =	vshll.u32 v43, $0x6;
	v28 =	vshrl.u32 v45, $0x1A;
	v50 =	vshll.u32 v45, $0x6  }
0x2ac: {  	v20 =	vor.u32 v46, v23;
	v11 =	vadd.s32 v40, v45;
	v52 =	vshrl.u32 v15, $0x6  }
0x2ad: {  	v53 =	vshll.u32 v15, $0x1A;
	v9 =	vadd.s32 v9, v15;
	v24 =	vor.u32 v24, v48  }
0x2ae: {  	v28 =	vor.u32 v28, v50;
	v55 =	vor.u32 v52, v53;
	v53 =	vshrl.u32 v47, $0x1A  }
0x2af: {  	v16 =	vxor.u32 v8, v24;
	v19 =	vxor.u32 v11, v28;
	v15 =	vxor.u32 v9, v55  }
0x2b0: {  	v55 =	vshrl.u32 v22, $0x1A;
	v58 =	vor.u32 v53, v54;
	v16 =	vadd.s32 $0x1BD11BF1, v16  }
0x2b1: {  	v19 =	vadd.s32 $0x1BD11BF1, v19;
	v60 =	vshrl.u32 v15, $0x1A;
	v61 =	vshll.u32 v15, $0x6  }
0x2b2: {  	v9 =	vadd.s32 v9, v15;
	v15 =	vor.u32 v59, v62;
	v59 =	vor.u32 v55, v56  }
0x2b3: {  	v17 =	vxor.u32 v12, v58;
	v8 =	vadd.s32 v16, v8;
	v32 =	vshrl.u32 v16, $0xF  }
0x2b4: {  	v16 =	vshll.u32 v16, $0x11;
	v11 =	vadd.s32 v19, v11;
	v34 =	vshrl.u32 v19, $0xF  }
0x2b5: {  	v19 =	vshll.u32 v19, $0x11;
	v25 =	vor.u32 v60, v61;
	v15 =	vxor.u32 v10, v15  }
0x2b6: {  	v60 =	vxor.u32 v13, v20;
	v62 =	vxor.u32 v14, v59;
	v17 =	vadd.s32 $0x1BD11BF1, v17  }
0x2b7: {  	v8 =	vadd.s32 $0x2A, v8;
	v16 =	vor.u32 v32, v16;
	v11 =	vadd.s32 $0x2A, v11  }
0x2b8: {  	v19 =	vor.u32 v34, v19;
	v25 =	vxor.u32 v9, v25;
	v9 =	vadd.s32 $0x1BD11BF0, v9  }
0x2b9: {  	v51 =	vshrl.u32 v15, $0x1A;
	v52 =	vshll.u32 v15, $0x6;
	v10 =	vadd.s32 v10, v15  }
0x2ba: {  	v15 =	vadd.s32 $0x1BD11BF1, v60;
	v21 =	vadd.s32 $0x1BD11BF1, v62;
	v12 =	vadd.s32 v17, v12  }
0x2bb: {  	v36 =	vshrl.u32 v17, $0xF;
	v17 =	vshll.u32 v17, $0x11;
	v16 =	vxor.u32 v8, v16  }
0x2bc: {  	v19 =	vxor.u32 v11, v19;
	v25 =	vadd.s32 $0x5, v25;
	v57 =	vor.u32 v51, v52  }
0x2bd: {  	v13 =	vadd.s32 v15, v13;
	v63 =	vshrl.u32 v15, $0xF;
	v15 =	vshll.u32 v15, $0x11  }
0x2be: {  	v14 =	vadd.s32 v21, v14;
	v37 =	vshrl.u32 v21, $0xF;
	v21 =	vshll.u32 v21, $0x11  }
0x2bf: {  	v12 =	vadd.s32 $0x2A, v12;
	v17 =	vor.u32 v36, v17;
	v40 =	vshrl.u32 v16, $0x3  }
0x2c0: {  	v41 =	vshll.u32 v16, $0x1D;
	v45 =	vshll.u32 v19, $0x1D;
	v8 =	vadd.s32 v8, v16  }
0x2c1: {  	v11 =	vadd.s32 v11, v19;
	v9 =	vxor.u32 v9, v25;
	v61 =	vxor.u32 v10, v57  }
0x2c2: {  	v13 =	vadd.s32 $0x2A, v13;
	v15 =	vor.u32 v63, v15;
	v14 =	vadd.s32 $0x2A, v14  }
0x2c3: {  	v21 =	vor.u32 v37, v21;
	v17 =	vxor.u32 v12, v17;
	v24 =	vor.u32 v40, v41  }
0x2c4: {  	v38 =	vshrl.u32 v9, $0x9;
	v9 =	vadd.s32 v39, v44;
	v20 =	vadd.s32 $0x1BD11BF1, v61  }
0x2c5: {  	v15 =	vxor.u32 v13, v15;
	v21 =	vxor.u32 v14, v21;
	v44 =	vshrl.u32 v19, $0x3  }
0x2c6: {  	v48 =	vshrl.u32 v17, $0x3;
	v49 =	vshll.u32 v17, $0x1D;
	v12 =	vadd.s32 v12, v17  }
0x2c7: {  	v56 =	vxor.u32 v8, v24;
	v7 =	vor.u32 $0x3F800000, v38;
	v18 =	vxor.u32 v9, v26  }
0x2c8: {  	v10 =	vadd.s32 v20, v10;
	v35 =	vshrl.u32 v20, $0xF;
	v20 =	vshll.u32 v20, $0x11  }
0x2c9: {  	v38 =	vshrl.u32 v15, $0x3;
	v39 =	vshll.u32 v15, $0x1D;
	v50 =	vshrl.u32 v21, $0x3  }
0x2ca: {  	v51 =	vshll.u32 v21, $0x1D;
	v28 =	vor.u32 v44, v45;
	v13 =	vadd.s32 v13, v15  }
0x2cb: {  	v53 =	vor.u32 v48, v49;
	v14 =	vadd.s32 v14, v21;
	v24 =	vshrl.u32 v56, $0x10  }
0x2cc: {  	v58 =	vshll.u32 v56, $0x10;
	v8 =	vadd.s32 v8, v56;
	v18 =	vadd.s32 $0x1BD11BF1, v18  }
0x2cd: {  	v10 =	vadd.s32 $0x2A, v10;
	v20 =	vor.u32 v35, v20;
	v22 =	vor.u32 v38, v39  }
0x2ce: {  	v54 =	vor.u32 v50, v51;
	v19 =	vxor.u32 v11, v28;
	v15 =	vxor.u32 v12, v53  }
0x2cf: {  	v24 =	vor.u32 v24, v58;
	v9 =	vadd.s32 v18, v9;
	v33 =	vshrl.u32 v18, $0xF  }
0x2d0: {  	v18 =	vshll.u32 v18, $0x11;
	v20 =	vxor.u32 v10, v20;
	v55 =	vxor.u32 v13, v22  }
0x2d1: {  	v23 =	vxor.u32 v14, v54;
	v28 =	vshrl.u32 v19, $0x10;
	v60 =	vshll.u32 v19, $0x10  }
0x2d2: {  	v63 =	vshrl.u32 v15, $0x10;
	v35 =	vshll.u32 v15, $0x10;
	v11 =	vadd.s32 v11, v19  }
0x2d3: {  	v12 =	vadd.s32 v12, v15;
	v41 =	vxor.u32 v8, v24;
	v9 =	vadd.s32 $0x2A, v9  }
0x2d4: {  	v18 =	vor.u32 v33, v18;
	v46 =	vshrl.u32 v20, $0x3;
	v47 =	vshll.u32 v20, $0x1D  }
0x2d5: {  	v10 =	vadd.s32 v10, v20;
	v57 =	vshrl.u32 v55, $0x10;
	v22 =	vshll.u32 v55, $0x10  }
0x2d6: {  	v36 =	vshrl.u32 v23, $0x10;
	v37 =	vshll.u32 v23, $0x10;
	v28 =	vor.u32 v28, v60  }
0x2d7: {  	v13 =	vadd.s32 v13, v55;
	v14 =	vadd.s32 v14, v23;
	v24 =	vshrl.u32 v41, $0x8  }
0x2d8: {  	v45 =	vshll.u32 v41, $0x18;
	v8 =	vadd.s32 v8, v41;
	v18 =	vxor.u32 v9, v18  }
0x2d9: {  	v52 =	vor.u32 v46, v47;
	v21 =	vor.u32 v57, v22;
	v22 =	vor.u32 v63, v35  }
0x2da: {  	v39 =	vor.u32 v36, v37;
	v19 =	vxor.u32 v11, v28;
	v24 =	vor.u32 v24, v45  }
0x2db: {  	v42 =	vshrl.u32 v18, $0x3;
	v43 =	vshll.u32 v18, $0x1D;
	v9 =	vadd.s32 v9, v18  }
0x2dc: {  	v20 =	vxor.u32 v10, v52;
	v40 =	vxor.u32 v13, v21;
	v16 =	vxor.u32 v14, v39  }
0x2dd: {  	v28 =	vshrl.u32 v19, $0x8;
	v47 =	vshll.u32 v19, $0x18;
	v11 =	vadd.s32 v11, v19  }
0x2de: {  	v56 =	vxor.u32 v8, v24;
	v26 =	vor.u32 v42, v43;
	v61 =	vshrl.u32 v20, $0x10  }
0x2df: {  	v62 =	vshll.u32 v20, $0x10;
	v10 =	vadd.s32 v10, v20;
	v42 =	vxor.u32 v12, v22  }
0x2e0: {  	v43 =	vshrl.u32 v40, $0x8;
	v44 =	vshll.u32 v40, $0x18;
	v52 =	vshrl.u32 v16, $0x8  }
0x2e1: {  	v53 =	vshll.u32 v16, $0x18;
	v28 =	vor.u32 v28, v47;
	v13 =	vadd.s32 v13, v40  }
0x2e2: {  	v14 =	vadd.s32 v14, v16;
	v17 =	vadd.s32 $0x2, v56;
	v18 =	vxor.u32 v9, v26  }
0x2e3: {  	v38 =	vor.u32 v61, v62;
	v50 =	vshrl.u32 v42, $0x8;
	v22 =	vor.u32 v43, v44  }
0x2e4: {  	v51 =	vshll.u32 v42, $0x18;
	v25 =	vor.u32 v52, v53;
	v12 =	vadd.s32 v12, v42  }
0x2e5: {  	v58 =	vxor.u32 v11, v28;
	v8 =	vadd.s32 v17, v8;
	v63 =	vshrl.u32 v17, $0x13  }
0x2e6: {  	v17 =	vshll.u32 v17, $0xD;
	v26 =	vshrl.u32 v18, $0x10;
	v59 =	vshll.u32 v18, $0x10  }
0x2e7: {  	v9 =	vadd.s32 v9, v18;
	v20 =	vxor.u32 v10, v38;
	v23 =	vor.u32 v50, v51  }
0x2e8: {  	v55 =	vxor.u32 v13, v22;
	v61 =	vxor.u32 v14, v25;
	v8 =	vadd.s32 $0x1BD11BF0, v8  }
0x2e9: {  	v17 =	vor.u32 v63, v17;
	v26 =	vor.u32 v26, v59;
	v48 =	vshrl.u32 v20, $0x8  }
0x2ea: {  	v49 =	vshll.u32 v20, $0x18;
	v10 =	vadd.s32 v10, v20;
	v15 =	vadd.s32 $0x2, v55  }
0x2eb: {  	v60 =	vxor.u32 v12, v23;
	v21 =	vadd.s32 $0x2, v61;
	v17 =	vxor.u32 v8, v17  }
0x2ec: {  	v18 =	vxor.u32 v9, v26;
	v54 =	vor.u32 v48, v49;
	v20 =	vadd.s32 $0x2, v60  }
0x2ed: {  	v13 =	vadd.s32 v15, v13;
	v62 =	vshrl.u32 v15, $0x13;
	v15 =	vshll.u32 v15, $0xD  }
0x2ee: {  	v14 =	vadd.s32 v21, v14;
	v36 =	vshrl.u32 v21, $0x13;
	v21 =	vshll.u32 v21, $0xD  }
0x2ef: {  	v39 =	vshrl.u32 v17, $0x11;
	v40 =	vshll.u32 v17, $0xF;
	v8 =	vadd.s32 v8, v17  }
0x2f0: {  	v26 =	vshrl.u32 v18, $0x8;
	v46 =	vshll.u32 v18, $0x18;
	v9 =	vadd.s32 v9, v18  }
0x2f1: {  	v59 =	vxor.u32 v10, v54;
	v18 =	vadd.s32 $0x2, v58;
	v12 =	vadd.s32 v20, v12  }
0x2f2: {  	v35 =	vshrl.u32 v20, $0x13;
	v20 =	vshll.u32 v20, $0xD;
	v13 =	vadd.s32 $0x1BD11BF0, v13  }
0x2f3: {  	v15 =	vor.u32 v62, v15;
	v14 =	vadd.s32 $0x1BD11BF0, v14;
	v21 =	vor.u32 v36, v21  }
0x2f4: {  	v24 =	vor.u32 v39, v40;
	v26 =	vor.u32 v26, v46;
	v19 =	vadd.s32 $0x2, v59  }
0x2f5: {  	v11 =	vadd.s32 v18, v11;
	v33 =	vshrl.u32 v18, $0x13;
	v18 =	vshll.u32 v18, $0xD  }
0x2f6: {  	v12 =	vadd.s32 $0x1BD11BF0, v12;
	v20 =	vor.u32 v35, v20;
	v15 =	vxor.u32 v13, v15  }
0x2f7: {  	v21 =	vxor.u32 v14, v21;
	v52 =	vxor.u32 v8, v24;
	v57 =	vxor.u32 v9, v26  }
0x2f8: {  	v10 =	vadd.s32 v19, v10;
	v34 =	vshrl.u32 v19, $0x13;
	v19 =	vshll.u32 v19, $0xD  }
0x2f9: {  	v11 =	vadd.s32 $0x1BD11BF0, v11;
	v18 =	vor.u32 v33, v18;
	v20 =	vxor.u32 v12, v20  }
0x2fa: {  	v37 =	vshrl.u32 v15, $0x11;
	v38 =	vshll.u32 v15, $0xF;
	v49 =	vshrl.u32 v21, $0x11  }
0x2fb: {  	v50 =	vshll.u32 v21, $0xF;
	v13 =	vadd.s32 v13, v15;
	v14 =	vadd.s32 v14, v21  }
0x2fc: {  	v24 =	vshrl.u32 v52, $0x6;
	v58 =	vshll.u32 v52, $0x1A;
	v8 =	vadd.s32 v8, v52  }
0x2fd: {  	v16 =	vadd.s32 $0x2, v57;
	v10 =	vadd.s32 $0x1BD11BF0, v10;
	v19 =	vor.u32 v34, v19  }
0x2fe: {  	v18 =	vxor.u32 v11, v18;
	v47 =	vshrl.u32 v20, $0x11;
	v22 =	vor.u32 v37, v38  }
0x2ff: {  	v48 =	vshll.u32 v20, $0xF;
	v25 =	vor.u32 v49, v50;
	v12 =	vadd.s32 v12, v20  }
0x300: {  	v24 =	vor.u32 v24, v58;
	v9 =	vadd.s32 v16, v9;
	v32 =	vshrl.u32 v16, $0x13  }
0x301: {  	v16 =	vshll.u32 v16, $0xD;
	v19 =	vxor.u32 v10, v19;
	v43 =	vshrl.u32 v18, $0x11  }
0x302: {  	v44 =	vshll.u32 v18, $0xF;
	v23 =	vor.u32 v47, v48;
	v11 =	vadd.s32 v11, v18  }
0x303: {  	v15 =	vxor.u32 v13, v22;
	v56 =	vxor.u32 v14, v25;
	v9 =	vadd.s32 $0x1BD11BF0, v9  }
0x304: {  	v16 =	vor.u32 v32, v16;
	v45 =	vshrl.u32 v19, $0x11;
	v46 =	vshll.u32 v19, $0xF  }
0x305: {  	v28 =	vor.u32 v43, v44;
	v10 =	vadd.s32 v10, v19;
	v54 =	vshrl.u32 v15, $0x6  }
0x306: {  	v55 =	vxor.u32 v12, v23;
	v57 =	vshll.u32 v15, $0x1A;
	v36 =	vshrl.u32 v56, $0x6  }
0x307: {  	v37 =	vshll.u32 v56, $0x1A;
	v13 =	vadd.s32 v13, v15;
	v14 =	vadd.s32 v14, v56  }
0x308: {  	v16 =	vxor.u32 v9, v16;
	v51 =	vor.u32 v45, v46;
	v18 =	vxor.u32 v11, v28  }
0x309: {  	v63 =	vshrl.u32 v55, $0x6;
	v20 =	vor.u32 v54, v57;
	v35 =	vshll.u32 v55, $0x1A  }
0x30a: {  	v40 =	vor.u32 v36, v37;
	v12 =	vadd.s32 v12, v55;
	v41 =	vshrl.u32 v16, $0x11  }
0x30b: {  	v42 =	vshll.u32 v16, $0xF;
	v9 =	vadd.s32 v9, v16;
	v19 =	vxor.u32 v10, v51  }
0x30c: {  	v28 =	vshrl.u32 v18, $0x6;
	v60 =	vshll.u32 v18, $0x1A;
	v39 =	vor.u32 v63, v35  }
0x30d: {  	v11 =	vadd.s32 v11, v18;
	v23 =	vxor.u32 v14, v40;
	v26 =	vor.u32 v41, v42  }
0x30e: {  	v61 =	vshrl.u32 v19, $0x6;
	v62 =	vshll.u32 v19, $0x1A;
	v28 =	vor.u32 v28, v60  }
0x30f: {  	v10 =	vadd.s32 v10, v19;
	v41 =	vxor.u32 v13, v20;
	v42 =	vxor.u32 v8, v24  }
0x310: {  	v15 =	vxor.u32 v12, v39;
	v55 =	vshrl.u32 v23, $0x1A;
	v56 =	vshll.u32 v23, $0x6  }
0x311: {  	v14 =	vadd.s32 v14, v23;
	v53 =	vxor.u32 v9, v26;
	v38 =	vor.u32 v61, v62  }
0x312: {  	v44 =	vxor.u32 v11, v28;
	v46 =	vshrl.u32 v41, $0x1A;
	v47 =	vshll.u32 v41, $0x6  }
0x313: {  	v24 =	vshrl.u32 v42, $0x1A;
	v48 =	vshll.u32 v42, $0x6;
	v54 =	vshll.u32 v15, $0x6  }
0x314: {  	v13 =	vadd.s32 v13, v41;
	v8 =	vadd.s32 v8, v42;
	v58 =	vor.u32 v55, v56  }
0x315: {  	v12 =	vadd.s32 v12, v15;
	v26 =	vshrl.u32 v53, $0x6;
	v59 =	vshll.u32 v53, $0x1A  }
0x316: {  	v9 =	vadd.s32 v9, v53;
	v45 =	vxor.u32 v10, v38;
	v28 =	vshrl.u32 v44, $0x1A  }
0x317: {  	v50 =	vshll.u32 v44, $0x6;
	v53 =	vshrl.u32 v15, $0x1A;
	v21 =	vor.u32 v46, v47  }
0x318: {  	v24 =	vor.u32 v24, v48;
	v11 =	vadd.s32 v11, v44;
	v16 =	vxor.u32 v14, v58  }
0x319: {  	v26 =	vor.u32 v26, v59;
	v51 =	vshrl.u32 v45, $0x1A;
	v52 =	vshll.u32 v45, $0x6  }
0x31a: {  	v28 =	vor.u32 v28, v50;
	v22 =	vor.u32 v53, v54;
	v10 =	vadd.s32 v10, v45  }
0x31b: {  	v59 =	vxor.u32 v13, v21;
	v60 =	vxor.u32 v8, v24;
	v16 =	vadd.s32 $0x2D, v16  }
0x31c: {  	v43 =	vxor.u32 v9, v26;
	v57 =	vor.u32 v51, v52;
	v19 =	vxor.u32 v11, v28  }
0x31d: {  	v61 =	vxor.u32 v12, v22;
	v17 =	vadd.s32 $0x2D, v59;
	v15 =	vadd.s32 $0x2D, v60  }
0x31e: {  	v46 =	vshrl.u32 v16, $0xF;
	v47 =	vshll.u32 v16, $0x11;
	v14 =	vadd.s32 v14, v16  }
0x31f: {  	v26 =	vshrl.u32 v43, $0x1A;
	v49 =	vshll.u32 v43, $0x6;
	v9 =	vadd.s32 v9, v43  }
0x320: {  	v20 =	vxor.u32 v10, v57;
	v19 =	vadd.s32 $0x2D, v19;
	v21 =	vadd.s32 $0x2D, v61  }
0x321: {  	v62 =	vshrl.u32 v17, $0xF;
	v63 =	vshll.u32 v17, $0x11;
	v36 =	vshrl.u32 v15, $0xF  }
0x322: {  	v37 =	vshll.u32 v15, $0x11;
	v13 =	vadd.s32 v13, v17;
	v8 =	vadd.s32 v8, v15  }
0x323: {  	v26 =	vor.u32 v26, v49;
	v20 =	vadd.s32 $0x2D, v20;
	v40 =	vshrl.u32 v19, $0xF  }
0x324: {  	v41 =	vshll.u32 v19, $0x11;
	v44 =	vshrl.u32 v21, $0xF;
	v22 =	vor.u32 v62, v63  }
0x325: {  	v45 =	vshll.u32 v21, $0x11;
	v24 =	vor.u32 v36, v37;
	v49 =	vor.u32 v46, v47  }
0x326: {  	v11 =	vadd.s32 v11, v19;
	v12 =	vadd.s32 v12, v21;
	v18 =	vxor.u32 v9, v26  }
0x327: {  	v42 =	vshrl.u32 v20, $0xF;
	v43 =	vshll.u32 v20, $0x11;
	v28 =	vor.u32 v40, v41  }
0x328: {  	v23 =	vor.u32 v44, v45;
	v10 =	vadd.s32 v10, v20;
	v17 =	vxor.u32 v13, v22  }
0x329: {  	v50 =	vxor.u32 v8, v24;
	v15 =	vxor.u32 v14, v49;
	v18 =	vadd.s32 $0x2D, v18  }
0x32a: {  	v48 =	vor.u32 v42, v43;
	v19 =	vxor.u32 v11, v28;
	v21 =	vxor.u32 v12, v23  }
0x32b: {  	v22 =	vshrl.u32 v17, $0x3;
	v51 =	vshll.u32 v17, $0x1D;
	v24 =	vshrl.u32 v50, $0x3  }
0x32c: {  	v52 =	vshll.u32 v50, $0x1D;
	v59 =	vshrl.u32 v15, $0x3;
	v60 =	vshll.u32 v15, $0x1D  }
0x32d: {  	v13 =	vadd.s32 v13, v17;
	v8 =	vadd.s32 v8, v50;
	v14 =	vadd.s32 v14, v15  }
0x32e: {  	v38 =	vshrl.u32 v18, $0xF;
	v39 =	vshll.u32 v18, $0x11;
	v9 =	vadd.s32 v9, v18  }
0x32f: {  	v20 =	vxor.u32 v10, v48;
	v28 =	vshrl.u32 v19, $0x3;
	v54 =	vshll.u32 v19, $0x1D  }
0x330: {  	v57 =	vshrl.u32 v21, $0x3;
	v22 =	vor.u32 v22, v51;
	v58 =	vshll.u32 v21, $0x1D  }
0x331: {  	v24 =	vor.u32 v24, v52;
	v25 =	vor.u32 v59, v60;
	v11 =	vadd.s32 v11, v19  }
0x332: {  	v12 =	vadd.s32 v12, v21;
	v26 =	vor.u32 v38, v39;
	v55 =	vshrl.u32 v20, $0x3  }
0x333: {  	v56 =	vshll.u32 v20, $0x1D;
	v28 =	vor.u32 v28, v54;
	v23 =	vor.u32 v57, v58  }
0x334: {  	v10 =	vadd.s32 v10, v20;
	v62 =	vxor.u32 v13, v22;
	v63 =	vxor.u32 v8, v24  }
0x335: {  	v40 =	vxor.u32 v14, v25;
	v18 =	vxor.u32 v9, v26;
	v61 =	vor.u32 v55, v56  }
0x336: {  	v37 =	vxor.u32 v11, v28;
	v39 =	vshrl.u32 v62, $0x10;
	v21 =	vxor.u32 v12, v23  }
0x337: {  	v41 =	vshll.u32 v62, $0x10;
	v24 =	vshrl.u32 v63, $0x10;
	v42 =	vshll.u32 v63, $0x10  }
0x338: {  	v49 =	vshrl.u32 v40, $0x10;
	v50 =	vshll.u32 v40, $0x10;
	v13 =	vadd.s32 v13, v62  }
0x339: {  	v8 =	vadd.s32 v8, v63;
	v14 =	vadd.s32 v14, v40;
	v26 =	vshrl.u32 v18, $0x3  }
0x33a: {  	v53 =	vshll.u32 v18, $0x1D;
	v9 =	vadd.s32 v9, v18;
	v38 =	vxor.u32 v10, v61  }
0x33b: {  	v28 =	vshrl.u32 v37, $0x10;
	v44 =	vshll.u32 v37, $0x10;
	v47 =	vshrl.u32 v21, $0x10  }
0x33c: {  	v20 =	vor.u32 v39, v41;
	v48 =	vshll.u32 v21, $0x10;
	v24 =	vor.u32 v24, v42  }
0x33d: {  	v11 =	vadd.s32 v11, v37;
	v12 =	vadd.s32 v12, v21;
	v26 =	vor.u32 v26, v53  }
0x33e: {  	v45 =	vshrl.u32 v38, $0x10;
	v46 =	vshll.u32 v38, $0x10;
	v28 =	vor.u32 v28, v44  }
0x33f: {  	v52 =	vor.u32 v47, v48;
	v53 =	vor.u32 v49, v50;
	v10 =	vadd.s32 v10, v38  }
0x340: {  	v54 =	vxor.u32 v13, v20;
	v17 =	vxor.u32 v8, v24;
	v36 =	vxor.u32 v9, v26  }
0x341: {  	v51 =	vor.u32 v45, v46;
	v56 =	vxor.u32 v11, v28;
	v16 =	vxor.u32 v12, v52  }
0x342: {  	v58 =	vshrl.u32 v54, $0x8;
	v59 =	vshll.u32 v54, $0x18;
	v23 =	vxor.u32 v14, v53  }
0x343: {  	v24 =	vshrl.u32 v17, $0x8;
	v60 =	vshll.u32 v17, $0x18;
	v13 =	vadd.s32 v13, v54  }
0x344: {  	v8 =	vadd.s32 v8, v17;
	v26 =	vshrl.u32 v36, $0x10;
	v43 =	vshll.u32 v36, $0x10  }
0x345: {  	v9 =	vadd.s32 v9, v36;
	v57 =	vxor.u32 v10, v51;
	v28 =	vshrl.u32 v56, $0x8  }
0x346: {  	v62 =	vshll.u32 v56, $0x18;
	v37 =	vshrl.u32 v16, $0x8;
	v21 =	vor.u32 v58, v59  }
0x347: {  	v38 =	vshll.u32 v16, $0x18;
	v24 =	vor.u32 v24, v60;
	v39 =	vshrl.u32 v23, $0x8  }
0x348: {  	v40 =	vshll.u32 v23, $0x18;
	v11 =	vadd.s32 v11, v56;
	v12 =	vadd.s32 v12, v16  }
0x349: {  	v14 =	vadd.s32 v14, v23;
	v26 =	vor.u32 v26, v43;
	v63 =	vshrl.u32 v57, $0x8  }
0x34a: {  	v36 =	vshll.u32 v57, $0x18;
	v28 =	vor.u32 v28, v62;
	v22 =	vor.u32 v37, v38  }
0x34b: {  	v42 =	vor.u32 v39, v40;
	v10 =	vadd.s32 v10, v57;
	v43 =	vxor.u32 v13, v21  }
0x34c: {  	v44 =	vxor.u32 v8, v24;
	v55 =	vxor.u32 v9, v26;
	v41 =	vor.u32 v63, v36  }
0x34d: {  	v19 =	vxor.u32 v11, v28;
	v45 =	vxor.u32 v12, v22;
	v15 =	vxor.u32 v14, v42  }
0x34e: {  	v17 =	vadd.s32 $0x1BD11BF4, v43;
	v16 =	vadd.s32 $0x1BD11BF4, v44;
	v26 =	vshrl.u32 v55, $0x8  }
0x34f: {  	v61 =	vshll.u32 v55, $0x18;
	v9 =	vadd.s32 v9, v55;
	v20 =	vxor.u32 v10, v41  }
0x350: {  	v19 =	vadd.s32 $0x1BD11BF4, v19;
	v21 =	vadd.s32 $0x1BD11BF4, v45;
	v13 =	vadd.s32 v17, v13  }
0x351: {  	v46 =	vshrl.u32 v17, $0x13;
	v15 =	vadd.s32 $0x1BD11BF4, v15;
	v17 =	vshll.u32 v17, $0xD  }
0x352: {  	v8 =	vadd.s32 v16, v8;
	v47 =	vshrl.u32 v16, $0x13;
	v16 =	vshll.u32 v16, $0xD  }
0x353: {  	v26 =	vor.u32 v26, v61;
	v20 =	vadd.s32 $0x1BD11BF4, v20;
	v11 =	vadd.s32 v19, v11  }
0x354: {  	v49 =	vshrl.u32 v19, $0x13;
	v19 =	vshll.u32 v19, $0xD;
	v12 =	vadd.s32 v21, v12  }
0x355: {  	v51 =	vshrl.u32 v21, $0x13;
	v21 =	vshll.u32 v21, $0xD;
	v14 =	vadd.s32 v15, v14  }
0x356: {  	v52 =	vshrl.u32 v15, $0x13;
	v13 =	vadd.s32 $0x2A, v13;
	v17 =	vor.u32 v46, v17  }
0x357: {  	v15 =	vshll.u32 v15, $0xD;
	v8 =	vadd.s32 $0x2A, v8;
	v16 =	vor.u32 v47, v16  }
0x358: {  	v18 =	vxor.u32 v9, v26;
	v10 =	vadd.s32 v20, v10;
	v50 =	vshrl.u32 v20, $0x13  }
0x359: {  	v20 =	vshll.u32 v20, $0xD;
	v11 =	vadd.s32 $0x2A, v11;
	v19 =	vor.u32 v49, v19  }
0x35a: {  	v12 =	vadd.s32 $0x2A, v12;
	v21 =	vor.u32 v51, v21;
	v14 =	vadd.s32 $0x2A, v14  }
0x35b: {  	v15 =	vor.u32 v52, v15;
	v17 =	vxor.u32 v13, v17;
	v16 =	vxor.u32 v8, v16  }
0x35c: {  	v18 =	vadd.s32 $0x1BD11BF4, v18;
	v10 =	vadd.s32 $0x2A, v10;
	v20 =	vor.u32 v50, v20  }
0x35d: {  	v19 =	vxor.u32 v11, v19;
	v21 =	vxor.u32 v12, v21;
	v53 =	vshrl.u32 v17, $0x11  }
0x35e: {  	v54 =	vshll.u32 v17, $0xF;
	v15 =	vxor.u32 v14, v15;
	v55 =	vshrl.u32 v16, $0x11  }
0x35f: {  	v56 =	vshll.u32 v16, $0xF;
	v13 =	vadd.s32 v13, v17;
	v8 =	vadd.s32 v8, v16  }
0x360: {  	v9 =	vadd.s32 v18, v9;
	v48 =	vshrl.u32 v18, $0x13;
	v18 =	vshll.u32 v18, $0xD  }
0x361: {  	v20 =	vxor.u32 v10, v20;
	v59 =	vshrl.u32 v19, $0x11;
	v60 =	vshll.u32 v19, $0xF  }
0x362: {  	v63 =	vshrl.u32 v21, $0x11;
	v22 =	vor.u32 v53, v54;
	v36 =	vshll.u32 v21, $0xF  }
0x363: {  	v24 =	vor.u32 v55, v56;
	v37 =	vshrl.u32 v15, $0x11;
	v38 =	vshll.u32 v15, $0xF  }
0x364: {  	v11 =	vadd.s32 v11, v19;
	v12 =	vadd.s32 v12, v21;
	v14 =	vadd.s32 v14, v15  }
0x365: {  	v9 =	vadd.s32 $0x2A, v9;
	v18 =	vor.u32 v48, v18;
	v61 =	vshrl.u32 v20, $0x11  }
0x366: {  	v62 =	vshll.u32 v20, $0xF;
	v28 =	vor.u32 v59, v60;
	v23 =	vor.u32 v63, v36  }
0x367: {  	v40 =	vor.u32 v37, v38;
	v10 =	vadd.s32 v10, v20;
	v17 =	vxor.u32 v13, v22  }
0x368: {  	v41 =	vxor.u32 v8, v24;
	v18 =	vxor.u32 v9, v18;
	v39 =	vor.u32 v61, v62  }
0x369: {  	v19 =	vxor.u32 v11, v28;
	v21 =	vxor.u32 v12, v23;
	v16 =	vxor.u32 v14, v40  }
0x36a: {  	v22 =	vshrl.u32 v17, $0x6;
	v42 =	vshll.u32 v17, $0x1A;
	v24 =	vshrl.u32 v41, $0x6  }
0x36b: {  	v43 =	vshll.u32 v41, $0x1A;
	v13 =	vadd.s32 v13, v17;
	v8 =	vadd.s32 v8, v41  }
0x36c: {  	v57 =	vshrl.u32 v18, $0x11;
	v58 =	vshll.u32 v18, $0xF;
	v9 =	vadd.s32 v9, v18  }
0x36d: {  	v20 =	vxor.u32 v10, v39;
	v28 =	vshrl.u32 v19, $0x6;
	v45 =	vshll.u32 v19, $0x1A  }
0x36e: {  	v48 =	vshrl.u32 v21, $0x6;
	v22 =	vor.u32 v22, v42;
	v49 =	vshll.u32 v21, $0x1A  }
0x36f: {  	v24 =	vor.u32 v24, v43;
	v50 =	vshrl.u32 v16, $0x6;
	v51 =	vshll.u32 v16, $0x1A  }
0x370: {  	v11 =	vadd.s32 v11, v19;
	v12 =	vadd.s32 v12, v21;
	v14 =	vadd.s32 v14, v16  }
0x371: {  	v26 =	vor.u32 v57, v58;
	v46 =	vshrl.u32 v20, $0x6;
	v47 =	vshll.u32 v20, $0x1A  }
0x372: {  	v28 =	vor.u32 v28, v45;
	v23 =	vor.u32 v48, v49;
	v25 =	vor.u32 v50, v51  }
0x373: {  	v10 =	vadd.s32 v10, v20;
	v53 =	vxor.u32 v13, v22;
	v54 =	vxor.u32 v8, v24  }
0x374: {  	v18 =	vxor.u32 v9, v26;
	v52 =	vor.u32 v46, v47;
	v56 =	vxor.u32 v11, v28  }
0x375: {  	v58 =	vshrl.u32 v53, $0x1A;
	v21 =	vxor.u32 v12, v23;
	v59 =	vxor.u32 v14, v25  }
0x376: {  	v60 =	vshll.u32 v53, $0x6;
	v24 =	vshrl.u32 v54, $0x1A;
	v61 =	vshll.u32 v54, $0x6  }
0x377: {  	v13 =	vadd.s32 v13, v53;
	v8 =	vadd.s32 v8, v54;
	v26 =	vshrl.u32 v18, $0x6  }
0x378: {  	v44 =	vshll.u32 v18, $0x1A;
	v9 =	vadd.s32 v9, v18;
	v57 =	vxor.u32 v10, v52  }
0x379: {  	v28 =	vshrl.u32 v56, $0x1A;
	v63 =	vshll.u32 v56, $0x6;
	v38 =	vshrl.u32 v21, $0x1A  }
0x37a: {  	v20 =	vor.u32 v58, v60;
	v39 =	vshll.u32 v21, $0x6;
	v24 =	vor.u32 v24, v61  }
0x37b: {  	v40 =	vshrl.u32 v59, $0x1A;
	v41 =	vshll.u32 v59, $0x6;
	v11 =	vadd.s32 v11, v56  }
0x37c: {  	[tilespmem:s15+$0xFFFFFFF0] =	vst v1;
	v12 =	vadd.s32 v12, v21;
	v14 =	vadd.s32 v14, v59;
	v1 =	vadd.s32 $0x1BD11BF0, v13  }
0x37d: {  	v26 =	vor.u32 v26, v44;
	v36 =	vshrl.u32 v57, $0x1A;
	v37 =	vshll.u32 v57, $0x6  }
0x37e: {  	v28 =	vor.u32 v28, v63;
	v43 =	vor.u32 v38, v39;
	v44 =	vor.u32 v40, v41  }
0x37f: {  	v10 =	vadd.s32 v10, v57;
	v45 =	vxor.u32 v13, v20;
	v17 =	vxor.u32 v8, v24  }
0x380: {  	v57 =	vadd.s32 $0x1BD11BF0, v11;
	v59 =	vadd.s32 $0x1BD11BF0, v12;
	v55 =	vxor.u32 v9, v26  }
0x381: {  	v42 =	vor.u32 v36, v37;
	v47 =	vxor.u32 v11, v28;
	v15 =	vxor.u32 v12, v43  }
0x382: {  	[tilespmem:s15+$0xFFFFFFD0] =	vst v3;
	v3 =	vadd.s32 $0x5, v45;
	v49 =	vadd.s32 $0x5, v17;
	v50 =	vxor.u32 v14, v44  }
0x383: {  	v58 =	vadd.s32 $0x1BD11BF0, v10;
	v26 =	vshrl.u32 v55, $0x1A;
	v62 =	vshll.u32 v55, $0x6  }
0x384: {  	v9 =	vadd.s32 v9, v55;
	v48 =	vxor.u32 v10, v42;
	v51 =	vadd.s32 $0x5, v47  }
0x385: {  	[tilespmem:s15+$0xFFFFFFE0] =	vst v2;
	v53 =	vadd.s32 $0x5, v15;
	v54 =	vadd.s32 $0x5, v50;
	v55 =	vadd.s32 $0x1BD11BF0, v8  }
0x386: {  	[tilespmem:s15+$0x0] =	vst v6;
	v1 =	vxor.u32 v1, v3;
	v3 =	vadd.s32 $0x1BD11BF0, v14;
	v26 =	vor.u32 v26, v62  }
0x387: {  	[tilespmem:s15+$0x10] =	vst v5;
	v52 =	vadd.s32 $0x5, v48;
	v56 =	vadd.s32 $0x1BD11BF0, v9;
	v60 =	vxor.u32 v55, v49  }
0x388: {  	s31 =	sadd.s32 $0x80, s15;
	[tilespmem:s15+$0x20] =	vst v4;
	v1 =	vshrl.u32 v1, $0x9;
	v61 =	vxor.u32 v57, v51;
	v46 =	vxor.u32 v9, v26  }
0x389: {  	[tilespmem:s31+$0x30] =	vst v7;
	v4 =	vshrl.u32 v60, $0x9;
	v1 =	vor.u32 $0x3F800000, v1;
	v2 =	vadd.s32 $0x5, v46  }
0x38a: {  	s12 =	sadd.s32 $0x1, s12;
	v63 =	vshrl.u32 v61, $0x9;
	[tilespmem:s31+$0xFFFFFFC0] =	vst v1;
	v1 =	vor.u32 $0x3F800000, v4;
	v2 =	vxor.u32 v56, v2  }
0x38b: {  	p0 =	sne.s32 s12, $0x8;
	v5 =	vor.u32 $0x3F800000, v63;
	[tilespmem:s31+$0xFFFFFFD0] =	vst v1;
	v1 =	vxor.u32 v59, v53;
	v2 =	vshrl.u32 v2, $0x9  }
.Ltmp1:
0x38c: {  	v62 =	vxor.u32 v58, v52;
	[tilespmem:s31+$0xFFFFFFF0] =	vst v5;
	v1 =	vshrl.u32 v1, $0x9;
	v2 =	vor.u32 $0x3F800000, v2;
	(pc) =	sbr.rel @p0 .LBB2_3-.Ltmp1, $4  }
0x38d: {  	v4 =	vshrl.u32 v62, $0x9;
	v1 =	vor.u32 $0x3F800000, v1;
	[tilespmem:s31+$0xFFFFFFE0] =	vst v2;
	v2 =	vxor.u32 v3, v54  }
0x38e: {  	v3 =	vor.u32 $0x3F800000, v4;
	[tilespmem:s31+$0x10] =	vst v1;
	v2 =	vshrl.u32 v2, $0x9  }
0x38f: {  	[tilespmem:s31+$0x0] =	vst v3;
	v2 =	vor.u32 $0x3F800000, v2  }
0x390: {  	s14 =	sadd.s32 $0x80, s14;
	s13 =	sadd.s32 $0x400, s13;
	[tilespmem:s31+$0x20] =	vst v2  }
0x391: {  	s10 =	sadd.s32 $0x1, s10  }
0x392: {  	s11 =	sshll.u32 s11, $0x7;
	p0 =	sne.s32 s10, $0x10  }
.Ltmp2:
0x393: {  	s11 =	sadd.s32 s3, s11;
	(pc) =	sbr.rel @p0 .LBB2_2-.Ltmp2, $4  }
0x394: {  	[hbm4b:s11+s1] =	stream.linear.scatter [tilespmem:s1], [sflag:$0x1], $0x2000, $0x38;
	[tilespmem:$0x2000] =	vst v63  }
0x395: {  	_ =	swait.ge [sflag:s7], $0x2000  }
0x396: {  	[sflag:s7] =	ssyncset.done $0x0  }
0x397: {  	s9 =	sadd.s32 $0x8000, s9;
	[sflag:s7] =	ssyncadd.s32 $0xFFFFE000  }
0x398: {  	s8 =	sadd.s32 $0x1, s8  }
0x399: {  	p0 =	sne.s32 s8, s5  }
.Ltmp3:
0x39a: {  	_ = 	snop;
	(pc) =	sbr.rel @p0 .LBB2_1-.Ltmp3, $1  }
0x39b: {  	_ =	sdelay $0x3  }
0x39c: {  	_ =	sfence.sel $0x180000  }
0x39d: {  	[bflag:$0x0] =	sbarrier.arrive $0xFFFF  }
0x39e: {  	p0 =	sne.s32 s2, $0x0;
	_ =	strace $0x90000047  }
0x39f: {  	s0 =	sadd.s32 @!p0 $0x100000, s0;
	[bflag:$0x2] =	sbarrier.arrive $0xFFFF  }
0x3a0: {  	[sflag:s0] =	ssyncadd.tile.s32 @!p0 $0x1;
	_ =	shalt  }
.Lfunc_end2:
_tile_overlayer_lowered:
.L_overlay_start_2:
0x3a1: {  	(tag) =	ssettag $0x2  }
0x3a2: {  	s0 =	rddreg [dreg:$0x0];
	s2 =	stileid.u32  }
0x3a3: {  	s1 =	rddreg [dreg:$0x1];
	p0 =	sne.s32 s2, $0x0  }
0x3a4: {  	s3 =	rddreg [dreg:$0x2];
	[bflag:$0x3] =	sbarrier.arrive $0xFFFF;
	s2 =	simm.s32 @!p0 $0x1C01  }
0x3a5: {  	[timem:s3], [sflag:s2] =	dma.local @!p0 [hbm:s0], s1  }
0x3a6: {  	s0 =	simm.s32 @!p0 $0x1  }
0x3a7: {  	_ =	swait.ge @!p0 [sflag:s0], s1  }
0x3a8: {  	s1 =	ssub.s32 @!p0 $0x0, s1;
	[sflag:s0] =	ssyncset.done @!p0 $0x0  }
0x3a9: {  	[sflag:s0] =	ssyncadd.s32 @!p0 s1  }
0x3aa: {  	[bflag:$0x3] =	sbarrier.arrive $0xFFFF  }
0x3ab: {  	_ =	shalt  }

// kernel: kernel.9.cloned.1.call-start
scs
__scs_entry_jumppad:
0x0: {  	(pc) =	sbr.rel $0x88, $3  }
0x1: {  	(tag) =	ssettag $0x0;
	lr =	simm.s32 $0x1  }
0x2: {  	[smem:$0x3F9F] =	sst lr;
	_ =	strace $0xD0000000  }
0x3: {  	_ = 	snop  }
0x4: {  	_ = 	snop  }
0x5: {  	_ = 	snop  }
0x6: {  	_ = 	snop  }
0x7: {  	_ = 	snop  }
__scs_overlays_trampoline_lowered:
0x8: {  	[smem:$0x3FAE] =	sst s0  }
0x9: {  	[smem:$0x3FAF] =	sst s1  }
0xa: {  	[smem:$0x3FB0] =	sst s2  }
0xb: {  	[smem:$0x3FB1] =	sst s3  }
0xc: {  	[smem:$0x3FB2] =	sst s4  }
0xd: {  	[smem:$0x3FB3] =	sst s5  }
0xe: {  	[smem:$0x3FB4] =	sst s6  }
0xf: {  	[smem:$0x3FB5] =	sst s7  }
0x10: {  	[smem:$0x3FB6] =	sst s8  }
0x11: {  	[smem:$0x3FB7] =	sst s9;
	s0 =	simm.s32 @!p0 $0x0  }
0x12: {  	s1 =	sld [smem:$0x3F9D];
	s0 =	simm.s32 @p0 $0x1  }
0x13: {  	[smem:$0x3FB8] =	sst s0;
	s0 =	simm.s32 @!p1 $0x0  }
0x14: {  	s2 =	sld [smem:$0x3F9C];
	s0 =	simm.s32 @p1 $0x1  }
0x15: {  	[smem:$0x3FB9] =	sst s0;
	s0 =	simm.s32 @!p2 $0x0  }
0x16: {  	s3 =	sld [smem:$0x3FDB];
	s0 =	simm.s32 @p2 $0x1  }
0x17: {  	s4 =	simm.s32 $0x1BF5;
	[smem:$0x3FBB] =	sst s0  }
0x18: {  	s0 =	sld [smem:$0x3F9E];
	_ =	swait.ge [sflag:s4], $0x0  }
0x19: {  	s7 =	sld [smem:$0x3F9F]  }
0x1a: {  	s8 =	sadd.s32 $0xFFFFE003, lr  }
0x1b: {  	s9 =	sadd.s32 $0xFFFFFEF7, lr;
	s5 =	simm.s32 $0xFFFFFFFF;
	p2 =	slt.u32 s8, $0xFFFFF086  }
0x1c: {  	p1 =	slt.u32 s9, $0xF7A;
	s5 =	simm.s32 @!p2 $0x0  }
0x1d: {  	s5 =	simm.s32 @p1 $0x1;
	p0 =	seq.s32 s7, s2  }
0x1e: {  	s7 =	smul.u32 @!p0 $0xF7A, s2;
	p2 =	seq.s32 @!p0 s5, $0x0  }
0x1f: {  	s9 =	smul.u32 $0xF7A, s1;
	s8 =	simm.s32 @!p0 $0x1BF5;
	p2 =	por !p2, p0  }
0x20: {  	[sflag:s8] =	ssyncset.s32 @!p0 $0xFFFFF086;
	s6 =	sadd.s32 @!p0 s3, s7;
	s7 =	simm.s32 @!p0 $0x108  }
0x21: {  	s3 =	sadd.s32 s3, s9;
	s6 =	sadd.s32 @!p0 $0x88, s6;
	s7 =	simm.s32 @p2 $0x1082  }
0x22: {  	[simem:s7], [sflag:s8] =	dma.local @!p0 [hbm:s6], $0xF7A  }
0x23: {  	s9 =	sor.u32 $0xD0000000, s2;
	s6 =	simm.s32 $0x108;
	_ =	swait.ge @!p0 [sflag:s8], $0x0  }
0x24: {  	s3 =	sadd.s32 $0x88, s3;
	s6 =	simm.s32 @!p1 $0x1082;
	[sflag:s4] =	ssyncset.s32 $0xFFFFF086  }
0x25: {  	[simem:s6], [sflag:s4] =	dma.local [hbm:s3], $0xF7A  }
0x26: {  	[smem:$0x3F9F] =	sst s1;
	(tag) =	ssettag s2;
	_ =	strace s9  }
0x27: {  	s1 =	sld [smem:$0x3FAF]  }
0x28: {  	s2 =	sld [smem:$0x3FB0]  }
0x29: {  	s4 =	sld [smem:$0x3FB2]  }
0x2a: {  	p0 =	seq.s32 s5, $0x0;
	s5 =	sld [smem:$0x3FB3]  }
0x2b: {  	s6 =	sld [smem:$0x3FB4]  }
0x2c: {  	s7 =	sld [smem:$0x3FB5]  }
0x2d: {  	s3 =	simm.s32 $0x108;
	s8 =	sld [smem:$0x3FB6]  }
0x2e: {  	s3 =	simm.s32 @!p0 $0x1082;
	s9 =	sld [smem:$0x3FB7]  }
0x2f: {  	lr =	sadd.s32 s0, s3;
	s0 =	sld [smem:$0x3FAE]  }
0x30: {  	s3 =	sld [smem:$0x3FB1]  }
0x31: {  	[smem:$0x3FBA] =	sst s10  }
0x32: {  	s10 =	sld [smem:$0x3FB8];
	_ =	sdelay $0x3  }
0x33: {  	p0 =	seq.s32 s10, $0x1;
	s10 =	sld [smem:$0x3FBA];
	_ =	sdelay $0x3  }
0x34: {  	[smem:$0x3FBA] =	sst s10  }
0x35: {  	s10 =	sld [smem:$0x3FB9];
	_ =	sdelay $0x3  }
0x36: {  	p1 =	seq.s32 s10, $0x1;
	s10 =	sld [smem:$0x3FBA];
	_ =	sdelay $0x3  }
0x37: {  	[smem:$0x3FBA] =	sst s10  }
0x38: {  	s10 =	sld [smem:$0x3FBB]  }
0x39: {  	_ = 	snop;
	(pc) =	sbr.ind lr, $3  }
0x3a: {  	_ = 	snop  }
0x3b: {  	_ = 	snop  }
0x3c: {  	p2 =	seq.s32 s10, $0x1;
	s10 =	sld [smem:$0x3FBA]  }
0x3d: {  	_ =	shalt  }
0x3e: {  	_ =	shalt  }
0x3f: {  	_ =	shalt  }
0x40: {  	_ =	shalt  }
0x41: {  	_ =	shalt  }
0x42: {  	_ =	shalt  }
0x43: {  	_ =	shalt  }
0x44: {  	_ =	shalt  }
0x45: {  	_ =	shalt  }
0x46: {  	_ =	shalt  }
0x47: {  	_ =	shalt  }
0x48: {  	_ =	shalt  }
0x49: {  	_ =	shalt  }
0x4a: {  	_ =	shalt  }
0x4b: {  	_ =	shalt  }
0x4c: {  	_ =	shalt  }
0x4d: {  	_ =	shalt  }
0x4e: {  	_ =	shalt  }
0x4f: {  	_ =	shalt  }
0x50: {  	_ =	shalt  }
0x51: {  	_ =	shalt  }
0x52: {  	_ =	shalt  }
0x53: {  	_ =	shalt  }
0x54: {  	_ =	shalt  }
0x55: {  	_ =	shalt  }
0x56: {  	_ =	shalt  }
0x57: {  	_ =	shalt  }
0x58: {  	_ =	shalt  }
0x59: {  	_ =	shalt  }
0x5a: {  	_ =	shalt  }
0x5b: {  	_ =	shalt  }
0x5c: {  	_ =	shalt  }
0x5d: {  	_ =	shalt  }
0x5e: {  	_ =	shalt  }
0x5f: {  	_ =	shalt  }
0x60: {  	_ =	shalt  }
0x61: {  	_ =	shalt  }
0x62: {  	_ =	shalt  }
0x63: {  	_ =	shalt  }
0x64: {  	_ =	shalt  }
0x65: {  	_ =	shalt  }
0x66: {  	_ =	shalt  }
0x67: {  	_ =	shalt  }
0x68: {  	_ =	shalt  }
0x69: {  	_ =	shalt  }
0x6a: {  	_ =	shalt  }
0x6b: {  	_ =	shalt  }
0x6c: {  	_ =	shalt  }
0x6d: {  	_ =	shalt  }
0x6e: {  	_ =	shalt  }
0x6f: {  	_ =	shalt  }
0x70: {  	_ =	shalt  }
0x71: {  	_ =	shalt  }
0x72: {  	_ =	shalt  }
0x73: {  	_ =	shalt  }
0x74: {  	_ =	shalt  }
0x75: {  	_ =	shalt  }
0x76: {  	_ =	shalt  }
0x77: {  	_ =	shalt  }
0x78: {  	_ =	shalt  }
0x79: {  	_ =	shalt  }
0x7a: {  	_ =	shalt  }
0x7b: {  	_ =	shalt  }
0x7c: {  	_ =	shalt  }
0x7d: {  	_ =	shalt  }
0x7e: {  	_ =	shalt  }
0x7f: {  	_ =	shalt  }
0x80: {  	_ =	shalt  }
0x81: {  	_ =	shalt  }
0x82: {  	_ =	shalt  }
0x83: {  	_ =	shalt  }
0x84: {  	_ =	shalt  }
0x85: {  	_ =	shalt  }
0x86: {  	_ =	shalt  }
0x87: {  	_ =	shalt  }
.Lfunc_end0:
.L_simem_size_0:
called_computation.1_lowered:
.L_overlay_start_0:
0x88: {  	s2 =	sld [smem:$0x3FD9]  }
0x89: {  	s3 =	sld [smem:$0x3FFE];
	_ =	sdelay $0x1  }
0x8a: {  	s1 =	srdreg.scid  }
0x8b: {  	s0 =	sand.u32 $0x1, s1  }
0x8c: {  	s17 =	sshll.u32 s0, $0xA;
	s2 =	sadd.s32 s3, s2  }
0x8d: {  	s2 =	sadd.s32 s2, s17  }
0x8e: {  	[smem:$0x3FC6] =	sst s2  }
0x8f: {  	_ = 	snop  }
0x90: {  	s2 =	sld [smem:$0x3FD0];
	(tm) =	ssettm $0x1  }
0x91: {  	s18 =	sld [smem:$0x3FFB];
	_ =	sdelay $0x3  }
0x92: {  	_ =	strace s18  }
0x93: {  	s3 =	sld [smem:$0x3FFC];
	_ =	sdelay $0x3  }
0x94: {  	_ =	strace s3  }
0x95: {  	s3 =	sld [smem:$0x3FFD];
	_ =	sdelay $0x3  }
0x96: {  	_ =	strace s3  }
0x97: {  	_ =	strace $0x8FFFFFFF  }
0x98: {  	s19 =	sld [smem:$0x3FDB];
	_ =	sdelay $0x1  }
0x99: {  	s4 =	simm.s32 $_scs_section_size  }
0x9a: {  	s5 =	simm.s32 $_size__tile_overlayer_lowered;
	s6 =	simm.s32 $_tile_overlayer_lowered  }
0x9b: {  	s22 =	simm.s32 $0x1BFF;
	s21 =	sshll.u32 s6, $0x1;
	s3 =	sadd.s32 s4, s19  }
0x9c: {  	s7 =	simm.s32 $0x0;
	s20 =	sshll.u32 s5, $0x1;
	s5 =	sadd.s32 s21, s3  }
0x9d: {  	[timem:s7], [sflag:s22] =	dma.local [hbm:s5], s20  }
0x9e: {  	_ =	swait.ge [sflag:s22], s20  }
0x9f: {  	s4 =	ssub.s32 $0x0, s20;
	[sflag:s22] =	ssyncset.done $0x0  }
0xa0: {  	[sflag:s22] =	ssyncadd.s32 s4;
	_ =	sdelay $0x1  }
0xa1: {  	s23 =	simm.s32 $0x1B8B  }
0xa2: {  	_ =	swait.ge [sflag:s23], $0x1  }
0xa3: {  	[sflag:s23] =	ssyncset.done $0x0  }
0xa4: {  	s25 =	simm.s32 $0x1B8E;
	s24 =	sld [smem:$0x3FFE];
	[sflag:s23] =	ssyncadd.s32 $0xFFFFFFFF  }
0xa5: {  	s26 =	simm.s32 $execute0_lowered;
	[smem:$0x3FD2] =	sst s25  }
0xa6: {  	s5 =	sshll.u32 s26, $0x1;
	_ =	strace $0x80000049;
	[dreg:$0x1] =	wrdreg $0xFFFFFFFF  }
0xa7: {  	s28 =	simm.s32 $_size_execute0_lowered;
	s3 =	sadd.s32 s3, s5;
	[dreg:$0x0] =	wrdreg $0x0  }
0xa8: {  	s5 =	sshll.u32 s28, $0x1;
	[dreg:$0x2] =	wrdreg s3  }
0xa9: {  	[dreg:$0x3] =	wrdreg s5  }
0xaa: {  	[dreg:$0x4] =	wrdreg $0xC0  }
0xab: {  	_ =	task [dreg:s7], $0x5FFFF  }
0xac: {  	[dreg:$0x1] =	wrdreg $0xFFFFFFFF  }
0xad: {  	[dreg:$0x0] =	wrdreg $0x60  }
0xae: {  	[dreg:$0x2] =	wrdreg s2  }
0xaf: {  	[dreg:$0x3] =	wrdreg s24  }
0xb0: {  	[dreg:$0x4] =	wrdreg $0x9  }
0xb1: {  	_ =	task.clear_ibuf [dreg:s7], $0x5FFFF;
	_ =	strace $0x90000049  }
0xb2: {  	s29 =	simm.s32 $0x9;
	_ =	strace $0x8000004B  }
0xb3: {  	_ =	swait.ge [sflag:s29], $0x1  }
0xb4: {  	[sflag:s29] =	ssyncadd.s32 $0xFFFFFFFF  }
0xb5: {  	_ =	strace $0x9000004B  }
0xb6: {  	_ =	sfence  }
0xb7: {  	s30 =	sld [smem:$0x0];
	_ =	sdelay $0x2  }
0xb8: {  	s31 =	sshll.u32 s1, $0xD;
	s1 =	sshrl.u32 s1, $0x2  }
0xb9: {  	s3 =	sand.u32 $0x4000, s31;
	s1 =	sadd.s32 s1, s30  }
0xba: {  	s0 =	sor.u32 s3, s0;
	s1 =	sshll.u32 s1, $0x11  }
0xbb: {  	s0 =	sor.u32 s1, s0  }
0xbc: {  	s0 =	sadd.s32 $0x8F2B, s0  }
0xbd: {  	[sflag:s0] =	ssyncadd.remote.s32 $0x1  }
0xbe: {  	_ =	sfence.sel $0xFFFF  }
0xbf: {  	[dreg:$0x0] =	wrdreg $0xFFFFFFFF;
	(pc) =	sbr.abs _section_cstart, $3  }
0xc0: {  	[dreg:$0x1] =	wrdreg $0xFFFFFFFF  }
0xc1: {  	_ =	task.clear_ibuf [dreg:s7], $0x2FFFF;
	_ =	strace $0x9FFFFFFF  }
0xc2: {  	(tm) =	ssettm $0x7FFFFFFF  }
0xc3: {  	_ =	shalt  }
tec
execute0_lowered:
.L_overlay_start_1:
0x0: {  	(tag) =	ssettag $0x1  }
0x1: {  	s1 =	srdreg.scid;
	s0 =	stileid.u32  }
0x2: {  	s6 =	sand.u32 $0x1, s1;
	s30 =	sshll.u32 s0, $0x1  }
0x3: {  	s2 =	rddreg [dreg:$0x0];
	s8 =	sor.u32 s6, s30  }
0x4: {  	s9 =	rddreg [dreg:$0x1];
	s7 =	simm.s32 $0x1;
	s3 =	sshll.u32 s8, $0x7  }
0x5: {  	s1 =	rddreg [dreg:$0x2];
	p0 =	slt.u32 s0, $0x4;
	s4 =	sadd.s32 $0xFFFFFC00, s3  }
0x6: {  	s10 =	ssub.s32 $0x2, s6;
	s5 =	sshll.u32 s8, $0x4;
	s4 =	sshrl.u32 s4, $0x3  }
0x7: {  	s3 =	simm.s32 $0x0;
	s5 =	sadd.s32 s5, s9;
	s4 =	sadd.s32 s4, s9  }
0x8: {  	[smem:$0x7FF] =	sst s3;
	s5 =	sadd.s32 $0x1200, s5;
	s4 =	sadd.s32 $0x81200, s4  }
0x9: {  	_ =	strace $0x8000004A;
	s4 =	smov.u32 @p0 s5;
	s5 =	simm.s32 $0x2  }
0xa: {  	[tilespmem:s3], [sflag:$0x2] =	stream.linear.gather [hbm4b:s4+s3], $0x80, $0x38;
	[tilespmem:$0x2080] =	vst v63  }
0xb: {  	s6 =	simm.s32 $0x80;
	s11 =	sshrl.u32 s10, $0x1;
	_ =	swait.ge [sflag:s5], $0x80  }
0xc: {  	s8 =	sshll.u32 s8, $0xA;
	s31 =	ssub.s32 s10, s11;
	[sflag:s5] =	ssyncset.done $0x0  }
0xd: {  	s8 =	sadd.s32 s8, s9;
	s9 =	smax.u32 s31, $0x1;
	[sflag:s5] =	ssyncadd.s32 $0xFFFFFF80  }
0xe: {  	[tilespmem:s6], [sflag:$0x1] =	stream.indirect.gather [hbm4b:s2+s6], $0x40, s3, s6, $0xb8;
	[tilespmem:$0x2080] =	vst v63  }
0xf: {  	p0 =	sne.s32 s9, $0x1;
	_ =	swait.ge [sflag:s7], $0x2000  }
.Ltmp0:
0x10: {  	[sflag:s7] =	ssyncset.done $0x0;
	(pc) =	sbr.rel @!p0 .LBB2_2-.Ltmp0, $4  }
0x11: {  	s8 =	sadd.s32 $0x1400, s8;
	[sflag:s7] =	ssyncadd.s32 $0xFFFFE000  }
0x12: {  	[hbm4b:s8+s3] =	stream.linear.scatter [tilespmem:s6], [sflag:$0x2], $0x2000, $0x38;
	[tilespmem:$0x2080] =	vst v63  }
0x13: {  	_ =	swait.ge [sflag:s5], $0x2000  }
0x14: {  	s9 =	sadd.s32 $0xFFFFFFFF, s9;
	[sflag:s5] =	ssyncset.done $0x0  }
.LBB2_1:
0x15: {  	p0 =	sne.s32 s9, $0x1;
	s9 =	sadd.s32 $0xFFFFFFFF, s9;
	[sflag:s5] =	ssyncadd.s32 $0xFFFFE000  }
0x16: {  	[tilespmem:s3], [sflag:$0x2] =	stream.linear.gather [hbm4b:s4+s3], $0x80, $0x38;
	[tilespmem:$0x2080] =	vst v63  }
0x17: {  	_ =	swait.ge [sflag:s5], $0x80  }
0x18: {  	[sflag:s5] =	ssyncset.done $0x0  }
0x19: {  	[sflag:s5] =	ssyncadd.s32 $0xFFFFFF80  }
0x1a: {  	[tilespmem:s6], [sflag:$0x1] =	stream.indirect.gather [hbm4b:s2+s6], $0x40, s3, s6, $0xb8;
	[tilespmem:$0x2080] =	vst v63  }
0x1b: {  	_ =	swait.ge [sflag:s7], $0x2000  }
.Ltmp1:
0x1c: {  	[sflag:s7] =	ssyncset.done $0x0;
	(pc) =	sbr.rel @p0 .LBB2_1-.Ltmp1, $4  }
0x1d: {  	[sflag:s7] =	ssyncadd.s32 $0xFFFFE000  }
0x1e: {  	[hbm4b:s8+s3] =	stream.linear.scatter [tilespmem:s6], [sflag:$0x2], $0x2000, $0x38;
	[tilespmem:$0x2080] =	vst v63  }
0x1f: {  	_ =	swait.ge [sflag:s5], $0x2000  }
0x20: {  	[sflag:s5] =	ssyncset.done $0x0  }
.LBB2_2:
0x21: {  	[sflag:s5] =	ssyncadd.s32 $0xFFFFE000  }
0x22: {  	_ =	sfence.sel $0x180000  }
0x23: {  	[bflag:$0x0] =	sbarrier.arrive $0xFFFF  }
0x24: {  	p0 =	sne.s32 s0, $0x0;
	_ =	strace $0x9000004A  }
0x25: {  	s0 =	sadd.s32 @!p0 $0x100000, s1;
	[bflag:$0x2] =	sbarrier.arrive $0xFFFF  }
0x26: {  	[sflag:s0] =	ssyncadd.tile.s32 @!p0 $0x1;
	_ =	shalt  }
.Lfunc_end2:
_tile_overlayer_lowered:
.L_overlay_start_2:
0x27: {  	(tag) =	ssettag $0x2  }
0x28: {  	s0 =	rddreg [dreg:$0x0];
	s2 =	stileid.u32  }
0x29: {  	s1 =	rddreg [dreg:$0x1];
	p0 =	sne.s32 s2, $0x0  }
0x2a: {  	s3 =	rddreg [dreg:$0x2];
	[bflag:$0x3] =	sbarrier.arrive $0xFFFF;
	s2 =	simm.s32 @!p0 $0x1C02  }
0x2b: {  	[timem:s3], [sflag:s2] =	dma.local @!p0 [hbm:s0], s1  }
0x2c: {  	s0 =	simm.s32 @!p0 $0x2  }
0x2d: {  	_ =	swait.ge @!p0 [sflag:s0], s1  }
0x2e: {  	s1 =	ssub.s32 @!p0 $0x0, s1;
	[sflag:s0] =	ssyncset.done @!p0 $0x0  }
0x2f: {  	[sflag:s0] =	ssyncadd.s32 @!p0 s1  }
0x30: {  	[bflag:$0x3] =	sbarrier.arrive $0xFFFF  }
0x31: {  	_ =	shalt  }

</sc_bundles>
